<compile_context>
chip_gen: v7x
topology: tpu7x:2x2x1
jax: 0.10.2.dev20260603
libtpu: 0.0.44.dev20260713+nightly
codegen_flags: <defaults>
</compile_context>

<pallas_src>
import jax
import jax.numpy as jnp
from jax import lax
from jax.experimental import pallas as pl
from jax.experimental.pallas import tpu as pltpu
from jax.experimental.pallas import tpu_sc as plsc

SEQ = 200
DIM = 64
BATCH = 4096
NUM_CORES = 2
NUM_SUBCORES = 16
NW = NUM_CORES * NUM_SUBCORES
BBLK = BATCH // NW
NBUF = 4
LANES = 16
NQ = DIM // LANES
SCALE = 8.0


def _body(inp_ref, tok_ref, pos_ref, out_ref,
          idx_v, pos_v, rows0, rows1, rows2, rows3, ob0, ob1, ob2, ob3,
          gsem0, gsem1, gsem2, gsem3, ssem0, ssem1, ssem2, ssem3):
  rows = (rows0, rows1, rows2, rows3)
  obuf = (ob0, ob1, ob2, ob3)
  gsem = (gsem0, gsem1, gsem2, gsem3)
  ssem = (ssem0, ssem1, ssem2, ssem3)

  w = lax.axis_index("s") * NUM_CORES + lax.axis_index("c")

  def start_gather(j, s):
    sh = s // 8
    sl = s - sh * 8
    pltpu.async_copy(tok_ref.at[idx_v.at[sh, sl]], rows[j], gsem[j])

  def wait_gather(j):
    pltpu.make_async_copy(tok_ref.at[pl.ds(0, BBLK)], rows[j], gsem[j]).wait()

  def start_scatter(j, s):
    pltpu.async_copy(obuf[j].at[:, :, pl.ds(0, BBLK)],
                     out_ref.at[s, :, w], ssem[j])

  def wait_scatter(j):
    pltpu.make_async_copy(obuf[j].at[:, :, pl.ds(0, BBLK)],
                          out_ref.at[0, :, w], ssem[j]).wait()

  iota = lax.iota(jnp.int32, LANES)
  dh_q = [(iota + q * LANES) // 8 for q in range(NQ)]
  dl_q = [(iota + q * LANES) % 8 for q in range(NQ)]

  def compute(j, s):
    pq = [pos_v[s, pl.ds(q * LANES, LANES)] for q in range(NQ)]

    @plsc.parallel_loop(0, BBLK, 1, unroll=8)
    def _(b):
      bvec = jnp.broadcast_to(b, (LANES,))
      for q in range(NQ):
        v = rows[j][b, pl.ds(q * LANES, LANES)]
        plsc.store_scatter(obuf[j], [dh_q[q], dl_q[q], bvec],
                           v * SCALE + pq[q])

  for sh in range(SEQ // 8):
    pltpu.sync_copy(inp_ref.at[sh, w], idx_v.at[sh])
  pltpu.sync_copy(pos_ref, pos_v)

  for j in range(NBUF):
    start_gather(j, jnp.int32(j))

  @pl.loop(0, SEQ // NBUF)
  def _(grp):
    for j in range(NBUF):
      s = grp * NBUF + j
      wait_gather(j)

      @pl.when(s >= NBUF)
      def _():
        wait_scatter(j)

      compute(j, s)
      start_scatter(j, s)

      @pl.when(s + NBUF < SEQ)
      def _():
        start_gather(j, s + NBUF)

  for j in range(NBUF):
    wait_scatter(j)


@jax.jit
def _embed(inp4d, token_table, pos_table):
  mesh = plsc.VectorSubcoreMesh(core_axis_name="c", subcore_axis_name="s")
  run = pl.kernel(
      _body,
      out_type=jax.ShapeDtypeStruct((SEQ, DIM // 8, NW, 8, BBLK), jnp.float32),
      mesh=mesh,
      compiler_params=pltpu.CompilerParams(
          use_tc_tiling_on_sc=False, needs_layout_passes=False),
      scratch_types=[
          pltpu.VMEM((SEQ // 8, 8, BBLK), jnp.int32),
          pltpu.VMEM((SEQ, DIM), jnp.float32),
      ] + [pltpu.VMEM((BBLK, DIM), jnp.float32) for _ in range(NBUF)]
        + [pltpu.VMEM((DIM // 8, 8, BBLK + 1), jnp.float32) for _ in range(NBUF)]
        + [pltpu.SemaphoreType.DMA for _ in range(2 * NBUF)],
  )
  return run(inp4d, token_table, pos_table)


def kernel(inputs, token_table, pos_table):
  inp4d = (inputs.astype(jnp.int32).T
           .reshape(SEQ // 8, 8, NW, BBLK)
           .transpose(0, 2, 1, 3))
  out5d = _embed(inp4d, token_table, pos_table)
  out = (out5d.transpose(2, 4, 0, 1, 3)
         .reshape(BATCH, SEQ, DIM))
  return out

# --- scband reference (transcript-rebuilt; emitter-appended) ---
"""Pipeline reference for scband-positional-embedding-33741263077597 (READ-ONLY COPY).

The authoritative reference and input builder live on the scoring server;
editing this copy changes nothing except your own understanding.
"""

import jax, jax.numpy as jnp
import numpy as np

VOCAB = 1000000
SEQ_LEN = 200
EMBED_DIM = 64
BATCH = 4096


def setup_inputs(seed: int = 0) -> dict:
    key = jax.random.key(seed)
    k1, k2, k3 = jax.random.split(key, 3)
    inputs = jax.random.randint(k1, (BATCH, SEQ_LEN), 0, VOCAB, dtype=jnp.int64 if jax.config.jax_enable_x64 else jnp.int32)
    token_table = jax.random.normal(k2, (VOCAB, EMBED_DIM), dtype=jnp.float32) * 0.02
    pos_table = jax.random.normal(k3, (SEQ_LEN, EMBED_DIM), dtype=jnp.float32) * 0.02
    return {"inputs": inputs, "token_table": token_table, "pos_table": pos_table}


def reference(inputs, token_table, pos_table):
    embed_scale = jnp.sqrt(jnp.array([EMBED_DIM], dtype=jnp.float32))
    embedded_tokens = jnp.take(token_table, inputs, axis=0) * embed_scale
    length = inputs.shape[-1]
    positions = jnp.arange(0, length, step=1)
    embedded_positions = jnp.take(pos_table, positions, axis=0)
    return embedded_tokens + embedded_positions

if __name__ == "__main__":
    import jax
    _d = setup_inputs()
    print(jax.jit(kernel)(*tuple(_d.values())))

</pallas_src>

<mosaic_0001>
#map = affine_map<(d0, d1) -> (0, 0, 0, 0)>
#map1 = affine_map<(d0, d1) -> (0, 0)>
#map2 = affine_map<(d0, d1) -> (0, 0, 0, 0, 0)>
module attributes {stable_mosaic.version = 14 : i64} {
  func.func @_body(%arg0: i32, %arg1: i32, %arg2: memref<25x32x8x128xi32, #tpu.memory_space<hbm>>, %arg3: memref<1000000x64xf32, #tpu.memory_space<hbm>>, %arg4: memref<200x64xf32, #tpu.memory_space<hbm>>, %arg5: memref<200x8x32x8x128xf32, #tpu.memory_space<hbm>>, %arg6: memref<25x8x128xi32, #tpu.memory_space<vmem>>, %arg7: memref<200x64xf32, #tpu.memory_space<vmem>>, %arg8: memref<128x64xf32, #tpu.memory_space<vmem>>, %arg9: memref<128x64xf32, #tpu.memory_space<vmem>>, %arg10: memref<128x64xf32, #tpu.memory_space<vmem>>, %arg11: memref<128x64xf32, #tpu.memory_space<vmem>>, %arg12: memref<8x8x129xf32, #tpu.memory_space<vmem>>, %arg13: memref<8x8x129xf32, #tpu.memory_space<vmem>>, %arg14: memref<8x8x129xf32, #tpu.memory_space<vmem>>, %arg15: memref<8x8x129xf32, #tpu.memory_space<vmem>>, %arg16: memref<!tpu.dma_semaphore, #tpu.memory_space<semaphore_mem>>, %arg17: memref<!tpu.dma_semaphore, #tpu.memory_space<semaphore_mem>>, %arg18: memref<!tpu.dma_semaphore, #tpu.memory_space<semaphore_mem>>, %arg19: memref<!tpu.dma_semaphore, #tpu.memory_space<semaphore_mem>>, %arg20: memref<!tpu.dma_semaphore, #tpu.memory_space<semaphore_mem>>, %arg21: memref<!tpu.dma_semaphore, #tpu.memory_space<semaphore_mem>>, %arg22: memref<!tpu.dma_semaphore, #tpu.memory_space<semaphore_mem>>, %arg23: memref<!tpu.dma_semaphore, #tpu.memory_space<semaphore_mem>>) attributes {dimension_semantics = [#tpu.dimension_semantics<core_parallel>, #tpu.dimension_semantics<subcore_parallel>], iteration_bounds = array<i64: 2, 16>, scalar_prefetch = 0 : i64, scratch_operands = 18 : i64, tpu.core_type = #tpu.core_type<sc_vector_subcore>, window_params = [{transform_indices = #map}, {transform_indices = #map1}, {transform_indices = #map1}, {transform_indices = #map2}]} {
    %mul3A = arith.constant 2 : i32
    %mul3A_0 = arith.muli %arg1, %mul3A : i32
    %add3A = arith.addi %mul3A_0, %arg0 : i32
    %iota3A = tpu.iota {dimensions = array<i32: 0>} : vector<16xi32>
    %add3A_1 = arith.constant 0 : i32
    %add3A_2 = vector.broadcast %add3A_1 : i32 to vector<16xi32>
    %add3A_3 = arith.addi %iota3A, %add3A_2 : vector<16xi32>
    %jit3A = arith.constant 8 : i32
    %div3A = vector.broadcast %jit3A : i32 to vector<16xi32>
    %div3A_4 = arith.divsi %add3A_3, %div3A : vector<16xi32>
    %sign3A = arith.constant 0 : i32
    %sign3A_5 = vector.broadcast %sign3A : i32 to vector<16xi32>
    %sign3A_6 = arith.cmpi sgt, %add3A_3, %sign3A_5 : vector<16xi32>
    %sign3A_7 = arith.extui %sign3A_6 : vector<16xi1> to vector<16xi32>
    %sign3A_8 = arith.constant 0 : i32
    %sign3A_9 = vector.broadcast %sign3A_8 : i32 to vector<16xi32>
    %sign3A_10 = arith.cmpi slt, %add3A_3, %sign3A_9 : vector<16xi32>
    %sign3A_11 = arith.extui %sign3A_10 : vector<16xi1> to vector<16xi32>
    %sign3A_12 = arith.subi %sign3A_7, %sign3A_11 : vector<16xi32>
    %sign3A_13 = arith.constant 0 : i32
    %sign3A_14 = arith.cmpi sgt, %jit3A, %sign3A_13 : i32
    %sign3A_15 = arith.extui %sign3A_14 : i1 to i32
    %sign3A_16 = arith.constant 0 : i32
    %sign3A_17 = arith.cmpi slt, %jit3A, %sign3A_16 : i32
    %sign3A_18 = arith.extui %sign3A_17 : i1 to i32
    %sign3A_19 = arith.subi %sign3A_15, %sign3A_18 : i32
    %ne3A = vector.broadcast %sign3A_19 : i32 to vector<16xi32>
    %ne3A_20 = arith.cmpi ne, %sign3A_12, %ne3A : vector<16xi32>
    %rem3A = vector.broadcast %jit3A : i32 to vector<16xi32>
    %rem3A_21 = arith.remsi %add3A_3, %rem3A : vector<16xi32>
    %ne3A_22 = arith.constant 0 : i32
    %ne3A_23 = vector.broadcast %ne3A_22 : i32 to vector<16xi32>
    %ne3A_24 = arith.cmpi ne, %rem3A_21, %ne3A_23 : vector<16xi32>
    %and3A = arith.andi %ne3A_20, %ne3A_24 : vector<16xi1>
    %sub3A = arith.constant 1 : i32
    %sub3A_25 = vector.broadcast %sub3A : i32 to vector<16xi32>
    %sub3A_26 = arith.subi %div3A_4, %sub3A_25 : vector<16xi32>
    %select_n3A = arith.select %and3A, %sub3A_26, %div3A_4 : vector<16xi1>, vector<16xi32>
    %add3A_27 = arith.constant 16 : i32
    %add3A_28 = vector.broadcast %add3A_27 : i32 to vector<16xi32>
    %add3A_29 = arith.addi %iota3A, %add3A_28 : vector<16xi32>
    %jit3A_30 = arith.constant 8 : i32
    %div3A_31 = vector.broadcast %jit3A_30 : i32 to vector<16xi32>
    %div3A_32 = arith.divsi %add3A_29, %div3A_31 : vector<16xi32>
    %sign3A_33 = arith.constant 0 : i32
    %sign3A_34 = vector.broadcast %sign3A_33 : i32 to vector<16xi32>
    %sign3A_35 = arith.cmpi sgt, %add3A_29, %sign3A_34 : vector<16xi32>
    %sign3A_36 = arith.extui %sign3A_35 : vector<16xi1> to vector<16xi32>
    %sign3A_37 = arith.constant 0 : i32
    %sign3A_38 = vector.broadcast %sign3A_37 : i32 to vector<16xi32>
    %sign3A_39 = arith.cmpi slt, %add3A_29, %sign3A_38 : vector<16xi32>
    %sign3A_40 = arith.extui %sign3A_39 : vector<16xi1> to vector<16xi32>
    %sign3A_41 = arith.subi %sign3A_36, %sign3A_40 : vector<16xi32>
    %sign3A_42 = arith.constant 0 : i32
    %sign3A_43 = arith.cmpi sgt, %jit3A_30, %sign3A_42 : i32
    %sign3A_44 = arith.extui %sign3A_43 : i1 to i32
    %sign3A_45 = arith.constant 0 : i32
    %sign3A_46 = arith.cmpi slt, %jit3A_30, %sign3A_45 : i32
    %sign3A_47 = arith.extui %sign3A_46 : i1 to i32
    %sign3A_48 = arith.subi %sign3A_44, %sign3A_47 : i32
    %ne3A_49 = vector.broadcast %sign3A_48 : i32 to vector<16xi32>
    %ne3A_50 = arith.cmpi ne, %sign3A_41, %ne3A_49 : vector<16xi32>
    %rem3A_51 = vector.broadcast %jit3A_30 : i32 to vector<16xi32>
    %rem3A_52 = arith.remsi %add3A_29, %rem3A_51 : vector<16xi32>
    %ne3A_53 = arith.constant 0 : i32
    %ne3A_54 = vector.broadcast %ne3A_53 : i32 to vector<16xi32>
    %ne3A_55 = arith.cmpi ne, %rem3A_52, %ne3A_54 : vector<16xi32>
    %and3A_56 = arith.andi %ne3A_50, %ne3A_55 : vector<16xi1>
    %sub3A_57 = arith.constant 1 : i32
    %sub3A_58 = vector.broadcast %sub3A_57 : i32 to vector<16xi32>
    %sub3A_59 = arith.subi %div3A_32, %sub3A_58 : vector<16xi32>
    %select_n3A_60 = arith.select %and3A_56, %sub3A_59, %div3A_32 : vector<16xi1>, vector<16xi32>
    %add3A_61 = arith.constant 32 : i32
    %add3A_62 = vector.broadcast %add3A_61 : i32 to vector<16xi32>
    %add3A_63 = arith.addi %iota3A, %add3A_62 : vector<16xi32>
    %jit3A_64 = arith.constant 8 : i32
    %div3A_65 = vector.broadcast %jit3A_64 : i32 to vector<16xi32>
    %div3A_66 = arith.divsi %add3A_63, %div3A_65 : vector<16xi32>
    %sign3A_67 = arith.constant 0 : i32
    %sign3A_68 = vector.broadcast %sign3A_67 : i32 to vector<16xi32>
    %sign3A_69 = arith.cmpi sgt, %add3A_63, %sign3A_68 : vector<16xi32>
    %sign3A_70 = arith.extui %sign3A_69 : vector<16xi1> to vector<16xi32>
    %sign3A_71 = arith.constant 0 : i32
    %sign3A_72 = vector.broadcast %sign3A_71 : i32 to vector<16xi32>
    %sign3A_73 = arith.cmpi slt, %add3A_63, %sign3A_72 : vector<16xi32>
    %sign3A_74 = arith.extui %sign3A_73 : vector<16xi1> to vector<16xi32>
    %sign3A_75 = arith.subi %sign3A_70, %sign3A_74 : vector<16xi32>
    %sign3A_76 = arith.constant 0 : i32
    %sign3A_77 = arith.cmpi sgt, %jit3A_64, %sign3A_76 : i32
    %sign3A_78 = arith.extui %sign3A_77 : i1 to i32
    %sign3A_79 = arith.constant 0 : i32
    %sign3A_80 = arith.cmpi slt, %jit3A_64, %sign3A_79 : i32
    %sign3A_81 = arith.extui %sign3A_80 : i1 to i32
    %sign3A_82 = arith.subi %sign3A_78, %sign3A_81 : i32
    %ne3A_83 = vector.broadcast %sign3A_82 : i32 to vector<16xi32>
    %ne3A_84 = arith.cmpi ne, %sign3A_75, %ne3A_83 : vector<16xi32>
    %rem3A_85 = vector.broadcast %jit3A_64 : i32 to vector<16xi32>
    %rem3A_86 = arith.remsi %add3A_63, %rem3A_85 : vector<16xi32>
    %ne3A_87 = arith.constant 0 : i32
    %ne3A_88 = vector.broadcast %ne3A_87 : i32 to vector<16xi32>
    %ne3A_89 = arith.cmpi ne, %rem3A_86, %ne3A_88 : vector<16xi32>
    %and3A_90 = arith.andi %ne3A_84, %ne3A_89 : vector<16xi1>
    %sub3A_91 = arith.constant 1 : i32
    %sub3A_92 = vector.broadcast %sub3A_91 : i32 to vector<16xi32>
    %sub3A_93 = arith.subi %div3A_66, %sub3A_92 : vector<16xi32>
    %select_n3A_94 = arith.select %and3A_90, %sub3A_93, %div3A_66 : vector<16xi1>, vector<16xi32>
    %add3A_95 = arith.constant 48 : i32
    %add3A_96 = vector.broadcast %add3A_95 : i32 to vector<16xi32>
    %add3A_97 = arith.addi %iota3A, %add3A_96 : vector<16xi32>
    %jit3A_98 = arith.constant 8 : i32
    %div3A_99 = vector.broadcast %jit3A_98 : i32 to vector<16xi32>
    %div3A_100 = arith.divsi %add3A_97, %div3A_99 : vector<16xi32>
    %sign3A_101 = arith.constant 0 : i32
    %sign3A_102 = vector.broadcast %sign3A_101 : i32 to vector<16xi32>
    %sign3A_103 = arith.cmpi sgt, %add3A_97, %sign3A_102 : vector<16xi32>
    %sign3A_104 = arith.extui %sign3A_103 : vector<16xi1> to vector<16xi32>
    %sign3A_105 = arith.constant 0 : i32
    %sign3A_106 = vector.broadcast %sign3A_105 : i32 to vector<16xi32>
    %sign3A_107 = arith.cmpi slt, %add3A_97, %sign3A_106 : vector<16xi32>
    %sign3A_108 = arith.extui %sign3A_107 : vector<16xi1> to vector<16xi32>
    %sign3A_109 = arith.subi %sign3A_104, %sign3A_108 : vector<16xi32>
    %sign3A_110 = arith.constant 0 : i32
    %sign3A_111 = arith.cmpi sgt, %jit3A_98, %sign3A_110 : i32
    %sign3A_112 = arith.extui %sign3A_111 : i1 to i32
    %sign3A_113 = arith.constant 0 : i32
    %sign3A_114 = arith.cmpi slt, %jit3A_98, %sign3A_113 : i32
    %sign3A_115 = arith.extui %sign3A_114 : i1 to i32
    %sign3A_116 = arith.subi %sign3A_112, %sign3A_115 : i32
    %ne3A_117 = vector.broadcast %sign3A_116 : i32 to vector<16xi32>
    %ne3A_118 = arith.cmpi ne, %sign3A_109, %ne3A_117 : vector<16xi32>
    %rem3A_119 = vector.broadcast %jit3A_98 : i32 to vector<16xi32>
    %rem3A_120 = arith.remsi %add3A_97, %rem3A_119 : vector<16xi32>
    %ne3A_121 = arith.constant 0 : i32
    %ne3A_122 = vector.broadcast %ne3A_121 : i32 to vector<16xi32>
    %ne3A_123 = arith.cmpi ne, %rem3A_120, %ne3A_122 : vector<16xi32>
    %and3A_124 = arith.andi %ne3A_118, %ne3A_123 : vector<16xi1>
    %sub3A_125 = arith.constant 1 : i32
    %sub3A_126 = vector.broadcast %sub3A_125 : i32 to vector<16xi32>
    %sub3A_127 = arith.subi %div3A_100, %sub3A_126 : vector<16xi32>
    %select_n3A_128 = arith.select %and3A_124, %sub3A_127, %div3A_100 : vector<16xi1>, vector<16xi32>
    %add3A_129 = arith.constant 0 : i32
    %add3A_130 = vector.broadcast %add3A_129 : i32 to vector<16xi32>
    %add3A_131 = arith.addi %iota3A, %add3A_130 : vector<16xi32>
    %jit3A_132 = arith.constant 8 : i32
    %eq3A = arith.constant 0 : i32
    %eq3A_133 = arith.cmpi eq, %jit3A_132, %eq3A : i32
    %jit3A_134 = arith.constant 1 : i32
    %select_n3A_135 = arith.select %eq3A_133, %jit3A_134, %jit3A_132 : i32
    %rem3A_136 = vector.broadcast %select_n3A_135 : i32 to vector<16xi32>
    %rem3A_137 = arith.remsi %add3A_131, %rem3A_136 : vector<16xi32>
    %ne3A_138 = arith.constant 0 : i32
    %ne3A_139 = vector.broadcast %ne3A_138 : i32 to vector<16xi32>
    %ne3A_140 = arith.cmpi ne, %rem3A_137, %ne3A_139 : vector<16xi32>
    %lt3A = arith.constant 0 : i32
    %lt3A_141 = vector.broadcast %lt3A : i32 to vector<16xi32>
    %lt3A_142 = arith.cmpi slt, %rem3A_137, %lt3A_141 : vector<16xi32>
    %lt3A_143 = arith.constant 0 : i32
    %lt3A_144 = arith.cmpi slt, %select_n3A_135, %lt3A_143 : i32
    %ne3A_145 = vector.broadcast %lt3A_144 : i1 to vector<16xi1>
    %ne3A_146 = vector.broadcast %ne3A_145 : vector<16xi1> to vector<16xi1>
    %ne3A_147 = arith.xori %lt3A_142, %ne3A_146 : vector<16xi1>
    %and3A_148 = arith.andi %ne3A_147, %ne3A_140 : vector<16xi1>
    %add3A_149 = vector.broadcast %select_n3A_135 : i32 to vector<16xi32>
    %add3A_150 = arith.addi %rem3A_137, %add3A_149 : vector<16xi32>
    %select_n3A_151 = arith.select %and3A_148, %add3A_150, %rem3A_137 : vector<16xi1>, vector<16xi32>
    %add3A_152 = arith.constant 16 : i32
    %add3A_153 = vector.broadcast %add3A_152 : i32 to vector<16xi32>
    %add3A_154 = arith.addi %iota3A, %add3A_153 : vector<16xi32>
    %jit3A_155 = arith.constant 8 : i32
    %eq3A_156 = arith.constant 0 : i32
    %eq3A_157 = arith.cmpi eq, %jit3A_155, %eq3A_156 : i32
    %jit3A_158 = arith.constant 1 : i32
    %select_n3A_159 = arith.select %eq3A_157, %jit3A_158, %jit3A_155 : i32
    %rem3A_160 = vector.broadcast %select_n3A_159 : i32 to vector<16xi32>
    %rem3A_161 = arith.remsi %add3A_154, %rem3A_160 : vector<16xi32>
    %ne3A_162 = arith.constant 0 : i32
    %ne3A_163 = vector.broadcast %ne3A_162 : i32 to vector<16xi32>
    %ne3A_164 = arith.cmpi ne, %rem3A_161, %ne3A_163 : vector<16xi32>
    %lt3A_165 = arith.constant 0 : i32
    %lt3A_166 = vector.broadcast %lt3A_165 : i32 to vector<16xi32>
    %lt3A_167 = arith.cmpi slt, %rem3A_161, %lt3A_166 : vector<16xi32>
    %lt3A_168 = arith.constant 0 : i32
    %lt3A_169 = arith.cmpi slt, %select_n3A_159, %lt3A_168 : i32
    %ne3A_170 = vector.broadcast %lt3A_169 : i1 to vector<16xi1>
    %ne3A_171 = vector.broadcast %ne3A_170 : vector<16xi1> to vector<16xi1>
    %ne3A_172 = arith.xori %lt3A_167, %ne3A_171 : vector<16xi1>
    %and3A_173 = arith.andi %ne3A_172, %ne3A_164 : vector<16xi1>
    %add3A_174 = vector.broadcast %select_n3A_159 : i32 to vector<16xi32>
    %add3A_175 = arith.addi %rem3A_161, %add3A_174 : vector<16xi32>
    %select_n3A_176 = arith.select %and3A_173, %add3A_175, %rem3A_161 : vector<16xi1>, vector<16xi32>
    %add3A_177 = arith.constant 32 : i32
    %add3A_178 = vector.broadcast %add3A_177 : i32 to vector<16xi32>
    %add3A_179 = arith.addi %iota3A, %add3A_178 : vector<16xi32>
    %jit3A_180 = arith.constant 8 : i32
    %eq3A_181 = arith.constant 0 : i32
    %eq3A_182 = arith.cmpi eq, %jit3A_180, %eq3A_181 : i32
    %jit3A_183 = arith.constant 1 : i32
    %select_n3A_184 = arith.select %eq3A_182, %jit3A_183, %jit3A_180 : i32
    %rem3A_185 = vector.broadcast %select_n3A_184 : i32 to vector<16xi32>
    %rem3A_186 = arith.remsi %add3A_179, %rem3A_185 : vector<16xi32>
    %ne3A_187 = arith.constant 0 : i32
    %ne3A_188 = vector.broadcast %ne3A_187 : i32 to vector<16xi32>
    %ne3A_189 = arith.cmpi ne, %rem3A_186, %ne3A_188 : vector<16xi32>
    %lt3A_190 = arith.constant 0 : i32
    %lt3A_191 = vector.broadcast %lt3A_190 : i32 to vector<16xi32>
    %lt3A_192 = arith.cmpi slt, %rem3A_186, %lt3A_191 : vector<16xi32>
    %lt3A_193 = arith.constant 0 : i32
    %lt3A_194 = arith.cmpi slt, %select_n3A_184, %lt3A_193 : i32
    %ne3A_195 = vector.broadcast %lt3A_194 : i1 to vector<16xi1>
    %ne3A_196 = vector.broadcast %ne3A_195 : vector<16xi1> to vector<16xi1>
    %ne3A_197 = arith.xori %lt3A_192, %ne3A_196 : vector<16xi1>
    %and3A_198 = arith.andi %ne3A_197, %ne3A_189 : vector<16xi1>
    %add3A_199 = vector.broadcast %select_n3A_184 : i32 to vector<16xi32>
    %add3A_200 = arith.addi %rem3A_186, %add3A_199 : vector<16xi32>
    %select_n3A_201 = arith.select %and3A_198, %add3A_200, %rem3A_186 : vector<16xi1>, vector<16xi32>
    %add3A_202 = arith.constant 48 : i32
    %add3A_203 = vector.broadcast %add3A_202 : i32 to vector<16xi32>
    %add3A_204 = arith.addi %iota3A, %add3A_203 : vector<16xi32>
    %jit3A_205 = arith.constant 8 : i32
    %eq3A_206 = arith.constant 0 : i32
    %eq3A_207 = arith.cmpi eq, %jit3A_205, %eq3A_206 : i32
    %jit3A_208 = arith.constant 1 : i32
    %select_n3A_209 = arith.select %eq3A_207, %jit3A_208, %jit3A_205 : i32
    %rem3A_210 = vector.broadcast %select_n3A_209 : i32 to vector<16xi32>
    %rem3A_211 = arith.remsi %add3A_204, %rem3A_210 : vector<16xi32>
    %ne3A_212 = arith.constant 0 : i32
    %ne3A_213 = vector.broadcast %ne3A_212 : i32 to vector<16xi32>
    %ne3A_214 = arith.cmpi ne, %rem3A_211, %ne3A_213 : vector<16xi32>
    %lt3A_215 = arith.constant 0 : i32
    %lt3A_216 = vector.broadcast %lt3A_215 : i32 to vector<16xi32>
    %lt3A_217 = arith.cmpi slt, %rem3A_211, %lt3A_216 : vector<16xi32>
    %lt3A_218 = arith.constant 0 : i32
    %lt3A_219 = arith.cmpi slt, %select_n3A_209, %lt3A_218 : i32
    %ne3A_220 = vector.broadcast %lt3A_219 : i1 to vector<16xi1>
    %ne3A_221 = vector.broadcast %ne3A_220 : vector<16xi1> to vector<16xi1>
    %ne3A_222 = arith.xori %lt3A_217, %ne3A_221 : vector<16xi1>
    %and3A_223 = arith.andi %ne3A_222, %ne3A_214 : vector<16xi1>
    %add3A_224 = vector.broadcast %select_n3A_209 : i32 to vector<16xi32>
    %add3A_225 = arith.addi %rem3A_211, %add3A_224 : vector<16xi32>
    %select_n3A_226 = arith.select %and3A_223, %add3A_225, %rem3A_211 : vector<16xi1>, vector<16xi32>
    %run_scoped3A = arith.constant 0 : i32
    %run_scoped3A_227 = arith.constant 0 : i32
    "tpu.region"() ({
      %run_scoped3A_494 = tpu.sem_alloc : memref<!tpu.dma_semaphore, #tpu.memory_space<semaphore_mem>>
      %dma_start3A_495 = arith.constant 0 : i32
      %dma_start3A_496 = arith.constant 0 : i32
      %dma_start3A_497 = tpu.memref_slice %arg6[%run_scoped3A_227, %dma_start3A_495, %dma_start3A_496] : memref<25x8x128xi32, #tpu.memory_space<vmem>> -> memref<1x8x128xi32, #tpu.memory_space<vmem>>
      %dma_start3A_498 = tpu.memref_squeeze %dma_start3A_497 : memref<1x8x128xi32, #tpu.memory_space<vmem>> -> memref<8x128xi32, #tpu.memory_space<vmem>>
      %dma_start3A_499 = arith.constant 0 : i32
      %dma_start3A_500 = arith.constant 0 : i32
      %dma_start3A_501 = tpu.memref_slice %arg2[%run_scoped3A, %add3A, %dma_start3A_499, %dma_start3A_500] : memref<25x32x8x128xi32, #tpu.memory_space<hbm>> -> memref<1x1x8x128xi32, #tpu.memory_space<hbm>>
      %dma_start3A_502 = tpu.memref_squeeze %dma_start3A_501 : memref<1x1x8x128xi32, #tpu.memory_space<hbm>> -> memref<8x128xi32, #tpu.memory_space<hbm>>
      %dma_start3A_503 = arith.constant 0 : i32
      %dma_start3A_504 = arith.constant 0 : i32
      %dma_start3A_505 = tpu.memref_slice %arg6[%run_scoped3A_227, %dma_start3A_503, %dma_start3A_504] : memref<25x8x128xi32, #tpu.memory_space<vmem>> -> memref<1x8x128xi32, #tpu.memory_space<vmem>>
      %dma_start3A_506 = tpu.memref_squeeze %dma_start3A_505 : memref<1x8x128xi32, #tpu.memory_space<vmem>> -> memref<8x128xi32, #tpu.memory_space<vmem>>
      %dma_start3A_507 = arith.constant 0 : i32
      %dma_start3A_508 = arith.constant 0 : i32
      %dma_start3A_509 = tpu.memref_slice %arg2[%run_scoped3A, %add3A, %dma_start3A_507, %dma_start3A_508] : memref<25x32x8x128xi32, #tpu.memory_space<hbm>> -> memref<1x1x8x128xi32, #tpu.memory_space<hbm>>
      %dma_start3A_510 = tpu.memref_squeeze %dma_start3A_509 : memref<1x1x8x128xi32, #tpu.memory_space<hbm>> -> memref<8x128xi32, #tpu.memory_space<hbm>>
      tpu.enqueue_dma source(%dma_start3A_510 : memref<8x128xi32, #tpu.memory_space<hbm>>) target(%dma_start3A_506 : memref<8x128xi32, #tpu.memory_space<vmem>>) target_semaphore(%run_scoped3A_494 : memref<!tpu.dma_semaphore, #tpu.memory_space<semaphore_mem>>)
      %dma_wait3A_511 = arith.constant 0 : i32
      %dma_wait3A_512 = arith.constant 0 : i32
      %dma_wait3A_513 = tpu.memref_slice %arg6[%run_scoped3A_227, %dma_wait3A_511, %dma_wait3A_512] : memref<25x8x128xi32, #tpu.memory_space<vmem>> -> memref<1x8x128xi32, #tpu.memory_space<vmem>>
      %dma_wait3A_514 = tpu.memref_squeeze %dma_wait3A_513 : memref<1x8x128xi32, #tpu.memory_space<vmem>> -> memref<8x128xi32, #tpu.memory_space<vmem>>
      %dma_wait3A_515 = arith.constant 0 : i32
      %dma_wait3A_516 = arith.constant 0 : i32
      %dma_wait3A_517 = tpu.memref_slice %arg2[%run_scoped3A, %add3A, %dma_wait3A_515, %dma_wait3A_516] : memref<25x32x8x128xi32, #tpu.memory_space<hbm>> -> memref<1x1x8x128xi32, #tpu.memory_space<hbm>>
      %dma_wait3A_518 = tpu.memref_squeeze %dma_wait3A_517 : memref<1x1x8x128xi32, #tpu.memory_space<hbm>> -> memref<8x128xi32, #tpu.memory_space<hbm>>
      %dma_wait3A_519 = arith.constant 0 : i32
      %dma_wait3A_520 = arith.constant 0 : i32
      %dma_wait3A_521 = tpu.memref_slice %arg6[%run_scoped3A_227, %dma_wait3A_519, %dma_wait3A_520] : memref<25x8x128xi32, #tpu.memory_space<vmem>> -> memref<1x8x128xi32, #tpu.memory_space<vmem>>
      %dma_wait3A_522 = tpu.memref_squeeze %dma_wait3A_521 : memref<1x8x128xi32, #tpu.memory_space<vmem>> -> memref<8x128xi32, #tpu.memory_space<vmem>>
      %dma_wait3A_523 = arith.constant 0 : i32
      %dma_wait3A_524 = arith.constant 0 : i32
      %dma_wait3A_525 = tpu.memref_slice %arg2[%run_scoped3A, %add3A, %dma_wait3A_523, %dma_wait3A_524] : memref<25x32x8x128xi32, #tpu.memory_space<hbm>> -> memref<1x1x8x128xi32, #tpu.memory_space<hbm>>
      %dma_wait3A_526 = tpu.memref_squeeze %dma_wait3A_525 : memref<1x1x8x128xi32, #tpu.memory_space<hbm>> -> memref<8x128xi32, #tpu.memory_space<hbm>>
      tpu.wait_dma2 semaphore(%run_scoped3A_494 : memref<!tpu.dma_semaphore, #tpu.memory_space<semaphore_mem>>) src(%dma_wait3A_526 : memref<8x128xi32, #tpu.memory_space<hbm>>) dst(%dma_wait3A_522 : memref<8x128xi32, #tpu.memory_space<vmem>>)
      tpu.yield
    }) : () -> ()
    %run_scoped3A_228 = arith.constant 1 : i32
    %run_scoped3A_229 = arith.constant 1 : i32
    "tpu.region"() ({
      %run_scoped3A_494 = tpu.sem_alloc : memref<!tpu.dma_semaphore, #tpu.memory_space<semaphore_mem>>
      %dma_start3A_495 = arith.constant 0 : i32
      %dma_start3A_496 = arith.constant 0 : i32
      %dma_start3A_497 = tpu.memref_slice %arg6[%run_scoped3A_229, %dma_start3A_495, %dma_start3A_496] : memref<25x8x128xi32, #tpu.memory_space<vmem>> -> memref<1x8x128xi32, #tpu.memory_space<vmem>>
      %dma_start3A_498 = tpu.memref_squeeze %dma_start3A_497 : memref<1x8x128xi32, #tpu.memory_space<vmem>> -> memref<8x128xi32, #tpu.memory_space<vmem>>
      %dma_start3A_499 = arith.constant 0 : i32
      %dma_start3A_500 = arith.constant 0 : i32
      %dma_start3A_501 = tpu.memref_slice %arg2[%run_scoped3A_228, %add3A, %dma_start3A_499, %dma_start3A_500] : memref<25x32x8x128xi32, #tpu.memory_space<hbm>> -> memref<1x1x8x128xi32, #tpu.memory_space<hbm>>
      %dma_start3A_502 = tpu.memref_squeeze %dma_start3A_501 : memref<1x1x8x128xi32, #tpu.memory_space<hbm>> -> memref<8x128xi32, #tpu.memory_space<hbm>>
      %dma_start3A_503 = arith.constant 0 : i32
      %dma_start3A_504 = arith.constant 0 : i32
      %dma_start3A_505 = tpu.memref_slice %arg6[%run_scoped3A_229, %dma_start3A_503, %dma_start3A_504] : memref<25x8x128xi32, #tpu.memory_space<vmem>> -> memref<1x8x128xi32, #tpu.memory_space<vmem>>
      %dma_start3A_506 = tpu.memref_squeeze %dma_start3A_505 : memref<1x8x128xi32, #tpu.memory_space<vmem>> -> memref<8x128xi32, #tpu.memory_space<vmem>>
      %dma_start3A_507 = arith.constant 0 : i32
      %dma_start3A_508 = arith.constant 0 : i32
      %dma_start3A_509 = tpu.memref_slice %arg2[%run_scoped3A_228, %add3A, %dma_start3A_507, %dma_start3A_508] : memref<25x32x8x128xi32, #tpu.memory_space<hbm>> -> memref<1x1x8x128xi32, #tpu.memory_space<hbm>>
      %dma_start3A_510 = tpu.memref_squeeze %dma_start3A_509 : memref<1x1x8x128xi32, #tpu.memory_space<hbm>> -> memref<8x128xi32, #tpu.memory_space<hbm>>
      tpu.enqueue_dma source(%dma_start3A_510 : memref<8x128xi32, #tpu.memory_space<hbm>>) target(%dma_start3A_506 : memref<8x128xi32, #tpu.memory_space<vmem>>) target_semaphore(%run_scoped3A_494 : memref<!tpu.dma_semaphore, #tpu.memory_space<semaphore_mem>>)
      %dma_wait3A_511 = arith.constant 0 : i32
      %dma_wait3A_512 = arith.constant 0 : i32
      %dma_wait3A_513 = tpu.memref_slice %arg6[%run_scoped3A_229, %dma_wait3A_511, %dma_wait3A_512] : memref<25x8x128xi32, #tpu.memory_space<vmem>> -> memref<1x8x128xi32, #tpu.memory_space<vmem>>
      %dma_wait3A_514 = tpu.memref_squeeze %dma_wait3A_513 : memref<1x8x128xi32, #tpu.memory_space<vmem>> -> memref<8x128xi32, #tpu.memory_space<vmem>>
      %dma_wait3A_515 = arith.constant 0 : i32
      %dma_wait3A_516 = arith.constant 0 : i32
      %dma_wait3A_517 = tpu.memref_slice %arg2[%run_scoped3A_228, %add3A, %dma_wait3A_515, %dma_wait3A_516] : memref<25x32x8x128xi32, #tpu.memory_space<hbm>> -> memref<1x1x8x128xi32, #tpu.memory_space<hbm>>
      %dma_wait3A_518 = tpu.memref_squeeze %dma_wait3A_517 : memref<1x1x8x128xi32, #tpu.memory_space<hbm>> -> memref<8x128xi32, #tpu.memory_space<hbm>>
      %dma_wait3A_519 = arith.constant 0 : i32
      %dma_wait3A_520 = arith.constant 0 : i32
      %dma_wait3A_521 = tpu.memref_slice %arg6[%run_scoped3A_229, %dma_wait3A_519, %dma_wait3A_520] : memref<25x8x128xi32, #tpu.memory_space<vmem>> -> memref<1x8x128xi32, #tpu.memory_space<vmem>>
      %dma_wait3A_522 = tpu.memref_squeeze %dma_wait3A_521 : memref<1x8x128xi32, #tpu.memory_space<vmem>> -> memref<8x128xi32, #tpu.memory_space<vmem>>
      %dma_wait3A_523 = arith.constant 0 : i32
      %dma_wait3A_524 = arith.constant 0 : i32
      %dma_wait3A_525 = tpu.memref_slice %arg2[%run_scoped3A_228, %add3A, %dma_wait3A_523, %dma_wait3A_524] : memref<25x32x8x128xi32, #tpu.memory_space<hbm>> -> memref<1x1x8x128xi32, #tpu.memory_space<hbm>>
      %dma_wait3A_526 = tpu.memref_squeeze %dma_wait3A_525 : memref<1x1x8x128xi32, #tpu.memory_space<hbm>> -> memref<8x128xi32, #tpu.memory_space<hbm>>
      tpu.wait_dma2 semaphore(%run_scoped3A_494 : memref<!tpu.dma_semaphore, #tpu.memory_space<semaphore_mem>>) src(%dma_wait3A_526 : memref<8x128xi32, #tpu.memory_space<hbm>>) dst(%dma_wait3A_522 : memref<8x128xi32, #tpu.memory_space<vmem>>)
      tpu.yield
    }) : () -> ()
    %run_scoped3A_230 = arith.constant 2 : i32
    %run_scoped3A_231 = arith.constant 2 : i32
    "tpu.region"() ({
      %run_scoped3A_494 = tpu.sem_alloc : memref<!tpu.dma_semaphore, #tpu.memory_space<semaphore_mem>>
      %dma_start3A_495 = arith.constant 0 : i32
      %dma_start3A_496 = arith.constant 0 : i32
      %dma_start3A_497 = tpu.memref_slice %arg6[%run_scoped3A_231, %dma_start3A_495, %dma_start3A_496] : memref<25x8x128xi32, #tpu.memory_space<vmem>> -> memref<1x8x128xi32, #tpu.memory_space<vmem>>
      %dma_start3A_498 = tpu.memref_squeeze %dma_start3A_497 : memref<1x8x128xi32, #tpu.memory_space<vmem>> -> memref<8x128xi32, #tpu.memory_space<vmem>>
      %dma_start3A_499 = arith.constant 0 : i32
      %dma_start3A_500 = arith.constant 0 : i32
      %dma_start3A_501 = tpu.memref_slice %arg2[%run_scoped3A_230, %add3A, %dma_start3A_499, %dma_start3A_500] : memref<25x32x8x128xi32, #tpu.memory_space<hbm>> -> memref<1x1x8x128xi32, #tpu.memory_space<hbm>>
      %dma_start3A_502 = tpu.memref_squeeze %dma_start3A_501 : memref<1x1x8x128xi32, #tpu.memory_space<hbm>> -> memref<8x128xi32, #tpu.memory_space<hbm>>
      %dma_start3A_503 = arith.constant 0 : i32
      %dma_start3A_504 = arith.constant 0 : i32
      %dma_start3A_505 = tpu.memref_slice %arg6[%run_scoped3A_231, %dma_start3A_503, %dma_start3A_504] : memref<25x8x128xi32, #tpu.memory_space<vmem>> -> memref<1x8x128xi32, #tpu.memory_space<vmem>>
      %dma_start3A_506 = tpu.memref_squeeze %dma_start3A_505 : memref<1x8x128xi32, #tpu.memory_space<vmem>> -> memref<8x128xi32, #tpu.memory_space<vmem>>
      %dma_start3A_507 = arith.constant 0 : i32
      %dma_start3A_508 = arith.constant 0 : i32
      %dma_start3A_509 = tpu.memref_slice %arg2[%run_scoped3A_230, %add3A, %dma_start3A_507, %dma_start3A_508] : memref<25x32x8x128xi32, #tpu.memory_space<hbm>> -> memref<1x1x8x128xi32, #tpu.memory_space<hbm>>
      %dma_start3A_510 = tpu.memref_squeeze %dma_start3A_509 : memref<1x1x8x128xi32, #tpu.memory_space<hbm>> -> memref<8x128xi32, #tpu.memory_space<hbm>>
      tpu.enqueue_dma source(%dma_start3A_510 : memref<8x128xi32, #tpu.memory_space<hbm>>) target(%dma_start3A_506 : memref<8x128xi32, #tpu.memory_space<vmem>>) target_semaphore(%run_scoped3A_494 : memref<!tpu.dma_semaphore, #tpu.memory_space<semaphore_mem>>)
      %dma_wait3A_511 = arith.constant 0 : i32
      %dma_wait3A_512 = arith.constant 0 : i32
      %dma_wait3A_513 = tpu.memref_slice %arg6[%run_scoped3A_231, %dma_wait3A_511, %dma_wait3A_512] : memref<25x8x128xi32, #tpu.memory_space<vmem>> -> memref<1x8x128xi32, #tpu.memory_space<vmem>>
      %dma_wait3A_514 = tpu.memref_squeeze %dma_wait3A_513 : memref<1x8x128xi32, #tpu.memory_space<vmem>> -> memref<8x128xi32, #tpu.memory_space<vmem>>
      %dma_wait3A_515 = arith.constant 0 : i32
      %dma_wait3A_516 = arith.constant 0 : i32
      %dma_wait3A_517 = tpu.memref_slice %arg2[%run_scoped3A_230, %add3A, %dma_wait3A_515, %dma_wait3A_516] : memref<25x32x8x128xi32, #tpu.memory_space<hbm>> -> memref<1x1x8x128xi32, #tpu.memory_space<hbm>>
      %dma_wait3A_518 = tpu.memref_squeeze %dma_wait3A_517 : memref<1x1x8x128xi32, #tpu.memory_space<hbm>> -> memref<8x128xi32, #tpu.memory_space<hbm>>
      %dma_wait3A_519 = arith.constant 0 : i32
      %dma_wait3A_520 = arith.constant 0 : i32
      %dma_wait3A_521 = tpu.memref_slice %arg6[%run_scoped3A_231, %dma_wait3A_519, %dma_wait3A_520] : memref<25x8x128xi32, #tpu.memory_space<vmem>> -> memref<1x8x128xi32, #tpu.memory_space<vmem>>
      %dma_wait3A_522 = tpu.memref_squeeze %dma_wait3A_521 : memref<1x8x128xi32, #tpu.memory_space<vmem>> -> memref<8x128xi32, #tpu.memory_space<vmem>>
      %dma_wait3A_523 = arith.constant 0 : i32
      %dma_wait3A_524 = arith.constant 0 : i32
      %dma_wait3A_525 = tpu.memref_slice %arg2[%run_scoped3A_230, %add3A, %dma_wait3A_523, %dma_wait3A_524] : memref<25x32x8x128xi32, #tpu.memory_space<hbm>> -> memref<1x1x8x128xi32, #tpu.memory_space<hbm>>
      %dma_wait3A_526 = tpu.memref_squeeze %dma_wait3A_525 : memref<1x1x8x128xi32, #tpu.memory_space<hbm>> -> memref<8x128xi32, #tpu.memory_space<hbm>>
      tpu.wait_dma2 semaphore(%run_scoped3A_494 : memref<!tpu.dma_semaphore, #tpu.memory_space<semaphore_mem>>) src(%dma_wait3A_526 : memref<8x128xi32, #tpu.memory_space<hbm>>) dst(%dma_wait3A_522 : memref<8x128xi32, #tpu.memory_space<vmem>>)
      tpu.yield
    }) : () -> ()
    %run_scoped3A_232 = arith.constant 3 : i32
    %run_scoped3A_233 = arith.constant 3 : i32
    "tpu.region"() ({
      %run_scoped3A_494 = tpu.sem_alloc : memref<!tpu.dma_semaphore, #tpu.memory_space<semaphore_mem>>
      %dma_start3A_495 = arith.constant 0 : i32
      %dma_start3A_496 = arith.constant 0 : i32
      %dma_start3A_497 = tpu.memref_slice %arg6[%run_scoped3A_233, %dma_start3A_495, %dma_start3A_496] : memref<25x8x128xi32, #tpu.memory_space<vmem>> -> memref<1x8x128xi32, #tpu.memory_space<vmem>>
      %dma_start3A_498 = tpu.memref_squeeze %dma_start3A_497 : memref<1x8x128xi32, #tpu.memory_space<vmem>> -> memref<8x128xi32, #tpu.memory_space<vmem>>
      %dma_start3A_499 = arith.constant 0 : i32
      %dma_start3A_500 = arith.constant 0 : i32
      %dma_start3A_501 = tpu.memref_slice %arg2[%run_scoped3A_232, %add3A, %dma_start3A_499, %dma_start3A_500] : memref<25x32x8x128xi32, #tpu.memory_space<hbm>> -> memref<1x1x8x128xi32, #tpu.memory_space<hbm>>
      %dma_start3A_502 = tpu.memref_squeeze %dma_start3A_501 : memref<1x1x8x128xi32, #tpu.memory_space<hbm>> -> memref<8x128xi32, #tpu.memory_space<hbm>>
      %dma_start3A_503 = arith.constant 0 : i32
      %dma_start3A_504 = arith.constant 0 : i32
      %dma_start3A_505 = tpu.memref_slice %arg6[%run_scoped3A_233, %dma_start3A_503, %dma_start3A_504] : memref<25x8x128xi32, #tpu.memory_space<vmem>> -> memref<1x8x128xi32, #tpu.memory_space<vmem>>
      %dma_start3A_506 = tpu.memref_squeeze %dma_start3A_505 : memref<1x8x128xi32, #tpu.memory_space<vmem>> -> memref<8x128xi32, #tpu.memory_space<vmem>>
      %dma_start3A_507 = arith.constant 0 : i32
      %dma_start3A_508 = arith.constant 0 : i32
      %dma_start3A_509 = tpu.memref_slice %arg2[%run_scoped3A_232, %add3A, %dma_start3A_507, %dma_start3A_508] : memref<25x32x8x128xi32, #tpu.memory_space<hbm>> -> memref<1x1x8x128xi32, #tpu.memory_space<hbm>>
      %dma_start3A_510 = tpu.memref_squeeze %dma_start3A_509 : memref<1x1x8x128xi32, #tpu.memory_space<hbm>> -> memref<8x128xi32, #tpu.memory_space<hbm>>
      tpu.enqueue_dma source(%dma_start3A_510 : memref<8x128xi32, #tpu.memory_space<hbm>>) target(%dma_start3A_506 : memref<8x128xi32, #tpu.memory_space<vmem>>) target_semaphore(%run_scoped3A_494 : memref<!tpu.dma_semaphore, #tpu.memory_space<semaphore_mem>>)
      %dma_wait3A_511 = arith.constant 0 : i32
      %dma_wait3A_512 = arith.constant 0 : i32
      %dma_wait3A_513 = tpu.memref_slice %arg6[%run_scoped3A_233, %dma_wait3A_511, %dma_wait3A_512] : memref<25x8x128xi32, #tpu.memory_space<vmem>> -> memref<1x8x128xi32, #tpu.memory_space<vmem>>
      %dma_wait3A_514 = tpu.memref_squeeze %dma_wait3A_513 : memref<1x8x128xi32, #tpu.memory_space<vmem>> -> memref<8x128xi32, #tpu.memory_space<vmem>>
      %dma_wait3A_515 = arith.constant 0 : i32
      %dma_wait3A_516 = arith.constant 0 : i32
      %dma_wait3A_517 = tpu.memref_slice %arg2[%run_scoped3A_232, %add3A, %dma_wait3A_515, %dma_wait3A_516] : memref<25x32x8x128xi32, #tpu.memory_space<hbm>> -> memref<1x1x8x128xi32, #tpu.memory_space<hbm>>
      %dma_wait3A_518 = tpu.memref_squeeze %dma_wait3A_517 : memref<1x1x8x128xi32, #tpu.memory_space<hbm>> -> memref<8x128xi32, #tpu.memory_space<hbm>>
      %dma_wait3A_519 = arith.constant 0 : i32
      %dma_wait3A_520 = arith.constant 0 : i32
      %dma_wait3A_521 = tpu.memref_slice %arg6[%run_scoped3A_233, %dma_wait3A_519, %dma_wait3A_520] : memref<25x8x128xi32, #tpu.memory_space<vmem>> -> memref<1x8x128xi32, #tpu.memory_space<vmem>>
      %dma_wait3A_522 = tpu.memref_squeeze %dma_wait3A_521 : memref<1x8x128xi32, #tpu.memory_space<vmem>> -> memref<8x128xi32, #tpu.memory_space<vmem>>
      %dma_wait3A_523 = arith.constant 0 : i32
      %dma_wait3A_524 = arith.constant 0 : i32
      %dma_wait3A_525 = tpu.memref_slice %arg2[%run_scoped3A_232, %add3A, %dma_wait3A_523, %dma_wait3A_524] : memref<25x32x8x128xi32, #tpu.memory_space<hbm>> -> memref<1x1x8x128xi32, #tpu.memory_space<hbm>>
      %dma_wait3A_526 = tpu.memref_squeeze %dma_wait3A_525 : memref<1x1x8x128xi32, #tpu.memory_space<hbm>> -> memref<8x128xi32, #tpu.memory_space<hbm>>
      tpu.wait_dma2 semaphore(%run_scoped3A_494 : memref<!tpu.dma_semaphore, #tpu.memory_space<semaphore_mem>>) src(%dma_wait3A_526 : memref<8x128xi32, #tpu.memory_space<hbm>>) dst(%dma_wait3A_522 : memref<8x128xi32, #tpu.memory_space<vmem>>)
      tpu.yield
    }) : () -> ()
    %run_scoped3A_234 = arith.constant 4 : i32
    %run_scoped3A_235 = arith.constant 4 : i32
    "tpu.region"() ({
      %run_scoped3A_494 = tpu.sem_alloc : memref<!tpu.dma_semaphore, #tpu.memory_space<semaphore_mem>>
      %dma_start3A_495 = arith.constant 0 : i32
      %dma_start3A_496 = arith.constant 0 : i32
      %dma_start3A_497 = tpu.memref_slice %arg6[%run_scoped3A_235, %dma_start3A_495, %dma_start3A_496] : memref<25x8x128xi32, #tpu.memory_space<vmem>> -> memref<1x8x128xi32, #tpu.memory_space<vmem>>
      %dma_start3A_498 = tpu.memref_squeeze %dma_start3A_497 : memref<1x8x128xi32, #tpu.memory_space<vmem>> -> memref<8x128xi32, #tpu.memory_space<vmem>>
      %dma_start3A_499 = arith.constant 0 : i32
      %dma_start3A_500 = arith.constant 0 : i32
      %dma_start3A_501 = tpu.memref_slice %arg2[%run_scoped3A_234, %add3A, %dma_start3A_499, %dma_start3A_500] : memref<25x32x8x128xi32, #tpu.memory_space<hbm>> -> memref<1x1x8x128xi32, #tpu.memory_space<hbm>>
      %dma_start3A_502 = tpu.memref_squeeze %dma_start3A_501 : memref<1x1x8x128xi32, #tpu.memory_space<hbm>> -> memref<8x128xi32, #tpu.memory_space<hbm>>
      %dma_start3A_503 = arith.constant 0 : i32
      %dma_start3A_504 = arith.constant 0 : i32
      %dma_start3A_505 = tpu.memref_slice %arg6[%run_scoped3A_235, %dma_start3A_503, %dma_start3A_504] : memref<25x8x128xi32, #tpu.memory_space<vmem>> -> memref<1x8x128xi32, #tpu.memory_space<vmem>>
      %dma_start3A_506 = tpu.memref_squeeze %dma_start3A_505 : memref<1x8x128xi32, #tpu.memory_space<vmem>> -> memref<8x128xi32, #tpu.memory_space<vmem>>
      %dma_start3A_507 = arith.constant 0 : i32
      %dma_start3A_508 = arith.constant 0 : i32
      %dma_start3A_509 = tpu.memref_slice %arg2[%run_scoped3A_234, %add3A, %dma_start3A_507, %dma_start3A_508] : memref<25x32x8x128xi32, #tpu.memory_space<hbm>> -> memref<1x1x8x128xi32, #tpu.memory_space<hbm>>
      %dma_start3A_510 = tpu.memref_squeeze %dma_start3A_509 : memref<1x1x8x128xi32, #tpu.memory_space<hbm>> -> memref<8x128xi32, #tpu.memory_space<hbm>>
      tpu.enqueue_dma source(%dma_start3A_510 : memref<8x128xi32, #tpu.memory_space<hbm>>) target(%dma_start3A_506 : memref<8x128xi32, #tpu.memory_space<vmem>>) target_semaphore(%run_scoped3A_494 : memref<!tpu.dma_semaphore, #tpu.memory_space<semaphore_mem>>)
      %dma_wait3A_511 = arith.constant 0 : i32
      %dma_wait3A_512 = arith.constant 0 : i32
      %dma_wait3A_513 = tpu.memref_slice %arg6[%run_scoped3A_235, %dma_wait3A_511, %dma_wait3A_512] : memref<25x8x128xi32, #tpu.memory_space<vmem>> -> memref<1x8x128xi32, #tpu.memory_space<vmem>>
      %dma_wait3A_514 = tpu.memref_squeeze %dma_wait3A_513 : memref<1x8x128xi32, #tpu.memory_space<vmem>> -> memref<8x128xi32, #tpu.memory_space<vmem>>
      %dma_wait3A_515 = arith.constant 0 : i32
      %dma_wait3A_516 = arith.constant 0 : i32
      %dma_wait3A_517 = tpu.memref_slice %arg2[%run_scoped3A_234, %add3A, %dma_wait3A_515, %dma_wait3A_516] : memref<25x32x8x128xi32, #tpu.memory_space<hbm>> -> memref<1x1x8x128xi32, #tpu.memory_space<hbm>>
      %dma_wait3A_518 = tpu.memref_squeeze %dma_wait3A_517 : memref<1x1x8x128xi32, #tpu.memory_space<hbm>> -> memref<8x128xi32, #tpu.memory_space<hbm>>
      %dma_wait3A_519 = arith.constant 0 : i32
      %dma_wait3A_520 = arith.constant 0 : i32
      %dma_wait3A_521 = tpu.memref_slice %arg6[%run_scoped3A_235, %dma_wait3A_519, %dma_wait3A_520] : memref<25x8x128xi32, #tpu.memory_space<vmem>> -> memref<1x8x128xi32, #tpu.memory_space<vmem>>
      %dma_wait3A_522 = tpu.memref_squeeze %dma_wait3A_521 : memref<1x8x128xi32, #tpu.memory_space<vmem>> -> memref<8x128xi32, #tpu.memory_space<vmem>>
      %dma_wait3A_523 = arith.constant 0 : i32
      %dma_wait3A_524 = arith.constant 0 : i32
      %dma_wait3A_525 = tpu.memref_slice %arg2[%run_scoped3A_234, %add3A, %dma_wait3A_523, %dma_wait3A_524] : memref<25x32x8x128xi32, #tpu.memory_space<hbm>> -> memref<1x1x8x128xi32, #tpu.memory_space<hbm>>
      %dma_wait3A_526 = tpu.memref_squeeze %dma_wait3A_525 : memref<1x1x8x128xi32, #tpu.memory_space<hbm>> -> memref<8x128xi32, #tpu.memory_space<hbm>>
      tpu.wait_dma2 semaphore(%run_scoped3A_494 : memref<!tpu.dma_semaphore, #tpu.memory_space<semaphore_mem>>) src(%dma_wait3A_526 : memref<8x128xi32, #tpu.memory_space<hbm>>) dst(%dma_wait3A_522 : memref<8x128xi32, #tpu.memory_space<vmem>>)
      tpu.yield
    }) : () -> ()
    %run_scoped3A_236 = arith.constant 5 : i32
    %run_scoped3A_237 = arith.constant 5 : i32
    "tpu.region"() ({
      %run_scoped3A_494 = tpu.sem_alloc : memref<!tpu.dma_semaphore, #tpu.memory_space<semaphore_mem>>
      %dma_start3A_495 = arith.constant 0 : i32
      %dma_start3A_496 = arith.constant 0 : i32
      %dma_start3A_497 = tpu.memref_slice %arg6[%run_scoped3A_237, %dma_start3A_495, %dma_start3A_496] : memref<25x8x128xi32, #tpu.memory_space<vmem>> -> memref<1x8x128xi32, #tpu.memory_space<vmem>>
      %dma_start3A_498 = tpu.memref_squeeze %dma_start3A_497 : memref<1x8x128xi32, #tpu.memory_space<vmem>> -> memref<8x128xi32, #tpu.memory_space<vmem>>
      %dma_start3A_499 = arith.constant 0 : i32
      %dma_start3A_500 = arith.constant 0 : i32
      %dma_start3A_501 = tpu.memref_slice %arg2[%run_scoped3A_236, %add3A, %dma_start3A_499, %dma_start3A_500] : memref<25x32x8x128xi32, #tpu.memory_space<hbm>> -> memref<1x1x8x128xi32, #tpu.memory_space<hbm>>
      %dma_start3A_502 = tpu.memref_squeeze %dma_start3A_501 : memref<1x1x8x128xi32, #tpu.memory_space<hbm>> -> memref<8x128xi32, #tpu.memory_space<hbm>>
      %dma_start3A_503 = arith.constant 0 : i32
      %dma_start3A_504 = arith.constant 0 : i32
      %dma_start3A_505 = tpu.memref_slice %arg6[%run_scoped3A_237, %dma_start3A_503, %dma_start3A_504] : memref<25x8x128xi32, #tpu.memory_space<vmem>> -> memref<1x8x128xi32, #tpu.memory_space<vmem>>
      %dma_start3A_506 = tpu.memref_squeeze %dma_start3A_505 : memref<1x8x128xi32, #tpu.memory_space<vmem>> -> memref<8x128xi32, #tpu.memory_space<vmem>>
      %dma_start3A_507 = arith.constant 0 : i32
      %dma_start3A_508 = arith.constant 0 : i32
      %dma_start3A_509 = tpu.memref_slice %arg2[%run_scoped3A_236, %add3A, %dma_start3A_507, %dma_start3A_508] : memref<25x32x8x128xi32, #tpu.memory_space<hbm>> -> memref<1x1x8x128xi32, #tpu.memory_space<hbm>>
      %dma_start3A_510 = tpu.memref_squeeze %dma_start3A_509 : memref<1x1x8x128xi32, #tpu.memory_space<hbm>> -> memref<8x128xi32, #tpu.memory_space<hbm>>
      tpu.enqueue_dma source(%dma_start3A_510 : memref<8x128xi32, #tpu.memory_space<hbm>>) target(%dma_start3A_506 : memref<8x128xi32, #tpu.memory_space<vmem>>) target_semaphore(%run_scoped3A_494 : memref<!tpu.dma_semaphore, #tpu.memory_space<semaphore_mem>>)
      %dma_wait3A_511 = arith.constant 0 : i32
      %dma_wait3A_512 = arith.constant 0 : i32
      %dma_wait3A_513 = tpu.memref_slice %arg6[%run_scoped3A_237, %dma_wait3A_511, %dma_wait3A_512] : memref<25x8x128xi32, #tpu.memory_space<vmem>> -> memref<1x8x128xi32, #tpu.memory_space<vmem>>
      %dma_wait3A_514 = tpu.memref_squeeze %dma_wait3A_513 : memref<1x8x128xi32, #tpu.memory_space<vmem>> -> memref<8x128xi32, #tpu.memory_space<vmem>>
      %dma_wait3A_515 = arith.constant 0 : i32
      %dma_wait3A_516 = arith.constant 0 : i32
      %dma_wait3A_517 = tpu.memref_slice %arg2[%run_scoped3A_236, %add3A, %dma_wait3A_515, %dma_wait3A_516] : memref<25x32x8x128xi32, #tpu.memory_space<hbm>> -> memref<1x1x8x128xi32, #tpu.memory_space<hbm>>
      %dma_wait3A_518 = tpu.memref_squeeze %dma_wait3A_517 : memref<1x1x8x128xi32, #tpu.memory_space<hbm>> -> memref<8x128xi32, #tpu.memory_space<hbm>>
      %dma_wait3A_519 = arith.constant 0 : i32
      %dma_wait3A_520 = arith.constant 0 : i32
      %dma_wait3A_521 = tpu.memref_slice %arg6[%run_scoped3A_237, %dma_wait3A_519, %dma_wait3A_520] : memref<25x8x128xi32, #tpu.memory_space<vmem>> -> memref<1x8x128xi32, #tpu.memory_space<vmem>>
      %dma_wait3A_522 = tpu.memref_squeeze %dma_wait3A_521 : memref<1x8x128xi32, #tpu.memory_space<vmem>> -> memref<8x128xi32, #tpu.memory_space<vmem>>
      %dma_wait3A_523 = arith.constant 0 : i32
      %dma_wait3A_524 = arith.constant 0 : i32
      %dma_wait3A_525 = tpu.memref_slice %arg2[%run_scoped3A_236, %add3A, %dma_wait3A_523, %dma_wait3A_524] : memref<25x32x8x128xi32, #tpu.memory_space<hbm>> -> memref<1x1x8x128xi32, #tpu.memory_space<hbm>>
      %dma_wait3A_526 = tpu.memref_squeeze %dma_wait3A_525 : memref<1x1x8x128xi32, #tpu.memory_space<hbm>> -> memref<8x128xi32, #tpu.memory_space<hbm>>
      tpu.wait_dma2 semaphore(%run_scoped3A_494 : memref<!tpu.dma_semaphore, #tpu.memory_space<semaphore_mem>>) src(%dma_wait3A_526 : memref<8x128xi32, #tpu.memory_space<hbm>>) dst(%dma_wait3A_522 : memref<8x128xi32, #tpu.memory_space<vmem>>)
      tpu.yield
    }) : () -> ()
    %run_scoped3A_238 = arith.constant 6 : i32
    %run_scoped3A_239 = arith.constant 6 : i32
    "tpu.region"() ({
      %run_scoped3A_494 = tpu.sem_alloc : memref<!tpu.dma_semaphore, #tpu.memory_space<semaphore_mem>>
      %dma_start3A_495 = arith.constant 0 : i32
      %dma_start3A_496 = arith.constant 0 : i32
      %dma_start3A_497 = tpu.memref_slice %arg6[%run_scoped3A_239, %dma_start3A_495, %dma_start3A_496] : memref<25x8x128xi32, #tpu.memory_space<vmem>> -> memref<1x8x128xi32, #tpu.memory_space<vmem>>
      %dma_start3A_498 = tpu.memref_squeeze %dma_start3A_497 : memref<1x8x128xi32, #tpu.memory_space<vmem>> -> memref<8x128xi32, #tpu.memory_space<vmem>>
      %dma_start3A_499 = arith.constant 0 : i32
      %dma_start3A_500 = arith.constant 0 : i32
      %dma_start3A_501 = tpu.memref_slice %arg2[%run_scoped3A_238, %add3A, %dma_start3A_499, %dma_start3A_500] : memref<25x32x8x128xi32, #tpu.memory_space<hbm>> -> memref<1x1x8x128xi32, #tpu.memory_space<hbm>>
      %dma_start3A_502 = tpu.memref_squeeze %dma_start3A_501 : memref<1x1x8x128xi32, #tpu.memory_space<hbm>> -> memref<8x128xi32, #tpu.memory_space<hbm>>
      %dma_start3A_503 = arith.constant 0 : i32
      %dma_start3A_504 = arith.constant 0 : i32
      %dma_start3A_505 = tpu.memref_slice %arg6[%run_scoped3A_239, %dma_start3A_503, %dma_start3A_504] : memref<25x8x128xi32, #tpu.memory_space<vmem>> -> memref<1x8x128xi32, #tpu.memory_space<vmem>>
      %dma_start3A_506 = tpu.memref_squeeze %dma_start3A_505 : memref<1x8x128xi32, #tpu.memory_space<vmem>> -> memref<8x128xi32, #tpu.memory_space<vmem>>
      %dma_start3A_507 = arith.constant 0 : i32
      %dma_start3A_508 = arith.constant 0 : i32
      %dma_start3A_509 = tpu.memref_slice %arg2[%run_scoped3A_238, %add3A, %dma_start3A_507, %dma_start3A_508] : memref<25x32x8x128xi32, #tpu.memory_space<hbm>> -> memref<1x1x8x128xi32, #tpu.memory_space<hbm>>
      %dma_start3A_510 = tpu.memref_squeeze %dma_start3A_509 : memref<1x1x8x128xi32, #tpu.memory_space<hbm>> -> memref<8x128xi32, #tpu.memory_space<hbm>>
      tpu.enqueue_dma source(%dma_start3A_510 : memref<8x128xi32, #tpu.memory_space<hbm>>) target(%dma_start3A_506 : memref<8x128xi32, #tpu.memory_space<vmem>>) target_semaphore(%run_scoped3A_494 : memref<!tpu.dma_semaphore, #tpu.memory_space<semaphore_mem>>)
      %dma_wait3A_511 = arith.constant 0 : i32
      %dma_wait3A_512 = arith.constant 0 : i32
      %dma_wait3A_513 = tpu.memref_slice %arg6[%run_scoped3A_239, %dma_wait3A_511, %dma_wait3A_512] : memref<25x8x128xi32, #tpu.memory_space<vmem>> -> memref<1x8x128xi32, #tpu.memory_space<vmem>>
      %dma_wait3A_514 = tpu.memref_squeeze %dma_wait3A_513 : memref<1x8x128xi32, #tpu.memory_space<vmem>> -> memref<8x128xi32, #tpu.memory_space<vmem>>
      %dma_wait3A_515 = arith.constant 0 : i32
      %dma_wait3A_516 = arith.constant 0 : i32
      %dma_wait3A_517 = tpu.memref_slice %arg2[%run_scoped3A_238, %add3A, %dma_wait3A_515, %dma_wait3A_516] : memref<25x32x8x128xi32, #tpu.memory_space<hbm>> -> memref<1x1x8x128xi32, #tpu.memory_space<hbm>>
      %dma_wait3A_518 = tpu.memref_squeeze %dma_wait3A_517 : memref<1x1x8x128xi32, #tpu.memory_space<hbm>> -> memref<8x128xi32, #tpu.memory_space<hbm>>
      %dma_wait3A_519 = arith.constant 0 : i32
      %dma_wait3A_520 = arith.constant 0 : i32
      %dma_wait3A_521 = tpu.memref_slice %arg6[%run_scoped3A_239, %dma_wait3A_519, %dma_wait3A_520] : memref<25x8x128xi32, #tpu.memory_space<vmem>> -> memref<1x8x128xi32, #tpu.memory_space<vmem>>
      %dma_wait3A_522 = tpu.memref_squeeze %dma_wait3A_521 : memref<1x8x128xi32, #tpu.memory_space<vmem>> -> memref<8x128xi32, #tpu.memory_space<vmem>>
      %dma_wait3A_523 = arith.constant 0 : i32
      %dma_wait3A_524 = arith.constant 0 : i32
      %dma_wait3A_525 = tpu.memref_slice %arg2[%run_scoped3A_238, %add3A, %dma_wait3A_523, %dma_wait3A_524] : memref<25x32x8x128xi32, #tpu.memory_space<hbm>> -> memref<1x1x8x128xi32, #tpu.memory_space<hbm>>
      %dma_wait3A_526 = tpu.memref_squeeze %dma_wait3A_525 : memref<1x1x8x128xi32, #tpu.memory_space<hbm>> -> memref<8x128xi32, #tpu.memory_space<hbm>>
      tpu.wait_dma2 semaphore(%run_scoped3A_494 : memref<!tpu.dma_semaphore, #tpu.memory_space<semaphore_mem>>) src(%dma_wait3A_526 : memref<8x128xi32, #tpu.memory_space<hbm>>) dst(%dma_wait3A_522 : memref<8x128xi32, #tpu.memory_space<vmem>>)
      tpu.yield
    }) : () -> ()
    %run_scoped3A_240 = arith.constant 7 : i32
    %run_scoped3A_241 = arith.constant 7 : i32
    "tpu.region"() ({
      %run_scoped3A_494 = tpu.sem_alloc : memref<!tpu.dma_semaphore, #tpu.memory_space<semaphore_mem>>
      %dma_start3A_495 = arith.constant 0 : i32
      %dma_start3A_496 = arith.constant 0 : i32
      %dma_start3A_497 = tpu.memref_slice %arg6[%run_scoped3A_241, %dma_start3A_495, %dma_start3A_496] : memref<25x8x128xi32, #tpu.memory_space<vmem>> -> memref<1x8x128xi32, #tpu.memory_space<vmem>>
      %dma_start3A_498 = tpu.memref_squeeze %dma_start3A_497 : memref<1x8x128xi32, #tpu.memory_space<vmem>> -> memref<8x128xi32, #tpu.memory_space<vmem>>
      %dma_start3A_499 = arith.constant 0 : i32
      %dma_start3A_500 = arith.constant 0 : i32
      %dma_start3A_501 = tpu.memref_slice %arg2[%run_scoped3A_240, %add3A, %dma_start3A_499, %dma_start3A_500] : memref<25x32x8x128xi32, #tpu.memory_space<hbm>> -> memref<1x1x8x128xi32, #tpu.memory_space<hbm>>
      %dma_start3A_502 = tpu.memref_squeeze %dma_start3A_501 : memref<1x1x8x128xi32, #tpu.memory_space<hbm>> -> memref<8x128xi32, #tpu.memory_space<hbm>>
      %dma_start3A_503 = arith.constant 0 : i32
      %dma_start3A_504 = arith.constant 0 : i32
      %dma_start3A_505 = tpu.memref_slice %arg6[%run_scoped3A_241, %dma_start3A_503, %dma_start3A_504] : memref<25x8x128xi32, #tpu.memory_space<vmem>> -> memref<1x8x128xi32, #tpu.memory_space<vmem>>
      %dma_start3A_506 = tpu.memref_squeeze %dma_start3A_505 : memref<1x8x128xi32, #tpu.memory_space<vmem>> -> memref<8x128xi32, #tpu.memory_space<vmem>>
      %dma_start3A_507 = arith.constant 0 : i32
      %dma_start3A_508 = arith.constant 0 : i32
      %dma_start3A_509 = tpu.memref_slice %arg2[%run_scoped3A_240, %add3A, %dma_start3A_507, %dma_start3A_508] : memref<25x32x8x128xi32, #tpu.memory_space<hbm>> -> memref<1x1x8x128xi32, #tpu.memory_space<hbm>>
      %dma_start3A_510 = tpu.memref_squeeze %dma_start3A_509 : memref<1x1x8x128xi32, #tpu.memory_space<hbm>> -> memref<8x128xi32, #tpu.memory_space<hbm>>
      tpu.enqueue_dma source(%dma_start3A_510 : memref<8x128xi32, #tpu.memory_space<hbm>>) target(%dma_start3A_506 : memref<8x128xi32, #tpu.memory_space<vmem>>) target_semaphore(%run_scoped3A_494 : memref<!tpu.dma_semaphore, #tpu.memory_space<semaphore_mem>>)
      %dma_wait3A_511 = arith.constant 0 : i32
      %dma_wait3A_512 = arith.constant 0 : i32
      %dma_wait3A_513 = tpu.memref_slice %arg6[%run_scoped3A_241, %dma_wait3A_511, %dma_wait3A_512] : memref<25x8x128xi32, #tpu.memory_space<vmem>> -> memref<1x8x128xi32, #tpu.memory_space<vmem>>
      %dma_wait3A_514 = tpu.memref_squeeze %dma_wait3A_513 : memref<1x8x128xi32, #tpu.memory_space<vmem>> -> memref<8x128xi32, #tpu.memory_space<vmem>>
      %dma_wait3A_515 = arith.constant 0 : i32
      %dma_wait3A_516 = arith.constant 0 : i32
      %dma_wait3A_517 = tpu.memref_slice %arg2[%run_scoped3A_240, %add3A, %dma_wait3A_515, %dma_wait3A_516] : memref<25x32x8x128xi32, #tpu.memory_space<hbm>> -> memref<1x1x8x128xi32, #tpu.memory_space<hbm>>
      %dma_wait3A_518 = tpu.memref_squeeze %dma_wait3A_517 : memref<1x1x8x128xi32, #tpu.memory_space<hbm>> -> memref<8x128xi32, #tpu.memory_space<hbm>>
      %dma_wait3A_519 = arith.constant 0 : i32
      %dma_wait3A_520 = arith.constant 0 : i32
      %dma_wait3A_521 = tpu.memref_slice %arg6[%run_scoped3A_241, %dma_wait3A_519, %dma_wait3A_520] : memref<25x8x128xi32, #tpu.memory_space<vmem>> -> memref<1x8x128xi32, #tpu.memory_space<vmem>>
      %dma_wait3A_522 = tpu.memref_squeeze %dma_wait3A_521 : memref<1x8x128xi32, #tpu.memory_space<vmem>> -> memref<8x128xi32, #tpu.memory_space<vmem>>
      %dma_wait3A_523 = arith.constant 0 : i32
      %dma_wait3A_524 = arith.constant 0 : i32
      %dma_wait3A_525 = tpu.memref_slice %arg2[%run_scoped3A_240, %add3A, %dma_wait3A_523, %dma_wait3A_524] : memref<25x32x8x128xi32, #tpu.memory_space<hbm>> -> memref<1x1x8x128xi32, #tpu.memory_space<hbm>>
      %dma_wait3A_526 = tpu.memref_squeeze %dma_wait3A_525 : memref<1x1x8x128xi32, #tpu.memory_space<hbm>> -> memref<8x128xi32, #tpu.memory_space<hbm>>
      tpu.wait_dma2 semaphore(%run_scoped3A_494 : memref<!tpu.dma_semaphore, #tpu.memory_space<semaphore_mem>>) src(%dma_wait3A_526 : memref<8x128xi32, #tpu.memory_space<hbm>>) dst(%dma_wait3A_522 : memref<8x128xi32, #tpu.memory_space<vmem>>)
      tpu.yield
    }) : () -> ()
    %run_scoped3A_242 = arith.constant 8 : i32
    %run_scoped3A_243 = arith.constant 8 : i32
    "tpu.region"() ({
      %run_scoped3A_494 = tpu.sem_alloc : memref<!tpu.dma_semaphore, #tpu.memory_space<semaphore_mem>>
      %dma_start3A_495 = arith.constant 0 : i32
      %dma_start3A_496 = arith.constant 0 : i32
      %dma_start3A_497 = tpu.memref_slice %arg6[%run_scoped3A_243, %dma_start3A_495, %dma_start3A_496] : memref<25x8x128xi32, #tpu.memory_space<vmem>> -> memref<1x8x128xi32, #tpu.memory_space<vmem>>
      %dma_start3A_498 = tpu.memref_squeeze %dma_start3A_497 : memref<1x8x128xi32, #tpu.memory_space<vmem>> -> memref<8x128xi32, #tpu.memory_space<vmem>>
      %dma_start3A_499 = arith.constant 0 : i32
      %dma_start3A_500 = arith.constant 0 : i32
      %dma_start3A_501 = tpu.memref_slice %arg2[%run_scoped3A_242, %add3A, %dma_start3A_499, %dma_start3A_500] : memref<25x32x8x128xi32, #tpu.memory_space<hbm>> -> memref<1x1x8x128xi32, #tpu.memory_space<hbm>>
      %dma_start3A_502 = tpu.memref_squeeze %dma_start3A_501 : memref<1x1x8x128xi32, #tpu.memory_space<hbm>> -> memref<8x128xi32, #tpu.memory_space<hbm>>
      %dma_start3A_503 = arith.constant 0 : i32
      %dma_start3A_504 = arith.constant 0 : i32
      %dma_start3A_505 = tpu.memref_slice %arg6[%run_scoped3A_243, %dma_start3A_503, %dma_start3A_504] : memref<25x8x128xi32, #tpu.memory_space<vmem>> -> memref<1x8x128xi32, #tpu.memory_space<vmem>>
      %dma_start3A_506 = tpu.memref_squeeze %dma_start3A_505 : memref<1x8x128xi32, #tpu.memory_space<vmem>> -> memref<8x128xi32, #tpu.memory_space<vmem>>
      %dma_start3A_507 = arith.constant 0 : i32
      %dma_start3A_508 = arith.constant 0 : i32
      %dma_start3A_509 = tpu.memref_slice %arg2[%run_scoped3A_242, %add3A, %dma_start3A_507, %dma_start3A_508] : memref<25x32x8x128xi32, #tpu.memory_space<hbm>> -> memref<1x1x8x128xi32, #tpu.memory_space<hbm>>
      %dma_start3A_510 = tpu.memref_squeeze %dma_start3A_509 : memref<1x1x8x128xi32, #tpu.memory_space<hbm>> -> memref<8x128xi32, #tpu.memory_space<hbm>>
      tpu.enqueue_dma source(%dma_start3A_510 : memref<8x128xi32, #tpu.memory_space<hbm>>) target(%dma_start3A_506 : memref<8x128xi32, #tpu.memory_space<vmem>>) target_semaphore(%run_scoped3A_494 : memref<!tpu.dma_semaphore, #tpu.memory_space<semaphore_mem>>)
      %dma_wait3A_511 = arith.constant 0 : i32
      %dma_wait3A_512 = arith.constant 0 : i32
      %dma_wait3A_513 = tpu.memref_slice %arg6[%run_scoped3A_243, %dma_wait3A_511, %dma_wait3A_512] : memref<25x8x128xi32, #tpu.memory_space<vmem>> -> memref<1x8x128xi32, #tpu.memory_space<vmem>>
      %dma_wait3A_514 = tpu.memref_squeeze %dma_wait3A_513 : memref<1x8x128xi32, #tpu.memory_space<vmem>> -> memref<8x128xi32, #tpu.memory_space<vmem>>
      %dma_wait3A_515 = arith.constant 0 : i32
      %dma_wait3A_516 = arith.constant 0 : i32
      %dma_wait3A_517 = tpu.memref_slice %arg2[%run_scoped3A_242, %add3A, %dma_wait3A_515, %dma_wait3A_516] : memref<25x32x8x128xi32, #tpu.memory_space<hbm>> -> memref<1x1x8x128xi32, #tpu.memory_space<hbm>>
      %dma_wait3A_518 = tpu.memref_squeeze %dma_wait3A_517 : memref<1x1x8x128xi32, #tpu.memory_space<hbm>> -> memref<8x128xi32, #tpu.memory_space<hbm>>
      %dma_wait3A_519 = arith.constant 0 : i32
      %dma_wait3A_520 = arith.constant 0 : i32
      %dma_wait3A_521 = tpu.memref_slice %arg6[%run_scoped3A_243, %dma_wait3A_519, %dma_wait3A_520] : memref<25x8x128xi32, #tpu.memory_space<vmem>> -> memref<1x8x128xi32, #tpu.memory_space<vmem>>
      %dma_wait3A_522 = tpu.memref_squeeze %dma_wait3A_521 : memref<1x8x128xi32, #tpu.memory_space<vmem>> -> memref<8x128xi32, #tpu.memory_space<vmem>>
      %dma_wait3A_523 = arith.constant 0 : i32
      %dma_wait3A_524 = arith.constant 0 : i32
      %dma_wait3A_525 = tpu.memref_slice %arg2[%run_scoped3A_242, %add3A, %dma_wait3A_523, %dma_wait3A_524] : memref<25x32x8x128xi32, #tpu.memory_space<hbm>> -> memref<1x1x8x128xi32, #tpu.memory_space<hbm>>
      %dma_wait3A_526 = tpu.memref_squeeze %dma_wait3A_525 : memref<1x1x8x128xi32, #tpu.memory_space<hbm>> -> memref<8x128xi32, #tpu.memory_space<hbm>>
      tpu.wait_dma2 semaphore(%run_scoped3A_494 : memref<!tpu.dma_semaphore, #tpu.memory_space<semaphore_mem>>) src(%dma_wait3A_526 : memref<8x128xi32, #tpu.memory_space<hbm>>) dst(%dma_wait3A_522 : memref<8x128xi32, #tpu.memory_space<vmem>>)
      tpu.yield
    }) : () -> ()
    %run_scoped3A_244 = arith.constant 9 : i32
    %run_scoped3A_245 = arith.constant 9 : i32
    "tpu.region"() ({
      %run_scoped3A_494 = tpu.sem_alloc : memref<!tpu.dma_semaphore, #tpu.memory_space<semaphore_mem>>
      %dma_start3A_495 = arith.constant 0 : i32
      %dma_start3A_496 = arith.constant 0 : i32
      %dma_start3A_497 = tpu.memref_slice %arg6[%run_scoped3A_245, %dma_start3A_495, %dma_start3A_496] : memref<25x8x128xi32, #tpu.memory_space<vmem>> -> memref<1x8x128xi32, #tpu.memory_space<vmem>>
      %dma_start3A_498 = tpu.memref_squeeze %dma_start3A_497 : memref<1x8x128xi32, #tpu.memory_space<vmem>> -> memref<8x128xi32, #tpu.memory_space<vmem>>
      %dma_start3A_499 = arith.constant 0 : i32
      %dma_start3A_500 = arith.constant 0 : i32
      %dma_start3A_501 = tpu.memref_slice %arg2[%run_scoped3A_244, %add3A, %dma_start3A_499, %dma_start3A_500] : memref<25x32x8x128xi32, #tpu.memory_space<hbm>> -> memref<1x1x8x128xi32, #tpu.memory_space<hbm>>
      %dma_start3A_502 = tpu.memref_squeeze %dma_start3A_501 : memref<1x1x8x128xi32, #tpu.memory_space<hbm>> -> memref<8x128xi32, #tpu.memory_space<hbm>>
      %dma_start3A_503 = arith.constant 0 : i32
      %dma_start3A_504 = arith.constant 0 : i32
      %dma_start3A_505 = tpu.memref_slice %arg6[%run_scoped3A_245, %dma_start3A_503, %dma_start3A_504] : memref<25x8x128xi32, #tpu.memory_space<vmem>> -> memref<1x8x128xi32, #tpu.memory_space<vmem>>
      %dma_start3A_506 = tpu.memref_squeeze %dma_start3A_505 : memref<1x8x128xi32, #tpu.memory_space<vmem>> -> memref<8x128xi32, #tpu.memory_space<vmem>>
      %dma_start3A_507 = arith.constant 0 : i32
      %dma_start3A_508 = arith.constant 0 : i32
      %dma_start3A_509 = tpu.memref_slice %arg2[%run_scoped3A_244, %add3A, %dma_start3A_507, %dma_start3A_508] : memref<25x32x8x128xi32, #tpu.memory_space<hbm>> -> memref<1x1x8x128xi32, #tpu.memory_space<hbm>>
      %dma_start3A_510 = tpu.memref_squeeze %dma_start3A_509 : memref<1x1x8x128xi32, #tpu.memory_space<hbm>> -> memref<8x128xi32, #tpu.memory_space<hbm>>
      tpu.enqueue_dma source(%dma_start3A_510 : memref<8x128xi32, #tpu.memory_space<hbm>>) target(%dma_start3A_506 : memref<8x128xi32, #tpu.memory_space<vmem>>) target_semaphore(%run_scoped3A_494 : memref<!tpu.dma_semaphore, #tpu.memory_space<semaphore_mem>>)
      %dma_wait3A_511 = arith.constant 0 : i32
      %dma_wait3A_512 = arith.constant 0 : i32
      %dma_wait3A_513 = tpu.memref_slice %arg6[%run_scoped3A_245, %dma_wait3A_511, %dma_wait3A_512] : memref<25x8x128xi32, #tpu.memory_space<vmem>> -> memref<1x8x128xi32, #tpu.memory_space<vmem>>
      %dma_wait3A_514 = tpu.memref_squeeze %dma_wait3A_513 : memref<1x8x128xi32, #tpu.memory_space<vmem>> -> memref<8x128xi32, #tpu.memory_space<vmem>>
      %dma_wait3A_515 = arith.constant 0 : i32
      %dma_wait3A_516 = arith.constant 0 : i32
      %dma_wait3A_517 = tpu.memref_slice %arg2[%run_scoped3A_244, %add3A, %dma_wait3A_515, %dma_wait3A_516] : memref<25x32x8x128xi32, #tpu.memory_space<hbm>> -> memref<1x1x8x128xi32, #tpu.memory_space<hbm>>
      %dma_wait3A_518 = tpu.memref_squeeze %dma_wait3A_517 : memref<1x1x8x128xi32, #tpu.memory_space<hbm>> -> memref<8x128xi32, #tpu.memory_space<hbm>>
      %dma_wait3A_519 = arith.constant 0 : i32
      %dma_wait3A_520 = arith.constant 0 : i32
      %dma_wait3A_521 = tpu.memref_slice %arg6[%run_scoped3A_245, %dma_wait3A_519, %dma_wait3A_520] : memref<25x8x128xi32, #tpu.memory_space<vmem>> -> memref<1x8x128xi32, #tpu.memory_space<vmem>>
      %dma_wait3A_522 = tpu.memref_squeeze %dma_wait3A_521 : memref<1x8x128xi32, #tpu.memory_space<vmem>> -> memref<8x128xi32, #tpu.memory_space<vmem>>
      %dma_wait3A_523 = arith.constant 0 : i32
      %dma_wait3A_524 = arith.constant 0 : i32
      %dma_wait3A_525 = tpu.memref_slice %arg2[%run_scoped3A_244, %add3A, %dma_wait3A_523, %dma_wait3A_524] : memref<25x32x8x128xi32, #tpu.memory_space<hbm>> -> memref<1x1x8x128xi32, #tpu.memory_space<hbm>>
      %dma_wait3A_526 = tpu.memref_squeeze %dma_wait3A_525 : memref<1x1x8x128xi32, #tpu.memory_space<hbm>> -> memref<8x128xi32, #tpu.memory_space<hbm>>
      tpu.wait_dma2 semaphore(%run_scoped3A_494 : memref<!tpu.dma_semaphore, #tpu.memory_space<semaphore_mem>>) src(%dma_wait3A_526 : memref<8x128xi32, #tpu.memory_space<hbm>>) dst(%dma_wait3A_522 : memref<8x128xi32, #tpu.memory_space<vmem>>)
      tpu.yield
    }) : () -> ()
    %run_scoped3A_246 = arith.constant 10 : i32
    %run_scoped3A_247 = arith.constant 10 : i32
    "tpu.region"() ({
      %run_scoped3A_494 = tpu.sem_alloc : memref<!tpu.dma_semaphore, #tpu.memory_space<semaphore_mem>>
      %dma_start3A_495 = arith.constant 0 : i32
      %dma_start3A_496 = arith.constant 0 : i32
      %dma_start3A_497 = tpu.memref_slice %arg6[%run_scoped3A_247, %dma_start3A_495, %dma_start3A_496] : memref<25x8x128xi32, #tpu.memory_space<vmem>> -> memref<1x8x128xi32, #tpu.memory_space<vmem>>
      %dma_start3A_498 = tpu.memref_squeeze %dma_start3A_497 : memref<1x8x128xi32, #tpu.memory_space<vmem>> -> memref<8x128xi32, #tpu.memory_space<vmem>>
      %dma_start3A_499 = arith.constant 0 : i32
      %dma_start3A_500 = arith.constant 0 : i32
      %dma_start3A_501 = tpu.memref_slice %arg2[%run_scoped3A_246, %add3A, %dma_start3A_499, %dma_start3A_500] : memref<25x32x8x128xi32, #tpu.memory_space<hbm>> -> memref<1x1x8x128xi32, #tpu.memory_space<hbm>>
      %dma_start3A_502 = tpu.memref_squeeze %dma_start3A_501 : memref<1x1x8x128xi32, #tpu.memory_space<hbm>> -> memref<8x128xi32, #tpu.memory_space<hbm>>
      %dma_start3A_503 = arith.constant 0 : i32
      %dma_start3A_504 = arith.constant 0 : i32
      %dma_start3A_505 = tpu.memref_slice %arg6[%run_scoped3A_247, %dma_start3A_503, %dma_start3A_504] : memref<25x8x128xi32, #tpu.memory_space<vmem>> -> memref<1x8x128xi32, #tpu.memory_space<vmem>>
      %dma_start3A_506 = tpu.memref_squeeze %dma_start3A_505 : memref<1x8x128xi32, #tpu.memory_space<vmem>> -> memref<8x128xi32, #tpu.memory_space<vmem>>
      %dma_start3A_507 = arith.constant 0 : i32
      %dma_start3A_508 = arith.constant 0 : i32
      %dma_start3A_509 = tpu.memref_slice %arg2[%run_scoped3A_246, %add3A, %dma_start3A_507, %dma_start3A_508] : memref<25x32x8x128xi32, #tpu.memory_space<hbm>> -> memref<1x1x8x128xi32, #tpu.memory_space<hbm>>
      %dma_start3A_510 = tpu.memref_squeeze %dma_start3A_509 : memref<1x1x8x128xi32, #tpu.memory_space<hbm>> -> memref<8x128xi32, #tpu.memory_space<hbm>>
      tpu.enqueue_dma source(%dma_start3A_510 : memref<8x128xi32, #tpu.memory_space<hbm>>) target(%dma_start3A_506 : memref<8x128xi32, #tpu.memory_space<vmem>>) target_semaphore(%run_scoped3A_494 : memref<!tpu.dma_semaphore, #tpu.memory_space<semaphore_mem>>)
      %dma_wait3A_511 = arith.constant 0 : i32
      %dma_wait3A_512 = arith.constant 0 : i32
      %dma_wait3A_513 = tpu.memref_slice %arg6[%run_scoped3A_247, %dma_wait3A_511, %dma_wait3A_512] : memref<25x8x128xi32, #tpu.memory_space<vmem>> -> memref<1x8x128xi32, #tpu.memory_space<vmem>>
      %dma_wait3A_514 = tpu.memref_squeeze %dma_wait3A_513 : memref<1x8x128xi32, #tpu.memory_space<vmem>> -> memref<8x128xi32, #tpu.memory_space<vmem>>
      %dma_wait3A_515 = arith.constant 0 : i32
      %dma_wait3A_516 = arith.constant 0 : i32
      %dma_wait3A_517 = tpu.memref_slice %arg2[%run_scoped3A_246, %add3A, %dma_wait3A_515, %dma_wait3A_516] : memref<25x32x8x128xi32, #tpu.memory_space<hbm>> -> memref<1x1x8x128xi32, #tpu.memory_space<hbm>>
      %dma_wait3A_518 = tpu.memref_squeeze %dma_wait3A_517 : memref<1x1x8x128xi32, #tpu.memory_space<hbm>> -> memref<8x128xi32, #tpu.memory_space<hbm>>
      %dma_wait3A_519 = arith.constant 0 : i32
      %dma_wait3A_520 = arith.constant 0 : i32
      %dma_wait3A_521 = tpu.memref_slice %arg6[%run_scoped3A_247, %dma_wait3A_519, %dma_wait3A_520] : memref<25x8x128xi32, #tpu.memory_space<vmem>> -> memref<1x8x128xi32, #tpu.memory_space<vmem>>
      %dma_wait3A_522 = tpu.memref_squeeze %dma_wait3A_521 : memref<1x8x128xi32, #tpu.memory_space<vmem>> -> memref<8x128xi32, #tpu.memory_space<vmem>>
      %dma_wait3A_523 = arith.constant 0 : i32
      %dma_wait3A_524 = arith.constant 0 : i32
      %dma_wait3A_525 = tpu.memref_slice %arg2[%run_scoped3A_246, %add3A, %dma_wait3A_523, %dma_wait3A_524] : memref<25x32x8x128xi32, #tpu.memory_space<hbm>> -> memref<1x1x8x128xi32, #tpu.memory_space<hbm>>
      %dma_wait3A_526 = tpu.memref_squeeze %dma_wait3A_525 : memref<1x1x8x128xi32, #tpu.memory_space<hbm>> -> memref<8x128xi32, #tpu.memory_space<hbm>>
      tpu.wait_dma2 semaphore(%run_scoped3A_494 : memref<!tpu.dma_semaphore, #tpu.memory_space<semaphore_mem>>) src(%dma_wait3A_526 : memref<8x128xi32, #tpu.memory_space<hbm>>) dst(%dma_wait3A_522 : memref<8x128xi32, #tpu.memory_space<vmem>>)
      tpu.yield
    }) : () -> ()
    %run_scoped3A_248 = arith.constant 11 : i32
    %run_scoped3A_249 = arith.constant 11 : i32
    "tpu.region"() ({
      %run_scoped3A_494 = tpu.sem_alloc : memref<!tpu.dma_semaphore, #tpu.memory_space<semaphore_mem>>
      %dma_start3A_495 = arith.constant 0 : i32
      %dma_start3A_496 = arith.constant 0 : i32
      %dma_start3A_497 = tpu.memref_slice %arg6[%run_scoped3A_249, %dma_start3A_495, %dma_start3A_496] : memref<25x8x128xi32, #tpu.memory_space<vmem>> -> memref<1x8x128xi32, #tpu.memory_space<vmem>>
      %dma_start3A_498 = tpu.memref_squeeze %dma_start3A_497 : memref<1x8x128xi32, #tpu.memory_space<vmem>> -> memref<8x128xi32, #tpu.memory_space<vmem>>
      %dma_start3A_499 = arith.constant 0 : i32
      %dma_start3A_500 = arith.constant 0 : i32
      %dma_start3A_501 = tpu.memref_slice %arg2[%run_scoped3A_248, %add3A, %dma_start3A_499, %dma_start3A_500] : memref<25x32x8x128xi32, #tpu.memory_space<hbm>> -> memref<1x1x8x128xi32, #tpu.memory_space<hbm>>
      %dma_start3A_502 = tpu.memref_squeeze %dma_start3A_501 : memref<1x1x8x128xi32, #tpu.memory_space<hbm>> -> memref<8x128xi32, #tpu.memory_space<hbm>>
      %dma_start3A_503 = arith.constant 0 : i32
      %dma_start3A_504 = arith.constant 0 : i32
      %dma_start3A_505 = tpu.memref_slice %arg6[%run_scoped3A_249, %dma_start3A_503, %dma_start3A_504] : memref<25x8x128xi32, #tpu.memory_space<vmem>> -> memref<1x8x128xi32, #tpu.memory_space<vmem>>
      %dma_start3A_506 = tpu.memref_squeeze %dma_start3A_505 : memref<1x8x128xi32, #tpu.memory_space<vmem>> -> memref<8x128xi32, #tpu.memory_space<vmem>>
      %dma_start3A_507 = arith.constant 0 : i32
      %dma_start3A_508 = arith.constant 0 : i32
      %dma_start3A_509 = tpu.memref_slice %arg2[%run_scoped3A_248, %add3A, %dma_start3A_507, %dma_start3A_508] : memref<25x32x8x128xi32, #tpu.memory_space<hbm>> -> memref<1x1x8x128xi32, #tpu.memory_space<hbm>>
      %dma_start3A_510 = tpu.memref_squeeze %dma_start3A_509 : memref<1x1x8x128xi32, #tpu.memory_space<hbm>> -> memref<8x128xi32, #tpu.memory_space<hbm>>
      tpu.enqueue_dma source(%dma_start3A_510 : memref<8x128xi32, #tpu.memory_space<hbm>>) target(%dma_start3A_506 : memref<8x128xi32, #tpu.memory_space<vmem>>) target_semaphore(%run_scoped3A_494 : memref<!tpu.dma_semaphore, #tpu.memory_space<semaphore_mem>>)
      %dma_wait3A_511 = arith.constant 0 : i32
      %dma_wait3A_512 = arith.constant 0 : i32
      %dma_wait3A_513 = tpu.memref_slice %arg6[%run_scoped3A_249, %dma_wait3A_511, %dma_wait3A_512] : memref<25x8x128xi32, #tpu.memory_space<vmem>> -> memref<1x8x128xi32, #tpu.memory_space<vmem>>
      %dma_wait3A_514 = tpu.memref_squeeze %dma_wait3A_513 : memref<1x8x128xi32, #tpu.memory_space<vmem>> -> memref<8x128xi32, #tpu.memory_space<vmem>>
      %dma_wait3A_515 = arith.constant 0 : i32
      %dma_wait3A_516 = arith.constant 0 : i32
      %dma_wait3A_517 = tpu.memref_slice %arg2[%run_scoped3A_248, %add3A, %dma_wait3A_515, %dma_wait3A_516] : memref<25x32x8x128xi32, #tpu.memory_space<hbm>> -> memref<1x1x8x128xi32, #tpu.memory_space<hbm>>
      %dma_wait3A_518 = tpu.memref_squeeze %dma_wait3A_517 : memref<1x1x8x128xi32, #tpu.memory_space<hbm>> -> memref<8x128xi32, #tpu.memory_space<hbm>>
      %dma_wait3A_519 = arith.constant 0 : i32
      %dma_wait3A_520 = arith.constant 0 : i32
      %dma_wait3A_521 = tpu.memref_slice %arg6[%run_scoped3A_249, %dma_wait3A_519, %dma_wait3A_520] : memref<25x8x128xi32, #tpu.memory_space<vmem>> -> memref<1x8x128xi32, #tpu.memory_space<vmem>>
      %dma_wait3A_522 = tpu.memref_squeeze %dma_wait3A_521 : memref<1x8x128xi32, #tpu.memory_space<vmem>> -> memref<8x128xi32, #tpu.memory_space<vmem>>
      %dma_wait3A_523 = arith.constant 0 : i32
      %dma_wait3A_524 = arith.constant 0 : i32
      %dma_wait3A_525 = tpu.memref_slice %arg2[%run_scoped3A_248, %add3A, %dma_wait3A_523, %dma_wait3A_524] : memref<25x32x8x128xi32, #tpu.memory_space<hbm>> -> memref<1x1x8x128xi32, #tpu.memory_space<hbm>>
      %dma_wait3A_526 = tpu.memref_squeeze %dma_wait3A_525 : memref<1x1x8x128xi32, #tpu.memory_space<hbm>> -> memref<8x128xi32, #tpu.memory_space<hbm>>
      tpu.wait_dma2 semaphore(%run_scoped3A_494 : memref<!tpu.dma_semaphore, #tpu.memory_space<semaphore_mem>>) src(%dma_wait3A_526 : memref<8x128xi32, #tpu.memory_space<hbm>>) dst(%dma_wait3A_522 : memref<8x128xi32, #tpu.memory_space<vmem>>)
      tpu.yield
    }) : () -> ()
    %run_scoped3A_250 = arith.constant 12 : i32
    %run_scoped3A_251 = arith.constant 12 : i32
    "tpu.region"() ({
      %run_scoped3A_494 = tpu.sem_alloc : memref<!tpu.dma_semaphore, #tpu.memory_space<semaphore_mem>>
      %dma_start3A_495 = arith.constant 0 : i32
      %dma_start3A_496 = arith.constant 0 : i32
      %dma_start3A_497 = tpu.memref_slice %arg6[%run_scoped3A_251, %dma_start3A_495, %dma_start3A_496] : memref<25x8x128xi32, #tpu.memory_space<vmem>> -> memref<1x8x128xi32, #tpu.memory_space<vmem>>
      %dma_start3A_498 = tpu.memref_squeeze %dma_start3A_497 : memref<1x8x128xi32, #tpu.memory_space<vmem>> -> memref<8x128xi32, #tpu.memory_space<vmem>>
      %dma_start3A_499 = arith.constant 0 : i32
      %dma_start3A_500 = arith.constant 0 : i32
      %dma_start3A_501 = tpu.memref_slice %arg2[%run_scoped3A_250, %add3A, %dma_start3A_499, %dma_start3A_500] : memref<25x32x8x128xi32, #tpu.memory_space<hbm>> -> memref<1x1x8x128xi32, #tpu.memory_space<hbm>>
      %dma_start3A_502 = tpu.memref_squeeze %dma_start3A_501 : memref<1x1x8x128xi32, #tpu.memory_space<hbm>> -> memref<8x128xi32, #tpu.memory_space<hbm>>
      %dma_start3A_503 = arith.constant 0 : i32
      %dma_start3A_504 = arith.constant 0 : i32
      %dma_start3A_505 = tpu.memref_slice %arg6[%run_scoped3A_251, %dma_start3A_503, %dma_start3A_504] : memref<25x8x128xi32, #tpu.memory_space<vmem>> -> memref<1x8x128xi32, #tpu.memory_space<vmem>>
      %dma_start3A_506 = tpu.memref_squeeze %dma_start3A_505 : memref<1x8x128xi32, #tpu.memory_space<vmem>> -> memref<8x128xi32, #tpu.memory_space<vmem>>
      %dma_start3A_507 = arith.constant 0 : i32
      %dma_start3A_508 = arith.constant 0 : i32
      %dma_start3A_509 = tpu.memref_slice %arg2[%run_scoped3A_250, %add3A, %dma_start3A_507, %dma_start3A_508] : memref<25x32x8x128xi32, #tpu.memory_space<hbm>> -> memref<1x1x8x128xi32, #tpu.memory_space<hbm>>
      %dma_start3A_510 = tpu.memref_squeeze %dma_start3A_509 : memref<1x1x8x128xi32, #tpu.memory_space<hbm>> -> memref<8x128xi32, #tpu.memory_space<hbm>>
      tpu.enqueue_dma source(%dma_start3A_510 : memref<8x128xi32, #tpu.memory_space<hbm>>) target(%dma_start3A_506 : memref<8x128xi32, #tpu.memory_space<vmem>>) target_semaphore(%run_scoped3A_494 : memref<!tpu.dma_semaphore, #tpu.memory_space<semaphore_mem>>)
      %dma_wait3A_511 = arith.constant 0 : i32
      %dma_wait3A_512 = arith.constant 0 : i32
      %dma_wait3A_513 = tpu.memref_slice %arg6[%run_scoped3A_251, %dma_wait3A_511, %dma_wait3A_512] : memref<25x8x128xi32, #tpu.memory_space<vmem>> -> memref<1x8x128xi32, #tpu.memory_space<vmem>>
      %dma_wait3A_514 = tpu.memref_squeeze %dma_wait3A_513 : memref<1x8x128xi32, #tpu.memory_space<vmem>> -> memref<8x128xi32, #tpu.memory_space<vmem>>
      %dma_wait3A_515 = arith.constant 0 : i32
      %dma_wait3A_516 = arith.constant 0 : i32
      %dma_wait3A_517 = tpu.memref_slice %arg2[%run_scoped3A_250, %add3A, %dma_wait3A_515, %dma_wait3A_516] : memref<25x32x8x128xi32, #tpu.memory_space<hbm>> -> memref<1x1x8x128xi32, #tpu.memory_space<hbm>>
      %dma_wait3A_518 = tpu.memref_squeeze %dma_wait3A_517 : memref<1x1x8x128xi32, #tpu.memory_space<hbm>> -> memref<8x128xi32, #tpu.memory_space<hbm>>
      %dma_wait3A_519 = arith.constant 0 : i32
      %dma_wait3A_520 = arith.constant 0 : i32
      %dma_wait3A_521 = tpu.memref_slice %arg6[%run_scoped3A_251, %dma_wait3A_519, %dma_wait3A_520] : memref<25x8x128xi32, #tpu.memory_space<vmem>> -> memref<1x8x128xi32, #tpu.memory_space<vmem>>
      %dma_wait3A_522 = tpu.memref_squeeze %dma_wait3A_521 : memref<1x8x128xi32, #tpu.memory_space<vmem>> -> memref<8x128xi32, #tpu.memory_space<vmem>>
      %dma_wait3A_523 = arith.constant 0 : i32
      %dma_wait3A_524 = arith.constant 0 : i32
      %dma_wait3A_525 = tpu.memref_slice %arg2[%run_scoped3A_250, %add3A, %dma_wait3A_523, %dma_wait3A_524] : memref<25x32x8x128xi32, #tpu.memory_space<hbm>> -> memref<1x1x8x128xi32, #tpu.memory_space<hbm>>
      %dma_wait3A_526 = tpu.memref_squeeze %dma_wait3A_525 : memref<1x1x8x128xi32, #tpu.memory_space<hbm>> -> memref<8x128xi32, #tpu.memory_space<hbm>>
      tpu.wait_dma2 semaphore(%run_scoped3A_494 : memref<!tpu.dma_semaphore, #tpu.memory_space<semaphore_mem>>) src(%dma_wait3A_526 : memref<8x128xi32, #tpu.memory_space<hbm>>) dst(%dma_wait3A_522 : memref<8x128xi32, #tpu.memory_space<vmem>>)
      tpu.yield
    }) : () -> ()
    %run_scoped3A_252 = arith.constant 13 : i32
    %run_scoped3A_253 = arith.constant 13 : i32
    "tpu.region"() ({
      %run_scoped3A_494 = tpu.sem_alloc : memref<!tpu.dma_semaphore, #tpu.memory_space<semaphore_mem>>
      %dma_start3A_495 = arith.constant 0 : i32
      %dma_start3A_496 = arith.constant 0 : i32
      %dma_start3A_497 = tpu.memref_slice %arg6[%run_scoped3A_253, %dma_start3A_495, %dma_start3A_496] : memref<25x8x128xi32, #tpu.memory_space<vmem>> -> memref<1x8x128xi32, #tpu.memory_space<vmem>>
      %dma_start3A_498 = tpu.memref_squeeze %dma_start3A_497 : memref<1x8x128xi32, #tpu.memory_space<vmem>> -> memref<8x128xi32, #tpu.memory_space<vmem>>
      %dma_start3A_499 = arith.constant 0 : i32
      %dma_start3A_500 = arith.constant 0 : i32
      %dma_start3A_501 = tpu.memref_slice %arg2[%run_scoped3A_252, %add3A, %dma_start3A_499, %dma_start3A_500] : memref<25x32x8x128xi32, #tpu.memory_space<hbm>> -> memref<1x1x8x128xi32, #tpu.memory_space<hbm>>
      %dma_start3A_502 = tpu.memref_squeeze %dma_start3A_501 : memref<1x1x8x128xi32, #tpu.memory_space<hbm>> -> memref<8x128xi32, #tpu.memory_space<hbm>>
      %dma_start3A_503 = arith.constant 0 : i32
      %dma_start3A_504 = arith.constant 0 : i32
      %dma_start3A_505 = tpu.memref_slice %arg6[%run_scoped3A_253, %dma_start3A_503, %dma_start3A_504] : memref<25x8x128xi32, #tpu.memory_space<vmem>> -> memref<1x8x128xi32, #tpu.memory_space<vmem>>
      %dma_start3A_506 = tpu.memref_squeeze %dma_start3A_505 : memref<1x8x128xi32, #tpu.memory_space<vmem>> -> memref<8x128xi32, #tpu.memory_space<vmem>>
      %dma_start3A_507 = arith.constant 0 : i32
      %dma_start3A_508 = arith.constant 0 : i32
      %dma_start3A_509 = tpu.memref_slice %arg2[%run_scoped3A_252, %add3A, %dma_start3A_507, %dma_start3A_508] : memref<25x32x8x128xi32, #tpu.memory_space<hbm>> -> memref<1x1x8x128xi32, #tpu.memory_space<hbm>>
      %dma_start3A_510 = tpu.memref_squeeze %dma_start3A_509 : memref<1x1x8x128xi32, #tpu.memory_space<hbm>> -> memref<8x128xi32, #tpu.memory_space<hbm>>
      tpu.enqueue_dma source(%dma_start3A_510 : memref<8x128xi32, #tpu.memory_space<hbm>>) target(%dma_start3A_506 : memref<8x128xi32, #tpu.memory_space<vmem>>) target_semaphore(%run_scoped3A_494 : memref<!tpu.dma_semaphore, #tpu.memory_space<semaphore_mem>>)
      %dma_wait3A_511 = arith.constant 0 : i32
      %dma_wait3A_512 = arith.constant 0 : i32
      %dma_wait3A_513 = tpu.memref_slice %arg6[%run_scoped3A_253, %dma_wait3A_511, %dma_wait3A_512] : memref<25x8x128xi32, #tpu.memory_space<vmem>> -> memref<1x8x128xi32, #tpu.memory_space<vmem>>
      %dma_wait3A_514 = tpu.memref_squeeze %dma_wait3A_513 : memref<1x8x128xi32, #tpu.memory_space<vmem>> -> memref<8x128xi32, #tpu.memory_space<vmem>>
      %dma_wait3A_515 = arith.constant 0 : i32
      %dma_wait3A_516 = arith.constant 0 : i32
      %dma_wait3A_517 = tpu.memref_slice %arg2[%run_scoped3A_252, %add3A, %dma_wait3A_515, %dma_wait3A_516] : memref<25x32x8x128xi32, #tpu.memory_space<hbm>> -> memref<1x1x8x128xi32, #tpu.memory_space<hbm>>
      %dma_wait3A_518 = tpu.memref_squeeze %dma_wait3A_517 : memref<1x1x8x128xi32, #tpu.memory_space<hbm>> -> memref<8x128xi32, #tpu.memory_space<hbm>>
      %dma_wait3A_519 = arith.constant 0 : i32
      %dma_wait3A_520 = arith.constant 0 : i32
      %dma_wait3A_521 = tpu.memref_slice %arg6[%run_scoped3A_253, %dma_wait3A_519, %dma_wait3A_520] : memref<25x8x128xi32, #tpu.memory_space<vmem>> -> memref<1x8x128xi32, #tpu.memory_space<vmem>>
      %dma_wait3A_522 = tpu.memref_squeeze %dma_wait3A_521 : memref<1x8x128xi32, #tpu.memory_space<vmem>> -> memref<8x128xi32, #tpu.memory_space<vmem>>
      %dma_wait3A_523 = arith.constant 0 : i32
      %dma_wait3A_524 = arith.constant 0 : i32
      %dma_wait3A_525 = tpu.memref_slice %arg2[%run_scoped3A_252, %add3A, %dma_wait3A_523, %dma_wait3A_524] : memref<25x32x8x128xi32, #tpu.memory_space<hbm>> -> memref<1x1x8x128xi32, #tpu.memory_space<hbm>>
      %dma_wait3A_526 = tpu.memref_squeeze %dma_wait3A_525 : memref<1x1x8x128xi32, #tpu.memory_space<hbm>> -> memref<8x128xi32, #tpu.memory_space<hbm>>
      tpu.wait_dma2 semaphore(%run_scoped3A_494 : memref<!tpu.dma_semaphore, #tpu.memory_space<semaphore_mem>>) src(%dma_wait3A_526 : memref<8x128xi32, #tpu.memory_space<hbm>>) dst(%dma_wait3A_522 : memref<8x128xi32, #tpu.memory_space<vmem>>)
      tpu.yield
    }) : () -> ()
    %run_scoped3A_254 = arith.constant 14 : i32
    %run_scoped3A_255 = arith.constant 14 : i32
    "tpu.region"() ({
      %run_scoped3A_494 = tpu.sem_alloc : memref<!tpu.dma_semaphore, #tpu.memory_space<semaphore_mem>>
      %dma_start3A_495 = arith.constant 0 : i32
      %dma_start3A_496 = arith.constant 0 : i32
      %dma_start3A_497 = tpu.memref_slice %arg6[%run_scoped3A_255, %dma_start3A_495, %dma_start3A_496] : memref<25x8x128xi32, #tpu.memory_space<vmem>> -> memref<1x8x128xi32, #tpu.memory_space<vmem>>
      %dma_start3A_498 = tpu.memref_squeeze %dma_start3A_497 : memref<1x8x128xi32, #tpu.memory_space<vmem>> -> memref<8x128xi32, #tpu.memory_space<vmem>>
      %dma_start3A_499 = arith.constant 0 : i32
      %dma_start3A_500 = arith.constant 0 : i32
      %dma_start3A_501 = tpu.memref_slice %arg2[%run_scoped3A_254, %add3A, %dma_start3A_499, %dma_start3A_500] : memref<25x32x8x128xi32, #tpu.memory_space<hbm>> -> memref<1x1x8x128xi32, #tpu.memory_space<hbm>>
      %dma_start3A_502 = tpu.memref_squeeze %dma_start3A_501 : memref<1x1x8x128xi32, #tpu.memory_space<hbm>> -> memref<8x128xi32, #tpu.memory_space<hbm>>
      %dma_start3A_503 = arith.constant 0 : i32
      %dma_start3A_504 = arith.constant 0 : i32
      %dma_start3A_505 = tpu.memref_slice %arg6[%run_scoped3A_255, %dma_start3A_503, %dma_start3A_504] : memref<25x8x128xi32, #tpu.memory_space<vmem>> -> memref<1x8x128xi32, #tpu.memory_space<vmem>>
      %dma_start3A_506 = tpu.memref_squeeze %dma_start3A_505 : memref<1x8x128xi32, #tpu.memory_space<vmem>> -> memref<8x128xi32, #tpu.memory_space<vmem>>
      %dma_start3A_507 = arith.constant 0 : i32
      %dma_start3A_508 = arith.constant 0 : i32
      %dma_start3A_509 = tpu.memref_slice %arg2[%run_scoped3A_254, %add3A, %dma_start3A_507, %dma_start3A_508] : memref<25x32x8x128xi32, #tpu.memory_space<hbm>> -> memref<1x1x8x128xi32, #tpu.memory_space<hbm>>
      %dma_start3A_510 = tpu.memref_squeeze %dma_start3A_509 : memref<1x1x8x128xi32, #tpu.memory_space<hbm>> -> memref<8x128xi32, #tpu.memory_space<hbm>>
      tpu.enqueue_dma source(%dma_start3A_510 : memref<8x128xi32, #tpu.memory_space<hbm>>) target(%dma_start3A_506 : memref<8x128xi32, #tpu.memory_space<vmem>>) target_semaphore(%run_scoped3A_494 : memref<!tpu.dma_semaphore, #tpu.memory_space<semaphore_mem>>)
      %dma_wait3A_511 = arith.constant 0 : i32
      %dma_wait3A_512 = arith.constant 0 : i32
      %dma_wait3A_513 = tpu.memref_slice %arg6[%run_scoped3A_255, %dma_wait3A_511, %dma_wait3A_512] : memref<25x8x128xi32, #tpu.memory_space<vmem>> -> memref<1x8x128xi32, #tpu.memory_space<vmem>>
      %dma_wait3A_514 = tpu.memref_squeeze %dma_wait3A_513 : memref<1x8x128xi32, #tpu.memory_space<vmem>> -> memref<8x128xi32, #tpu.memory_space<vmem>>
      %dma_wait3A_515 = arith.constant 0 : i32
      %dma_wait3A_516 = arith.constant 0 : i32
      %dma_wait3A_517 = tpu.memref_slice %arg2[%run_scoped3A_254, %add3A, %dma_wait3A_515, %dma_wait3A_516] : memref<25x32x8x128xi32, #tpu.memory_space<hbm>> -> memref<1x1x8x128xi32, #tpu.memory_space<hbm>>
      %dma_wait3A_518 = tpu.memref_squeeze %dma_wait3A_517 : memref<1x1x8x128xi32, #tpu.memory_space<hbm>> -> memref<8x128xi32, #tpu.memory_space<hbm>>
      %dma_wait3A_519 = arith.constant 0 : i32
      %dma_wait3A_520 = arith.constant 0 : i32
      %dma_wait3A_521 = tpu.memref_slice %arg6[%run_scoped3A_255, %dma_wait3A_519, %dma_wait3A_520] : memref<25x8x128xi32, #tpu.memory_space<vmem>> -> memref<1x8x128xi32, #tpu.memory_space<vmem>>
      %dma_wait3A_522 = tpu.memref_squeeze %dma_wait3A_521 : memref<1x8x128xi32, #tpu.memory_space<vmem>> -> memref<8x128xi32, #tpu.memory_space<vmem>>
      %dma_wait3A_523 = arith.constant 0 : i32
      %dma_wait3A_524 = arith.constant 0 : i32
      %dma_wait3A_525 = tpu.memref_slice %arg2[%run_scoped3A_254, %add3A, %dma_wait3A_523, %dma_wait3A_524] : memref<25x32x8x128xi32, #tpu.memory_space<hbm>> -> memref<1x1x8x128xi32, #tpu.memory_space<hbm>>
      %dma_wait3A_526 = tpu.memref_squeeze %dma_wait3A_525 : memref<1x1x8x128xi32, #tpu.memory_space<hbm>> -> memref<8x128xi32, #tpu.memory_space<hbm>>
      tpu.wait_dma2 semaphore(%run_scoped3A_494 : memref<!tpu.dma_semaphore, #tpu.memory_space<semaphore_mem>>) src(%dma_wait3A_526 : memref<8x128xi32, #tpu.memory_space<hbm>>) dst(%dma_wait3A_522 : memref<8x128xi32, #tpu.memory_space<vmem>>)
      tpu.yield
    }) : () -> ()
    %run_scoped3A_256 = arith.constant 15 : i32
    %run_scoped3A_257 = arith.constant 15 : i32
    "tpu.region"() ({
      %run_scoped3A_494 = tpu.sem_alloc : memref<!tpu.dma_semaphore, #tpu.memory_space<semaphore_mem>>
      %dma_start3A_495 = arith.constant 0 : i32
      %dma_start3A_496 = arith.constant 0 : i32
      %dma_start3A_497 = tpu.memref_slice %arg6[%run_scoped3A_257, %dma_start3A_495, %dma_start3A_496] : memref<25x8x128xi32, #tpu.memory_space<vmem>> -> memref<1x8x128xi32, #tpu.memory_space<vmem>>
      %dma_start3A_498 = tpu.memref_squeeze %dma_start3A_497 : memref<1x8x128xi32, #tpu.memory_space<vmem>> -> memref<8x128xi32, #tpu.memory_space<vmem>>
      %dma_start3A_499 = arith.constant 0 : i32
      %dma_start3A_500 = arith.constant 0 : i32
      %dma_start3A_501 = tpu.memref_slice %arg2[%run_scoped3A_256, %add3A, %dma_start3A_499, %dma_start3A_500] : memref<25x32x8x128xi32, #tpu.memory_space<hbm>> -> memref<1x1x8x128xi32, #tpu.memory_space<hbm>>
      %dma_start3A_502 = tpu.memref_squeeze %dma_start3A_501 : memref<1x1x8x128xi32, #tpu.memory_space<hbm>> -> memref<8x128xi32, #tpu.memory_space<hbm>>
      %dma_start3A_503 = arith.constant 0 : i32
      %dma_start3A_504 = arith.constant 0 : i32
      %dma_start3A_505 = tpu.memref_slice %arg6[%run_scoped3A_257, %dma_start3A_503, %dma_start3A_504] : memref<25x8x128xi32, #tpu.memory_space<vmem>> -> memref<1x8x128xi32, #tpu.memory_space<vmem>>
      %dma_start3A_506 = tpu.memref_squeeze %dma_start3A_505 : memref<1x8x128xi32, #tpu.memory_space<vmem>> -> memref<8x128xi32, #tpu.memory_space<vmem>>
      %dma_start3A_507 = arith.constant 0 : i32
      %dma_start3A_508 = arith.constant 0 : i32
      %dma_start3A_509 = tpu.memref_slice %arg2[%run_scoped3A_256, %add3A, %dma_start3A_507, %dma_start3A_508] : memref<25x32x8x128xi32, #tpu.memory_space<hbm>> -> memref<1x1x8x128xi32, #tpu.memory_space<hbm>>
      %dma_start3A_510 = tpu.memref_squeeze %dma_start3A_509 : memref<1x1x8x128xi32, #tpu.memory_space<hbm>> -> memref<8x128xi32, #tpu.memory_space<hbm>>
      tpu.enqueue_dma source(%dma_start3A_510 : memref<8x128xi32, #tpu.memory_space<hbm>>) target(%dma_start3A_506 : memref<8x128xi32, #tpu.memory_space<vmem>>) target_semaphore(%run_scoped3A_494 : memref<!tpu.dma_semaphore, #tpu.memory_space<semaphore_mem>>)
      %dma_wait3A_511 = arith.constant 0 : i32
      %dma_wait3A_512 = arith.constant 0 : i32
      %dma_wait3A_513 = tpu.memref_slice %arg6[%run_scoped3A_257, %dma_wait3A_511, %dma_wait3A_512] : memref<25x8x128xi32, #tpu.memory_space<vmem>> -> memref<1x8x128xi32, #tpu.memory_space<vmem>>
      %dma_wait3A_514 = tpu.memref_squeeze %dma_wait3A_513 : memref<1x8x128xi32, #tpu.memory_space<vmem>> -> memref<8x128xi32, #tpu.memory_space<vmem>>
      %dma_wait3A_515 = arith.constant 0 : i32
      %dma_wait3A_516 = arith.constant 0 : i32
      %dma_wait3A_517 = tpu.memref_slice %arg2[%run_scoped3A_256, %add3A, %dma_wait3A_515, %dma_wait3A_516] : memref<25x32x8x128xi32, #tpu.memory_space<hbm>> -> memref<1x1x8x128xi32, #tpu.memory_space<hbm>>
      %dma_wait3A_518 = tpu.memref_squeeze %dma_wait3A_517 : memref<1x1x8x128xi32, #tpu.memory_space<hbm>> -> memref<8x128xi32, #tpu.memory_space<hbm>>
      %dma_wait3A_519 = arith.constant 0 : i32
      %dma_wait3A_520 = arith.constant 0 : i32
      %dma_wait3A_521 = tpu.memref_slice %arg6[%run_scoped3A_257, %dma_wait3A_519, %dma_wait3A_520] : memref<25x8x128xi32, #tpu.memory_space<vmem>> -> memref<1x8x128xi32, #tpu.memory_space<vmem>>
      %dma_wait3A_522 = tpu.memref_squeeze %dma_wait3A_521 : memref<1x8x128xi32, #tpu.memory_space<vmem>> -> memref<8x128xi32, #tpu.memory_space<vmem>>
      %dma_wait3A_523 = arith.constant 0 : i32
      %dma_wait3A_524 = arith.constant 0 : i32
      %dma_wait3A_525 = tpu.memref_slice %arg2[%run_scoped3A_256, %add3A, %dma_wait3A_523, %dma_wait3A_524] : memref<25x32x8x128xi32, #tpu.memory_space<hbm>> -> memref<1x1x8x128xi32, #tpu.memory_space<hbm>>
      %dma_wait3A_526 = tpu.memref_squeeze %dma_wait3A_525 : memref<1x1x8x128xi32, #tpu.memory_space<hbm>> -> memref<8x128xi32, #tpu.memory_space<hbm>>
      tpu.wait_dma2 semaphore(%run_scoped3A_494 : memref<!tpu.dma_semaphore, #tpu.memory_space<semaphore_mem>>) src(%dma_wait3A_526 : memref<8x128xi32, #tpu.memory_space<hbm>>) dst(%dma_wait3A_522 : memref<8x128xi32, #tpu.memory_space<vmem>>)
      tpu.yield
    }) : () -> ()
    %run_scoped3A_258 = arith.constant 16 : i32
    %run_scoped3A_259 = arith.constant 16 : i32
    "tpu.region"() ({
      %run_scoped3A_494 = tpu.sem_alloc : memref<!tpu.dma_semaphore, #tpu.memory_space<semaphore_mem>>
      %dma_start3A_495 = arith.constant 0 : i32
      %dma_start3A_496 = arith.constant 0 : i32
      %dma_start3A_497 = tpu.memref_slice %arg6[%run_scoped3A_259, %dma_start3A_495, %dma_start3A_496] : memref<25x8x128xi32, #tpu.memory_space<vmem>> -> memref<1x8x128xi32, #tpu.memory_space<vmem>>
      %dma_start3A_498 = tpu.memref_squeeze %dma_start3A_497 : memref<1x8x128xi32, #tpu.memory_space<vmem>> -> memref<8x128xi32, #tpu.memory_space<vmem>>
      %dma_start3A_499 = arith.constant 0 : i32
      %dma_start3A_500 = arith.constant 0 : i32
      %dma_start3A_501 = tpu.memref_slice %arg2[%run_scoped3A_258, %add3A, %dma_start3A_499, %dma_start3A_500] : memref<25x32x8x128xi32, #tpu.memory_space<hbm>> -> memref<1x1x8x128xi32, #tpu.memory_space<hbm>>
      %dma_start3A_502 = tpu.memref_squeeze %dma_start3A_501 : memref<1x1x8x128xi32, #tpu.memory_space<hbm>> -> memref<8x128xi32, #tpu.memory_space<hbm>>
      %dma_start3A_503 = arith.constant 0 : i32
      %dma_start3A_504 = arith.constant 0 : i32
      %dma_start3A_505 = tpu.memref_slice %arg6[%run_scoped3A_259, %dma_start3A_503, %dma_start3A_504] : memref<25x8x128xi32, #tpu.memory_space<vmem>> -> memref<1x8x128xi32, #tpu.memory_space<vmem>>
      %dma_start3A_506 = tpu.memref_squeeze %dma_start3A_505 : memref<1x8x128xi32, #tpu.memory_space<vmem>> -> memref<8x128xi32, #tpu.memory_space<vmem>>
      %dma_start3A_507 = arith.constant 0 : i32
      %dma_start3A_508 = arith.constant 0 : i32
      %dma_start3A_509 = tpu.memref_slice %arg2[%run_scoped3A_258, %add3A, %dma_start3A_507, %dma_start3A_508] : memref<25x32x8x128xi32, #tpu.memory_space<hbm>> -> memref<1x1x8x128xi32, #tpu.memory_space<hbm>>
      %dma_start3A_510 = tpu.memref_squeeze %dma_start3A_509 : memref<1x1x8x128xi32, #tpu.memory_space<hbm>> -> memref<8x128xi32, #tpu.memory_space<hbm>>
      tpu.enqueue_dma source(%dma_start3A_510 : memref<8x128xi32, #tpu.memory_space<hbm>>) target(%dma_start3A_506 : memref<8x128xi32, #tpu.memory_space<vmem>>) target_semaphore(%run_scoped3A_494 : memref<!tpu.dma_semaphore, #tpu.memory_space<semaphore_mem>>)
      %dma_wait3A_511 = arith.constant 0 : i32
      %dma_wait3A_512 = arith.constant 0 : i32
      %dma_wait3A_513 = tpu.memref_slice %arg6[%run_scoped3A_259, %dma_wait3A_511, %dma_wait3A_512] : memref<25x8x128xi32, #tpu.memory_space<vmem>> -> memref<1x8x128xi32, #tpu.memory_space<vmem>>
      %dma_wait3A_514 = tpu.memref_squeeze %dma_wait3A_513 : memref<1x8x128xi32, #tpu.memory_space<vmem>> -> memref<8x128xi32, #tpu.memory_space<vmem>>
      %dma_wait3A_515 = arith.constant 0 : i32
      %dma_wait3A_516 = arith.constant 0 : i32
      %dma_wait3A_517 = tpu.memref_slice %arg2[%run_scoped3A_258, %add3A, %dma_wait3A_515, %dma_wait3A_516] : memref<25x32x8x128xi32, #tpu.memory_space<hbm>> -> memref<1x1x8x128xi32, #tpu.memory_space<hbm>>
      %dma_wait3A_518 = tpu.memref_squeeze %dma_wait3A_517 : memref<1x1x8x128xi32, #tpu.memory_space<hbm>> -> memref<8x128xi32, #tpu.memory_space<hbm>>
      %dma_wait3A_519 = arith.constant 0 : i32
      %dma_wait3A_520 = arith.constant 0 : i32
      %dma_wait3A_521 = tpu.memref_slice %arg6[%run_scoped3A_259, %dma_wait3A_519, %dma_wait3A_520] : memref<25x8x128xi32, #tpu.memory_space<vmem>> -> memref<1x8x128xi32, #tpu.memory_space<vmem>>
      %dma_wait3A_522 = tpu.memref_squeeze %dma_wait3A_521 : memref<1x8x128xi32, #tpu.memory_space<vmem>> -> memref<8x128xi32, #tpu.memory_space<vmem>>
      %dma_wait3A_523 = arith.constant 0 : i32
      %dma_wait3A_524 = arith.constant 0 : i32
      %dma_wait3A_525 = tpu.memref_slice %arg2[%run_scoped3A_258, %add3A, %dma_wait3A_523, %dma_wait3A_524] : memref<25x32x8x128xi32, #tpu.memory_space<hbm>> -> memref<1x1x8x128xi32, #tpu.memory_space<hbm>>
      %dma_wait3A_526 = tpu.memref_squeeze %dma_wait3A_525 : memref<1x1x8x128xi32, #tpu.memory_space<hbm>> -> memref<8x128xi32, #tpu.memory_space<hbm>>
      tpu.wait_dma2 semaphore(%run_scoped3A_494 : memref<!tpu.dma_semaphore, #tpu.memory_space<semaphore_mem>>) src(%dma_wait3A_526 : memref<8x128xi32, #tpu.memory_space<hbm>>) dst(%dma_wait3A_522 : memref<8x128xi32, #tpu.memory_space<vmem>>)
      tpu.yield
    }) : () -> ()
    %run_scoped3A_260 = arith.constant 17 : i32
    %run_scoped3A_261 = arith.constant 17 : i32
    "tpu.region"() ({
      %run_scoped3A_494 = tpu.sem_alloc : memref<!tpu.dma_semaphore, #tpu.memory_space<semaphore_mem>>
      %dma_start3A_495 = arith.constant 0 : i32
      %dma_start3A_496 = arith.constant 0 : i32
      %dma_start3A_497 = tpu.memref_slice %arg6[%run_scoped3A_261, %dma_start3A_495, %dma_start3A_496] : memref<25x8x128xi32, #tpu.memory_space<vmem>> -> memref<1x8x128xi32, #tpu.memory_space<vmem>>
      %dma_start3A_498 = tpu.memref_squeeze %dma_start3A_497 : memref<1x8x128xi32, #tpu.memory_space<vmem>> -> memref<8x128xi32, #tpu.memory_space<vmem>>
      %dma_start3A_499 = arith.constant 0 : i32
      %dma_start3A_500 = arith.constant 0 : i32
      %dma_start3A_501 = tpu.memref_slice %arg2[%run_scoped3A_260, %add3A, %dma_start3A_499, %dma_start3A_500] : memref<25x32x8x128xi32, #tpu.memory_space<hbm>> -> memref<1x1x8x128xi32, #tpu.memory_space<hbm>>
      %dma_start3A_502 = tpu.memref_squeeze %dma_start3A_501 : memref<1x1x8x128xi32, #tpu.memory_space<hbm>> -> memref<8x128xi32, #tpu.memory_space<hbm>>
      %dma_start3A_503 = arith.constant 0 : i32
      %dma_start3A_504 = arith.constant 0 : i32
      %dma_start3A_505 = tpu.memref_slice %arg6[%run_scoped3A_261, %dma_start3A_503, %dma_start3A_504] : memref<25x8x128xi32, #tpu.memory_space<vmem>> -> memref<1x8x128xi32, #tpu.memory_space<vmem>>
      %dma_start3A_506 = tpu.memref_squeeze %dma_start3A_505 : memref<1x8x128xi32, #tpu.memory_space<vmem>> -> memref<8x128xi32, #tpu.memory_space<vmem>>
      %dma_start3A_507 = arith.constant 0 : i32
      %dma_start3A_508 = arith.constant 0 : i32
      %dma_start3A_509 = tpu.memref_slice %arg2[%run_scoped3A_260, %add3A, %dma_start3A_507, %dma_start3A_508] : memref<25x32x8x128xi32, #tpu.memory_space<hbm>> -> memref<1x1x8x128xi32, #tpu.memory_space<hbm>>
      %dma_start3A_510 = tpu.memref_squeeze %dma_start3A_509 : memref<1x1x8x128xi32, #tpu.memory_space<hbm>> -> memref<8x128xi32, #tpu.memory_space<hbm>>
      tpu.enqueue_dma source(%dma_start3A_510 : memref<8x128xi32, #tpu.memory_space<hbm>>) target(%dma_start3A_506 : memref<8x128xi32, #tpu.memory_space<vmem>>) target_semaphore(%run_scoped3A_494 : memref<!tpu.dma_semaphore, #tpu.memory_space<semaphore_mem>>)
      %dma_wait3A_511 = arith.constant 0 : i32
      %dma_wait3A_512 = arith.constant 0 : i32
      %dma_wait3A_513 = tpu.memref_slice %arg6[%run_scoped3A_261, %dma_wait3A_511, %dma_wait3A_512] : memref<25x8x128xi32, #tpu.memory_space<vmem>> -> memref<1x8x128xi32, #tpu.memory_space<vmem>>
      %dma_wait3A_514 = tpu.memref_squeeze %dma_wait3A_513 : memref<1x8x128xi32, #tpu.memory_space<vmem>> -> memref<8x128xi32, #tpu.memory_space<vmem>>
      %dma_wait3A_515 = arith.constant 0 : i32
      %dma_wait3A_516 = arith.constant 0 : i32
      %dma_wait3A_517 = tpu.memref_slice %arg2[%run_scoped3A_260, %add3A, %dma_wait3A_515, %dma_wait3A_516] : memref<25x32x8x128xi32, #tpu.memory_space<hbm>> -> memref<1x1x8x128xi32, #tpu.memory_space<hbm>>
      %dma_wait3A_518 = tpu.memref_squeeze %dma_wait3A_517 : memref<1x1x8x128xi32, #tpu.memory_space<hbm>> -> memref<8x128xi32, #tpu.memory_space<hbm>>
      %dma_wait3A_519 = arith.constant 0 : i32
      %dma_wait3A_520 = arith.constant 0 : i32
      %dma_wait3A_521 = tpu.memref_slice %arg6[%run_scoped3A_261, %dma_wait3A_519, %dma_wait3A_520] : memref<25x8x128xi32, #tpu.memory_space<vmem>> -> memref<1x8x128xi32, #tpu.memory_space<vmem>>
      %dma_wait3A_522 = tpu.memref_squeeze %dma_wait3A_521 : memref<1x8x128xi32, #tpu.memory_space<vmem>> -> memref<8x128xi32, #tpu.memory_space<vmem>>
      %dma_wait3A_523 = arith.constant 0 : i32
      %dma_wait3A_524 = arith.constant 0 : i32
      %dma_wait3A_525 = tpu.memref_slice %arg2[%run_scoped3A_260, %add3A, %dma_wait3A_523, %dma_wait3A_524] : memref<25x32x8x128xi32, #tpu.memory_space<hbm>> -> memref<1x1x8x128xi32, #tpu.memory_space<hbm>>
      %dma_wait3A_526 = tpu.memref_squeeze %dma_wait3A_525 : memref<1x1x8x128xi32, #tpu.memory_space<hbm>> -> memref<8x128xi32, #tpu.memory_space<hbm>>
      tpu.wait_dma2 semaphore(%run_scoped3A_494 : memref<!tpu.dma_semaphore, #tpu.memory_space<semaphore_mem>>) src(%dma_wait3A_526 : memref<8x128xi32, #tpu.memory_space<hbm>>) dst(%dma_wait3A_522 : memref<8x128xi32, #tpu.memory_space<vmem>>)
      tpu.yield
    }) : () -> ()
    %run_scoped3A_262 = arith.constant 18 : i32
    %run_scoped3A_263 = arith.constant 18 : i32
    "tpu.region"() ({
      %run_scoped3A_494 = tpu.sem_alloc : memref<!tpu.dma_semaphore, #tpu.memory_space<semaphore_mem>>
      %dma_start3A_495 = arith.constant 0 : i32
      %dma_start3A_496 = arith.constant 0 : i32
      %dma_start3A_497 = tpu.memref_slice %arg6[%run_scoped3A_263, %dma_start3A_495, %dma_start3A_496] : memref<25x8x128xi32, #tpu.memory_space<vmem>> -> memref<1x8x128xi32, #tpu.memory_space<vmem>>
      %dma_start3A_498 = tpu.memref_squeeze %dma_start3A_497 : memref<1x8x128xi32, #tpu.memory_space<vmem>> -> memref<8x128xi32, #tpu.memory_space<vmem>>
      %dma_start3A_499 = arith.constant 0 : i32
      %dma_start3A_500 = arith.constant 0 : i32
      %dma_start3A_501 = tpu.memref_slice %arg2[%run_scoped3A_262, %add3A, %dma_start3A_499, %dma_start3A_500] : memref<25x32x8x128xi32, #tpu.memory_space<hbm>> -> memref<1x1x8x128xi32, #tpu.memory_space<hbm>>
      %dma_start3A_502 = tpu.memref_squeeze %dma_start3A_501 : memref<1x1x8x128xi32, #tpu.memory_space<hbm>> -> memref<8x128xi32, #tpu.memory_space<hbm>>
      %dma_start3A_503 = arith.constant 0 : i32
      %dma_start3A_504 = arith.constant 0 : i32
      %dma_start3A_505 = tpu.memref_slice %arg6[%run_scoped3A_263, %dma_start3A_503, %dma_start3A_504] : memref<25x8x128xi32, #tpu.memory_space<vmem>> -> memref<1x8x128xi32, #tpu.memory_space<vmem>>
      %dma_start3A_506 = tpu.memref_squeeze %dma_start3A_505 : memref<1x8x128xi32, #tpu.memory_space<vmem>> -> memref<8x128xi32, #tpu.memory_space<vmem>>
      %dma_start3A_507 = arith.constant 0 : i32
      %dma_start3A_508 = arith.constant 0 : i32
      %dma_start3A_509 = tpu.memref_slice %arg2[%run_scoped3A_262, %add3A, %dma_start3A_507, %dma_start3A_508] : memref<25x32x8x128xi32, #tpu.memory_space<hbm>> -> memref<1x1x8x128xi32, #tpu.memory_space<hbm>>
      %dma_start3A_510 = tpu.memref_squeeze %dma_start3A_509 : memref<1x1x8x128xi32, #tpu.memory_space<hbm>> -> memref<8x128xi32, #tpu.memory_space<hbm>>
      tpu.enqueue_dma source(%dma_start3A_510 : memref<8x128xi32, #tpu.memory_space<hbm>>) target(%dma_start3A_506 : memref<8x128xi32, #tpu.memory_space<vmem>>) target_semaphore(%run_scoped3A_494 : memref<!tpu.dma_semaphore, #tpu.memory_space<semaphore_mem>>)
      %dma_wait3A_511 = arith.constant 0 : i32
      %dma_wait3A_512 = arith.constant 0 : i32
      %dma_wait3A_513 = tpu.memref_slice %arg6[%run_scoped3A_263, %dma_wait3A_511, %dma_wait3A_512] : memref<25x8x128xi32, #tpu.memory_space<vmem>> -> memref<1x8x128xi32, #tpu.memory_space<vmem>>
      %dma_wait3A_514 = tpu.memref_squeeze %dma_wait3A_513 : memref<1x8x128xi32, #tpu.memory_space<vmem>> -> memref<8x128xi32, #tpu.memory_space<vmem>>
      %dma_wait3A_515 = arith.constant 0 : i32
      %dma_wait3A_516 = arith.constant 0 : i32
      %dma_wait3A_517 = tpu.memref_slice %arg2[%run_scoped3A_262, %add3A, %dma_wait3A_515, %dma_wait3A_516] : memref<25x32x8x128xi32, #tpu.memory_space<hbm>> -> memref<1x1x8x128xi32, #tpu.memory_space<hbm>>
      %dma_wait3A_518 = tpu.memref_squeeze %dma_wait3A_517 : memref<1x1x8x128xi32, #tpu.memory_space<hbm>> -> memref<8x128xi32, #tpu.memory_space<hbm>>
      %dma_wait3A_519 = arith.constant 0 : i32
      %dma_wait3A_520 = arith.constant 0 : i32
      %dma_wait3A_521 = tpu.memref_slice %arg6[%run_scoped3A_263, %dma_wait3A_519, %dma_wait3A_520] : memref<25x8x128xi32, #tpu.memory_space<vmem>> -> memref<1x8x128xi32, #tpu.memory_space<vmem>>
      %dma_wait3A_522 = tpu.memref_squeeze %dma_wait3A_521 : memref<1x8x128xi32, #tpu.memory_space<vmem>> -> memref<8x128xi32, #tpu.memory_space<vmem>>
      %dma_wait3A_523 = arith.constant 0 : i32
      %dma_wait3A_524 = arith.constant 0 : i32
      %dma_wait3A_525 = tpu.memref_slice %arg2[%run_scoped3A_262, %add3A, %dma_wait3A_523, %dma_wait3A_524] : memref<25x32x8x128xi32, #tpu.memory_space<hbm>> -> memref<1x1x8x128xi32, #tpu.memory_space<hbm>>
      %dma_wait3A_526 = tpu.memref_squeeze %dma_wait3A_525 : memref<1x1x8x128xi32, #tpu.memory_space<hbm>> -> memref<8x128xi32, #tpu.memory_space<hbm>>
      tpu.wait_dma2 semaphore(%run_scoped3A_494 : memref<!tpu.dma_semaphore, #tpu.memory_space<semaphore_mem>>) src(%dma_wait3A_526 : memref<8x128xi32, #tpu.memory_space<hbm>>) dst(%dma_wait3A_522 : memref<8x128xi32, #tpu.memory_space<vmem>>)
      tpu.yield
    }) : () -> ()
    %run_scoped3A_264 = arith.constant 19 : i32
    %run_scoped3A_265 = arith.constant 19 : i32
    "tpu.region"() ({
      %run_scoped3A_494 = tpu.sem_alloc : memref<!tpu.dma_semaphore, #tpu.memory_space<semaphore_mem>>
      %dma_start3A_495 = arith.constant 0 : i32
      %dma_start3A_496 = arith.constant 0 : i32
      %dma_start3A_497 = tpu.memref_slice %arg6[%run_scoped3A_265, %dma_start3A_495, %dma_start3A_496] : memref<25x8x128xi32, #tpu.memory_space<vmem>> -> memref<1x8x128xi32, #tpu.memory_space<vmem>>
      %dma_start3A_498 = tpu.memref_squeeze %dma_start3A_497 : memref<1x8x128xi32, #tpu.memory_space<vmem>> -> memref<8x128xi32, #tpu.memory_space<vmem>>
      %dma_start3A_499 = arith.constant 0 : i32
      %dma_start3A_500 = arith.constant 0 : i32
      %dma_start3A_501 = tpu.memref_slice %arg2[%run_scoped3A_264, %add3A, %dma_start3A_499, %dma_start3A_500] : memref<25x32x8x128xi32, #tpu.memory_space<hbm>> -> memref<1x1x8x128xi32, #tpu.memory_space<hbm>>
      %dma_start3A_502 = tpu.memref_squeeze %dma_start3A_501 : memref<1x1x8x128xi32, #tpu.memory_space<hbm>> -> memref<8x128xi32, #tpu.memory_space<hbm>>
      %dma_start3A_503 = arith.constant 0 : i32
      %dma_start3A_504 = arith.constant 0 : i32
      %dma_start3A_505 = tpu.memref_slice %arg6[%run_scoped3A_265, %dma_start3A_503, %dma_start3A_504] : memref<25x8x128xi32, #tpu.memory_space<vmem>> -> memref<1x8x128xi32, #tpu.memory_space<vmem>>
      %dma_start3A_506 = tpu.memref_squeeze %dma_start3A_505 : memref<1x8x128xi32, #tpu.memory_space<vmem>> -> memref<8x128xi32, #tpu.memory_space<vmem>>
      %dma_start3A_507 = arith.constant 0 : i32
      %dma_start3A_508 = arith.constant 0 : i32
      %dma_start3A_509 = tpu.memref_slice %arg2[%run_scoped3A_264, %add3A, %dma_start3A_507, %dma_start3A_508] : memref<25x32x8x128xi32, #tpu.memory_space<hbm>> -> memref<1x1x8x128xi32, #tpu.memory_space<hbm>>
      %dma_start3A_510 = tpu.memref_squeeze %dma_start3A_509 : memref<1x1x8x128xi32, #tpu.memory_space<hbm>> -> memref<8x128xi32, #tpu.memory_space<hbm>>
      tpu.enqueue_dma source(%dma_start3A_510 : memref<8x128xi32, #tpu.memory_space<hbm>>) target(%dma_start3A_506 : memref<8x128xi32, #tpu.memory_space<vmem>>) target_semaphore(%run_scoped3A_494 : memref<!tpu.dma_semaphore, #tpu.memory_space<semaphore_mem>>)
      %dma_wait3A_511 = arith.constant 0 : i32
      %dma_wait3A_512 = arith.constant 0 : i32
      %dma_wait3A_513 = tpu.memref_slice %arg6[%run_scoped3A_265, %dma_wait3A_511, %dma_wait3A_512] : memref<25x8x128xi32, #tpu.memory_space<vmem>> -> memref<1x8x128xi32, #tpu.memory_space<vmem>>
      %dma_wait3A_514 = tpu.memref_squeeze %dma_wait3A_513 : memref<1x8x128xi32, #tpu.memory_space<vmem>> -> memref<8x128xi32, #tpu.memory_space<vmem>>
      %dma_wait3A_515 = arith.constant 0 : i32
      %dma_wait3A_516 = arith.constant 0 : i32
      %dma_wait3A_517 = tpu.memref_slice %arg2[%run_scoped3A_264, %add3A, %dma_wait3A_515, %dma_wait3A_516] : memref<25x32x8x128xi32, #tpu.memory_space<hbm>> -> memref<1x1x8x128xi32, #tpu.memory_space<hbm>>
      %dma_wait3A_518 = tpu.memref_squeeze %dma_wait3A_517 : memref<1x1x8x128xi32, #tpu.memory_space<hbm>> -> memref<8x128xi32, #tpu.memory_space<hbm>>
      %dma_wait3A_519 = arith.constant 0 : i32
      %dma_wait3A_520 = arith.constant 0 : i32
      %dma_wait3A_521 = tpu.memref_slice %arg6[%run_scoped3A_265, %dma_wait3A_519, %dma_wait3A_520] : memref<25x8x128xi32, #tpu.memory_space<vmem>> -> memref<1x8x128xi32, #tpu.memory_space<vmem>>
      %dma_wait3A_522 = tpu.memref_squeeze %dma_wait3A_521 : memref<1x8x128xi32, #tpu.memory_space<vmem>> -> memref<8x128xi32, #tpu.memory_space<vmem>>
      %dma_wait3A_523 = arith.constant 0 : i32
      %dma_wait3A_524 = arith.constant 0 : i32
      %dma_wait3A_525 = tpu.memref_slice %arg2[%run_scoped3A_264, %add3A, %dma_wait3A_523, %dma_wait3A_524] : memref<25x32x8x128xi32, #tpu.memory_space<hbm>> -> memref<1x1x8x128xi32, #tpu.memory_space<hbm>>
      %dma_wait3A_526 = tpu.memref_squeeze %dma_wait3A_525 : memref<1x1x8x128xi32, #tpu.memory_space<hbm>> -> memref<8x128xi32, #tpu.memory_space<hbm>>
      tpu.wait_dma2 semaphore(%run_scoped3A_494 : memref<!tpu.dma_semaphore, #tpu.memory_space<semaphore_mem>>) src(%dma_wait3A_526 : memref<8x128xi32, #tpu.memory_space<hbm>>) dst(%dma_wait3A_522 : memref<8x128xi32, #tpu.memory_space<vmem>>)
      tpu.yield
    }) : () -> ()
    %run_scoped3A_266 = arith.constant 20 : i32
    %run_scoped3A_267 = arith.constant 20 : i32
    "tpu.region"() ({
      %run_scoped3A_494 = tpu.sem_alloc : memref<!tpu.dma_semaphore, #tpu.memory_space<semaphore_mem>>
      %dma_start3A_495 = arith.constant 0 : i32
      %dma_start3A_496 = arith.constant 0 : i32
      %dma_start3A_497 = tpu.memref_slice %arg6[%run_scoped3A_267, %dma_start3A_495, %dma_start3A_496] : memref<25x8x128xi32, #tpu.memory_space<vmem>> -> memref<1x8x128xi32, #tpu.memory_space<vmem>>
      %dma_start3A_498 = tpu.memref_squeeze %dma_start3A_497 : memref<1x8x128xi32, #tpu.memory_space<vmem>> -> memref<8x128xi32, #tpu.memory_space<vmem>>
      %dma_start3A_499 = arith.constant 0 : i32
      %dma_start3A_500 = arith.constant 0 : i32
      %dma_start3A_501 = tpu.memref_slice %arg2[%run_scoped3A_266, %add3A, %dma_start3A_499, %dma_start3A_500] : memref<25x32x8x128xi32, #tpu.memory_space<hbm>> -> memref<1x1x8x128xi32, #tpu.memory_space<hbm>>
      %dma_start3A_502 = tpu.memref_squeeze %dma_start3A_501 : memref<1x1x8x128xi32, #tpu.memory_space<hbm>> -> memref<8x128xi32, #tpu.memory_space<hbm>>
      %dma_start3A_503 = arith.constant 0 : i32
      %dma_start3A_504 = arith.constant 0 : i32
      %dma_start3A_505 = tpu.memref_slice %arg6[%run_scoped3A_267, %dma_start3A_503, %dma_start3A_504] : memref<25x8x128xi32, #tpu.memory_space<vmem>> -> memref<1x8x128xi32, #tpu.memory_space<vmem>>
      %dma_start3A_506 = tpu.memref_squeeze %dma_start3A_505 : memref<1x8x128xi32, #tpu.memory_space<vmem>> -> memref<8x128xi32, #tpu.memory_space<vmem>>
      %dma_start3A_507 = arith.constant 0 : i32
      %dma_start3A_508 = arith.constant 0 : i32
      %dma_start3A_509 = tpu.memref_slice %arg2[%run_scoped3A_266, %add3A, %dma_start3A_507, %dma_start3A_508] : memref<25x32x8x128xi32, #tpu.memory_space<hbm>> -> memref<1x1x8x128xi32, #tpu.memory_space<hbm>>
      %dma_start3A_510 = tpu.memref_squeeze %dma_start3A_509 : memref<1x1x8x128xi32, #tpu.memory_space<hbm>> -> memref<8x128xi32, #tpu.memory_space<hbm>>
      tpu.enqueue_dma source(%dma_start3A_510 : memref<8x128xi32, #tpu.memory_space<hbm>>) target(%dma_start3A_506 : memref<8x128xi32, #tpu.memory_space<vmem>>) target_semaphore(%run_scoped3A_494 : memref<!tpu.dma_semaphore, #tpu.memory_space<semaphore_mem>>)
      %dma_wait3A_511 = arith.constant 0 : i32
      %dma_wait3A_512 = arith.constant 0 : i32
      %dma_wait3A_513 = tpu.memref_slice %arg6[%run_scoped3A_267, %dma_wait3A_511, %dma_wait3A_512] : memref<25x8x128xi32, #tpu.memory_space<vmem>> -> memref<1x8x128xi32, #tpu.memory_space<vmem>>
      %dma_wait3A_514 = tpu.memref_squeeze %dma_wait3A_513 : memref<1x8x128xi32, #tpu.memory_space<vmem>> -> memref<8x128xi32, #tpu.memory_space<vmem>>
      %dma_wait3A_515 = arith.constant 0 : i32
      %dma_wait3A_516 = arith.constant 0 : i32
      %dma_wait3A_517 = tpu.memref_slice %arg2[%run_scoped3A_266, %add3A, %dma_wait3A_515, %dma_wait3A_516] : memref<25x32x8x128xi32, #tpu.memory_space<hbm>> -> memref<1x1x8x128xi32, #tpu.memory_space<hbm>>
      %dma_wait3A_518 = tpu.memref_squeeze %dma_wait3A_517 : memref<1x1x8x128xi32, #tpu.memory_space<hbm>> -> memref<8x128xi32, #tpu.memory_space<hbm>>
      %dma_wait3A_519 = arith.constant 0 : i32
      %dma_wait3A_520 = arith.constant 0 : i32
      %dma_wait3A_521 = tpu.memref_slice %arg6[%run_scoped3A_267, %dma_wait3A_519, %dma_wait3A_520] : memref<25x8x128xi32, #tpu.memory_space<vmem>> -> memref<1x8x128xi32, #tpu.memory_space<vmem>>
      %dma_wait3A_522 = tpu.memref_squeeze %dma_wait3A_521 : memref<1x8x128xi32, #tpu.memory_space<vmem>> -> memref<8x128xi32, #tpu.memory_space<vmem>>
      %dma_wait3A_523 = arith.constant 0 : i32
      %dma_wait3A_524 = arith.constant 0 : i32
      %dma_wait3A_525 = tpu.memref_slice %arg2[%run_scoped3A_266, %add3A, %dma_wait3A_523, %dma_wait3A_524] : memref<25x32x8x128xi32, #tpu.memory_space<hbm>> -> memref<1x1x8x128xi32, #tpu.memory_space<hbm>>
      %dma_wait3A_526 = tpu.memref_squeeze %dma_wait3A_525 : memref<1x1x8x128xi32, #tpu.memory_space<hbm>> -> memref<8x128xi32, #tpu.memory_space<hbm>>
      tpu.wait_dma2 semaphore(%run_scoped3A_494 : memref<!tpu.dma_semaphore, #tpu.memory_space<semaphore_mem>>) src(%dma_wait3A_526 : memref<8x128xi32, #tpu.memory_space<hbm>>) dst(%dma_wait3A_522 : memref<8x128xi32, #tpu.memory_space<vmem>>)
      tpu.yield
    }) : () -> ()
    %run_scoped3A_268 = arith.constant 21 : i32
    %run_scoped3A_269 = arith.constant 21 : i32
    "tpu.region"() ({
      %run_scoped3A_494 = tpu.sem_alloc : memref<!tpu.dma_semaphore, #tpu.memory_space<semaphore_mem>>
      %dma_start3A_495 = arith.constant 0 : i32
      %dma_start3A_496 = arith.constant 0 : i32
      %dma_start3A_497 = tpu.memref_slice %arg6[%run_scoped3A_269, %dma_start3A_495, %dma_start3A_496] : memref<25x8x128xi32, #tpu.memory_space<vmem>> -> memref<1x8x128xi32, #tpu.memory_space<vmem>>
      %dma_start3A_498 = tpu.memref_squeeze %dma_start3A_497 : memref<1x8x128xi32, #tpu.memory_space<vmem>> -> memref<8x128xi32, #tpu.memory_space<vmem>>
      %dma_start3A_499 = arith.constant 0 : i32
      %dma_start3A_500 = arith.constant 0 : i32
      %dma_start3A_501 = tpu.memref_slice %arg2[%run_scoped3A_268, %add3A, %dma_start3A_499, %dma_start3A_500] : memref<25x32x8x128xi32, #tpu.memory_space<hbm>> -> memref<1x1x8x128xi32, #tpu.memory_space<hbm>>
      %dma_start3A_502 = tpu.memref_squeeze %dma_start3A_501 : memref<1x1x8x128xi32, #tpu.memory_space<hbm>> -> memref<8x128xi32, #tpu.memory_space<hbm>>
      %dma_start3A_503 = arith.constant 0 : i32
      %dma_start3A_504 = arith.constant 0 : i32
      %dma_start3A_505 = tpu.memref_slice %arg6[%run_scoped3A_269, %dma_start3A_503, %dma_start3A_504] : memref<25x8x128xi32, #tpu.memory_space<vmem>> -> memref<1x8x128xi32, #tpu.memory_space<vmem>>
      %dma_start3A_506 = tpu.memref_squeeze %dma_start3A_505 : memref<1x8x128xi32, #tpu.memory_space<vmem>> -> memref<8x128xi32, #tpu.memory_space<vmem>>
      %dma_start3A_507 = arith.constant 0 : i32
      %dma_start3A_508 = arith.constant 0 : i32
      %dma_start3A_509 = tpu.memref_slice %arg2[%run_scoped3A_268, %add3A, %dma_start3A_507, %dma_start3A_508] : memref<25x32x8x128xi32, #tpu.memory_space<hbm>> -> memref<1x1x8x128xi32, #tpu.memory_space<hbm>>
      %dma_start3A_510 = tpu.memref_squeeze %dma_start3A_509 : memref<1x1x8x128xi32, #tpu.memory_space<hbm>> -> memref<8x128xi32, #tpu.memory_space<hbm>>
      tpu.enqueue_dma source(%dma_start3A_510 : memref<8x128xi32, #tpu.memory_space<hbm>>) target(%dma_start3A_506 : memref<8x128xi32, #tpu.memory_space<vmem>>) target_semaphore(%run_scoped3A_494 : memref<!tpu.dma_semaphore, #tpu.memory_space<semaphore_mem>>)
      %dma_wait3A_511 = arith.constant 0 : i32
      %dma_wait3A_512 = arith.constant 0 : i32
      %dma_wait3A_513 = tpu.memref_slice %arg6[%run_scoped3A_269, %dma_wait3A_511, %dma_wait3A_512] : memref<25x8x128xi32, #tpu.memory_space<vmem>> -> memref<1x8x128xi32, #tpu.memory_space<vmem>>
      %dma_wait3A_514 = tpu.memref_squeeze %dma_wait3A_513 : memref<1x8x128xi32, #tpu.memory_space<vmem>> -> memref<8x128xi32, #tpu.memory_space<vmem>>
      %dma_wait3A_515 = arith.constant 0 : i32
      %dma_wait3A_516 = arith.constant 0 : i32
      %dma_wait3A_517 = tpu.memref_slice %arg2[%run_scoped3A_268, %add3A, %dma_wait3A_515, %dma_wait3A_516] : memref<25x32x8x128xi32, #tpu.memory_space<hbm>> -> memref<1x1x8x128xi32, #tpu.memory_space<hbm>>
      %dma_wait3A_518 = tpu.memref_squeeze %dma_wait3A_517 : memref<1x1x8x128xi32, #tpu.memory_space<hbm>> -> memref<8x128xi32, #tpu.memory_space<hbm>>
      %dma_wait3A_519 = arith.constant 0 : i32
      %dma_wait3A_520 = arith.constant 0 : i32
      %dma_wait3A_521 = tpu.memref_slice %arg6[%run_scoped3A_269, %dma_wait3A_519, %dma_wait3A_520] : memref<25x8x128xi32, #tpu.memory_space<vmem>> -> memref<1x8x128xi32, #tpu.memory_space<vmem>>
      %dma_wait3A_522 = tpu.memref_squeeze %dma_wait3A_521 : memref<1x8x128xi32, #tpu.memory_space<vmem>> -> memref<8x128xi32, #tpu.memory_space<vmem>>
      %dma_wait3A_523 = arith.constant 0 : i32
      %dma_wait3A_524 = arith.constant 0 : i32
      %dma_wait3A_525 = tpu.memref_slice %arg2[%run_scoped3A_268, %add3A, %dma_wait3A_523, %dma_wait3A_524] : memref<25x32x8x128xi32, #tpu.memory_space<hbm>> -> memref<1x1x8x128xi32, #tpu.memory_space<hbm>>
      %dma_wait3A_526 = tpu.memref_squeeze %dma_wait3A_525 : memref<1x1x8x128xi32, #tpu.memory_space<hbm>> -> memref<8x128xi32, #tpu.memory_space<hbm>>
      tpu.wait_dma2 semaphore(%run_scoped3A_494 : memref<!tpu.dma_semaphore, #tpu.memory_space<semaphore_mem>>) src(%dma_wait3A_526 : memref<8x128xi32, #tpu.memory_space<hbm>>) dst(%dma_wait3A_522 : memref<8x128xi32, #tpu.memory_space<vmem>>)
      tpu.yield
    }) : () -> ()
    %run_scoped3A_270 = arith.constant 22 : i32
    %run_scoped3A_271 = arith.constant 22 : i32
    "tpu.region"() ({
      %run_scoped3A_494 = tpu.sem_alloc : memref<!tpu.dma_semaphore, #tpu.memory_space<semaphore_mem>>
      %dma_start3A_495 = arith.constant 0 : i32
      %dma_start3A_496 = arith.constant 0 : i32
      %dma_start3A_497 = tpu.memref_slice %arg6[%run_scoped3A_271, %dma_start3A_495, %dma_start3A_496] : memref<25x8x128xi32, #tpu.memory_space<vmem>> -> memref<1x8x128xi32, #tpu.memory_space<vmem>>
      %dma_start3A_498 = tpu.memref_squeeze %dma_start3A_497 : memref<1x8x128xi32, #tpu.memory_space<vmem>> -> memref<8x128xi32, #tpu.memory_space<vmem>>
      %dma_start3A_499 = arith.constant 0 : i32
      %dma_start3A_500 = arith.constant 0 : i32
      %dma_start3A_501 = tpu.memref_slice %arg2[%run_scoped3A_270, %add3A, %dma_start3A_499, %dma_start3A_500] : memref<25x32x8x128xi32, #tpu.memory_space<hbm>> -> memref<1x1x8x128xi32, #tpu.memory_space<hbm>>
      %dma_start3A_502 = tpu.memref_squeeze %dma_start3A_501 : memref<1x1x8x128xi32, #tpu.memory_space<hbm>> -> memref<8x128xi32, #tpu.memory_space<hbm>>
      %dma_start3A_503 = arith.constant 0 : i32
      %dma_start3A_504 = arith.constant 0 : i32
      %dma_start3A_505 = tpu.memref_slice %arg6[%run_scoped3A_271, %dma_start3A_503, %dma_start3A_504] : memref<25x8x128xi32, #tpu.memory_space<vmem>> -> memref<1x8x128xi32, #tpu.memory_space<vmem>>
      %dma_start3A_506 = tpu.memref_squeeze %dma_start3A_505 : memref<1x8x128xi32, #tpu.memory_space<vmem>> -> memref<8x128xi32, #tpu.memory_space<vmem>>
      %dma_start3A_507 = arith.constant 0 : i32
      %dma_start3A_508 = arith.constant 0 : i32
      %dma_start3A_509 = tpu.memref_slice %arg2[%run_scoped3A_270, %add3A, %dma_start3A_507, %dma_start3A_508] : memref<25x32x8x128xi32, #tpu.memory_space<hbm>> -> memref<1x1x8x128xi32, #tpu.memory_space<hbm>>
      %dma_start3A_510 = tpu.memref_squeeze %dma_start3A_509 : memref<1x1x8x128xi32, #tpu.memory_space<hbm>> -> memref<8x128xi32, #tpu.memory_space<hbm>>
      tpu.enqueue_dma source(%dma_start3A_510 : memref<8x128xi32, #tpu.memory_space<hbm>>) target(%dma_start3A_506 : memref<8x128xi32, #tpu.memory_space<vmem>>) target_semaphore(%run_scoped3A_494 : memref<!tpu.dma_semaphore, #tpu.memory_space<semaphore_mem>>)
      %dma_wait3A_511 = arith.constant 0 : i32
      %dma_wait3A_512 = arith.constant 0 : i32
      %dma_wait3A_513 = tpu.memref_slice %arg6[%run_scoped3A_271, %dma_wait3A_511, %dma_wait3A_512] : memref<25x8x128xi32, #tpu.memory_space<vmem>> -> memref<1x8x128xi32, #tpu.memory_space<vmem>>
      %dma_wait3A_514 = tpu.memref_squeeze %dma_wait3A_513 : memref<1x8x128xi32, #tpu.memory_space<vmem>> -> memref<8x128xi32, #tpu.memory_space<vmem>>
      %dma_wait3A_515 = arith.constant 0 : i32
      %dma_wait3A_516 = arith.constant 0 : i32
      %dma_wait3A_517 = tpu.memref_slice %arg2[%run_scoped3A_270, %add3A, %dma_wait3A_515, %dma_wait3A_516] : memref<25x32x8x128xi32, #tpu.memory_space<hbm>> -> memref<1x1x8x128xi32, #tpu.memory_space<hbm>>
      %dma_wait3A_518 = tpu.memref_squeeze %dma_wait3A_517 : memref<1x1x8x128xi32, #tpu.memory_space<hbm>> -> memref<8x128xi32, #tpu.memory_space<hbm>>
      %dma_wait3A_519 = arith.constant 0 : i32
      %dma_wait3A_520 = arith.constant 0 : i32
      %dma_wait3A_521 = tpu.memref_slice %arg6[%run_scoped3A_271, %dma_wait3A_519, %dma_wait3A_520] : memref<25x8x128xi32, #tpu.memory_space<vmem>> -> memref<1x8x128xi32, #tpu.memory_space<vmem>>
      %dma_wait3A_522 = tpu.memref_squeeze %dma_wait3A_521 : memref<1x8x128xi32, #tpu.memory_space<vmem>> -> memref<8x128xi32, #tpu.memory_space<vmem>>
      %dma_wait3A_523 = arith.constant 0 : i32
      %dma_wait3A_524 = arith.constant 0 : i32
      %dma_wait3A_525 = tpu.memref_slice %arg2[%run_scoped3A_270, %add3A, %dma_wait3A_523, %dma_wait3A_524] : memref<25x32x8x128xi32, #tpu.memory_space<hbm>> -> memref<1x1x8x128xi32, #tpu.memory_space<hbm>>
      %dma_wait3A_526 = tpu.memref_squeeze %dma_wait3A_525 : memref<1x1x8x128xi32, #tpu.memory_space<hbm>> -> memref<8x128xi32, #tpu.memory_space<hbm>>
      tpu.wait_dma2 semaphore(%run_scoped3A_494 : memref<!tpu.dma_semaphore, #tpu.memory_space<semaphore_mem>>) src(%dma_wait3A_526 : memref<8x128xi32, #tpu.memory_space<hbm>>) dst(%dma_wait3A_522 : memref<8x128xi32, #tpu.memory_space<vmem>>)
      tpu.yield
    }) : () -> ()
    %run_scoped3A_272 = arith.constant 23 : i32
    %run_scoped3A_273 = arith.constant 23 : i32
    "tpu.region"() ({
      %run_scoped3A_494 = tpu.sem_alloc : memref<!tpu.dma_semaphore, #tpu.memory_space<semaphore_mem>>
      %dma_start3A_495 = arith.constant 0 : i32
      %dma_start3A_496 = arith.constant 0 : i32
      %dma_start3A_497 = tpu.memref_slice %arg6[%run_scoped3A_273, %dma_start3A_495, %dma_start3A_496] : memref<25x8x128xi32, #tpu.memory_space<vmem>> -> memref<1x8x128xi32, #tpu.memory_space<vmem>>
      %dma_start3A_498 = tpu.memref_squeeze %dma_start3A_497 : memref<1x8x128xi32, #tpu.memory_space<vmem>> -> memref<8x128xi32, #tpu.memory_space<vmem>>
      %dma_start3A_499 = arith.constant 0 : i32
      %dma_start3A_500 = arith.constant 0 : i32
      %dma_start3A_501 = tpu.memref_slice %arg2[%run_scoped3A_272, %add3A, %dma_start3A_499, %dma_start3A_500] : memref<25x32x8x128xi32, #tpu.memory_space<hbm>> -> memref<1x1x8x128xi32, #tpu.memory_space<hbm>>
      %dma_start3A_502 = tpu.memref_squeeze %dma_start3A_501 : memref<1x1x8x128xi32, #tpu.memory_space<hbm>> -> memref<8x128xi32, #tpu.memory_space<hbm>>
      %dma_start3A_503 = arith.constant 0 : i32
      %dma_start3A_504 = arith.constant 0 : i32
      %dma_start3A_505 = tpu.memref_slice %arg6[%run_scoped3A_273, %dma_start3A_503, %dma_start3A_504] : memref<25x8x128xi32, #tpu.memory_space<vmem>> -> memref<1x8x128xi32, #tpu.memory_space<vmem>>
      %dma_start3A_506 = tpu.memref_squeeze %dma_start3A_505 : memref<1x8x128xi32, #tpu.memory_space<vmem>> -> memref<8x128xi32, #tpu.memory_space<vmem>>
      %dma_start3A_507 = arith.constant 0 : i32
      %dma_start3A_508 = arith.constant 0 : i32
      %dma_start3A_509 = tpu.memref_slice %arg2[%run_scoped3A_272, %add3A, %dma_start3A_507, %dma_start3A_508] : memref<25x32x8x128xi32, #tpu.memory_space<hbm>> -> memref<1x1x8x128xi32, #tpu.memory_space<hbm>>
      %dma_start3A_510 = tpu.memref_squeeze %dma_start3A_509 : memref<1x1x8x128xi32, #tpu.memory_space<hbm>> -> memref<8x128xi32, #tpu.memory_space<hbm>>
      tpu.enqueue_dma source(%dma_start3A_510 : memref<8x128xi32, #tpu.memory_space<hbm>>) target(%dma_start3A_506 : memref<8x128xi32, #tpu.memory_space<vmem>>) target_semaphore(%run_scoped3A_494 : memref<!tpu.dma_semaphore, #tpu.memory_space<semaphore_mem>>)
      %dma_wait3A_511 = arith.constant 0 : i32
      %dma_wait3A_512 = arith.constant 0 : i32
      %dma_wait3A_513 = tpu.memref_slice %arg6[%run_scoped3A_273, %dma_wait3A_511, %dma_wait3A_512] : memref<25x8x128xi32, #tpu.memory_space<vmem>> -> memref<1x8x128xi32, #tpu.memory_space<vmem>>
      %dma_wait3A_514 = tpu.memref_squeeze %dma_wait3A_513 : memref<1x8x128xi32, #tpu.memory_space<vmem>> -> memref<8x128xi32, #tpu.memory_space<vmem>>
      %dma_wait3A_515 = arith.constant 0 : i32
      %dma_wait3A_516 = arith.constant 0 : i32
      %dma_wait3A_517 = tpu.memref_slice %arg2[%run_scoped3A_272, %add3A, %dma_wait3A_515, %dma_wait3A_516] : memref<25x32x8x128xi32, #tpu.memory_space<hbm>> -> memref<1x1x8x128xi32, #tpu.memory_space<hbm>>
      %dma_wait3A_518 = tpu.memref_squeeze %dma_wait3A_517 : memref<1x1x8x128xi32, #tpu.memory_space<hbm>> -> memref<8x128xi32, #tpu.memory_space<hbm>>
      %dma_wait3A_519 = arith.constant 0 : i32
      %dma_wait3A_520 = arith.constant 0 : i32
      %dma_wait3A_521 = tpu.memref_slice %arg6[%run_scoped3A_273, %dma_wait3A_519, %dma_wait3A_520] : memref<25x8x128xi32, #tpu.memory_space<vmem>> -> memref<1x8x128xi32, #tpu.memory_space<vmem>>
      %dma_wait3A_522 = tpu.memref_squeeze %dma_wait3A_521 : memref<1x8x128xi32, #tpu.memory_space<vmem>> -> memref<8x128xi32, #tpu.memory_space<vmem>>
      %dma_wait3A_523 = arith.constant 0 : i32
      %dma_wait3A_524 = arith.constant 0 : i32
      %dma_wait3A_525 = tpu.memref_slice %arg2[%run_scoped3A_272, %add3A, %dma_wait3A_523, %dma_wait3A_524] : memref<25x32x8x128xi32, #tpu.memory_space<hbm>> -> memref<1x1x8x128xi32, #tpu.memory_space<hbm>>
      %dma_wait3A_526 = tpu.memref_squeeze %dma_wait3A_525 : memref<1x1x8x128xi32, #tpu.memory_space<hbm>> -> memref<8x128xi32, #tpu.memory_space<hbm>>
      tpu.wait_dma2 semaphore(%run_scoped3A_494 : memref<!tpu.dma_semaphore, #tpu.memory_space<semaphore_mem>>) src(%dma_wait3A_526 : memref<8x128xi32, #tpu.memory_space<hbm>>) dst(%dma_wait3A_522 : memref<8x128xi32, #tpu.memory_space<vmem>>)
      tpu.yield
    }) : () -> ()
    %run_scoped3A_274 = arith.constant 24 : i32
    %run_scoped3A_275 = arith.constant 24 : i32
    "tpu.region"() ({
      %run_scoped3A_494 = tpu.sem_alloc : memref<!tpu.dma_semaphore, #tpu.memory_space<semaphore_mem>>
      %dma_start3A_495 = arith.constant 0 : i32
      %dma_start3A_496 = arith.constant 0 : i32
      %dma_start3A_497 = tpu.memref_slice %arg6[%run_scoped3A_275, %dma_start3A_495, %dma_start3A_496] : memref<25x8x128xi32, #tpu.memory_space<vmem>> -> memref<1x8x128xi32, #tpu.memory_space<vmem>>
      %dma_start3A_498 = tpu.memref_squeeze %dma_start3A_497 : memref<1x8x128xi32, #tpu.memory_space<vmem>> -> memref<8x128xi32, #tpu.memory_space<vmem>>
      %dma_start3A_499 = arith.constant 0 : i32
      %dma_start3A_500 = arith.constant 0 : i32
      %dma_start3A_501 = tpu.memref_slice %arg2[%run_scoped3A_274, %add3A, %dma_start3A_499, %dma_start3A_500] : memref<25x32x8x128xi32, #tpu.memory_space<hbm>> -> memref<1x1x8x128xi32, #tpu.memory_space<hbm>>
      %dma_start3A_502 = tpu.memref_squeeze %dma_start3A_501 : memref<1x1x8x128xi32, #tpu.memory_space<hbm>> -> memref<8x128xi32, #tpu.memory_space<hbm>>
      %dma_start3A_503 = arith.constant 0 : i32
      %dma_start3A_504 = arith.constant 0 : i32
      %dma_start3A_505 = tpu.memref_slice %arg6[%run_scoped3A_275, %dma_start3A_503, %dma_start3A_504] : memref<25x8x128xi32, #tpu.memory_space<vmem>> -> memref<1x8x128xi32, #tpu.memory_space<vmem>>
      %dma_start3A_506 = tpu.memref_squeeze %dma_start3A_505 : memref<1x8x128xi32, #tpu.memory_space<vmem>> -> memref<8x128xi32, #tpu.memory_space<vmem>>
      %dma_start3A_507 = arith.constant 0 : i32
      %dma_start3A_508 = arith.constant 0 : i32
      %dma_start3A_509 = tpu.memref_slice %arg2[%run_scoped3A_274, %add3A, %dma_start3A_507, %dma_start3A_508] : memref<25x32x8x128xi32, #tpu.memory_space<hbm>> -> memref<1x1x8x128xi32, #tpu.memory_space<hbm>>
      %dma_start3A_510 = tpu.memref_squeeze %dma_start3A_509 : memref<1x1x8x128xi32, #tpu.memory_space<hbm>> -> memref<8x128xi32, #tpu.memory_space<hbm>>
      tpu.enqueue_dma source(%dma_start3A_510 : memref<8x128xi32, #tpu.memory_space<hbm>>) target(%dma_start3A_506 : memref<8x128xi32, #tpu.memory_space<vmem>>) target_semaphore(%run_scoped3A_494 : memref<!tpu.dma_semaphore, #tpu.memory_space<semaphore_mem>>)
      %dma_wait3A_511 = arith.constant 0 : i32
      %dma_wait3A_512 = arith.constant 0 : i32
      %dma_wait3A_513 = tpu.memref_slice %arg6[%run_scoped3A_275, %dma_wait3A_511, %dma_wait3A_512] : memref<25x8x128xi32, #tpu.memory_space<vmem>> -> memref<1x8x128xi32, #tpu.memory_space<vmem>>
      %dma_wait3A_514 = tpu.memref_squeeze %dma_wait3A_513 : memref<1x8x128xi32, #tpu.memory_space<vmem>> -> memref<8x128xi32, #tpu.memory_space<vmem>>
      %dma_wait3A_515 = arith.constant 0 : i32
      %dma_wait3A_516 = arith.constant 0 : i32
      %dma_wait3A_517 = tpu.memref_slice %arg2[%run_scoped3A_274, %add3A, %dma_wait3A_515, %dma_wait3A_516] : memref<25x32x8x128xi32, #tpu.memory_space<hbm>> -> memref<1x1x8x128xi32, #tpu.memory_space<hbm>>
      %dma_wait3A_518 = tpu.memref_squeeze %dma_wait3A_517 : memref<1x1x8x128xi32, #tpu.memory_space<hbm>> -> memref<8x128xi32, #tpu.memory_space<hbm>>
      %dma_wait3A_519 = arith.constant 0 : i32
      %dma_wait3A_520 = arith.constant 0 : i32
      %dma_wait3A_521 = tpu.memref_slice %arg6[%run_scoped3A_275, %dma_wait3A_519, %dma_wait3A_520] : memref<25x8x128xi32, #tpu.memory_space<vmem>> -> memref<1x8x128xi32, #tpu.memory_space<vmem>>
      %dma_wait3A_522 = tpu.memref_squeeze %dma_wait3A_521 : memref<1x8x128xi32, #tpu.memory_space<vmem>> -> memref<8x128xi32, #tpu.memory_space<vmem>>
      %dma_wait3A_523 = arith.constant 0 : i32
      %dma_wait3A_524 = arith.constant 0 : i32
      %dma_wait3A_525 = tpu.memref_slice %arg2[%run_scoped3A_274, %add3A, %dma_wait3A_523, %dma_wait3A_524] : memref<25x32x8x128xi32, #tpu.memory_space<hbm>> -> memref<1x1x8x128xi32, #tpu.memory_space<hbm>>
      %dma_wait3A_526 = tpu.memref_squeeze %dma_wait3A_525 : memref<1x1x8x128xi32, #tpu.memory_space<hbm>> -> memref<8x128xi32, #tpu.memory_space<hbm>>
      tpu.wait_dma2 semaphore(%run_scoped3A_494 : memref<!tpu.dma_semaphore, #tpu.memory_space<semaphore_mem>>) src(%dma_wait3A_526 : memref<8x128xi32, #tpu.memory_space<hbm>>) dst(%dma_wait3A_522 : memref<8x128xi32, #tpu.memory_space<vmem>>)
      tpu.yield
    }) : () -> ()
    "tpu.region"() ({
      %run_scoped3A_494 = tpu.sem_alloc : memref<!tpu.dma_semaphore, #tpu.memory_space<semaphore_mem>>
      tpu.enqueue_dma source(%arg4 : memref<200x64xf32, #tpu.memory_space<hbm>>) target(%arg7 : memref<200x64xf32, #tpu.memory_space<vmem>>) target_semaphore(%run_scoped3A_494 : memref<!tpu.dma_semaphore, #tpu.memory_space<semaphore_mem>>)
      tpu.wait_dma2 semaphore(%run_scoped3A_494 : memref<!tpu.dma_semaphore, #tpu.memory_space<semaphore_mem>>) src(%arg4 : memref<200x64xf32, #tpu.memory_space<hbm>>) dst(%arg7 : memref<200x64xf32, #tpu.memory_space<vmem>>)
      tpu.yield
    }) : () -> ()
    %jit3A_276 = arith.constant 0 : i32
    %jit3A_277 = arith.constant 8 : i32
    %div3A_278 = arith.divsi %jit3A_276, %jit3A_277 : i32
    %sign3A_279 = arith.constant 0 : i32
    %sign3A_280 = arith.cmpi sgt, %jit3A_276, %sign3A_279 : i32
    %sign3A_281 = arith.extui %sign3A_280 : i1 to i32
    %sign3A_282 = arith.constant 0 : i32
    %sign3A_283 = arith.cmpi slt, %jit3A_276, %sign3A_282 : i32
    %sign3A_284 = arith.extui %sign3A_283 : i1 to i32
    %sign3A_285 = arith.subi %sign3A_281, %sign3A_284 : i32
    %sign3A_286 = arith.constant 0 : i32
    %sign3A_287 = arith.cmpi sgt, %jit3A_277, %sign3A_286 : i32
    %sign3A_288 = arith.extui %sign3A_287 : i1 to i32
    %sign3A_289 = arith.constant 0 : i32
    %sign3A_290 = arith.cmpi slt, %jit3A_277, %sign3A_289 : i32
    %sign3A_291 = arith.extui %sign3A_290 : i1 to i32
    %sign3A_292 = arith.subi %sign3A_288, %sign3A_291 : i32
    %ne3A_293 = arith.cmpi ne, %sign3A_285, %sign3A_292 : i32
    %rem3A_294 = arith.remsi %jit3A_276, %jit3A_277 : i32
    %ne3A_295 = arith.constant 0 : i32
    %ne3A_296 = arith.cmpi ne, %rem3A_294, %ne3A_295 : i32
    %and3A_297 = arith.andi %ne3A_293, %ne3A_296 : i1
    %sub3A_298 = arith.constant 1 : i32
    %sub3A_299 = arith.subi %div3A_278, %sub3A_298 : i32
    %select_n3A_300 = arith.select %and3A_297, %sub3A_299, %div3A_278 : i32
    %mul3A_301 = arith.constant 8 : i32
    %mul3A_302 = arith.muli %select_n3A_300, %mul3A_301 : i32
    %sub3A_303 = arith.constant 0 : i32
    %sub3A_304 = arith.subi %sub3A_303, %mul3A_302 : i32
    %dma_start3A = arith.constant 0 : i32
    %dma_start3A_305 = tpu.memref_slice %arg6[%select_n3A_300, %sub3A_304, %dma_start3A] : memref<25x8x128xi32, #tpu.memory_space<vmem>> -> memref<1x1x128xi32, #tpu.memory_space<vmem>>
    %dma_start3A_306 = tpu.memref_squeeze %dma_start3A_305 : memref<1x1x128xi32, #tpu.memory_space<vmem>> -> memref<128xi32, #tpu.memory_space<vmem>>
    %dma_start3A_307 = arith.constant 0 : i32
    %dma_start3A_308 = arith.constant 0 : i32
    %dma_start3A_309 = tpu.memref_slice %arg3[%dma_start3A_307, %dma_start3A_308] : memref<1000000x64xf32, #tpu.memory_space<hbm>> -> memref<1000000x64xf32, #tpu.memory_space<hbm>>
    tpu.enqueue_indirect_dma source(%dma_start3A_309 : memref<1000000x64xf32, #tpu.memory_space<hbm>>) target(%arg8 : memref<128x64xf32, #tpu.memory_space<vmem>>) offsets(%dma_start3A_306 : memref<128xi32, #tpu.memory_space<vmem>>) semaphore(%arg16 : memref<!tpu.dma_semaphore, #tpu.memory_space<semaphore_mem>>)
    %jit3A_310 = arith.constant 1 : i32
    %jit3A_311 = arith.constant 8 : i32
    %div3A_312 = arith.divsi %jit3A_310, %jit3A_311 : i32
    %sign3A_313 = arith.constant 0 : i32
    %sign3A_314 = arith.cmpi sgt, %jit3A_310, %sign3A_313 : i32
    %sign3A_315 = arith.extui %sign3A_314 : i1 to i32
    %sign3A_316 = arith.constant 0 : i32
    %sign3A_317 = arith.cmpi slt, %jit3A_310, %sign3A_316 : i32
    %sign3A_318 = arith.extui %sign3A_317 : i1 to i32
    %sign3A_319 = arith.subi %sign3A_315, %sign3A_318 : i32
    %sign3A_320 = arith.constant 0 : i32
    %sign3A_321 = arith.cmpi sgt, %jit3A_311, %sign3A_320 : i32
    %sign3A_322 = arith.extui %sign3A_321 : i1 to i32
    %sign3A_323 = arith.constant 0 : i32
    %sign3A_324 = arith.cmpi slt, %jit3A_311, %sign3A_323 : i32
    %sign3A_325 = arith.extui %sign3A_324 : i1 to i32
    %sign3A_326 = arith.subi %sign3A_322, %sign3A_325 : i32
    %ne3A_327 = arith.cmpi ne, %sign3A_319, %sign3A_326 : i32
    %rem3A_328 = arith.remsi %jit3A_310, %jit3A_311 : i32
    %ne3A_329 = arith.constant 0 : i32
    %ne3A_330 = arith.cmpi ne, %rem3A_328, %ne3A_329 : i32
    %and3A_331 = arith.andi %ne3A_327, %ne3A_330 : i1
    %sub3A_332 = arith.constant 1 : i32
    %sub3A_333 = arith.subi %div3A_312, %sub3A_332 : i32
    %select_n3A_334 = arith.select %and3A_331, %sub3A_333, %div3A_312 : i32
    %mul3A_335 = arith.constant 8 : i32
    %mul3A_336 = arith.muli %select_n3A_334, %mul3A_335 : i32
    %sub3A_337 = arith.constant 1 : i32
    %sub3A_338 = arith.subi %sub3A_337, %mul3A_336 : i32
    %dma_start3A_339 = arith.constant 0 : i32
    %dma_start3A_340 = tpu.memref_slice %arg6[%select_n3A_334, %sub3A_338, %dma_start3A_339] : memref<25x8x128xi32, #tpu.memory_space<vmem>> -> memref<1x1x128xi32, #tpu.memory_space<vmem>>
    %dma_start3A_341 = tpu.memref_squeeze %dma_start3A_340 : memref<1x1x128xi32, #tpu.memory_space<vmem>> -> memref<128xi32, #tpu.memory_space<vmem>>
    %dma_start3A_342 = arith.constant 0 : i32
    %dma_start3A_343 = arith.constant 0 : i32
    %dma_start3A_344 = tpu.memref_slice %arg3[%dma_start3A_342, %dma_start3A_343] : memref<1000000x64xf32, #tpu.memory_space<hbm>> -> memref<1000000x64xf32, #tpu.memory_space<hbm>>
    tpu.enqueue_indirect_dma source(%dma_start3A_344 : memref<1000000x64xf32, #tpu.memory_space<hbm>>) target(%arg9 : memref<128x64xf32, #tpu.memory_space<vmem>>) offsets(%dma_start3A_341 : memref<128xi32, #tpu.memory_space<vmem>>) semaphore(%arg17 : memref<!tpu.dma_semaphore, #tpu.memory_space<semaphore_mem>>)
    %jit3A_345 = arith.constant 2 : i32
    %jit3A_346 = arith.constant 8 : i32
    %div3A_347 = arith.divsi %jit3A_345, %jit3A_346 : i32
    %sign3A_348 = arith.constant 0 : i32
    %sign3A_349 = arith.cmpi sgt, %jit3A_345, %sign3A_348 : i32
    %sign3A_350 = arith.extui %sign3A_349 : i1 to i32
    %sign3A_351 = arith.constant 0 : i32
    %sign3A_352 = arith.cmpi slt, %jit3A_345, %sign3A_351 : i32
    %sign3A_353 = arith.extui %sign3A_352 : i1 to i32
    %sign3A_354 = arith.subi %sign3A_350, %sign3A_353 : i32
    %sign3A_355 = arith.constant 0 : i32
    %sign3A_356 = arith.cmpi sgt, %jit3A_346, %sign3A_355 : i32
    %sign3A_357 = arith.extui %sign3A_356 : i1 to i32
    %sign3A_358 = arith.constant 0 : i32
    %sign3A_359 = arith.cmpi slt, %jit3A_346, %sign3A_358 : i32
    %sign3A_360 = arith.extui %sign3A_359 : i1 to i32
    %sign3A_361 = arith.subi %sign3A_357, %sign3A_360 : i32
    %ne3A_362 = arith.cmpi ne, %sign3A_354, %sign3A_361 : i32
    %rem3A_363 = arith.remsi %jit3A_345, %jit3A_346 : i32
    %ne3A_364 = arith.constant 0 : i32
    %ne3A_365 = arith.cmpi ne, %rem3A_363, %ne3A_364 : i32
    %and3A_366 = arith.andi %ne3A_362, %ne3A_365 : i1
    %sub3A_367 = arith.constant 1 : i32
    %sub3A_368 = arith.subi %div3A_347, %sub3A_367 : i32
    %select_n3A_369 = arith.select %and3A_366, %sub3A_368, %div3A_347 : i32
    %mul3A_370 = arith.constant 8 : i32
    %mul3A_371 = arith.muli %select_n3A_369, %mul3A_370 : i32
    %sub3A_372 = arith.constant 2 : i32
    %sub3A_373 = arith.subi %sub3A_372, %mul3A_371 : i32
    %dma_start3A_374 = arith.constant 0 : i32
    %dma_start3A_375 = tpu.memref_slice %arg6[%select_n3A_369, %sub3A_373, %dma_start3A_374] : memref<25x8x128xi32, #tpu.memory_space<vmem>> -> memref<1x1x128xi32, #tpu.memory_space<vmem>>
    %dma_start3A_376 = tpu.memref_squeeze %dma_start3A_375 : memref<1x1x128xi32, #tpu.memory_space<vmem>> -> memref<128xi32, #tpu.memory_space<vmem>>
    %dma_start3A_377 = arith.constant 0 : i32
    %dma_start3A_378 = arith.constant 0 : i32
    %dma_start3A_379 = tpu.memref_slice %arg3[%dma_start3A_377, %dma_start3A_378] : memref<1000000x64xf32, #tpu.memory_space<hbm>> -> memref<1000000x64xf32, #tpu.memory_space<hbm>>
    tpu.enqueue_indirect_dma source(%dma_start3A_379 : memref<1000000x64xf32, #tpu.memory_space<hbm>>) target(%arg10 : memref<128x64xf32, #tpu.memory_space<vmem>>) offsets(%dma_start3A_376 : memref<128xi32, #tpu.memory_space<vmem>>) semaphore(%arg18 : memref<!tpu.dma_semaphore, #tpu.memory_space<semaphore_mem>>)
    %jit3A_380 = arith.constant 3 : i32
    %jit3A_381 = arith.constant 8 : i32
    %div3A_382 = arith.divsi %jit3A_380, %jit3A_381 : i32
    %sign3A_383 = arith.constant 0 : i32
    %sign3A_384 = arith.cmpi sgt, %jit3A_380, %sign3A_383 : i32
    %sign3A_385 = arith.extui %sign3A_384 : i1 to i32
    %sign3A_386 = arith.constant 0 : i32
    %sign3A_387 = arith.cmpi slt, %jit3A_380, %sign3A_386 : i32
    %sign3A_388 = arith.extui %sign3A_387 : i1 to i32
    %sign3A_389 = arith.subi %sign3A_385, %sign3A_388 : i32
    %sign3A_390 = arith.constant 0 : i32
    %sign3A_391 = arith.cmpi sgt, %jit3A_381, %sign3A_390 : i32
    %sign3A_392 = arith.extui %sign3A_391 : i1 to i32
    %sign3A_393 = arith.constant 0 : i32
    %sign3A_394 = arith.cmpi slt, %jit3A_381, %sign3A_393 : i32
    %sign3A_395 = arith.extui %sign3A_394 : i1 to i32
    %sign3A_396 = arith.subi %sign3A_392, %sign3A_395 : i32
    %ne3A_397 = arith.cmpi ne, %sign3A_389, %sign3A_396 : i32
    %rem3A_398 = arith.remsi %jit3A_380, %jit3A_381 : i32
    %ne3A_399 = arith.constant 0 : i32
    %ne3A_400 = arith.cmpi ne, %rem3A_398, %ne3A_399 : i32
    %and3A_401 = arith.andi %ne3A_397, %ne3A_400 : i1
    %sub3A_402 = arith.constant 1 : i32
    %sub3A_403 = arith.subi %div3A_382, %sub3A_402 : i32
    %select_n3A_404 = arith.select %and3A_401, %sub3A_403, %div3A_382 : i32
    %mul3A_405 = arith.constant 8 : i32
    %mul3A_406 = arith.muli %select_n3A_404, %mul3A_405 : i32
    %sub3A_407 = arith.constant 3 : i32
    %sub3A_408 = arith.subi %sub3A_407, %mul3A_406 : i32
    %dma_start3A_409 = arith.constant 0 : i32
    %dma_start3A_410 = tpu.memref_slice %arg6[%select_n3A_404, %sub3A_408, %dma_start3A_409] : memref<25x8x128xi32, #tpu.memory_space<vmem>> -> memref<1x1x128xi32, #tpu.memory_space<vmem>>
    %dma_start3A_411 = tpu.memref_squeeze %dma_start3A_410 : memref<1x1x128xi32, #tpu.memory_space<vmem>> -> memref<128xi32, #tpu.memory_space<vmem>>
    %dma_start3A_412 = arith.constant 0 : i32
    %dma_start3A_413 = arith.constant 0 : i32
    %dma_start3A_414 = tpu.memref_slice %arg3[%dma_start3A_412, %dma_start3A_413] : memref<1000000x64xf32, #tpu.memory_space<hbm>> -> memref<1000000x64xf32, #tpu.memory_space<hbm>>
    tpu.enqueue_indirect_dma source(%dma_start3A_414 : memref<1000000x64xf32, #tpu.memory_space<hbm>>) target(%arg11 : memref<128x64xf32, #tpu.memory_space<vmem>>) offsets(%dma_start3A_411 : memref<128xi32, #tpu.memory_space<vmem>>) semaphore(%arg19 : memref<!tpu.dma_semaphore, #tpu.memory_space<semaphore_mem>>)
    %scan3A = arith.constant 0 : i32
    %scan3A_415 = arith.constant 50 : i32
    %scan3A_416 = arith.addi %scan3A, %scan3A_415 : i32
    %scan3A_417 = arith.constant 1 : i32
    scf.for %scan3A_494 = %scan3A to %scan3A_416 step %scan3A_417  : i32 {
      %mul3A_495 = arith.constant 1 : i32
      %mul3A_496 = arith.muli %scan3A_494, %mul3A_495 : i32
      %add3A_497 = arith.constant 0 : i32
      %add3A_498 = arith.addi %add3A_497, %mul3A_496 : i32
      %mul3A_499 = arith.constant 4 : i32
      %mul3A_500 = arith.muli %add3A_498, %mul3A_499 : i32
      %add3A_501 = arith.constant 0 : i32
      %add3A_502 = arith.addi %mul3A_500, %add3A_501 : i32
      %dma_wait3A_503 = arith.constant 0 : i32
      %dma_wait3A_504 = arith.constant 0 : i32
      %dma_wait3A_505 = tpu.memref_slice %arg3[%dma_wait3A_503, %dma_wait3A_504] : memref<1000000x64xf32, #tpu.memory_space<hbm>> -> memref<128x64xf32, #tpu.memory_space<hbm>>
      %dma_wait3A_506 = arith.constant 0 : i32
      %dma_wait3A_507 = arith.constant 0 : i32
      %dma_wait3A_508 = tpu.memref_slice %arg3[%dma_wait3A_506, %dma_wait3A_507] : memref<1000000x64xf32, #tpu.memory_space<hbm>> -> memref<128x64xf32, #tpu.memory_space<hbm>>
      tpu.wait_dma2 semaphore(%arg16 : memref<!tpu.dma_semaphore, #tpu.memory_space<semaphore_mem>>) src(%dma_wait3A_508 : memref<128x64xf32, #tpu.memory_space<hbm>>) dst(%arg8 : memref<128x64xf32, #tpu.memory_space<vmem>>)
      %ge3A = arith.constant 4 : i32
      %ge3A_509 = arith.cmpi sge, %add3A_502, %ge3A : i32
      %convert_element_type3A = arith.extui %ge3A_509 : i1 to i32
      %cond3A = arith.constant 0 : i32
      %cond3A_510 = arith.cmpi ne, %convert_element_type3A, %cond3A : i32
      scf.if %cond3A_510 {
        %dma_wait3A_714 = arith.constant 0 : i32
        %dma_wait3A_715 = arith.constant 0 : i32
        %dma_wait3A_716 = arith.constant 0 : i32
        %dma_wait3A_717 = arith.constant 0 : i32
        %dma_wait3A_718 = tpu.memref_slice %arg12[%dma_wait3A_715, %dma_wait3A_716, %dma_wait3A_717] : memref<8x8x129xf32, #tpu.memory_space<vmem>> -> memref<8x8x128xf32, #tpu.memory_space<vmem>>
        %dma_wait3A_719 = arith.constant 0 : i32
        %dma_wait3A_720 = arith.constant 0 : i32
        %dma_wait3A_721 = arith.constant 0 : i32
        %dma_wait3A_722 = tpu.memref_slice %arg5[%dma_wait3A_714, %dma_wait3A_719, %add3A, %dma_wait3A_720, %dma_wait3A_721] : memref<200x8x32x8x128xf32, #tpu.memory_space<hbm>> -> memref<1x8x1x8x128xf32, #tpu.memory_space<hbm>>
        %dma_wait3A_723 = tpu.memref_squeeze %dma_wait3A_722 : memref<1x8x1x8x128xf32, #tpu.memory_space<hbm>> -> memref<8x8x128xf32, #tpu.memory_space<hbm>>
        %dma_wait3A_724 = arith.constant 0 : i32
        %dma_wait3A_725 = arith.constant 0 : i32
        %dma_wait3A_726 = arith.constant 0 : i32
        %dma_wait3A_727 = tpu.memref_slice %arg5[%dma_wait3A_714, %dma_wait3A_724, %add3A, %dma_wait3A_725, %dma_wait3A_726] : memref<200x8x32x8x128xf32, #tpu.memory_space<hbm>> -> memref<1x8x1x8x128xf32, #tpu.memory_space<hbm>>
        %dma_wait3A_728 = tpu.memref_squeeze %dma_wait3A_727 : memref<1x8x1x8x128xf32, #tpu.memory_space<hbm>> -> memref<8x8x128xf32, #tpu.memory_space<hbm>>
        %dma_wait3A_729 = arith.constant 0 : i32
        %dma_wait3A_730 = arith.constant 0 : i32
        %dma_wait3A_731 = arith.constant 0 : i32
        %dma_wait3A_732 = tpu.memref_slice %arg12[%dma_wait3A_729, %dma_wait3A_730, %dma_wait3A_731] : memref<8x8x129xf32, #tpu.memory_space<vmem>> -> memref<8x8x128xf32, #tpu.memory_space<vmem>>
        tpu.wait_dma2 semaphore(%arg20 : memref<!tpu.dma_semaphore, #tpu.memory_space<semaphore_mem>>) src(%dma_wait3A_732 : memref<8x8x128xf32, #tpu.memory_space<vmem>>) dst(%dma_wait3A_728 : memref<8x8x128xf32, #tpu.memory_space<hbm>>)
      } else {
      }
      %get3A = arith.index_cast %add3A_502 : i32 to index
      %get3A_511 = arith.constant 0 : index
      %get3A_512 = tpu.vector_load %arg7[%get3A, %get3A_511] {strides = array<i32>} : memref<200x64xf32, #tpu.memory_space<vmem>>, vector<16xf32>,
      %get3A_513 = arith.index_cast %add3A_502 : i32 to index
      %get3A_514 = arith.constant 16 : index
      %get3A_515 = tpu.vector_load %arg7[%get3A_513, %get3A_514] {strides = array<i32>} : memref<200x64xf32, #tpu.memory_space<vmem>>, vector<16xf32>,
      %get3A_516 = arith.index_cast %add3A_502 : i32 to index
      %get3A_517 = arith.constant 32 : index
      %get3A_518 = tpu.vector_load %arg7[%get3A_516, %get3A_517] {strides = array<i32>} : memref<200x64xf32, #tpu.memory_space<vmem>>, vector<16xf32>,
      %get3A_519 = arith.index_cast %add3A_502 : i32 to index
      %get3A_520 = arith.constant 48 : index
      %get3A_521 = tpu.vector_load %arg7[%get3A_519, %get3A_520] {strides = array<i32>} : memref<200x64xf32, #tpu.memory_space<vmem>>, vector<16xf32>,
      %parallel_loop3A = arith.constant 0 : i32
      %parallel_loop3A_522 = arith.constant 128 : i32
      %parallel_loop3A_523 = arith.constant 1 : i32
      scf.for %parallel_loop3A_714 = %parallel_loop3A to %parallel_loop3A_522 step %parallel_loop3A_523  : i32 {
        %parallel_loop3A_715 = vector.broadcast %parallel_loop3A_714 : i32 to vector<16xi32>
        %parallel_loop3A_716 = arith.index_cast %parallel_loop3A_714 : i32 to index
        %parallel_loop3A_717 = arith.constant 0 : index
        %parallel_loop3A_718 = tpu.vector_load %arg8[%parallel_loop3A_716, %parallel_loop3A_717] {strides = array<i32>} : memref<128x64xf32, #tpu.memory_space<vmem>>, vector<16xf32>,
        %parallel_loop3A_719 = arith.constant 8.000000e+00 : f32
        %parallel_loop3A_720 = vector.broadcast %parallel_loop3A_719 : f32 to vector<16xf32>
        %parallel_loop3A_721 = arith.mulf %parallel_loop3A_718, %parallel_loop3A_720 : vector<16xf32>
        %parallel_loop3A_722 = arith.addf %parallel_loop3A_721, %get3A_512 : vector<16xf32>
        tpu.vector_store_idx %arg12[%select_n3A, %select_n3A_151, %parallel_loop3A_715], %parallel_loop3A_722 : memref<8x8x129xf32, #tpu.memory_space<vmem>>[vector<16xi32>, vector<16xi32>, vector<16xi32>], vector<16xf32>,
        %parallel_loop3A_723 = arith.index_cast %parallel_loop3A_714 : i32 to index
        %parallel_loop3A_724 = arith.constant 16 : index
        %parallel_loop3A_725 = tpu.vector_load %arg8[%parallel_loop3A_723, %parallel_loop3A_724] {strides = array<i32>} : memref<128x64xf32, #tpu.memory_space<vmem>>, vector<16xf32>,
        %parallel_loop3A_726 = arith.constant 8.000000e+00 : f32
        %parallel_loop3A_727 = vector.broadcast %parallel_loop3A_726 : f32 to vector<16xf32>
        %parallel_loop3A_728 = arith.mulf %parallel_loop3A_725, %parallel_loop3A_727 : vector<16xf32>
        %parallel_loop3A_729 = arith.addf %parallel_loop3A_728, %get3A_515 : vector<16xf32>
        tpu.vector_store_idx %arg12[%select_n3A_60, %select_n3A_176, %parallel_loop3A_715], %parallel_loop3A_729 : memref<8x8x129xf32, #tpu.memory_space<vmem>>[vector<16xi32>, vector<16xi32>, vector<16xi32>], vector<16xf32>,
        %parallel_loop3A_730 = arith.index_cast %parallel_loop3A_714 : i32 to index
        %parallel_loop3A_731 = arith.constant 32 : index
        %parallel_loop3A_732 = tpu.vector_load %arg8[%parallel_loop3A_730, %parallel_loop3A_731] {strides = array<i32>} : memref<128x64xf32, #tpu.memory_space<vmem>>, vector<16xf32>,
        %parallel_loop3A_733 = arith.constant 8.000000e+00 : f32
        %parallel_loop3A_734 = vector.broadcast %parallel_loop3A_733 : f32 to vector<16xf32>
        %parallel_loop3A_735 = arith.mulf %parallel_loop3A_732, %parallel_loop3A_734 : vector<16xf32>
        %parallel_loop3A_736 = arith.addf %parallel_loop3A_735, %get3A_518 : vector<16xf32>
        tpu.vector_store_idx %arg12[%select_n3A_94, %select_n3A_201, %parallel_loop3A_715], %parallel_loop3A_736 : memref<8x8x129xf32, #tpu.memory_space<vmem>>[vector<16xi32>, vector<16xi32>, vector<16xi32>], vector<16xf32>,
        %parallel_loop3A_737 = arith.index_cast %parallel_loop3A_714 : i32 to index
        %parallel_loop3A_738 = arith.constant 48 : index
        %parallel_loop3A_739 = tpu.vector_load %arg8[%parallel_loop3A_737, %parallel_loop3A_738] {strides = array<i32>} : memref<128x64xf32, #tpu.memory_space<vmem>>, vector<16xf32>,
        %parallel_loop3A_740 = arith.constant 8.000000e+00 : f32
        %parallel_loop3A_741 = vector.broadcast %parallel_loop3A_740 : f32 to vector<16xf32>
        %parallel_loop3A_742 = arith.mulf %parallel_loop3A_739, %parallel_loop3A_741 : vector<16xf32>
        %parallel_loop3A_743 = arith.addf %parallel_loop3A_742, %get3A_521 : vector<16xf32>
        tpu.vector_store_idx %arg12[%select_n3A_128, %select_n3A_226, %parallel_loop3A_715], %parallel_loop3A_743 : memref<8x8x129xf32, #tpu.memory_space<vmem>>[vector<16xi32>, vector<16xi32>, vector<16xi32>], vector<16xf32>,
      } {sc.loop_unroll_factor = 8 : i64, sc.parallel_access}
      %dma_start3A_524 = arith.constant 0 : i32
      %dma_start3A_525 = arith.constant 0 : i32
      %dma_start3A_526 = arith.constant 0 : i32
      %dma_start3A_527 = tpu.memref_slice %arg12[%dma_start3A_524, %dma_start3A_525, %dma_start3A_526] : memref<8x8x129xf32, #tpu.memory_space<vmem>> -> memref<8x8x128xf32, #tpu.memory_space<vmem>>
      %dma_start3A_528 = arith.constant 0 : i32
      %dma_start3A_529 = arith.constant 0 : i32
      %dma_start3A_530 = arith.constant 0 : i32
      %dma_start3A_531 = tpu.memref_slice %arg5[%add3A_502, %dma_start3A_528, %add3A, %dma_start3A_529, %dma_start3A_530] : memref<200x8x32x8x128xf32, #tpu.memory_space<hbm>> -> memref<1x8x1x8x128xf32, #tpu.memory_space<hbm>>
      %dma_start3A_532 = tpu.memref_squeeze %dma_start3A_531 : memref<1x8x1x8x128xf32, #tpu.memory_space<hbm>> -> memref<8x8x128xf32, #tpu.memory_space<hbm>>
      %dma_start3A_533 = arith.constant 0 : i32
      %dma_start3A_534 = arith.constant 0 : i32
      %dma_start3A_535 = arith.constant 0 : i32
      %dma_start3A_536 = tpu.memref_slice %arg5[%add3A_502, %dma_start3A_533, %add3A, %dma_start3A_534, %dma_start3A_535] : memref<200x8x32x8x128xf32, #tpu.memory_space<hbm>> -> memref<1x8x1x8x128xf32, #tpu.memory_space<hbm>>
      %dma_start3A_537 = tpu.memref_squeeze %dma_start3A_536 : memref<1x8x1x8x128xf32, #tpu.memory_space<hbm>> -> memref<8x8x128xf32, #tpu.memory_space<hbm>>
      %dma_start3A_538 = arith.constant 0 : i32
      %dma_start3A_539 = arith.constant 0 : i32
      %dma_start3A_540 = arith.constant 0 : i32
      %dma_start3A_541 = tpu.memref_slice %arg12[%dma_start3A_538, %dma_start3A_539, %dma_start3A_540] : memref<8x8x129xf32, #tpu.memory_space<vmem>> -> memref<8x8x128xf32, #tpu.memory_space<vmem>>
      tpu.enqueue_dma source(%dma_start3A_541 : memref<8x8x128xf32, #tpu.memory_space<vmem>>) target(%dma_start3A_537 : memref<8x8x128xf32, #tpu.memory_space<hbm>>) target_semaphore(%arg20 : memref<!tpu.dma_semaphore, #tpu.memory_space<semaphore_mem>>)
      %add3A_542 = arith.constant 4 : i32
      %add3A_543 = arith.addi %add3A_502, %add3A_542 : i32
      %lt3A_544 = arith.constant 200 : i32
      %lt3A_545 = arith.cmpi slt, %add3A_543, %lt3A_544 : i32
      %convert_element_type3A_546 = arith.extui %lt3A_545 : i1 to i32
      %cond3A_547 = arith.constant 0 : i32
      %cond3A_548 = arith.cmpi ne, %convert_element_type3A_546, %cond3A_547 : i32
      scf.if %cond3A_548 {
        %add3A_714 = arith.constant 4 : i32
        %add3A_715 = arith.addi %add3A_502, %add3A_714 : i32
        %jit3A_716 = arith.constant 8 : i32
        %div3A_717 = arith.divsi %add3A_715, %jit3A_716 : i32
        %sign3A_718 = arith.constant 0 : i32
        %sign3A_719 = arith.cmpi sgt, %add3A_715, %sign3A_718 : i32
        %sign3A_720 = arith.extui %sign3A_719 : i1 to i32
        %sign3A_721 = arith.constant 0 : i32
        %sign3A_722 = arith.cmpi slt, %add3A_715, %sign3A_721 : i32
        %sign3A_723 = arith.extui %sign3A_722 : i1 to i32
        %sign3A_724 = arith.subi %sign3A_720, %sign3A_723 : i32
        %sign3A_725 = arith.constant 0 : i32
        %sign3A_726 = arith.cmpi sgt, %jit3A_716, %sign3A_725 : i32
        %sign3A_727 = arith.extui %sign3A_726 : i1 to i32
        %sign3A_728 = arith.constant 0 : i32
        %sign3A_729 = arith.cmpi slt, %jit3A_716, %sign3A_728 : i32
        %sign3A_730 = arith.extui %sign3A_729 : i1 to i32
        %sign3A_731 = arith.subi %sign3A_727, %sign3A_730 : i32
        %ne3A_732 = arith.cmpi ne, %sign3A_724, %sign3A_731 : i32
        %rem3A_733 = arith.remsi %add3A_715, %jit3A_716 : i32
        %ne3A_734 = arith.constant 0 : i32
        %ne3A_735 = arith.cmpi ne, %rem3A_733, %ne3A_734 : i32
        %and3A_736 = arith.andi %ne3A_732, %ne3A_735 : i1
        %sub3A_737 = arith.constant 1 : i32
        %sub3A_738 = arith.subi %div3A_717, %sub3A_737 : i32
        %select_n3A_739 = arith.select %and3A_736, %sub3A_738, %div3A_717 : i32
        %mul3A_740 = arith.constant 8 : i32
        %mul3A_741 = arith.muli %select_n3A_739, %mul3A_740 : i32
        %sub3A_742 = arith.subi %add3A_715, %mul3A_741 : i32
        %dma_start3A_743 = arith.constant 0 : i32
        %dma_start3A_744 = tpu.memref_slice %arg6[%select_n3A_739, %sub3A_742, %dma_start3A_743] : memref<25x8x128xi32, #tpu.memory_space<vmem>> -> memref<1x1x128xi32, #tpu.memory_space<vmem>>
        %dma_start3A_745 = tpu.memref_squeeze %dma_start3A_744 : memref<1x1x128xi32, #tpu.memory_space<vmem>> -> memref<128xi32, #tpu.memory_space<vmem>>
        %dma_start3A_746 = arith.constant 0 : i32
        %dma_start3A_747 = arith.constant 0 : i32
        %dma_start3A_748 = tpu.memref_slice %arg3[%dma_start3A_746, %dma_start3A_747] : memref<1000000x64xf32, #tpu.memory_space<hbm>> -> memref<1000000x64xf32, #tpu.memory_space<hbm>>
        tpu.enqueue_indirect_dma source(%dma_start3A_748 : memref<1000000x64xf32, #tpu.memory_space<hbm>>) target(%arg8 : memref<128x64xf32, #tpu.memory_space<vmem>>) offsets(%dma_start3A_745 : memref<128xi32, #tpu.memory_space<vmem>>) semaphore(%arg16 : memref<!tpu.dma_semaphore, #tpu.memory_space<semaphore_mem>>)
      } else {
      }
      %mul3A_549 = arith.constant 4 : i32
      %mul3A_550 = arith.muli %add3A_498, %mul3A_549 : i32
      %add3A_551 = arith.constant 1 : i32
      %add3A_552 = arith.addi %mul3A_550, %add3A_551 : i32
      %dma_wait3A_553 = arith.constant 0 : i32
      %dma_wait3A_554 = arith.constant 0 : i32
      %dma_wait3A_555 = tpu.memref_slice %arg3[%dma_wait3A_553, %dma_wait3A_554] : memref<1000000x64xf32, #tpu.memory_space<hbm>> -> memref<128x64xf32, #tpu.memory_space<hbm>>
      %dma_wait3A_556 = arith.constant 0 : i32
      %dma_wait3A_557 = arith.constant 0 : i32
      %dma_wait3A_558 = tpu.memref_slice %arg3[%dma_wait3A_556, %dma_wait3A_557] : memref<1000000x64xf32, #tpu.memory_space<hbm>> -> memref<128x64xf32, #tpu.memory_space<hbm>>
      tpu.wait_dma2 semaphore(%arg17 : memref<!tpu.dma_semaphore, #tpu.memory_space<semaphore_mem>>) src(%dma_wait3A_558 : memref<128x64xf32, #tpu.memory_space<hbm>>) dst(%arg9 : memref<128x64xf32, #tpu.memory_space<vmem>>)
      %ge3A_559 = arith.constant 4 : i32
      %ge3A_560 = arith.cmpi sge, %add3A_552, %ge3A_559 : i32
      %convert_element_type3A_561 = arith.extui %ge3A_560 : i1 to i32
      %cond3A_562 = arith.constant 0 : i32
      %cond3A_563 = arith.cmpi ne, %convert_element_type3A_561, %cond3A_562 : i32
      scf.if %cond3A_563 {
        %dma_wait3A_714 = arith.constant 0 : i32
        %dma_wait3A_715 = arith.constant 0 : i32
        %dma_wait3A_716 = arith.constant 0 : i32
        %dma_wait3A_717 = arith.constant 0 : i32
        %dma_wait3A_718 = tpu.memref_slice %arg13[%dma_wait3A_715, %dma_wait3A_716, %dma_wait3A_717] : memref<8x8x129xf32, #tpu.memory_space<vmem>> -> memref<8x8x128xf32, #tpu.memory_space<vmem>>
        %dma_wait3A_719 = arith.constant 0 : i32
        %dma_wait3A_720 = arith.constant 0 : i32
        %dma_wait3A_721 = arith.constant 0 : i32
        %dma_wait3A_722 = tpu.memref_slice %arg5[%dma_wait3A_714, %dma_wait3A_719, %add3A, %dma_wait3A_720, %dma_wait3A_721] : memref<200x8x32x8x128xf32, #tpu.memory_space<hbm>> -> memref<1x8x1x8x128xf32, #tpu.memory_space<hbm>>
        %dma_wait3A_723 = tpu.memref_squeeze %dma_wait3A_722 : memref<1x8x1x8x128xf32, #tpu.memory_space<hbm>> -> memref<8x8x128xf32, #tpu.memory_space<hbm>>
        %dma_wait3A_724 = arith.constant 0 : i32
        %dma_wait3A_725 = arith.constant 0 : i32
        %dma_wait3A_726 = arith.constant 0 : i32
        %dma_wait3A_727 = tpu.memref_slice %arg5[%dma_wait3A_714, %dma_wait3A_724, %add3A, %dma_wait3A_725, %dma_wait3A_726] : memref<200x8x32x8x128xf32, #tpu.memory_space<hbm>> -> memref<1x8x1x8x128xf32, #tpu.memory_space<hbm>>
        %dma_wait3A_728 = tpu.memref_squeeze %dma_wait3A_727 : memref<1x8x1x8x128xf32, #tpu.memory_space<hbm>> -> memref<8x8x128xf32, #tpu.memory_space<hbm>>
        %dma_wait3A_729 = arith.constant 0 : i32
        %dma_wait3A_730 = arith.constant 0 : i32
        %dma_wait3A_731 = arith.constant 0 : i32
        %dma_wait3A_732 = tpu.memref_slice %arg13[%dma_wait3A_729, %dma_wait3A_730, %dma_wait3A_731] : memref<8x8x129xf32, #tpu.memory_space<vmem>> -> memref<8x8x128xf32, #tpu.memory_space<vmem>>
        tpu.wait_dma2 semaphore(%arg21 : memref<!tpu.dma_semaphore, #tpu.memory_space<semaphore_mem>>) src(%dma_wait3A_732 : memref<8x8x128xf32, #tpu.memory_space<vmem>>) dst(%dma_wait3A_728 : memref<8x8x128xf32, #tpu.memory_space<hbm>>)
      } else {
      }
      %get3A_564 = arith.index_cast %add3A_552 : i32 to index
      %get3A_565 = arith.constant 0 : index
      %get3A_566 = tpu.vector_load %arg7[%get3A_564, %get3A_565] {strides = array<i32>} : memref<200x64xf32, #tpu.memory_space<vmem>>, vector<16xf32>,
      %get3A_567 = arith.index_cast %add3A_552 : i32 to index
      %get3A_568 = arith.constant 16 : index
      %get3A_569 = tpu.vector_load %arg7[%get3A_567, %get3A_568] {strides = array<i32>} : memref<200x64xf32, #tpu.memory_space<vmem>>, vector<16xf32>,
      %get3A_570 = arith.index_cast %add3A_552 : i32 to index
      %get3A_571 = arith.constant 32 : index
      %get3A_572 = tpu.vector_load %arg7[%get3A_570, %get3A_571] {strides = array<i32>} : memref<200x64xf32, #tpu.memory_space<vmem>>, vector<16xf32>,
      %get3A_573 = arith.index_cast %add3A_552 : i32 to index
      %get3A_574 = arith.constant 48 : index
      %get3A_575 = tpu.vector_load %arg7[%get3A_573, %get3A_574] {strides = array<i32>} : memref<200x64xf32, #tpu.memory_space<vmem>>, vector<16xf32>,
      %parallel_loop3A_576 = arith.constant 0 : i32
      %parallel_loop3A_577 = arith.constant 128 : i32
      %parallel_loop3A_578 = arith.constant 1 : i32
      scf.for %parallel_loop3A_714 = %parallel_loop3A_576 to %parallel_loop3A_577 step %parallel_loop3A_578  : i32 {
        %parallel_loop3A_715 = vector.broadcast %parallel_loop3A_714 : i32 to vector<16xi32>
        %parallel_loop3A_716 = arith.index_cast %parallel_loop3A_714 : i32 to index
        %parallel_loop3A_717 = arith.constant 0 : index
        %parallel_loop3A_718 = tpu.vector_load %arg9[%parallel_loop3A_716, %parallel_loop3A_717] {strides = array<i32>} : memref<128x64xf32, #tpu.memory_space<vmem>>, vector<16xf32>,
        %parallel_loop3A_719 = arith.constant 8.000000e+00 : f32
        %parallel_loop3A_720 = vector.broadcast %parallel_loop3A_719 : f32 to vector<16xf32>
        %parallel_loop3A_721 = arith.mulf %parallel_loop3A_718, %parallel_loop3A_720 : vector<16xf32>
        %parallel_loop3A_722 = arith.addf %parallel_loop3A_721, %get3A_566 : vector<16xf32>
        tpu.vector_store_idx %arg13[%select_n3A, %select_n3A_151, %parallel_loop3A_715], %parallel_loop3A_722 : memref<8x8x129xf32, #tpu.memory_space<vmem>>[vector<16xi32>, vector<16xi32>, vector<16xi32>], vector<16xf32>,
        %parallel_loop3A_723 = arith.index_cast %parallel_loop3A_714 : i32 to index
        %parallel_loop3A_724 = arith.constant 16 : index
        %parallel_loop3A_725 = tpu.vector_load %arg9[%parallel_loop3A_723, %parallel_loop3A_724] {strides = array<i32>} : memref<128x64xf32, #tpu.memory_space<vmem>>, vector<16xf32>,
        %parallel_loop3A_726 = arith.constant 8.000000e+00 : f32
        %parallel_loop3A_727 = vector.broadcast %parallel_loop3A_726 : f32 to vector<16xf32>
        %parallel_loop3A_728 = arith.mulf %parallel_loop3A_725, %parallel_loop3A_727 : vector<16xf32>
        %parallel_loop3A_729 = arith.addf %parallel_loop3A_728, %get3A_569 : vector<16xf32>
        tpu.vector_store_idx %arg13[%select_n3A_60, %select_n3A_176, %parallel_loop3A_715], %parallel_loop3A_729 : memref<8x8x129xf32, #tpu.memory_space<vmem>>[vector<16xi32>, vector<16xi32>, vector<16xi32>], vector<16xf32>,
        %parallel_loop3A_730 = arith.index_cast %parallel_loop3A_714 : i32 to index
        %parallel_loop3A_731 = arith.constant 32 : index
        %parallel_loop3A_732 = tpu.vector_load %arg9[%parallel_loop3A_730, %parallel_loop3A_731] {strides = array<i32>} : memref<128x64xf32, #tpu.memory_space<vmem>>, vector<16xf32>,
        %parallel_loop3A_733 = arith.constant 8.000000e+00 : f32
        %parallel_loop3A_734 = vector.broadcast %parallel_loop3A_733 : f32 to vector<16xf32>
        %parallel_loop3A_735 = arith.mulf %parallel_loop3A_732, %parallel_loop3A_734 : vector<16xf32>
        %parallel_loop3A_736 = arith.addf %parallel_loop3A_735, %get3A_572 : vector<16xf32>
        tpu.vector_store_idx %arg13[%select_n3A_94, %select_n3A_201, %parallel_loop3A_715], %parallel_loop3A_736 : memref<8x8x129xf32, #tpu.memory_space<vmem>>[vector<16xi32>, vector<16xi32>, vector<16xi32>], vector<16xf32>,
        %parallel_loop3A_737 = arith.index_cast %parallel_loop3A_714 : i32 to index
        %parallel_loop3A_738 = arith.constant 48 : index
        %parallel_loop3A_739 = tpu.vector_load %arg9[%parallel_loop3A_737, %parallel_loop3A_738] {strides = array<i32>} : memref<128x64xf32, #tpu.memory_space<vmem>>, vector<16xf32>,
        %parallel_loop3A_740 = arith.constant 8.000000e+00 : f32
        %parallel_loop3A_741 = vector.broadcast %parallel_loop3A_740 : f32 to vector<16xf32>
        %parallel_loop3A_742 = arith.mulf %parallel_loop3A_739, %parallel_loop3A_741 : vector<16xf32>
        %parallel_loop3A_743 = arith.addf %parallel_loop3A_742, %get3A_575 : vector<16xf32>
        tpu.vector_store_idx %arg13[%select_n3A_128, %select_n3A_226, %parallel_loop3A_715], %parallel_loop3A_743 : memref<8x8x129xf32, #tpu.memory_space<vmem>>[vector<16xi32>, vector<16xi32>, vector<16xi32>], vector<16xf32>,
      } {sc.loop_unroll_factor = 8 : i64, sc.parallel_access}
      %dma_start3A_579 = arith.constant 0 : i32
      %dma_start3A_580 = arith.constant 0 : i32
      %dma_start3A_581 = arith.constant 0 : i32
      %dma_start3A_582 = tpu.memref_slice %arg13[%dma_start3A_579, %dma_start3A_580, %dma_start3A_581] : memref<8x8x129xf32, #tpu.memory_space<vmem>> -> memref<8x8x128xf32, #tpu.memory_space<vmem>>
      %dma_start3A_583 = arith.constant 0 : i32
      %dma_start3A_584 = arith.constant 0 : i32
      %dma_start3A_585 = arith.constant 0 : i32
      %dma_start3A_586 = tpu.memref_slice %arg5[%add3A_552, %dma_start3A_583, %add3A, %dma_start3A_584, %dma_start3A_585] : memref<200x8x32x8x128xf32, #tpu.memory_space<hbm>> -> memref<1x8x1x8x128xf32, #tpu.memory_space<hbm>>
      %dma_start3A_587 = tpu.memref_squeeze %dma_start3A_586 : memref<1x8x1x8x128xf32, #tpu.memory_space<hbm>> -> memref<8x8x128xf32, #tpu.memory_space<hbm>>
      %dma_start3A_588 = arith.constant 0 : i32
      %dma_start3A_589 = arith.constant 0 : i32
      %dma_start3A_590 = arith.constant 0 : i32
      %dma_start3A_591 = tpu.memref_slice %arg5[%add3A_552, %dma_start3A_588, %add3A, %dma_start3A_589, %dma_start3A_590] : memref<200x8x32x8x128xf32, #tpu.memory_space<hbm>> -> memref<1x8x1x8x128xf32, #tpu.memory_space<hbm>>
      %dma_start3A_592 = tpu.memref_squeeze %dma_start3A_591 : memref<1x8x1x8x128xf32, #tpu.memory_space<hbm>> -> memref<8x8x128xf32, #tpu.memory_space<hbm>>
      %dma_start3A_593 = arith.constant 0 : i32
      %dma_start3A_594 = arith.constant 0 : i32
      %dma_start3A_595 = arith.constant 0 : i32
      %dma_start3A_596 = tpu.memref_slice %arg13[%dma_start3A_593, %dma_start3A_594, %dma_start3A_595] : memref<8x8x129xf32, #tpu.memory_space<vmem>> -> memref<8x8x128xf32, #tpu.memory_space<vmem>>
      tpu.enqueue_dma source(%dma_start3A_596 : memref<8x8x128xf32, #tpu.memory_space<vmem>>) target(%dma_start3A_592 : memref<8x8x128xf32, #tpu.memory_space<hbm>>) target_semaphore(%arg21 : memref<!tpu.dma_semaphore, #tpu.memory_space<semaphore_mem>>)
      %add3A_597 = arith.constant 4 : i32
      %add3A_598 = arith.addi %add3A_552, %add3A_597 : i32
      %lt3A_599 = arith.constant 200 : i32
      %lt3A_600 = arith.cmpi slt, %add3A_598, %lt3A_599 : i32
      %convert_element_type3A_601 = arith.extui %lt3A_600 : i1 to i32
      %cond3A_602 = arith.constant 0 : i32
      %cond3A_603 = arith.cmpi ne, %convert_element_type3A_601, %cond3A_602 : i32
      scf.if %cond3A_603 {
        %add3A_714 = arith.constant 4 : i32
        %add3A_715 = arith.addi %add3A_552, %add3A_714 : i32
        %jit3A_716 = arith.constant 8 : i32
        %div3A_717 = arith.divsi %add3A_715, %jit3A_716 : i32
        %sign3A_718 = arith.constant 0 : i32
        %sign3A_719 = arith.cmpi sgt, %add3A_715, %sign3A_718 : i32
        %sign3A_720 = arith.extui %sign3A_719 : i1 to i32
        %sign3A_721 = arith.constant 0 : i32
        %sign3A_722 = arith.cmpi slt, %add3A_715, %sign3A_721 : i32
        %sign3A_723 = arith.extui %sign3A_722 : i1 to i32
        %sign3A_724 = arith.subi %sign3A_720, %sign3A_723 : i32
        %sign3A_725 = arith.constant 0 : i32
        %sign3A_726 = arith.cmpi sgt, %jit3A_716, %sign3A_725 : i32
        %sign3A_727 = arith.extui %sign3A_726 : i1 to i32
        %sign3A_728 = arith.constant 0 : i32
        %sign3A_729 = arith.cmpi slt, %jit3A_716, %sign3A_728 : i32
        %sign3A_730 = arith.extui %sign3A_729 : i1 to i32
        %sign3A_731 = arith.subi %sign3A_727, %sign3A_730 : i32
        %ne3A_732 = arith.cmpi ne, %sign3A_724, %sign3A_731 : i32
        %rem3A_733 = arith.remsi %add3A_715, %jit3A_716 : i32
        %ne3A_734 = arith.constant 0 : i32
        %ne3A_735 = arith.cmpi ne, %rem3A_733, %ne3A_734 : i32
        %and3A_736 = arith.andi %ne3A_732, %ne3A_735 : i1
        %sub3A_737 = arith.constant 1 : i32
        %sub3A_738 = arith.subi %div3A_717, %sub3A_737 : i32
        %select_n3A_739 = arith.select %and3A_736, %sub3A_738, %div3A_717 : i32
        %mul3A_740 = arith.constant 8 : i32
        %mul3A_741 = arith.muli %select_n3A_739, %mul3A_740 : i32
        %sub3A_742 = arith.subi %add3A_715, %mul3A_741 : i32
        %dma_start3A_743 = arith.constant 0 : i32
        %dma_start3A_744 = tpu.memref_slice %arg6[%select_n3A_739, %sub3A_742, %dma_start3A_743] : memref<25x8x128xi32, #tpu.memory_space<vmem>> -> memref<1x1x128xi32, #tpu.memory_space<vmem>>
        %dma_start3A_745 = tpu.memref_squeeze %dma_start3A_744 : memref<1x1x128xi32, #tpu.memory_space<vmem>> -> memref<128xi32, #tpu.memory_space<vmem>>
        %dma_start3A_746 = arith.constant 0 : i32
        %dma_start3A_747 = arith.constant 0 : i32
        %dma_start3A_748 = tpu.memref_slice %arg3[%dma_start3A_746, %dma_start3A_747] : memref<1000000x64xf32, #tpu.memory_space<hbm>> -> memref<1000000x64xf32, #tpu.memory_space<hbm>>
        tpu.enqueue_indirect_dma source(%dma_start3A_748 : memref<1000000x64xf32, #tpu.memory_space<hbm>>) target(%arg9 : memref<128x64xf32, #tpu.memory_space<vmem>>) offsets(%dma_start3A_745 : memref<128xi32, #tpu.memory_space<vmem>>) semaphore(%arg17 : memref<!tpu.dma_semaphore, #tpu.memory_space<semaphore_mem>>)
      } else {
      }
      %mul3A_604 = arith.constant 4 : i32
      %mul3A_605 = arith.muli %add3A_498, %mul3A_604 : i32
      %add3A_606 = arith.constant 2 : i32
      %add3A_607 = arith.addi %mul3A_605, %add3A_606 : i32
      %dma_wait3A_608 = arith.constant 0 : i32
      %dma_wait3A_609 = arith.constant 0 : i32
      %dma_wait3A_610 = tpu.memref_slice %arg3[%dma_wait3A_608, %dma_wait3A_609] : memref<1000000x64xf32, #tpu.memory_space<hbm>> -> memref<128x64xf32, #tpu.memory_space<hbm>>
      %dma_wait3A_611 = arith.constant 0 : i32
      %dma_wait3A_612 = arith.constant 0 : i32
      %dma_wait3A_613 = tpu.memref_slice %arg3[%dma_wait3A_611, %dma_wait3A_612] : memref<1000000x64xf32, #tpu.memory_space<hbm>> -> memref<128x64xf32, #tpu.memory_space<hbm>>
      tpu.wait_dma2 semaphore(%arg18 : memref<!tpu.dma_semaphore, #tpu.memory_space<semaphore_mem>>) src(%dma_wait3A_613 : memref<128x64xf32, #tpu.memory_space<hbm>>) dst(%arg10 : memref<128x64xf32, #tpu.memory_space<vmem>>)
      %ge3A_614 = arith.constant 4 : i32
      %ge3A_615 = arith.cmpi sge, %add3A_607, %ge3A_614 : i32
      %convert_element_type3A_616 = arith.extui %ge3A_615 : i1 to i32
      %cond3A_617 = arith.constant 0 : i32
      %cond3A_618 = arith.cmpi ne, %convert_element_type3A_616, %cond3A_617 : i32
      scf.if %cond3A_618 {
        %dma_wait3A_714 = arith.constant 0 : i32
        %dma_wait3A_715 = arith.constant 0 : i32
        %dma_wait3A_716 = arith.constant 0 : i32
        %dma_wait3A_717 = arith.constant 0 : i32
        %dma_wait3A_718 = tpu.memref_slice %arg14[%dma_wait3A_715, %dma_wait3A_716, %dma_wait3A_717] : memref<8x8x129xf32, #tpu.memory_space<vmem>> -> memref<8x8x128xf32, #tpu.memory_space<vmem>>
        %dma_wait3A_719 = arith.constant 0 : i32
        %dma_wait3A_720 = arith.constant 0 : i32
        %dma_wait3A_721 = arith.constant 0 : i32
        %dma_wait3A_722 = tpu.memref_slice %arg5[%dma_wait3A_714, %dma_wait3A_719, %add3A, %dma_wait3A_720, %dma_wait3A_721] : memref<200x8x32x8x128xf32, #tpu.memory_space<hbm>> -> memref<1x8x1x8x128xf32, #tpu.memory_space<hbm>>
        %dma_wait3A_723 = tpu.memref_squeeze %dma_wait3A_722 : memref<1x8x1x8x128xf32, #tpu.memory_space<hbm>> -> memref<8x8x128xf32, #tpu.memory_space<hbm>>
        %dma_wait3A_724 = arith.constant 0 : i32
        %dma_wait3A_725 = arith.constant 0 : i32
        %dma_wait3A_726 = arith.constant 0 : i32
        %dma_wait3A_727 = tpu.memref_slice %arg5[%dma_wait3A_714, %dma_wait3A_724, %add3A, %dma_wait3A_725, %dma_wait3A_726] : memref<200x8x32x8x128xf32, #tpu.memory_space<hbm>> -> memref<1x8x1x8x128xf32, #tpu.memory_space<hbm>>
        %dma_wait3A_728 = tpu.memref_squeeze %dma_wait3A_727 : memref<1x8x1x8x128xf32, #tpu.memory_space<hbm>> -> memref<8x8x128xf32, #tpu.memory_space<hbm>>
        %dma_wait3A_729 = arith.constant 0 : i32
        %dma_wait3A_730 = arith.constant 0 : i32
        %dma_wait3A_731 = arith.constant 0 : i32
        %dma_wait3A_732 = tpu.memref_slice %arg14[%dma_wait3A_729, %dma_wait3A_730, %dma_wait3A_731] : memref<8x8x129xf32, #tpu.memory_space<vmem>> -> memref<8x8x128xf32, #tpu.memory_space<vmem>>
        tpu.wait_dma2 semaphore(%arg22 : memref<!tpu.dma_semaphore, #tpu.memory_space<semaphore_mem>>) src(%dma_wait3A_732 : memref<8x8x128xf32, #tpu.memory_space<vmem>>) dst(%dma_wait3A_728 : memref<8x8x128xf32, #tpu.memory_space<hbm>>)
      } else {
      }
      %get3A_619 = arith.index_cast %add3A_607 : i32 to index
      %get3A_620 = arith.constant 0 : index
      %get3A_621 = tpu.vector_load %arg7[%get3A_619, %get3A_620] {strides = array<i32>} : memref<200x64xf32, #tpu.memory_space<vmem>>, vector<16xf32>,
      %get3A_622 = arith.index_cast %add3A_607 : i32 to index
      %get3A_623 = arith.constant 16 : index
      %get3A_624 = tpu.vector_load %arg7[%get3A_622, %get3A_623] {strides = array<i32>} : memref<200x64xf32, #tpu.memory_space<vmem>>, vector<16xf32>,
      %get3A_625 = arith.index_cast %add3A_607 : i32 to index
      %get3A_626 = arith.constant 32 : index
      %get3A_627 = tpu.vector_load %arg7[%get3A_625, %get3A_626] {strides = array<i32>} : memref<200x64xf32, #tpu.memory_space<vmem>>, vector<16xf32>,
      %get3A_628 = arith.index_cast %add3A_607 : i32 to index
      %get3A_629 = arith.constant 48 : index
      %get3A_630 = tpu.vector_load %arg7[%get3A_628, %get3A_629] {strides = array<i32>} : memref<200x64xf32, #tpu.memory_space<vmem>>, vector<16xf32>,
      %parallel_loop3A_631 = arith.constant 0 : i32
      %parallel_loop3A_632 = arith.constant 128 : i32
      %parallel_loop3A_633 = arith.constant 1 : i32
      scf.for %parallel_loop3A_714 = %parallel_loop3A_631 to %parallel_loop3A_632 step %parallel_loop3A_633  : i32 {
        %parallel_loop3A_715 = vector.broadcast %parallel_loop3A_714 : i32 to vector<16xi32>
        %parallel_loop3A_716 = arith.index_cast %parallel_loop3A_714 : i32 to index
        %parallel_loop3A_717 = arith.constant 0 : index
        %parallel_loop3A_718 = tpu.vector_load %arg10[%parallel_loop3A_716, %parallel_loop3A_717] {strides = array<i32>} : memref<128x64xf32, #tpu.memory_space<vmem>>, vector<16xf32>,
        %parallel_loop3A_719 = arith.constant 8.000000e+00 : f32
        %parallel_loop3A_720 = vector.broadcast %parallel_loop3A_719 : f32 to vector<16xf32>
        %parallel_loop3A_721 = arith.mulf %parallel_loop3A_718, %parallel_loop3A_720 : vector<16xf32>
        %parallel_loop3A_722 = arith.addf %parallel_loop3A_721, %get3A_621 : vector<16xf32>
        tpu.vector_store_idx %arg14[%select_n3A, %select_n3A_151, %parallel_loop3A_715], %parallel_loop3A_722 : memref<8x8x129xf32, #tpu.memory_space<vmem>>[vector<16xi32>, vector<16xi32>, vector<16xi32>], vector<16xf32>,
        %parallel_loop3A_723 = arith.index_cast %parallel_loop3A_714 : i32 to index
        %parallel_loop3A_724 = arith.constant 16 : index
        %parallel_loop3A_725 = tpu.vector_load %arg10[%parallel_loop3A_723, %parallel_loop3A_724] {strides = array<i32>} : memref<128x64xf32, #tpu.memory_space<vmem>>, vector<16xf32>,
        %parallel_loop3A_726 = arith.constant 8.000000e+00 : f32
        %parallel_loop3A_727 = vector.broadcast %parallel_loop3A_726 : f32 to vector<16xf32>
        %parallel_loop3A_728 = arith.mulf %parallel_loop3A_725, %parallel_loop3A_727 : vector<16xf32>
        %parallel_loop3A_729 = arith.addf %parallel_loop3A_728, %get3A_624 : vector<16xf32>
        tpu.vector_store_idx %arg14[%select_n3A_60, %select_n3A_176, %parallel_loop3A_715], %parallel_loop3A_729 : memref<8x8x129xf32, #tpu.memory_space<vmem>>[vector<16xi32>, vector<16xi32>, vector<16xi32>], vector<16xf32>,
        %parallel_loop3A_730 = arith.index_cast %parallel_loop3A_714 : i32 to index
        %parallel_loop3A_731 = arith.constant 32 : index
        %parallel_loop3A_732 = tpu.vector_load %arg10[%parallel_loop3A_730, %parallel_loop3A_731] {strides = array<i32>} : memref<128x64xf32, #tpu.memory_space<vmem>>, vector<16xf32>,
        %parallel_loop3A_733 = arith.constant 8.000000e+00 : f32
        %parallel_loop3A_734 = vector.broadcast %parallel_loop3A_733 : f32 to vector<16xf32>
        %parallel_loop3A_735 = arith.mulf %parallel_loop3A_732, %parallel_loop3A_734 : vector<16xf32>
        %parallel_loop3A_736 = arith.addf %parallel_loop3A_735, %get3A_627 : vector<16xf32>
        tpu.vector_store_idx %arg14[%select_n3A_94, %select_n3A_201, %parallel_loop3A_715], %parallel_loop3A_736 : memref<8x8x129xf32, #tpu.memory_space<vmem>>[vector<16xi32>, vector<16xi32>, vector<16xi32>], vector<16xf32>,
        %parallel_loop3A_737 = arith.index_cast %parallel_loop3A_714 : i32 to index
        %parallel_loop3A_738 = arith.constant 48 : index
        %parallel_loop3A_739 = tpu.vector_load %arg10[%parallel_loop3A_737, %parallel_loop3A_738] {strides = array<i32>} : memref<128x64xf32, #tpu.memory_space<vmem>>, vector<16xf32>,
        %parallel_loop3A_740 = arith.constant 8.000000e+00 : f32
        %parallel_loop3A_741 = vector.broadcast %parallel_loop3A_740 : f32 to vector<16xf32>
        %parallel_loop3A_742 = arith.mulf %parallel_loop3A_739, %parallel_loop3A_741 : vector<16xf32>
        %parallel_loop3A_743 = arith.addf %parallel_loop3A_742, %get3A_630 : vector<16xf32>
        tpu.vector_store_idx %arg14[%select_n3A_128, %select_n3A_226, %parallel_loop3A_715], %parallel_loop3A_743 : memref<8x8x129xf32, #tpu.memory_space<vmem>>[vector<16xi32>, vector<16xi32>, vector<16xi32>], vector<16xf32>,
      } {sc.loop_unroll_factor = 8 : i64, sc.parallel_access}
      %dma_start3A_634 = arith.constant 0 : i32
      %dma_start3A_635 = arith.constant 0 : i32
      %dma_start3A_636 = arith.constant 0 : i32
      %dma_start3A_637 = tpu.memref_slice %arg14[%dma_start3A_634, %dma_start3A_635, %dma_start3A_636] : memref<8x8x129xf32, #tpu.memory_space<vmem>> -> memref<8x8x128xf32, #tpu.memory_space<vmem>>
      %dma_start3A_638 = arith.constant 0 : i32
      %dma_start3A_639 = arith.constant 0 : i32
      %dma_start3A_640 = arith.constant 0 : i32
      %dma_start3A_641 = tpu.memref_slice %arg5[%add3A_607, %dma_start3A_638, %add3A, %dma_start3A_639, %dma_start3A_640] : memref<200x8x32x8x128xf32, #tpu.memory_space<hbm>> -> memref<1x8x1x8x128xf32, #tpu.memory_space<hbm>>
      %dma_start3A_642 = tpu.memref_squeeze %dma_start3A_641 : memref<1x8x1x8x128xf32, #tpu.memory_space<hbm>> -> memref<8x8x128xf32, #tpu.memory_space<hbm>>
      %dma_start3A_643 = arith.constant 0 : i32
      %dma_start3A_644 = arith.constant 0 : i32
      %dma_start3A_645 = arith.constant 0 : i32
      %dma_start3A_646 = tpu.memref_slice %arg5[%add3A_607, %dma_start3A_643, %add3A, %dma_start3A_644, %dma_start3A_645] : memref<200x8x32x8x128xf32, #tpu.memory_space<hbm>> -> memref<1x8x1x8x128xf32, #tpu.memory_space<hbm>>
      %dma_start3A_647 = tpu.memref_squeeze %dma_start3A_646 : memref<1x8x1x8x128xf32, #tpu.memory_space<hbm>> -> memref<8x8x128xf32, #tpu.memory_space<hbm>>
      %dma_start3A_648 = arith.constant 0 : i32
      %dma_start3A_649 = arith.constant 0 : i32
      %dma_start3A_650 = arith.constant 0 : i32
      %dma_start3A_651 = tpu.memref_slice %arg14[%dma_start3A_648, %dma_start3A_649, %dma_start3A_650] : memref<8x8x129xf32, #tpu.memory_space<vmem>> -> memref<8x8x128xf32, #tpu.memory_space<vmem>>
      tpu.enqueue_dma source(%dma_start3A_651 : memref<8x8x128xf32, #tpu.memory_space<vmem>>) target(%dma_start3A_647 : memref<8x8x128xf32, #tpu.memory_space<hbm>>) target_semaphore(%arg22 : memref<!tpu.dma_semaphore, #tpu.memory_space<semaphore_mem>>)
      %add3A_652 = arith.constant 4 : i32
      %add3A_653 = arith.addi %add3A_607, %add3A_652 : i32
      %lt3A_654 = arith.constant 200 : i32
      %lt3A_655 = arith.cmpi slt, %add3A_653, %lt3A_654 : i32
      %convert_element_type3A_656 = arith.extui %lt3A_655 : i1 to i32
      %cond3A_657 = arith.constant 0 : i32
      %cond3A_658 = arith.cmpi ne, %convert_element_type3A_656, %cond3A_657 : i32
      scf.if %cond3A_658 {
        %add3A_714 = arith.constant 4 : i32
        %add3A_715 = arith.addi %add3A_607, %add3A_714 : i32
        %jit3A_716 = arith.constant 8 : i32
        %div3A_717 = arith.divsi %add3A_715, %jit3A_716 : i32
        %sign3A_718 = arith.constant 0 : i32
        %sign3A_719 = arith.cmpi sgt, %add3A_715, %sign3A_718 : i32
        %sign3A_720 = arith.extui %sign3A_719 : i1 to i32
        %sign3A_721 = arith.constant 0 : i32
        %sign3A_722 = arith.cmpi slt, %add3A_715, %sign3A_721 : i32
        %sign3A_723 = arith.extui %sign3A_722 : i1 to i32
        %sign3A_724 = arith.subi %sign3A_720, %sign3A_723 : i32
        %sign3A_725 = arith.constant 0 : i32
        %sign3A_726 = arith.cmpi sgt, %jit3A_716, %sign3A_725 : i32
        %sign3A_727 = arith.extui %sign3A_726 : i1 to i32
        %sign3A_728 = arith.constant 0 : i32
        %sign3A_729 = arith.cmpi slt, %jit3A_716, %sign3A_728 : i32
        %sign3A_730 = arith.extui %sign3A_729 : i1 to i32
        %sign3A_731 = arith.subi %sign3A_727, %sign3A_730 : i32
        %ne3A_732 = arith.cmpi ne, %sign3A_724, %sign3A_731 : i32
        %rem3A_733 = arith.remsi %add3A_715, %jit3A_716 : i32
        %ne3A_734 = arith.constant 0 : i32
        %ne3A_735 = arith.cmpi ne, %rem3A_733, %ne3A_734 : i32
        %and3A_736 = arith.andi %ne3A_732, %ne3A_735 : i1
        %sub3A_737 = arith.constant 1 : i32
        %sub3A_738 = arith.subi %div3A_717, %sub3A_737 : i32
        %select_n3A_739 = arith.select %and3A_736, %sub3A_738, %div3A_717 : i32
        %mul3A_740 = arith.constant 8 : i32
        %mul3A_741 = arith.muli %select_n3A_739, %mul3A_740 : i32
        %sub3A_742 = arith.subi %add3A_715, %mul3A_741 : i32
        %dma_start3A_743 = arith.constant 0 : i32
        %dma_start3A_744 = tpu.memref_slice %arg6[%select_n3A_739, %sub3A_742, %dma_start3A_743] : memref<25x8x128xi32, #tpu.memory_space<vmem>> -> memref<1x1x128xi32, #tpu.memory_space<vmem>>
        %dma_start3A_745 = tpu.memref_squeeze %dma_start3A_744 : memref<1x1x128xi32, #tpu.memory_space<vmem>> -> memref<128xi32, #tpu.memory_space<vmem>>
        %dma_start3A_746 = arith.constant 0 : i32
        %dma_start3A_747 = arith.constant 0 : i32
        %dma_start3A_748 = tpu.memref_slice %arg3[%dma_start3A_746, %dma_start3A_747] : memref<1000000x64xf32, #tpu.memory_space<hbm>> -> memref<1000000x64xf32, #tpu.memory_space<hbm>>
        tpu.enqueue_indirect_dma source(%dma_start3A_748 : memref<1000000x64xf32, #tpu.memory_space<hbm>>) target(%arg10 : memref<128x64xf32, #tpu.memory_space<vmem>>) offsets(%dma_start3A_745 : memref<128xi32, #tpu.memory_space<vmem>>) semaphore(%arg18 : memref<!tpu.dma_semaphore, #tpu.memory_space<semaphore_mem>>)
      } else {
      }
      %mul3A_659 = arith.constant 4 : i32
      %mul3A_660 = arith.muli %add3A_498, %mul3A_659 : i32
      %add3A_661 = arith.constant 3 : i32
      %add3A_662 = arith.addi %mul3A_660, %add3A_661 : i32
      %dma_wait3A_663 = arith.constant 0 : i32
      %dma_wait3A_664 = arith.constant 0 : i32
      %dma_wait3A_665 = tpu.memref_slice %arg3[%dma_wait3A_663, %dma_wait3A_664] : memref<1000000x64xf32, #tpu.memory_space<hbm>> -> memref<128x64xf32, #tpu.memory_space<hbm>>
      %dma_wait3A_666 = arith.constant 0 : i32
      %dma_wait3A_667 = arith.constant 0 : i32
      %dma_wait3A_668 = tpu.memref_slice %arg3[%dma_wait3A_666, %dma_wait3A_667] : memref<1000000x64xf32, #tpu.memory_space<hbm>> -> memref<128x64xf32, #tpu.memory_space<hbm>>
      tpu.wait_dma2 semaphore(%arg19 : memref<!tpu.dma_semaphore, #tpu.memory_space<semaphore_mem>>) src(%dma_wait3A_668 : memref<128x64xf32, #tpu.memory_space<hbm>>) dst(%arg11 : memref<128x64xf32, #tpu.memory_space<vmem>>)
      %ge3A_669 = arith.constant 4 : i32
      %ge3A_670 = arith.cmpi sge, %add3A_662, %ge3A_669 : i32
      %convert_element_type3A_671 = arith.extui %ge3A_670 : i1 to i32
      %cond3A_672 = arith.constant 0 : i32
      %cond3A_673 = arith.cmpi ne, %convert_element_type3A_671, %cond3A_672 : i32
      scf.if %cond3A_673 {
        %dma_wait3A_714 = arith.constant 0 : i32
        %dma_wait3A_715 = arith.constant 0 : i32
        %dma_wait3A_716 = arith.constant 0 : i32
        %dma_wait3A_717 = arith.constant 0 : i32
        %dma_wait3A_718 = tpu.memref_slice %arg15[%dma_wait3A_715, %dma_wait3A_716, %dma_wait3A_717] : memref<8x8x129xf32, #tpu.memory_space<vmem>> -> memref<8x8x128xf32, #tpu.memory_space<vmem>>
        %dma_wait3A_719 = arith.constant 0 : i32
        %dma_wait3A_720 = arith.constant 0 : i32
        %dma_wait3A_721 = arith.constant 0 : i32
        %dma_wait3A_722 = tpu.memref_slice %arg5[%dma_wait3A_714, %dma_wait3A_719, %add3A, %dma_wait3A_720, %dma_wait3A_721] : memref<200x8x32x8x128xf32, #tpu.memory_space<hbm>> -> memref<1x8x1x8x128xf32, #tpu.memory_space<hbm>>
        %dma_wait3A_723 = tpu.memref_squeeze %dma_wait3A_722 : memref<1x8x1x8x128xf32, #tpu.memory_space<hbm>> -> memref<8x8x128xf32, #tpu.memory_space<hbm>>
        %dma_wait3A_724 = arith.constant 0 : i32
        %dma_wait3A_725 = arith.constant 0 : i32
        %dma_wait3A_726 = arith.constant 0 : i32
        %dma_wait3A_727 = tpu.memref_slice %arg5[%dma_wait3A_714, %dma_wait3A_724, %add3A, %dma_wait3A_725, %dma_wait3A_726] : memref<200x8x32x8x128xf32, #tpu.memory_space<hbm>> -> memref<1x8x1x8x128xf32, #tpu.memory_space<hbm>>
        %dma_wait3A_728 = tpu.memref_squeeze %dma_wait3A_727 : memref<1x8x1x8x128xf32, #tpu.memory_space<hbm>> -> memref<8x8x128xf32, #tpu.memory_space<hbm>>
        %dma_wait3A_729 = arith.constant 0 : i32
        %dma_wait3A_730 = arith.constant 0 : i32
        %dma_wait3A_731 = arith.constant 0 : i32
        %dma_wait3A_732 = tpu.memref_slice %arg15[%dma_wait3A_729, %dma_wait3A_730, %dma_wait3A_731] : memref<8x8x129xf32, #tpu.memory_space<vmem>> -> memref<8x8x128xf32, #tpu.memory_space<vmem>>
        tpu.wait_dma2 semaphore(%arg23 : memref<!tpu.dma_semaphore, #tpu.memory_space<semaphore_mem>>) src(%dma_wait3A_732 : memref<8x8x128xf32, #tpu.memory_space<vmem>>) dst(%dma_wait3A_728 : memref<8x8x128xf32, #tpu.memory_space<hbm>>)
      } else {
      }
      %get3A_674 = arith.index_cast %add3A_662 : i32 to index
      %get3A_675 = arith.constant 0 : index
      %get3A_676 = tpu.vector_load %arg7[%get3A_674, %get3A_675] {strides = array<i32>} : memref<200x64xf32, #tpu.memory_space<vmem>>, vector<16xf32>,
      %get3A_677 = arith.index_cast %add3A_662 : i32 to index
      %get3A_678 = arith.constant 16 : index
      %get3A_679 = tpu.vector_load %arg7[%get3A_677, %get3A_678] {strides = array<i32>} : memref<200x64xf32, #tpu.memory_space<vmem>>, vector<16xf32>,
      %get3A_680 = arith.index_cast %add3A_662 : i32 to index
      %get3A_681 = arith.constant 32 : index
      %get3A_682 = tpu.vector_load %arg7[%get3A_680, %get3A_681] {strides = array<i32>} : memref<200x64xf32, #tpu.memory_space<vmem>>, vector<16xf32>,
      %get3A_683 = arith.index_cast %add3A_662 : i32 to index
      %get3A_684 = arith.constant 48 : index
      %get3A_685 = tpu.vector_load %arg7[%get3A_683, %get3A_684] {strides = array<i32>} : memref<200x64xf32, #tpu.memory_space<vmem>>, vector<16xf32>,
      %parallel_loop3A_686 = arith.constant 0 : i32
      %parallel_loop3A_687 = arith.constant 128 : i32
      %parallel_loop3A_688 = arith.constant 1 : i32
      scf.for %parallel_loop3A_714 = %parallel_loop3A_686 to %parallel_loop3A_687 step %parallel_loop3A_688  : i32 {
        %parallel_loop3A_715 = vector.broadcast %parallel_loop3A_714 : i32 to vector<16xi32>
        %parallel_loop3A_716 = arith.index_cast %parallel_loop3A_714 : i32 to index
        %parallel_loop3A_717 = arith.constant 0 : index
        %parallel_loop3A_718 = tpu.vector_load %arg11[%parallel_loop3A_716, %parallel_loop3A_717] {strides = array<i32>} : memref<128x64xf32, #tpu.memory_space<vmem>>, vector<16xf32>,
        %parallel_loop3A_719 = arith.constant 8.000000e+00 : f32
        %parallel_loop3A_720 = vector.broadcast %parallel_loop3A_719 : f32 to vector<16xf32>
        %parallel_loop3A_721 = arith.mulf %parallel_loop3A_718, %parallel_loop3A_720 : vector<16xf32>
        %parallel_loop3A_722 = arith.addf %parallel_loop3A_721, %get3A_676 : vector<16xf32>
        tpu.vector_store_idx %arg15[%select_n3A, %select_n3A_151, %parallel_loop3A_715], %parallel_loop3A_722 : memref<8x8x129xf32, #tpu.memory_space<vmem>>[vector<16xi32>, vector<16xi32>, vector<16xi32>], vector<16xf32>,
        %parallel_loop3A_723 = arith.index_cast %parallel_loop3A_714 : i32 to index
        %parallel_loop3A_724 = arith.constant 16 : index
        %parallel_loop3A_725 = tpu.vector_load %arg11[%parallel_loop3A_723, %parallel_loop3A_724] {strides = array<i32>} : memref<128x64xf32, #tpu.memory_space<vmem>>, vector<16xf32>,
        %parallel_loop3A_726 = arith.constant 8.000000e+00 : f32
        %parallel_loop3A_727 = vector.broadcast %parallel_loop3A_726 : f32 to vector<16xf32>
        %parallel_loop3A_728 = arith.mulf %parallel_loop3A_725, %parallel_loop3A_727 : vector<16xf32>
        %parallel_loop3A_729 = arith.addf %parallel_loop3A_728, %get3A_679 : vector<16xf32>
        tpu.vector_store_idx %arg15[%select_n3A_60, %select_n3A_176, %parallel_loop3A_715], %parallel_loop3A_729 : memref<8x8x129xf32, #tpu.memory_space<vmem>>[vector<16xi32>, vector<16xi32>, vector<16xi32>], vector<16xf32>,
        %parallel_loop3A_730 = arith.index_cast %parallel_loop3A_714 : i32 to index
        %parallel_loop3A_731 = arith.constant 32 : index
        %parallel_loop3A_732 = tpu.vector_load %arg11[%parallel_loop3A_730, %parallel_loop3A_731] {strides = array<i32>} : memref<128x64xf32, #tpu.memory_space<vmem>>, vector<16xf32>,
        %parallel_loop3A_733 = arith.constant 8.000000e+00 : f32
        %parallel_loop3A_734 = vector.broadcast %parallel_loop3A_733 : f32 to vector<16xf32>
        %parallel_loop3A_735 = arith.mulf %parallel_loop3A_732, %parallel_loop3A_734 : vector<16xf32>
        %parallel_loop3A_736 = arith.addf %parallel_loop3A_735, %get3A_682 : vector<16xf32>
        tpu.vector_store_idx %arg15[%select_n3A_94, %select_n3A_201, %parallel_loop3A_715], %parallel_loop3A_736 : memref<8x8x129xf32, #tpu.memory_space<vmem>>[vector<16xi32>, vector<16xi32>, vector<16xi32>], vector<16xf32>,
        %parallel_loop3A_737 = arith.index_cast %parallel_loop3A_714 : i32 to index
        %parallel_loop3A_738 = arith.constant 48 : index
        %parallel_loop3A_739 = tpu.vector_load %arg11[%parallel_loop3A_737, %parallel_loop3A_738] {strides = array<i32>} : memref<128x64xf32, #tpu.memory_space<vmem>>, vector<16xf32>,
        %parallel_loop3A_740 = arith.constant 8.000000e+00 : f32
        %parallel_loop3A_741 = vector.broadcast %parallel_loop3A_740 : f32 to vector<16xf32>
        %parallel_loop3A_742 = arith.mulf %parallel_loop3A_739, %parallel_loop3A_741 : vector<16xf32>
        %parallel_loop3A_743 = arith.addf %parallel_loop3A_742, %get3A_685 : vector<16xf32>
        tpu.vector_store_idx %arg15[%select_n3A_128, %select_n3A_226, %parallel_loop3A_715], %parallel_loop3A_743 : memref<8x8x129xf32, #tpu.memory_space<vmem>>[vector<16xi32>, vector<16xi32>, vector<16xi32>], vector<16xf32>,
      } {sc.loop_unroll_factor = 8 : i64, sc.parallel_access}
      %dma_start3A_689 = arith.constant 0 : i32
      %dma_start3A_690 = arith.constant 0 : i32
      %dma_start3A_691 = arith.constant 0 : i32
      %dma_start3A_692 = tpu.memref_slice %arg15[%dma_start3A_689, %dma_start3A_690, %dma_start3A_691] : memref<8x8x129xf32, #tpu.memory_space<vmem>> -> memref<8x8x128xf32, #tpu.memory_space<vmem>>
      %dma_start3A_693 = arith.constant 0 : i32
      %dma_start3A_694 = arith.constant 0 : i32
      %dma_start3A_695 = arith.constant 0 : i32
      %dma_start3A_696 = tpu.memref_slice %arg5[%add3A_662, %dma_start3A_693, %add3A, %dma_start3A_694, %dma_start3A_695] : memref<200x8x32x8x128xf32, #tpu.memory_space<hbm>> -> memref<1x8x1x8x128xf32, #tpu.memory_space<hbm>>
      %dma_start3A_697 = tpu.memref_squeeze %dma_start3A_696 : memref<1x8x1x8x128xf32, #tpu.memory_space<hbm>> -> memref<8x8x128xf32, #tpu.memory_space<hbm>>
      %dma_start3A_698 = arith.constant 0 : i32
      %dma_start3A_699 = arith.constant 0 : i32
      %dma_start3A_700 = arith.constant 0 : i32
      %dma_start3A_701 = tpu.memref_slice %arg5[%add3A_662, %dma_start3A_698, %add3A, %dma_start3A_699, %dma_start3A_700] : memref<200x8x32x8x128xf32, #tpu.memory_space<hbm>> -> memref<1x8x1x8x128xf32, #tpu.memory_space<hbm>>
      %dma_start3A_702 = tpu.memref_squeeze %dma_start3A_701 : memref<1x8x1x8x128xf32, #tpu.memory_space<hbm>> -> memref<8x8x128xf32, #tpu.memory_space<hbm>>
      %dma_start3A_703 = arith.constant 0 : i32
      %dma_start3A_704 = arith.constant 0 : i32
      %dma_start3A_705 = arith.constant 0 : i32
      %dma_start3A_706 = tpu.memref_slice %arg15[%dma_start3A_703, %dma_start3A_704, %dma_start3A_705] : memref<8x8x129xf32, #tpu.memory_space<vmem>> -> memref<8x8x128xf32, #tpu.memory_space<vmem>>
      tpu.enqueue_dma source(%dma_start3A_706 : memref<8x8x128xf32, #tpu.memory_space<vmem>>) target(%dma_start3A_702 : memref<8x8x128xf32, #tpu.memory_space<hbm>>) target_semaphore(%arg23 : memref<!tpu.dma_semaphore, #tpu.memory_space<semaphore_mem>>)
      %add3A_707 = arith.constant 4 : i32
      %add3A_708 = arith.addi %add3A_662, %add3A_707 : i32
      %lt3A_709 = arith.constant 200 : i32
      %lt3A_710 = arith.cmpi slt, %add3A_708, %lt3A_709 : i32
      %convert_element_type3A_711 = arith.extui %lt3A_710 : i1 to i32
      %cond3A_712 = arith.constant 0 : i32
      %cond3A_713 = arith.cmpi ne, %convert_element_type3A_711, %cond3A_712 : i32
      scf.if %cond3A_713 {
        %add3A_714 = arith.constant 4 : i32
        %add3A_715 = arith.addi %add3A_662, %add3A_714 : i32
        %jit3A_716 = arith.constant 8 : i32
        %div3A_717 = arith.divsi %add3A_715, %jit3A_716 : i32
        %sign3A_718 = arith.constant 0 : i32
        %sign3A_719 = arith.cmpi sgt, %add3A_715, %sign3A_718 : i32
        %sign3A_720 = arith.extui %sign3A_719 : i1 to i32
        %sign3A_721 = arith.constant 0 : i32
        %sign3A_722 = arith.cmpi slt, %add3A_715, %sign3A_721 : i32
        %sign3A_723 = arith.extui %sign3A_722 : i1 to i32
        %sign3A_724 = arith.subi %sign3A_720, %sign3A_723 : i32
        %sign3A_725 = arith.constant 0 : i32
        %sign3A_726 = arith.cmpi sgt, %jit3A_716, %sign3A_725 : i32
        %sign3A_727 = arith.extui %sign3A_726 : i1 to i32
        %sign3A_728 = arith.constant 0 : i32
        %sign3A_729 = arith.cmpi slt, %jit3A_716, %sign3A_728 : i32
        %sign3A_730 = arith.extui %sign3A_729 : i1 to i32
        %sign3A_731 = arith.subi %sign3A_727, %sign3A_730 : i32
        %ne3A_732 = arith.cmpi ne, %sign3A_724, %sign3A_731 : i32
        %rem3A_733 = arith.remsi %add3A_715, %jit3A_716 : i32
        %ne3A_734 = arith.constant 0 : i32
        %ne3A_735 = arith.cmpi ne, %rem3A_733, %ne3A_734 : i32
        %and3A_736 = arith.andi %ne3A_732, %ne3A_735 : i1
        %sub3A_737 = arith.constant 1 : i32
        %sub3A_738 = arith.subi %div3A_717, %sub3A_737 : i32
        %select_n3A_739 = arith.select %and3A_736, %sub3A_738, %div3A_717 : i32
        %mul3A_740 = arith.constant 8 : i32
        %mul3A_741 = arith.muli %select_n3A_739, %mul3A_740 : i32
        %sub3A_742 = arith.subi %add3A_715, %mul3A_741 : i32
        %dma_start3A_743 = arith.constant 0 : i32
        %dma_start3A_744 = tpu.memref_slice %arg6[%select_n3A_739, %sub3A_742, %dma_start3A_743] : memref<25x8x128xi32, #tpu.memory_space<vmem>> -> memref<1x1x128xi32, #tpu.memory_space<vmem>>
        %dma_start3A_745 = tpu.memref_squeeze %dma_start3A_744 : memref<1x1x128xi32, #tpu.memory_space<vmem>> -> memref<128xi32, #tpu.memory_space<vmem>>
        %dma_start3A_746 = arith.constant 0 : i32
        %dma_start3A_747 = arith.constant 0 : i32
        %dma_start3A_748 = tpu.memref_slice %arg3[%dma_start3A_746, %dma_start3A_747] : memref<1000000x64xf32, #tpu.memory_space<hbm>> -> memref<1000000x64xf32, #tpu.memory_space<hbm>>
        tpu.enqueue_indirect_dma source(%dma_start3A_748 : memref<1000000x64xf32, #tpu.memory_space<hbm>>) target(%arg11 : memref<128x64xf32, #tpu.memory_space<vmem>>) offsets(%dma_start3A_745 : memref<128xi32, #tpu.memory_space<vmem>>) semaphore(%arg19 : memref<!tpu.dma_semaphore, #tpu.memory_space<semaphore_mem>>)
      } else {
      }
    }
    %scan3A_418 = arith.constant 50 : i32
    %dma_wait3A = arith.constant 0 : i32
    %dma_wait3A_419 = arith.constant 0 : i32
    %dma_wait3A_420 = arith.constant 0 : i32
    %dma_wait3A_421 = arith.constant 0 : i32
    %dma_wait3A_422 = tpu.memref_slice %arg12[%dma_wait3A_419, %dma_wait3A_420, %dma_wait3A_421] : memref<8x8x129xf32, #tpu.memory_space<vmem>> -> memref<8x8x128xf32, #tpu.memory_space<vmem>>
    %dma_wait3A_423 = arith.constant 0 : i32
    %dma_wait3A_424 = arith.constant 0 : i32
    %dma_wait3A_425 = arith.constant 0 : i32
    %dma_wait3A_426 = tpu.memref_slice %arg5[%dma_wait3A, %dma_wait3A_423, %add3A, %dma_wait3A_424, %dma_wait3A_425] : memref<200x8x32x8x128xf32, #tpu.memory_space<hbm>> -> memref<1x8x1x8x128xf32, #tpu.memory_space<hbm>>
    %dma_wait3A_427 = tpu.memref_squeeze %dma_wait3A_426 : memref<1x8x1x8x128xf32, #tpu.memory_space<hbm>> -> memref<8x8x128xf32, #tpu.memory_space<hbm>>
    %dma_wait3A_428 = arith.constant 0 : i32
    %dma_wait3A_429 = arith.constant 0 : i32
    %dma_wait3A_430 = arith.constant 0 : i32
    %dma_wait3A_431 = tpu.memref_slice %arg5[%dma_wait3A, %dma_wait3A_428, %add3A, %dma_wait3A_429, %dma_wait3A_430] : memref<200x8x32x8x128xf32, #tpu.memory_space<hbm>> -> memref<1x8x1x8x128xf32, #tpu.memory_space<hbm>>
    %dma_wait3A_432 = tpu.memref_squeeze %dma_wait3A_431 : memref<1x8x1x8x128xf32, #tpu.memory_space<hbm>> -> memref<8x8x128xf32, #tpu.memory_space<hbm>>
    %dma_wait3A_433 = arith.constant 0 : i32
    %dma_wait3A_434 = arith.constant 0 : i32
    %dma_wait3A_435 = arith.constant 0 : i32
    %dma_wait3A_436 = tpu.memref_slice %arg12[%dma_wait3A_433, %dma_wait3A_434, %dma_wait3A_435] : memref<8x8x129xf32, #tpu.memory_space<vmem>> -> memref<8x8x128xf32, #tpu.memory_space<vmem>>
    tpu.wait_dma2 semaphore(%arg20 : memref<!tpu.dma_semaphore, #tpu.memory_space<semaphore_mem>>) src(%dma_wait3A_436 : memref<8x8x128xf32, #tpu.memory_space<vmem>>) dst(%dma_wait3A_432 : memref<8x8x128xf32, #tpu.memory_space<hbm>>)
    %dma_wait3A_437 = arith.constant 0 : i32
    %dma_wait3A_438 = arith.constant 0 : i32
    %dma_wait3A_439 = arith.constant 0 : i32
    %dma_wait3A_440 = arith.constant 0 : i32
    %dma_wait3A_441 = tpu.memref_slice %arg13[%dma_wait3A_438, %dma_wait3A_439, %dma_wait3A_440] : memref<8x8x129xf32, #tpu.memory_space<vmem>> -> memref<8x8x128xf32, #tpu.memory_space<vmem>>
    %dma_wait3A_442 = arith.constant 0 : i32
    %dma_wait3A_443 = arith.constant 0 : i32
    %dma_wait3A_444 = arith.constant 0 : i32
    %dma_wait3A_445 = tpu.memref_slice %arg5[%dma_wait3A_437, %dma_wait3A_442, %add3A, %dma_wait3A_443, %dma_wait3A_444] : memref<200x8x32x8x128xf32, #tpu.memory_space<hbm>> -> memref<1x8x1x8x128xf32, #tpu.memory_space<hbm>>
    %dma_wait3A_446 = tpu.memref_squeeze %dma_wait3A_445 : memref<1x8x1x8x128xf32, #tpu.memory_space<hbm>> -> memref<8x8x128xf32, #tpu.memory_space<hbm>>
    %dma_wait3A_447 = arith.constant 0 : i32
    %dma_wait3A_448 = arith.constant 0 : i32
    %dma_wait3A_449 = arith.constant 0 : i32
    %dma_wait3A_450 = tpu.memref_slice %arg5[%dma_wait3A_437, %dma_wait3A_447, %add3A, %dma_wait3A_448, %dma_wait3A_449] : memref<200x8x32x8x128xf32, #tpu.memory_space<hbm>> -> memref<1x8x1x8x128xf32, #tpu.memory_space<hbm>>
    %dma_wait3A_451 = tpu.memref_squeeze %dma_wait3A_450 : memref<1x8x1x8x128xf32, #tpu.memory_space<hbm>> -> memref<8x8x128xf32, #tpu.memory_space<hbm>>
    %dma_wait3A_452 = arith.constant 0 : i32
    %dma_wait3A_453 = arith.constant 0 : i32
    %dma_wait3A_454 = arith.constant 0 : i32
    %dma_wait3A_455 = tpu.memref_slice %arg13[%dma_wait3A_452, %dma_wait3A_453, %dma_wait3A_454] : memref<8x8x129xf32, #tpu.memory_space<vmem>> -> memref<8x8x128xf32, #tpu.memory_space<vmem>>
    tpu.wait_dma2 semaphore(%arg21 : memref<!tpu.dma_semaphore, #tpu.memory_space<semaphore_mem>>) src(%dma_wait3A_455 : memref<8x8x128xf32, #tpu.memory_space<vmem>>) dst(%dma_wait3A_451 : memref<8x8x128xf32, #tpu.memory_space<hbm>>)
    %dma_wait3A_456 = arith.constant 0 : i32
    %dma_wait3A_457 = arith.constant 0 : i32
    %dma_wait3A_458 = arith.constant 0 : i32
    %dma_wait3A_459 = arith.constant 0 : i32
    %dma_wait3A_460 = tpu.memref_slice %arg14[%dma_wait3A_457, %dma_wait3A_458, %dma_wait3A_459] : memref<8x8x129xf32, #tpu.memory_space<vmem>> -> memref<8x8x128xf32, #tpu.memory_space<vmem>>
    %dma_wait3A_461 = arith.constant 0 : i32
    %dma_wait3A_462 = arith.constant 0 : i32
    %dma_wait3A_463 = arith.constant 0 : i32
    %dma_wait3A_464 = tpu.memref_slice %arg5[%dma_wait3A_456, %dma_wait3A_461, %add3A, %dma_wait3A_462, %dma_wait3A_463] : memref<200x8x32x8x128xf32, #tpu.memory_space<hbm>> -> memref<1x8x1x8x128xf32, #tpu.memory_space<hbm>>
    %dma_wait3A_465 = tpu.memref_squeeze %dma_wait3A_464 : memref<1x8x1x8x128xf32, #tpu.memory_space<hbm>> -> memref<8x8x128xf32, #tpu.memory_space<hbm>>
    %dma_wait3A_466 = arith.constant 0 : i32
    %dma_wait3A_467 = arith.constant 0 : i32
    %dma_wait3A_468 = arith.constant 0 : i32
    %dma_wait3A_469 = tpu.memref_slice %arg5[%dma_wait3A_456, %dma_wait3A_466, %add3A, %dma_wait3A_467, %dma_wait3A_468] : memref<200x8x32x8x128xf32, #tpu.memory_space<hbm>> -> memref<1x8x1x8x128xf32, #tpu.memory_space<hbm>>
    %dma_wait3A_470 = tpu.memref_squeeze %dma_wait3A_469 : memref<1x8x1x8x128xf32, #tpu.memory_space<hbm>> -> memref<8x8x128xf32, #tpu.memory_space<hbm>>
    %dma_wait3A_471 = arith.constant 0 : i32
    %dma_wait3A_472 = arith.constant 0 : i32
    %dma_wait3A_473 = arith.constant 0 : i32
    %dma_wait3A_474 = tpu.memref_slice %arg14[%dma_wait3A_471, %dma_wait3A_472, %dma_wait3A_473] : memref<8x8x129xf32, #tpu.memory_space<vmem>> -> memref<8x8x128xf32, #tpu.memory_space<vmem>>
    tpu.wait_dma2 semaphore(%arg22 : memref<!tpu.dma_semaphore, #tpu.memory_space<semaphore_mem>>) src(%dma_wait3A_474 : memref<8x8x128xf32, #tpu.memory_space<vmem>>) dst(%dma_wait3A_470 : memref<8x8x128xf32, #tpu.memory_space<hbm>>)
    %dma_wait3A_475 = arith.constant 0 : i32
    %dma_wait3A_476 = arith.constant 0 : i32
    %dma_wait3A_477 = arith.constant 0 : i32
    %dma_wait3A_478 = arith.constant 0 : i32
    %dma_wait3A_479 = tpu.memref_slice %arg15[%dma_wait3A_476, %dma_wait3A_477, %dma_wait3A_478] : memref<8x8x129xf32, #tpu.memory_space<vmem>> -> memref<8x8x128xf32, #tpu.memory_space<vmem>>
    %dma_wait3A_480 = arith.constant 0 : i32
    %dma_wait3A_481 = arith.constant 0 : i32
    %dma_wait3A_482 = arith.constant 0 : i32
    %dma_wait3A_483 = tpu.memref_slice %arg5[%dma_wait3A_475, %dma_wait3A_480, %add3A, %dma_wait3A_481, %dma_wait3A_482] : memref<200x8x32x8x128xf32, #tpu.memory_space<hbm>> -> memref<1x8x1x8x128xf32, #tpu.memory_space<hbm>>
    %dma_wait3A_484 = tpu.memref_squeeze %dma_wait3A_483 : memref<1x8x1x8x128xf32, #tpu.memory_space<hbm>> -> memref<8x8x128xf32, #tpu.memory_space<hbm>>
    %dma_wait3A_485 = arith.constant 0 : i32
    %dma_wait3A_486 = arith.constant 0 : i32
    %dma_wait3A_487 = arith.constant 0 : i32
    %dma_wait3A_488 = tpu.memref_slice %arg5[%dma_wait3A_475, %dma_wait3A_485, %add3A, %dma_wait3A_486, %dma_wait3A_487] : memref<200x8x32x8x128xf32, #tpu.memory_space<hbm>> -> memref<1x8x1x8x128xf32, #tpu.memory_space<hbm>>
    %dma_wait3A_489 = tpu.memref_squeeze %dma_wait3A_488 : memref<1x8x1x8x128xf32, #tpu.memory_space<hbm>> -> memref<8x8x128xf32, #tpu.memory_space<hbm>>
    %dma_wait3A_490 = arith.constant 0 : i32
    %dma_wait3A_491 = arith.constant 0 : i32
    %dma_wait3A_492 = arith.constant 0 : i32
    %dma_wait3A_493 = tpu.memref_slice %arg15[%dma_wait3A_490, %dma_wait3A_491, %dma_wait3A_492] : memref<8x8x129xf32, #tpu.memory_space<vmem>> -> memref<8x8x128xf32, #tpu.memory_space<vmem>>
    tpu.wait_dma2 semaphore(%arg23 : memref<!tpu.dma_semaphore, #tpu.memory_space<semaphore_mem>>) src(%dma_wait3A_493 : memref<8x8x128xf32, #tpu.memory_space<vmem>>) dst(%dma_wait3A_489 : memref<8x8x128xf32, #tpu.memory_space<hbm>>)
    return
  }
}

</mosaic_0001>

<sc_bundles>
// kernel: _embed.3.cloned.1.call-start
scs
__scs_entry_jumppad:
0x0: {  	(pc) =	sbr.rel $0x88, $3  }
0x1: {  	(tag) =	ssettag $0x0;
	lr =	simm.s32 $0x1  }
0x2: {  	[smem:$0x3F9E] =	sst lr;
	_ =	strace $0xD0000000  }
0x3: {  	_ = 	snop  }
0x4: {  	_ = 	snop  }
0x5: {  	_ = 	snop  }
0x6: {  	_ = 	snop  }
0x7: {  	_ = 	snop  }
__scs_overlays_trampoline_lowered:
0x8: {  	[smem:$0x3FAD] =	sst s0  }
0x9: {  	[smem:$0x3FAE] =	sst s1  }
0xa: {  	[smem:$0x3FAF] =	sst s2  }
0xb: {  	[smem:$0x3FB0] =	sst s3  }
0xc: {  	[smem:$0x3FB1] =	sst s4  }
0xd: {  	[smem:$0x3FB2] =	sst s5  }
0xe: {  	[smem:$0x3FB3] =	sst s6  }
0xf: {  	[smem:$0x3FB4] =	sst s7  }
0x10: {  	[smem:$0x3FB5] =	sst s8  }
0x11: {  	[smem:$0x3FB6] =	sst s9;
	s0 =	simm.s32 @!p0 $0x0  }
0x12: {  	s1 =	sld [smem:$0x3F9C];
	s0 =	simm.s32 @p0 $0x1  }
0x13: {  	[smem:$0x3FB7] =	sst s0;
	s0 =	simm.s32 @!p1 $0x0  }
0x14: {  	s2 =	sld [smem:$0x3F9B];
	s0 =	simm.s32 @p1 $0x1  }
0x15: {  	[smem:$0x3FB8] =	sst s0;
	s0 =	simm.s32 @!p2 $0x0  }
0x16: {  	s3 =	sld [smem:$0x3FDB];
	s0 =	simm.s32 @p2 $0x1  }
0x17: {  	s4 =	simm.s32 $0x1BF5;
	[smem:$0x3FBA] =	sst s0  }
0x18: {  	s0 =	sld [smem:$0x3F9D];
	_ =	swait.ge [sflag:s4], $0x0  }
0x19: {  	s7 =	sld [smem:$0x3F9E]  }
0x1a: {  	s8 =	sadd.s32 $0xFFFFE003, lr  }
0x1b: {  	s9 =	sadd.s32 $0xFFFFFEF7, lr;
	s5 =	simm.s32 $0xFFFFFFFF;
	p2 =	slt.u32 s8, $0xFFFFF086  }
0x1c: {  	p1 =	slt.u32 s9, $0xF7A;
	s5 =	simm.s32 @!p2 $0x0  }
0x1d: {  	s5 =	simm.s32 @p1 $0x1;
	p0 =	seq.s32 s7, s2  }
0x1e: {  	s7 =	smul.u32 @!p0 $0xF7A, s2;
	p2 =	seq.s32 @!p0 s5, $0x0  }
0x1f: {  	s9 =	smul.u32 $0xF7A, s1;
	s8 =	simm.s32 @!p0 $0x1BF5;
	p2 =	por !p2, p0  }
0x20: {  	[sflag:s8] =	ssyncset.s32 @!p0 $0xFFFFF086;
	s6 =	sadd.s32 @!p0 s3, s7;
	s7 =	simm.s32 @!p0 $0x108  }
0x21: {  	s3 =	sadd.s32 s3, s9;
	s6 =	sadd.s32 @!p0 $0x88, s6;
	s7 =	simm.s32 @p2 $0x1082  }
0x22: {  	[simem:s7], [sflag:s8] =	dma.local @!p0 [hbm:s6], $0xF7A  }
0x23: {  	s9 =	sor.u32 $0xD0000000, s2;
	s6 =	simm.s32 $0x108;
	_ =	swait.ge @!p0 [sflag:s8], $0x0  }
0x24: {  	s3 =	sadd.s32 $0x88, s3;
	s6 =	simm.s32 @!p1 $0x1082;
	[sflag:s4] =	ssyncset.s32 $0xFFFFF086  }
0x25: {  	[simem:s6], [sflag:s4] =	dma.local [hbm:s3], $0xF7A  }
0x26: {  	[smem:$0x3F9E] =	sst s1;
	(tag) =	ssettag s2;
	_ =	strace s9  }
0x27: {  	s1 =	sld [smem:$0x3FAE]  }
0x28: {  	s2 =	sld [smem:$0x3FAF]  }
0x29: {  	s4 =	sld [smem:$0x3FB1]  }
0x2a: {  	p0 =	seq.s32 s5, $0x0;
	s5 =	sld [smem:$0x3FB2]  }
0x2b: {  	s6 =	sld [smem:$0x3FB3]  }
0x2c: {  	s7 =	sld [smem:$0x3FB4]  }
0x2d: {  	s3 =	simm.s32 $0x108;
	s8 =	sld [smem:$0x3FB5]  }
0x2e: {  	s3 =	simm.s32 @!p0 $0x1082;
	s9 =	sld [smem:$0x3FB6]  }
0x2f: {  	lr =	sadd.s32 s0, s3;
	s0 =	sld [smem:$0x3FAD]  }
0x30: {  	s3 =	sld [smem:$0x3FB0]  }
0x31: {  	[smem:$0x3FB9] =	sst s10  }
0x32: {  	s10 =	sld [smem:$0x3FB7];
	_ =	sdelay $0x3  }
0x33: {  	p0 =	seq.s32 s10, $0x1;
	s10 =	sld [smem:$0x3FB9];
	_ =	sdelay $0x3  }
0x34: {  	[smem:$0x3FB9] =	sst s10  }
0x35: {  	s10 =	sld [smem:$0x3FB8];
	_ =	sdelay $0x3  }
0x36: {  	p1 =	seq.s32 s10, $0x1;
	s10 =	sld [smem:$0x3FB9];
	_ =	sdelay $0x3  }
0x37: {  	[smem:$0x3FB9] =	sst s10  }
0x38: {  	s10 =	sld [smem:$0x3FBA]  }
0x39: {  	_ = 	snop;
	(pc) =	sbr.ind lr, $3  }
0x3a: {  	_ = 	snop  }
0x3b: {  	_ = 	snop  }
0x3c: {  	p2 =	seq.s32 s10, $0x1;
	s10 =	sld [smem:$0x3FB9]  }
0x3d: {  	_ =	shalt  }
0x3e: {  	_ =	shalt  }
0x3f: {  	_ =	shalt  }
0x40: {  	_ =	shalt  }
0x41: {  	_ =	shalt  }
0x42: {  	_ =	shalt  }
0x43: {  	_ =	shalt  }
0x44: {  	_ =	shalt  }
0x45: {  	_ =	shalt  }
0x46: {  	_ =	shalt  }
0x47: {  	_ =	shalt  }
0x48: {  	_ =	shalt  }
0x49: {  	_ =	shalt  }
0x4a: {  	_ =	shalt  }
0x4b: {  	_ =	shalt  }
0x4c: {  	_ =	shalt  }
0x4d: {  	_ =	shalt  }
0x4e: {  	_ =	shalt  }
0x4f: {  	_ =	shalt  }
0x50: {  	_ =	shalt  }
0x51: {  	_ =	shalt  }
0x52: {  	_ =	shalt  }
0x53: {  	_ =	shalt  }
0x54: {  	_ =	shalt  }
0x55: {  	_ =	shalt  }
0x56: {  	_ =	shalt  }
0x57: {  	_ =	shalt  }
0x58: {  	_ =	shalt  }
0x59: {  	_ =	shalt  }
0x5a: {  	_ =	shalt  }
0x5b: {  	_ =	shalt  }
0x5c: {  	_ =	shalt  }
0x5d: {  	_ =	shalt  }
0x5e: {  	_ =	shalt  }
0x5f: {  	_ =	shalt  }
0x60: {  	_ =	shalt  }
0x61: {  	_ =	shalt  }
0x62: {  	_ =	shalt  }
0x63: {  	_ =	shalt  }
0x64: {  	_ =	shalt  }
0x65: {  	_ =	shalt  }
0x66: {  	_ =	shalt  }
0x67: {  	_ =	shalt  }
0x68: {  	_ =	shalt  }
0x69: {  	_ =	shalt  }
0x6a: {  	_ =	shalt  }
0x6b: {  	_ =	shalt  }
0x6c: {  	_ =	shalt  }
0x6d: {  	_ =	shalt  }
0x6e: {  	_ =	shalt  }
0x6f: {  	_ =	shalt  }
0x70: {  	_ =	shalt  }
0x71: {  	_ =	shalt  }
0x72: {  	_ =	shalt  }
0x73: {  	_ =	shalt  }
0x74: {  	_ =	shalt  }
0x75: {  	_ =	shalt  }
0x76: {  	_ =	shalt  }
0x77: {  	_ =	shalt  }
0x78: {  	_ =	shalt  }
0x79: {  	_ =	shalt  }
0x7a: {  	_ =	shalt  }
0x7b: {  	_ =	shalt  }
0x7c: {  	_ =	shalt  }
0x7d: {  	_ =	shalt  }
0x7e: {  	_ =	shalt  }
0x7f: {  	_ =	shalt  }
0x80: {  	_ =	shalt  }
0x81: {  	_ =	shalt  }
0x82: {  	_ =	shalt  }
0x83: {  	_ =	shalt  }
0x84: {  	_ =	shalt  }
0x85: {  	_ =	shalt  }
0x86: {  	_ =	shalt  }
0x87: {  	_ =	shalt  }
.Lfunc_end0:
.L_simem_size_0:
called_computation_lowered:
.L_overlay_start_0:
0x88: {  	s2 =	sld [smem:$0x3FD9]  }
0x89: {  	s3 =	sld [smem:$0x3FFE];
	_ =	sdelay $0x1  }
0x8a: {  	s1 =	srdreg.scid  }
0x8b: {  	s0 =	sand.u32 $0x1, s1  }
0x8c: {  	s17 =	sshll.u32 s0, $0xA;
	s2 =	sadd.s32 s3, s2  }
0x8d: {  	s2 =	sadd.s32 s2, s17  }
0x8e: {  	[smem:$0x3FC5] =	sst s2  }
0x8f: {  	_ = 	snop  }
0x90: {  	s2 =	sld [smem:$0x3FC9]  }
0x91: {  	s18 =	sld [smem:$0x3FD0];
	(tm) =	ssettm $0x1  }
0x92: {  	s4 =	sld [smem:$0x3FFB];
	_ =	sdelay $0x3  }
0x93: {  	_ =	strace s4  }
0x94: {  	s4 =	sld [smem:$0x3FFC];
	_ =	sdelay $0x3  }
0x95: {  	_ =	strace s4  }
0x96: {  	s4 =	sld [smem:$0x3FFD];
	_ =	sdelay $0x3  }
0x97: {  	_ =	strace s4  }
0x98: {  	_ =	strace $0x8FFFFFFF  }
0x99: {  	s19 =	sld [smem:$0x3FDB];
	_ =	sdelay $0x1  }
0x9a: {  	s5 =	simm.s32 $_scs_section_size  }
0x9b: {  	s6 =	simm.s32 $_size__tile_overlayer_lowered;
	s7 =	simm.s32 $_tile_overlayer_lowered  }
0x9c: {  	s22 =	simm.s32 $0x1BFF;
	s21 =	sshll.u32 s7, $0x1;
	s4 =	sadd.s32 s5, s19  }
0x9d: {  	s8 =	simm.s32 $0x0;
	s20 =	sshll.u32 s6, $0x1;
	s6 =	sadd.s32 s21, s4  }
0x9e: {  	[timem:s8], [sflag:s22] =	dma.local [hbm:s6], s20  }
0x9f: {  	_ =	swait.ge [sflag:s22], s20  }
0xa0: {  	s5 =	ssub.s32 $0x0, s20;
	[sflag:s22] =	ssyncset.done $0x0  }
0xa1: {  	[sflag:s22] =	ssyncadd.s32 s5;
	_ =	sdelay $0x1  }
0xa2: {  	s23 =	simm.s32 $0x1B8B  }
0xa3: {  	_ =	swait.ge [sflag:s23], $0x1  }
0xa4: {  	[sflag:s23] =	ssyncset.done $0x0  }
0xa5: {  	s25 =	simm.s32 $0x1B8E;
	s24 =	sld [smem:$0x3FFE];
	[sflag:s23] =	ssyncadd.s32 $0xFFFFFFFF  }
0xa6: {  	s26 =	simm.s32 $execute0_lowered;
	[smem:$0x3FD2] =	sst s25  }
0xa7: {  	s6 =	sshll.u32 s26, $0x1;
	_ =	strace $0x80000046;
	[dreg:$0x1] =	wrdreg $0xFFFFFFFF  }
0xa8: {  	s28 =	simm.s32 $_size_execute0_lowered;
	s4 =	sadd.s32 s4, s6;
	[dreg:$0x0] =	wrdreg $0x0  }
0xa9: {  	s6 =	sshll.u32 s28, $0x1;
	[dreg:$0x2] =	wrdreg s4  }
0xaa: {  	[dreg:$0x3] =	wrdreg s6  }
0xab: {  	[dreg:$0x4] =	wrdreg $0xC0  }
0xac: {  	_ =	task [dreg:s8], $0x5FFFF  }
0xad: {  	[dreg:$0x1] =	wrdreg $0xFFFFFFFF  }
0xae: {  	[dreg:$0x0] =	wrdreg $0x60  }
0xaf: {  	[dreg:$0x2] =	wrdreg s2  }
0xb0: {  	[dreg:$0x3] =	wrdreg s24  }
0xb1: {  	[dreg:$0x4] =	wrdreg s18  }
0xb2: {  	[dreg:$0x5] =	wrdreg $0x9  }
0xb3: {  	_ =	task.clear_ibuf [dreg:s8], $0x6FFFF;
	_ =	strace $0x90000046  }
0xb4: {  	s29 =	simm.s32 $0x9;
	_ =	strace $0x80000048  }
0xb5: {  	_ =	swait.ge [sflag:s29], $0x1  }
0xb6: {  	[sflag:s29] =	ssyncadd.s32 $0xFFFFFFFF  }
0xb7: {  	_ =	strace $0x90000048  }
0xb8: {  	_ =	sfence  }
0xb9: {  	s30 =	sld [smem:$0x0];
	_ =	sdelay $0x2  }
0xba: {  	s31 =	sshll.u32 s1, $0xD;
	s1 =	sshrl.u32 s1, $0x2  }
0xbb: {  	s3 =	sand.u32 $0x4000, s31;
	s1 =	sadd.s32 s1, s30  }
0xbc: {  	s0 =	sor.u32 s3, s0;
	s1 =	sshll.u32 s1, $0x11  }
0xbd: {  	s0 =	sor.u32 s1, s0  }
0xbe: {  	s0 =	sadd.s32 $0x8F2B, s0  }
0xbf: {  	[sflag:s0] =	ssyncadd.remote.s32 $0x1  }
0xc0: {  	_ =	sfence.sel $0xFFFF  }
0xc1: {  	[dreg:$0x0] =	wrdreg $0xFFFFFFFF;
	(pc) =	sbr.abs _section_cstart, $3  }
0xc2: {  	[dreg:$0x1] =	wrdreg $0xFFFFFFFF  }
0xc3: {  	_ =	task.clear_ibuf [dreg:s8], $0x2FFFF;
	_ =	strace $0x9FFFFFFF  }
0xc4: {  	(tm) =	ssettm $0x7FFFFFFF  }
0xc5: {  	_ =	shalt  }
tec
execute0_lowered:
.L_overlay_start_1:
0x0: {  	(tag) =	ssettag $0x1  }
0x1: {  	s0 =	rddreg [dreg:$0x0]  }
0x2: {  	s1 =	rddreg [dreg:$0x1]  }
0x3: {  	s2 =	rddreg [dreg:$0x2]  }
0x4: {  	s4 =	srdreg.scid;
	s3 =	simm.s32 $0x0;
	s5 =	stileid.u32  }
0x5: {  	s6 =	sand.u32 $0x1, s4;
	[smem:$0x7FF] =	sst s3;
	s28 =	sshll.u32 s5, $0xB  }
0x6: {  	v0 =	vlaneseq.u32;
	s5 =	sadd.s32 $0xF42A00, s1;
	s29 =	sshll.u32 s6, $0xA;
	s6 =	ssub.s32 $0x2, s6  }
0x7: {  	s1 =	sadd.s32 $0x600, s1;
	v3 =	vmul.u32 $0x88, v0;
	s4 =	sor.u32 s29, s28;
	s30 =	sshrl.u32 s6, $0x1  }
0x8: {  	_ =	strace $0x80000047;
	s7 =	sshrl.u32 s4, $0x3;
	s31 =	ssub.s32 s6, s30  }
0x9: {  	[dreg:$0x4] =	wrdreg s1;
	v2 =	vadd.s32 $0x880, v3;
	[tilespmem:$0x1FE10] =	vst v3;
	s7 =	sadd.s32 s0, s7;
	s0 =	smax.u32 s31, $0x1  }
0xa: {  	v9 =	vadd.s32 $0x1100, v3;
	[tilespmem:$0x1FE20] =	vst v2;
	s6 =	sadd.s32 $0x1000, s7;
	[dreg:$0x16] =	wrdreg s0  }
0xb: {  	v6 =	vadd.s32 $0x1980, v3;
	[tilespmem:$0x1FE30] =	vst v9;
	s8 =	sadd.s32 $0x2000, s7;
	[dreg:$0x5] =	wrdreg s6  }
0xc: {  	v11 =	vor.u32 $0x1, v3;
	[tilespmem:$0x1FE40] =	vst v6;
	s9 =	sadd.s32 $0x3000, s7;
	[dreg:$0x6] =	wrdreg s8  }
0xd: {  	v5 =	vadd.s32 $0x881, v3;
	[tilespmem:$0x1FE50] =	vst v11;
	s10 =	sadd.s32 $0x4000, s7;
	[dreg:$0x7] =	wrdreg s9  }
0xe: {  	v8 =	vadd.s32 $0x1101, v3;
	[tilespmem:$0x1FE60] =	vst v5;
	s11 =	sadd.s32 $0x5000, s7;
	[dreg:$0x8] =	wrdreg s10  }
0xf: {  	v10 =	vadd.s32 $0x1981, v3;
	[tilespmem:$0x1FE70] =	vst v8;
	s12 =	sadd.s32 $0x6000, s7;
	[dreg:$0x9] =	wrdreg s11  }
0x10: {  	v15 =	vor.u32 $0x2, v3;
	[tilespmem:$0x1FE80] =	vst v10;
	s13 =	sadd.s32 $0x7000, s7;
	[dreg:$0xa] =	wrdreg s12  }
0x11: {  	v17 =	vadd.s32 $0x882, v3;
	[tilespmem:$0x1FE90] =	vst v15;
	s14 =	sadd.s32 $0x8000, s7;
	[dreg:$0xb] =	wrdreg s13  }
0x12: {  	v12 =	vadd.s32 $0x1102, v3;
	[tilespmem:$0x1FEA0] =	vst v17;
	s15 =	sadd.s32 $0x9000, s7;
	[dreg:$0xc] =	wrdreg s14  }
0x13: {  	v14 =	vadd.s32 $0x1982, v3;
	[tilespmem:$0x1FEB0] =	vst v12;
	s16 =	sadd.s32 $0xA000, s7;
	[dreg:$0xd] =	wrdreg s15  }
0x14: {  	v19 =	vor.u32 $0x3, v3;
	[tilespmem:$0x1FEC0] =	vst v14;
	s17 =	sadd.s32 $0xB000, s7;
	[dreg:$0xe] =	wrdreg s16  }
0x15: {  	v21 =	vadd.s32 $0x883, v3;
	[tilespmem:$0x1FED0] =	vst v19;
	s18 =	sadd.s32 $0xC000, s7;
	[dreg:$0xf] =	wrdreg s17  }
0x16: {  	v16 =	vadd.s32 $0x1103, v3;
	[tilespmem:$0x1FEE0] =	vst v21;
	s19 =	sadd.s32 $0xD000, s7;
	[dreg:$0x10] =	wrdreg s18  }
0x17: {  	v18 =	vadd.s32 $0x1983, v3;
	[tilespmem:$0x1FEF0] =	vst v16;
	s20 =	sadd.s32 $0xE000, s7;
	[dreg:$0x11] =	wrdreg s19  }
0x18: {  	v23 =	vor.u32 $0x4, v3;
	[tilespmem:$0x1FF00] =	vst v18;
	s21 =	sadd.s32 $0xF000, s7;
	[dreg:$0x12] =	wrdreg s20  }
0x19: {  	v28 =	vadd.s32 $0x884, v3;
	[tilespmem:$0x1FF10] =	vst v23;
	s22 =	sadd.s32 $0x10000, s7;
	[dreg:$0x13] =	wrdreg s21  }
0x1a: {  	v20 =	vadd.s32 $0x1104, v3;
	[tilespmem:$0x1FF20] =	vst v28;
	s23 =	sadd.s32 $0x11000, s7;
	[dreg:$0x14] =	wrdreg s22  }
0x1b: {  	v22 =	vadd.s32 $0x1984, v3;
	[tilespmem:$0x1FF30] =	vst v20;
	s24 =	sadd.s32 $0x12000, s7;
	[dreg:$0x15] =	wrdreg s23  }
0x1c: {  	v27 =	vor.u32 $0x5, v3;
	[tilespmem:$0x1FF40] =	vst v22;
	s25 =	sadd.s32 $0x13000, s7;
	[dreg:$0x17] =	wrdreg s24  }
0x1d: {  	v63 =	vadd.s32 $0x885, v3;
	[tilespmem:$0x1FF50] =	vst v27;
	s26 =	sadd.s32 $0x14000, s7;
	[dreg:$0x18] =	wrdreg s25  }
0x1e: {  	v24 =	vadd.s32 $0x1105, v3;
	[tilespmem:$0x1FF60] =	vst v63;
	s28 =	sadd.s32 $0x15000, s7;
	[dreg:$0x19] =	wrdreg s26  }
0x1f: {  	v26 =	vadd.s32 $0x1985, v3;
	[tilespmem:$0x1FF70] =	vst v24;
	s29 =	sadd.s32 $0x16000, s7;
	[dreg:$0x1a] =	wrdreg s28  }
0x20: {  	v31 =	vor.u32 $0x6, v3;
	[tilespmem:$0x1FF80] =	vst v26;
	s30 =	sadd.s32 $0x17000, s7;
	[dreg:$0x1b] =	wrdreg s29  }
0x21: {  	v29 =	vadd.s32 $0x886, v3;
	[tilespmem:$0x1FF90] =	vst v31;
	s31 =	sadd.s32 $0x18000, s7;
	[dreg:$0x1c] =	wrdreg s30  }
0x22: {  	v32 =	vadd.s32 $0x1106, v3;
	[tilespmem:$0x1FFA0] =	vst v29;
	[dreg:$0x1d] =	wrdreg s31;
	s6 =	simm.s32 $0x9;
	s8 =	simm.s32 $0x80  }
.Ltmp0:
0x23: {  	v30 =	vadd.s32 $0x1986, v3;
	[tilespmem:$0x1FFB0] =	vst v32;
	s9 =	simm.s32 $0xF600;
	s10 =	simm.s32 $0x1;
	(pc) =	sbr.rel .LBB2_1-.Ltmp0, $4  }
0x24: {  	v25 =	vor.u32 $0x7, v3;
	[tilespmem:$0x1FFC0] =	vst v30;
	s11 =	simm.s32 $0x11600;
	s12 =	simm.s32 $0x2;
	s13 =	simm.s32 $0x13800  }
0x25: {  	v7 =	vadd.s32 $0x887, v3;
	[tilespmem:$0x1FFD0] =	vst v25;
	s14 =	simm.s32 $0x3;
	s15 =	simm.s32 $0x15A00;
	s16 =	simm.s32 $0x4  }
0x26: {  	v1 =	vimm.s32 $0x0;
	vm0 =	vcmask $0x300;
	v0 =	vadd.s32 $0x1987, v3;
	[tilespmem:$0x1FFE0] =	vst v7;
	s17 =	simm.s32 $0x17C00;
	s18 =	simm.s32 $0x5;
	s19 =	simm.s32 $0x6  }
0x27: {  	v1 =	vsel vm0, $0x3, v1;
	v4 =	vadd.s32 $0x1107, v3;
	[tilespmem:$0x1FFF0] =	vst v0;
	s20 =	simm.s32 $0x7;
	s21 =	simm.s32 $0x8;
	s22 =	simm.s32 $0x0  }
.LBB2_20:
0x28: {  	_ =	swait.ge [sflag:s18], $0x2000  }
0x29: {  	[sflag:s18] =	ssyncset.done $0x0  }
0x2a: {  	[sflag:s18] =	ssyncadd.s32 $0xFFFFE000  }
0x2b: {  	_ =	swait.ge [sflag:s19], $0x2000  }
0x2c: {  	[sflag:s19] =	ssyncset.done $0x0  }
0x2d: {  	[sflag:s19] =	ssyncadd.s32 $0xFFFFE000  }
0x2e: {  	_ =	swait.ge [sflag:s20], $0x2000  }
0x2f: {  	[sflag:s20] =	ssyncset.done $0x0  }
0x30: {  	[sflag:s20] =	ssyncadd.s32 $0xFFFFE000  }
0x31: {  	_ =	swait.ge [sflag:s21], $0x2000  }
0x32: {  	v3 =	vld [tilespmem:$0x1FE10]  }
0x33: {  	v6 =	vld [tilespmem:$0x1FE40]  }
0x34: {  	v11 =	vld [tilespmem:$0x1FE50]  }
0x35: {  	v8 =	vld [tilespmem:$0x1FE70]  }
0x36: {  	v15 =	vld [tilespmem:$0x1FE90]  }
0x37: {  	v12 =	vld [tilespmem:$0x1FEB0]  }
0x38: {  	v19 =	vld [tilespmem:$0x1FED0]  }
0x39: {  	v16 =	vld [tilespmem:$0x1FEF0]  }
0x3a: {  	v23 =	vld [tilespmem:$0x1FF10]  }
0x3b: {  	s22 =	sadd.s32 $0x1, s22;
	s0 =	rddreg [dreg:$0x16];
	v20 =	vld [tilespmem:$0x1FF30]  }
0x3c: {  	v27 =	vld [tilespmem:$0x1FF50];
	p0 =	sne.s32 s22, s0  }
.Ltmp1:
0x3d: {  	v24 =	vld [tilespmem:$0x1FF70];
	(pc) =	sbr.rel @!p0 .LBB2_21-.Ltmp1, $4  }
0x3e: {  	v31 =	vld [tilespmem:$0x1FF90]  }
0x3f: {  	v32 =	vld [tilespmem:$0x1FFB0]  }
0x40: {  	[sflag:s21] =	ssyncset.done $0x0;
	v25 =	vld [tilespmem:$0x1FFD0]  }
0x41: {  	v7 =	vld [tilespmem:$0x1FFE0];
	[sflag:s21] =	ssyncadd.s32 $0xFFFFE000  }
.LBB2_1:
0x42: {  	[tilespmem:s3], [sflag:$0x9] =	stream.linear.gather [hbm4b:s7+s3], $0x400, $0x38;
	[tilespmem:$0x19E00] =	vst v63  }
0x43: {  	_ =	swait.ge [sflag:s6], $0x400  }
0x44: {  	[sflag:s6] =	ssyncset.done $0x0  }
0x45: {  	s1 =	simm.s32 $0x400;
	s0 =	rddreg [dreg:$0x5];
	[sflag:s6] =	ssyncadd.s32 $0xFFFFFC00  }
0x46: {  	[tilespmem:s1], [sflag:$0x9] =	stream.linear.gather [hbm4b:s0+s3], $0x400, $0x38;
	[tilespmem:$0x19E00] =	vst v63  }
0x47: {  	_ =	swait.ge [sflag:s6], $0x400  }
0x48: {  	[sflag:s6] =	ssyncset.done $0x0  }
0x49: {  	s29 =	simm.s32 $0x800;
	s28 =	rddreg [dreg:$0x6];
	[sflag:s6] =	ssyncadd.s32 $0xFFFFFC00  }
0x4a: {  	[tilespmem:s29], [sflag:$0x9] =	stream.linear.gather [hbm4b:s28+s3], $0x400, $0x38;
	[tilespmem:$0x19E00] =	vst v63  }
0x4b: {  	_ =	swait.ge [sflag:s6], $0x400  }
0x4c: {  	[sflag:s6] =	ssyncset.done $0x0  }
0x4d: {  	s31 =	simm.s32 $0xC00;
	s30 =	rddreg [dreg:$0x7];
	[sflag:s6] =	ssyncadd.s32 $0xFFFFFC00  }
0x4e: {  	[tilespmem:s31], [sflag:$0x9] =	stream.linear.gather [hbm4b:s30+s3], $0x400, $0x38;
	[tilespmem:$0x19E00] =	vst v63  }
0x4f: {  	_ =	swait.ge [sflag:s6], $0x400  }
0x50: {  	[sflag:s6] =	ssyncset.done $0x0  }
0x51: {  	s24 =	simm.s32 $0x1000;
	s23 =	rddreg [dreg:$0x8];
	[sflag:s6] =	ssyncadd.s32 $0xFFFFFC00  }
0x52: {  	[tilespmem:s24], [sflag:$0x9] =	stream.linear.gather [hbm4b:s23+s3], $0x400, $0x38;
	[tilespmem:$0x19E00] =	vst v63  }
0x53: {  	_ =	swait.ge [sflag:s6], $0x400  }
0x54: {  	[sflag:s6] =	ssyncset.done $0x0  }
0x55: {  	s26 =	simm.s32 $0x1400;
	s25 =	rddreg [dreg:$0x9];
	[sflag:s6] =	ssyncadd.s32 $0xFFFFFC00  }
0x56: {  	[tilespmem:s26], [sflag:$0x9] =	stream.linear.gather [hbm4b:s25+s3], $0x400, $0x38;
	[tilespmem:$0x19E00] =	vst v63  }
0x57: {  	_ =	swait.ge [sflag:s6], $0x400  }
0x58: {  	[sflag:s6] =	ssyncset.done $0x0  }
0x59: {  	s29 =	simm.s32 $0x1800;
	s28 =	rddreg [dreg:$0xa];
	[sflag:s6] =	ssyncadd.s32 $0xFFFFFC00  }
0x5a: {  	[tilespmem:s29], [sflag:$0x9] =	stream.linear.gather [hbm4b:s28+s3], $0x400, $0x38;
	[tilespmem:$0x19E00] =	vst v63  }
0x5b: {  	_ =	swait.ge [sflag:s6], $0x400  }
0x5c: {  	[sflag:s6] =	ssyncset.done $0x0  }
0x5d: {  	s31 =	simm.s32 $0x1C00;
	s30 =	rddreg [dreg:$0xb];
	[sflag:s6] =	ssyncadd.s32 $0xFFFFFC00  }
0x5e: {  	[tilespmem:s31], [sflag:$0x9] =	stream.linear.gather [hbm4b:s30+s3], $0x400, $0x38;
	[tilespmem:$0x19E00] =	vst v63  }
0x5f: {  	_ =	swait.ge [sflag:s6], $0x400  }
0x60: {  	[sflag:s6] =	ssyncset.done $0x0  }
0x61: {  	s24 =	simm.s32 $0x2000;
	s23 =	rddreg [dreg:$0xc];
	[sflag:s6] =	ssyncadd.s32 $0xFFFFFC00  }
0x62: {  	[tilespmem:s24], [sflag:$0x9] =	stream.linear.gather [hbm4b:s23+s3], $0x400, $0x38;
	[tilespmem:$0x19E00] =	vst v63  }
0x63: {  	_ =	swait.ge [sflag:s6], $0x400  }
0x64: {  	[sflag:s6] =	ssyncset.done $0x0  }
0x65: {  	s26 =	simm.s32 $0x2400;
	s25 =	rddreg [dreg:$0xd];
	[sflag:s6] =	ssyncadd.s32 $0xFFFFFC00  }
0x66: {  	[tilespmem:s26], [sflag:$0x9] =	stream.linear.gather [hbm4b:s25+s3], $0x400, $0x38;
	[tilespmem:$0x19E00] =	vst v63  }
0x67: {  	_ =	swait.ge [sflag:s6], $0x400  }
0x68: {  	[sflag:s6] =	ssyncset.done $0x0  }
0x69: {  	s29 =	simm.s32 $0x2800;
	s28 =	rddreg [dreg:$0xe];
	[sflag:s6] =	ssyncadd.s32 $0xFFFFFC00  }
0x6a: {  	[tilespmem:s29], [sflag:$0x9] =	stream.linear.gather [hbm4b:s28+s3], $0x400, $0x38;
	[tilespmem:$0x19E00] =	vst v63  }
0x6b: {  	_ =	swait.ge [sflag:s6], $0x400  }
0x6c: {  	[sflag:s6] =	ssyncset.done $0x0  }
0x6d: {  	s31 =	simm.s32 $0x2C00;
	s30 =	rddreg [dreg:$0xf];
	[sflag:s6] =	ssyncadd.s32 $0xFFFFFC00  }
0x6e: {  	[tilespmem:s31], [sflag:$0x9] =	stream.linear.gather [hbm4b:s30+s3], $0x400, $0x38;
	[tilespmem:$0x19E00] =	vst v63  }
0x6f: {  	_ =	swait.ge [sflag:s6], $0x400  }
0x70: {  	[sflag:s6] =	ssyncset.done $0x0  }
0x71: {  	s24 =	simm.s32 $0x3000;
	s23 =	rddreg [dreg:$0x10];
	[sflag:s6] =	ssyncadd.s32 $0xFFFFFC00  }
0x72: {  	[tilespmem:s24], [sflag:$0x9] =	stream.linear.gather [hbm4b:s23+s3], $0x400, $0x38;
	[tilespmem:$0x19E00] =	vst v63  }
0x73: {  	_ =	swait.ge [sflag:s6], $0x400  }
0x74: {  	[sflag:s6] =	ssyncset.done $0x0  }
0x75: {  	s26 =	simm.s32 $0x3400;
	s25 =	rddreg [dreg:$0x11];
	[sflag:s6] =	ssyncadd.s32 $0xFFFFFC00  }
0x76: {  	[tilespmem:s26], [sflag:$0x9] =	stream.linear.gather [hbm4b:s25+s3], $0x400, $0x38;
	[tilespmem:$0x19E00] =	vst v63  }
0x77: {  	_ =	swait.ge [sflag:s6], $0x400  }
0x78: {  	[sflag:s6] =	ssyncset.done $0x0  }
0x79: {  	s29 =	simm.s32 $0x3800;
	s28 =	rddreg [dreg:$0x12];
	[sflag:s6] =	ssyncadd.s32 $0xFFFFFC00  }
0x7a: {  	[tilespmem:s29], [sflag:$0x9] =	stream.linear.gather [hbm4b:s28+s3], $0x400, $0x38;
	[tilespmem:$0x19E00] =	vst v63  }
0x7b: {  	_ =	swait.ge [sflag:s6], $0x400  }
0x7c: {  	[sflag:s6] =	ssyncset.done $0x0  }
0x7d: {  	s31 =	simm.s32 $0x3C00;
	s30 =	rddreg [dreg:$0x13];
	[sflag:s6] =	ssyncadd.s32 $0xFFFFFC00  }
0x7e: {  	[tilespmem:s31], [sflag:$0x9] =	stream.linear.gather [hbm4b:s30+s3], $0x400, $0x38;
	[tilespmem:$0x19E00] =	vst v63  }
0x7f: {  	_ =	swait.ge [sflag:s6], $0x400  }
0x80: {  	[sflag:s6] =	ssyncset.done $0x0  }
0x81: {  	s24 =	simm.s32 $0x4000;
	s23 =	rddreg [dreg:$0x14];
	[sflag:s6] =	ssyncadd.s32 $0xFFFFFC00  }
0x82: {  	[tilespmem:s24], [sflag:$0x9] =	stream.linear.gather [hbm4b:s23+s3], $0x400, $0x38;
	[tilespmem:$0x19E00] =	vst v63  }
0x83: {  	_ =	swait.ge [sflag:s6], $0x400  }
0x84: {  	[sflag:s6] =	ssyncset.done $0x0  }
0x85: {  	s26 =	simm.s32 $0x4400;
	s25 =	rddreg [dreg:$0x15];
	[sflag:s6] =	ssyncadd.s32 $0xFFFFFC00  }
0x86: {  	[tilespmem:s26], [sflag:$0x9] =	stream.linear.gather [hbm4b:s25+s3], $0x400, $0x38;
	[tilespmem:$0x19E00] =	vst v63  }
0x87: {  	_ =	swait.ge [sflag:s6], $0x400  }
0x88: {  	[sflag:s6] =	ssyncset.done $0x0  }
0x89: {  	s29 =	simm.s32 $0x4800;
	s28 =	rddreg [dreg:$0x17];
	[sflag:s6] =	ssyncadd.s32 $0xFFFFFC00  }
0x8a: {  	[tilespmem:s29], [sflag:$0x9] =	stream.linear.gather [hbm4b:s28+s3], $0x400, $0x38;
	[tilespmem:$0x19E00] =	vst v63  }
0x8b: {  	_ =	swait.ge [sflag:s6], $0x400  }
0x8c: {  	[sflag:s6] =	ssyncset.done $0x0  }
0x8d: {  	s31 =	simm.s32 $0x4C00;
	s30 =	rddreg [dreg:$0x18];
	[sflag:s6] =	ssyncadd.s32 $0xFFFFFC00  }
0x8e: {  	[tilespmem:s31], [sflag:$0x9] =	stream.linear.gather [hbm4b:s30+s3], $0x400, $0x38;
	[tilespmem:$0x19E00] =	vst v63  }
0x8f: {  	_ =	swait.ge [sflag:s6], $0x400  }
0x90: {  	[sflag:s6] =	ssyncset.done $0x0  }
0x91: {  	s24 =	simm.s32 $0x5000;
	s23 =	rddreg [dreg:$0x19];
	[sflag:s6] =	ssyncadd.s32 $0xFFFFFC00  }
0x92: {  	[tilespmem:s24], [sflag:$0x9] =	stream.linear.gather [hbm4b:s23+s3], $0x400, $0x38;
	[tilespmem:$0x19E00] =	vst v63  }
0x93: {  	_ =	swait.ge [sflag:s6], $0x400  }
0x94: {  	[sflag:s6] =	ssyncset.done $0x0  }
0x95: {  	s26 =	simm.s32 $0x5400;
	s25 =	rddreg [dreg:$0x1a];
	[sflag:s6] =	ssyncadd.s32 $0xFFFFFC00  }
0x96: {  	[tilespmem:s26], [sflag:$0x9] =	stream.linear.gather [hbm4b:s25+s3], $0x400, $0x38;
	[tilespmem:$0x19E00] =	vst v63  }
0x97: {  	_ =	swait.ge [sflag:s6], $0x400  }
0x98: {  	[sflag:s6] =	ssyncset.done $0x0  }
0x99: {  	s29 =	simm.s32 $0x5800;
	s28 =	rddreg [dreg:$0x1b];
	[sflag:s6] =	ssyncadd.s32 $0xFFFFFC00  }
0x9a: {  	[tilespmem:s29], [sflag:$0x9] =	stream.linear.gather [hbm4b:s28+s3], $0x400, $0x38;
	[tilespmem:$0x19E00] =	vst v63  }
0x9b: {  	_ =	swait.ge [sflag:s6], $0x400  }
0x9c: {  	[sflag:s6] =	ssyncset.done $0x0  }
0x9d: {  	s31 =	simm.s32 $0x5C00;
	s30 =	rddreg [dreg:$0x1c];
	[sflag:s6] =	ssyncadd.s32 $0xFFFFFC00  }
0x9e: {  	[tilespmem:s31], [sflag:$0x9] =	stream.linear.gather [hbm4b:s30+s3], $0x400, $0x38;
	[tilespmem:$0x19E00] =	vst v63  }
0x9f: {  	_ =	swait.ge [sflag:s6], $0x400  }
0xa0: {  	[sflag:s6] =	ssyncset.done $0x0  }
0xa1: {  	s23 =	simm.s32 $0x6000;
	s1 =	rddreg [dreg:$0x1d];
	[sflag:s6] =	ssyncadd.s32 $0xFFFFFC00  }
0xa2: {  	[tilespmem:s23], [sflag:$0x9] =	stream.linear.gather [hbm4b:s1+s3], $0x400, $0x38;
	[tilespmem:$0x19E00] =	vst v63  }
0xa3: {  	_ =	swait.ge [sflag:s6], $0x400  }
0xa4: {  	[sflag:s6] =	ssyncset.done $0x0  }
0xa5: {  	s25 =	simm.s32 $0x6400;
	s24 =	rddreg [dreg:$0x4];
	[sflag:s6] =	ssyncadd.s32 $0xFFFFFC00  }
0xa6: {  	[tilespmem:s25], [sflag:$0x9] =	stream.linear.gather [hbm4b:s24+s3], $0x3200, $0x38;
	[tilespmem:$0x19E00] =	vst v63  }
0xa7: {  	_ =	swait.ge [sflag:s6], $0x3200  }
0xa8: {  	[sflag:s6] =	ssyncset.done $0x0  }
0xa9: {  	s26 =	simm.s32 $0x9600;
	[sflag:s6] =	ssyncadd.s32 $0xFFFFCE00  }
0xaa: {  	[tilespmem:s26], [sflag:$0x1] =	stream.indirect.gather [hbm4b:s5+s8], $0x40, s3, s8, $0xb8;
	[tilespmem:$0x19E00] =	vst v63  }
0xab: {  	s28 =	simm.s32 $0xB600  }
0xac: {  	[tilespmem:s28], [sflag:$0x2] =	stream.indirect.gather [hbm4b:s5+s8], $0x40, s8, s8, $0xb8;
	[tilespmem:$0x19E00] =	vst v63  }
0xad: {  	s29 =	simm.s32 $0x100;
	s30 =	simm.s32 $0xD600  }
0xae: {  	[tilespmem:s30], [sflag:$0x3] =	stream.indirect.gather [hbm4b:s5+s8], $0x40, s29, s8, $0xb8;
	[tilespmem:$0x19E00] =	vst v63  }
0xaf: {  	s31 =	simm.s32 $0x180;
	s23 =	simm.s32 $0x0  }
0xb0: {  	[tilespmem:s9], [sflag:$0x4] =	stream.indirect.gather [hbm4b:s5+s8], $0x40, s31, s8, $0xb8;
	[tilespmem:$0x19E00] =	vst v63  }
.LBB2_2:
0xb1: {  	_ =	swait.ge [sflag:s10], $0x2000;
	p0 =	seq.s32 s23, $0x0;
	s25 =	simm.s32 $0x0  }
0xb2: {  	s30 =	simm.s32 $0x1;
	s31 =	simm.s32 $0x2;
	[sflag:s10] =	ssyncset.done $0x0  }
0xb3: {  	s0 =	simm.s32 $0x3;
	s24 =	simm.s32 @!p0 $0x5;
	[sflag:s10] =	ssyncadd.s32 $0xFFFFE000  }
0xb4: {  	s1 =	simm.s32 $0x4;
	s29 =	simm.s32 $0x6;
	v33 =	vmov s25;
	v34 =	vmov s30;
	v37 =	vmov s31;
	_ =	swait.ge @!p0 [sflag:s24], $0x2000  }
0xb5: {  	s26 =	sshll.u32 s23, $0x8;
	v38 =	vmov s0;
	v39 =	vmov s1;
	s25 =	simm.s32 $0x5;
	v41 =	vmov s29;
	[sflag:s24] =	ssyncset.done @!p0 $0x0  }
0xb6: {  	s26 =	sand.u32 $0x3FFFFF00, s26;
	v33 =	vshrl.u32 v33, $0x3;
	v40 =	vmov s25;
	v42 =	vshrl.u32 v34, $0x3;
	[sflag:s24] =	ssyncadd.s32 @!p0 $0xFFFFE000  }
0xb7: {  	s30 =	simm.s32 $0x7;
	v37 =	vshrl.u32 v37, $0x3;
	v38 =	vshrl.u32 v38, $0x3;
	v39 =	vshrl.u32 v39, $0x3;
	v36 =	vld [tilespmem:s26+$0x6400]  }
0xb8: {  	s25 =	simm.s32 $0x9700;
	v41 =	vshrl.u32 v41, $0x3;
	v43 =	vmov s30;
	v33 =	vshll.u32 v33, v1;
	v35 =	vld [tilespmem:s26+$0x6410]  }
0xb9: {  	v40 =	vshrl.u32 v40, $0x3;
	v42 =	vshll.u32 v42, v1;
	v44 =	vshrl.u32 v43, $0x3;
	v46 =	vld [tilespmem:s25+$0xC0]  }
0xba: {  	v37 =	vshll.u32 v37, v1;
	v38 =	vshll.u32 v38, v1;
	v58 =	vshll.u32 v44, v1;
	v47 =	vld [tilespmem:s25+$0xFFFFFF00]  }
0xbb: {  	v39 =	vshll.u32 v39, v1;
	v59 =	vshll.u32 v41, v1;
	v45 =	vbroadcast v58, $0x0;
	v48 =	vld [tilespmem:s25+$0xFFFFFF40]  }
0xbc: {  	v43 =	vbroadcast v33, $0x0;
	v40 =	vshll.u32 v40, v1;
	v44 =	vbroadcast v42, $0x0;
	v49 =	vld [tilespmem:s25+$0xFFFFFF80]  }
0xbd: {  	v42 =	vbroadcast v37, $0x0;
	v41 =	vbroadcast v38, $0x0;
	v52 =	vld [tilespmem:s25+$0x0];
	v50 =	vadd.s32 v25, v45  }
0xbe: {  	v39 =	vbroadcast v39, $0x0;
	v60 =	vld [tilespmem:s25+$0xFFFFFFC0];
	v51 =	vadd.s32 v3, v43;
	v46 =	vmul.f32 $8.000000000e+00, v46  }
0xbf: {  	v40 =	vbroadcast v40, $0x0;
	v34 =	vld [tilespmem:s26+$0x6420];
	v53 =	vadd.s32 v11, v44;
	v47 =	vmul.f32 $8.000000000e+00, v47  }
0xc0: {  	v54 =	vld [tilespmem:s25+$0x40];
	v55 =	vadd.s32 v15, v42;
	v48 =	vmul.f32 $8.000000000e+00, v48;
	v46 =	vadd.f32 v46, v36  }
0xc1: {  	v56 =	vld [tilespmem:s25+$0x80];
	v58 =	vadd.s32 v23, v39;
	v49 =	vmul.f32 $8.000000000e+00, v49;
	v47 =	vadd.f32 v47, v36  }
0xc2: {  	v33 =	vld [tilespmem:s26+$0x6430];
	v57 =	vadd.s32 v19, v41;
	v62 =	vmul.f32 $8.000000000e+00, v52;
	v48 =	vadd.f32 v48, v36;
	[tilespmem:v50+s11+$0x0] =	vst.idx.msk $0xffff, v46  }
0xc3: {  	v13 =	vbroadcast v59, $0x0;
	v37 =	vmul.f32 $8.000000000e+00, v60;
	v61 =	vadd.f32 v49, v36;
	[tilespmem:v51+s11+$0x0] =	vst.idx.msk $0xffff, v47;
	v50 =	vld [tilespmem:s25+$0xD0]  }
0xc4: {  	v49 =	vadd.s32 v27, v40;
	v60 =	vadd.f32 v62, v36;
	[tilespmem:v53+s11+$0x0] =	vst.idx.msk $0xffff, v48;
	v51 =	vld [tilespmem:s25+$0xFFFFFF10]  }
0xc5: {  	s31 =	simm.s32 $0x8;
	v38 =	vmul.f32 $8.000000000e+00, v54;
	v52 =	vadd.s32 v31, v13;
	v37 =	vadd.f32 v37, v36;
	[tilespmem:v55+s11+$0x0] =	vst.idx.msk $0xffff, v61;
	v54 =	vld [tilespmem:s25+$0xFFFFFF50]  }
0xc6: {  	v59 =	vmov s31;
	v61 =	vmul.f32 $8.000000000e+00, v56;
	[tilespmem:v58+s11+$0x0] =	vst.idx.msk $0xffff, v60;
	v55 =	vld [tilespmem:s25+$0xFFFFFF90]  }
0xc7: {  	v62 =	vadd.f32 v38, v36;
	v53 =	vshrl.u32 v59, $0x3;
	[tilespmem:v57+s11+$0x0] =	vst.idx.msk $0xffff, v37;
	v47 =	vadd.s32 v7, v45;
	v59 =	vld [tilespmem:s25+$0x10]  }
0xc8: {  	v58 =	vadd.s32 v2, v43;
	v56 =	vld [tilespmem:s25+$0xFFFFFFD0];
	v46 =	vadd.f32 v61, v36;
	v37 =	vmul.f32 $8.000000000e+00, v50  }
0xc9: {  	[tilespmem:v49+s11+$0x0] =	vst.idx.msk $0xffff, v62;
	v50 =	vmul.f32 $8.000000000e+00, v51;
	v51 =	vadd.s32 v5, v44  }
0xca: {  	v60 =	vld [tilespmem:s25+$0x50];
	[tilespmem:v52+s11+$0x0] =	vst.idx.msk $0xffff, v46;
	v52 =	vadd.s32 v17, v42;
	v46 =	vmul.f32 $8.000000000e+00, v54;
	v37 =	vadd.f32 v37, v35  }
0xcb: {  	v62 =	vadd.s32 v28, v39;
	v54 =	vld [tilespmem:s25+$0x90];
	v55 =	vmul.f32 $8.000000000e+00, v55;
	v50 =	vadd.f32 v50, v35  }
0xcc: {  	v61 =	vadd.s32 v21, v41;
	v38 =	vmul.f32 $8.000000000e+00, v59;
	v46 =	vadd.f32 v46, v35;
	[tilespmem:v47+s11+$0x0] =	vst.idx.msk $0xffff, v37  }
0xcd: {  	v56 =	vmul.f32 $8.000000000e+00, v56;
	[tilespmem:v58+s11+$0x0] =	vst.idx.msk $0xffff, v50;
	v37 =	vadd.f32 v55, v35  }
0xce: {  	v47 =	vadd.f32 v38, v35;
	v55 =	vld [tilespmem:s25+$0xE0];
	[tilespmem:v51+s11+$0x0] =	vst.idx.msk $0xffff, v46  }
0xcf: {  	v50 =	vadd.s32 v63, v40;
	v58 =	vld [tilespmem:s25+$0xFFFFFF20];
	v46 =	vadd.f32 v56, v35;
	[tilespmem:v52+s11+$0x0] =	vst.idx.msk $0xffff, v37  }
0xd0: {  	s0 =	simm.s32 $0x9;
	s1 =	simm.s32 $0xA;
	v51 =	vmul.f32 $8.000000000e+00, v60;
	v56 =	vadd.s32 v29, v13;
	v60 =	vld [tilespmem:s25+$0xFFFFFF60];
	v52 =	vmul.f32 $8.000000000e+00, v54;
	[tilespmem:v62+s11+$0x0] =	vst.idx.msk $0xffff, v47  }
0xd1: {  	v48 =	vmov s0;
	v57 =	vmov s1;
	v54 =	vld [tilespmem:s25+$0xFFFFFFA0];
	[tilespmem:v61+s11+$0x0] =	vst.idx.msk $0xffff, v46  }
0xd2: {  	v21 =	vmovc v7;
	v38 =	vadd.f32 v51, v35;
	v61 =	vld [tilespmem:s25+$0xFFFFFFE0];
	v47 =	vadd.f32 v52, v35;
	v52 =	vadd.s32 v4, v45  }
0xd3: {  	v7 =	vmovc v29;
	v29 =	vmovc v63;
	v62 =	vshrl.u32 v48, $0x3;
	v48 =	vadd.s32 v9, v43;
	v63 =	vld [tilespmem:s25+$0x20];
	v46 =	vmul.f32 $8.000000000e+00, v55  }
0xd4: {  	[tilespmem:v50+s11+$0x0] =	vst.idx.msk $0xffff, v38;
	v50 =	vshrl.u32 v57, $0x3;
	v57 =	vadd.s32 v8, v44;
	v38 =	vmul.f32 $8.000000000e+00, v58  }
0xd5: {  	[tilespmem:v56+s11+$0x0] =	vst.idx.msk $0xffff, v47;
	v56 =	vadd.s32 v12, v42;
	v47 =	vmul.f32 $8.000000000e+00, v60;
	v46 =	vadd.f32 v46, v34  }
0xd6: {  	v55 =	vadd.f32 v38, v34;
	v54 =	vmul.f32 $8.000000000e+00, v54;
	v38 =	vadd.s32 v16, v41  }
0xd7: {  	[tilespmem:v52+s11+$0x0] =	vst.idx.msk $0xffff, v46;
	v46 =	vadd.f32 v47, v34;
	v47 =	vmul.f32 $8.000000000e+00, v61;
	v52 =	vadd.s32 v20, v39  }
0xd8: {  	v58 =	vld [tilespmem:s25+$0x60];
	[tilespmem:v48+s11+$0x0] =	vst.idx.msk $0xffff, v55;
	v48 =	vadd.f32 v54, v34;
	v54 =	vmul.f32 $8.000000000e+00, v63  }
0xd9: {  	v60 =	vld [tilespmem:s25+$0xA0];
	[tilespmem:v57+s11+$0x0] =	vst.idx.msk $0xffff, v46;
	v46 =	vadd.f32 v47, v34  }
0xda: {  	s29 =	simm.s32 $0xC;
	s26 =	simm.s32 $0xB;
	v61 =	vld [tilespmem:s25+$0xF0];
	[tilespmem:v56+s11+$0x0] =	vst.idx.msk $0xffff, v48;
	v54 =	vadd.f32 v54, v34  }
0xdb: {  	s30 =	simm.s32 $0xD;
	s31 =	simm.s32 $0xE;
	v49 =	vmov s26;
	v59 =	vmov s29;
	v37 =	vshll.u32 v53, v1;
	v57 =	vld [tilespmem:s25+$0xFFFFFF30];
	[tilespmem:v38+s11+$0x0] =	vst.idx.msk $0xffff, v46  }
0xdc: {  	v53 =	vmov s30;
	v51 =	vmov s31;
	v55 =	vadd.s32 v24, v40;
	v56 =	vld [tilespmem:s25+$0xFFFFFF70];
	[tilespmem:v52+s11+$0x0] =	vst.idx.msk $0xffff, v54  }
0xdd: {  	v44 =	vadd.s32 v10, v44;
	v63 =	vadd.s32 v32, v13;
	v58 =	vmul.f32 $8.000000000e+00, v58;
	v0 =	vld [tilespmem:$0x1FFF0]  }
0xde: {  	v48 =	vshrl.u32 v49, $0x3;
	v60 =	vmul.f32 $8.000000000e+00, v60;
	v47 =	vshrl.u32 v59, $0x3  }
0xdf: {  	v49 =	vshrl.u32 v53, $0x3;
	v53 =	vadd.f32 v58, v34;
	v58 =	vadd.s32 v6, v43;
	v38 =	vld [tilespmem:s25+$0xFFFFFFB0]  }
0xe0: {  	v43 =	vadd.s32 v18, v41;
	v46 =	vshrl.u32 v51, $0x3;
	v51 =	vld [tilespmem:s25+$0xFFFFFFF0];
	v52 =	vadd.f32 v60, v34  }
0xe1: {  	v54 =	vshll.u32 v62, v1;
	[tilespmem:v55+s11+$0x0] =	vst.idx.msk $0xffff, v53;
	v59 =	vld [tilespmem:s25+$0x30];
	v61 =	vmul.f32 $8.000000000e+00, v61;
	v62 =	vmul.f32 $8.000000000e+00, v57  }
0xe2: {  	v55 =	vshll.u32 v50, v1;
	v60 =	vld [tilespmem:s25+$0x70];
	v56 =	vmul.f32 $8.000000000e+00, v56;
	v45 =	vadd.s32 v0, v45  }
0xe3: {  	v53 =	vadd.s32 v14, v42;
	v42 =	vadd.s32 v22, v39;
	v50 =	vadd.f32 v62, v33  }
0xe4: {  	v39 =	vadd.s32 v30, v13;
	[tilespmem:v63+s11+$0x0] =	vst.idx.msk $0xffff, v52;
	v38 =	vmul.f32 $8.000000000e+00, v38;
	v62 =	vadd.f32 v56, v33  }
0xe5: {  	v13 =	vmov v9;
	v61 =	vadd.f32 v61, v33;
	v63 =	vmul.f32 $8.000000000e+00, v51;
	[tilespmem:v58+s11+$0x0] =	vst.idx.msk $0xffff, v50  }
0xe6: {  	v9 =	vmovc v2;
	v28 =	vmov v0;
	v56 =	vadd.f32 v38, v33;
	v51 =	vmul.f32 $8.000000000e+00, v59;
	[tilespmem:v44+s11+$0x0] =	vst.idx.msk $0xffff, v62  }
0xe7: {  	s28 =	simm.s32 $0xF;
	s24 =	sshll.u32 s23, $0x2;
	s26 =	simm.s32 $0x10;
	v41 =	vld [tilespmem:s25+$0xB0];
	v38 =	vadd.s32 v26, v40;
	v52 =	vadd.f32 v63, v33;
	v40 =	vmul.f32 $8.000000000e+00, v60;
	[tilespmem:v45+s11+$0x0] =	vst.idx.msk $0xffff, v61  }
.LBB2_3:
0xe8: {  	s25 =	sadd.s32 $0x200, s25  }
0xe9: {  	v44 =	vmov s28;
	v48 =	vshll.u32 v48, v1;
	v47 =	vshll.u32 v47, v1;
	v58 =	vld [tilespmem:s25+$0xC0]  }
0xea: {  	v49 =	vshll.u32 v49, v1;
	[tilespmem:v53+s11+$0x0] =	vst.idx.msk $0xffff, v56;
	v45 =	vadd.f32 v51, v33;
	v44 =	vshrl.u32 v44, $0x3;
	v59 =	vld [tilespmem:s25+$0xFFFFFF00]  }
0xeb: {  	[tilespmem:v43+s11+$0x0] =	vst.idx.msk $0xffff, v52;
	v62 =	vld [tilespmem:s25+$0xFFFFFF40];
	v43 =	vbroadcast v55, $0x0;
	v60 =	vshll.u32 v44, v1;
	v44 =	vbroadcast v54, $0x0  }
0xec: {  	v40 =	vadd.f32 v40, v33;
	v53 =	vld [tilespmem:s25+$0xFFFFFFC0];
	[tilespmem:v42+s11+$0x0] =	vst.idx.msk $0xffff, v45;
	v45 =	vbroadcast v60, $0x0;
	v42 =	vbroadcast v48, $0x0  }
0xed: {  	v46 =	vshll.u32 v46, v1;
	v50 =	vmul.f32 $8.000000000e+00, v41;
	v41 =	vbroadcast v37, $0x0;
	v37 =	vld [tilespmem:s25+$0xFFFFFF80]  }
0xee: {  	[tilespmem:v38+s11+$0x0] =	vst.idx.msk $0xffff, v40;
	v40 =	vbroadcast v47, $0x0;
	v38 =	vbroadcast v49, $0x0;
	v54 =	vld [tilespmem:s25+$0x0];
	v47 =	vadd.s32 v25, v45  }
0xef: {  	v52 =	vadd.s32 v11, v44;
	v61 =	vadd.f32 v50, v33;
	v49 =	vmul.f32 $8.000000000e+00, v58  }
0xf0: {  	v0 =	vld [tilespmem:$0x1FEE0];
	v57 =	vadd.s32 v19, v42;
	v48 =	vadd.s32 v3, v41;
	v63 =	vmul.f32 $8.000000000e+00, v59  }
0xf1: {  	v60 =	vld [tilespmem:s25+$0x40];
	v58 =	vadd.s32 v23, v40;
	v53 =	vmul.f32 $8.000000000e+00, v53;
	[tilespmem:v39+s11+$0x0] =	vst.idx.msk $0xffff, v61;
	v49 =	vadd.f32 v49, v36  }
0xf2: {  	v61 =	vmul.f32 $8.000000000e+00, v62;
	v62 =	vadd.s32 v15, v43;
	v56 =	vld [tilespmem:s25+$0x80];
	v37 =	vmul.f32 $8.000000000e+00, v37  }
0xf3: {  	v39 =	vbroadcast v46, $0x0;
	v51 =	vadd.f32 v63, v36;
	v63 =	vmul.f32 $8.000000000e+00, v54;
	[tilespmem:v47+s11+$0x0] =	vst.idx.msk $0xffff, v49  }
0xf4: {  	v46 =	vadd.f32 v61, v36;
	v61 =	vmov s26;
	v37 =	vadd.f32 v37, v36;
	v49 =	vld [tilespmem:s25+$0xD0]  }
0xf5: {  	[tilespmem:v48+s11+$0x0] =	vst.idx.msk $0xffff, v51;
	v48 =	vadd.s32 v27, v38;
	v50 =	vshrl.u32 v61, $0x3;
	v61 =	vadd.s32 v0, v42;
	v0 =	vld [tilespmem:$0x1FF20]  }
0xf6: {  	v59 =	vadd.f32 v53, v36;
	v60 =	vmul.f32 $8.000000000e+00, v60;
	v53 =	vadd.s32 v31, v39;
	v51 =	vld [tilespmem:s25+$0xFFFFFF10];
	[tilespmem:v52+s11+$0x0] =	vst.idx.msk $0xffff, v46  }
0xf7: {  	v55 =	vld [tilespmem:s25+$0xFFFFFF50];
	[tilespmem:v62+s11+$0x0] =	vst.idx.msk $0xffff, v37;
	v62 =	vadd.f32 v63, v36;
	v63 =	vmul.f32 $8.000000000e+00, v56  }
0xf8: {  	[tilespmem:v57+s11+$0x0] =	vst.idx.msk $0xffff, v59;
	v60 =	vadd.f32 v60, v36;
	v54 =	vld [tilespmem:s25+$0xFFFFFF90]  }
0xf9: {  	v47 =	vadd.s32 v21, v45;
	v56 =	vld [tilespmem:s25+$0xFFFFFFD0];
	[tilespmem:v58+s11+$0x0] =	vst.idx.msk $0xffff, v62;
	v37 =	vadd.f32 v63, v36  }
0xfa: {  	s28 =	sadd.s32 $0x1, s26;
	v2 =	vadd.s32 v20, v40;
	v58 =	vadd.s32 v9, v41;
	v59 =	vld [tilespmem:s25+$0x10];
	[tilespmem:v48+s11+$0x0] =	vst.idx.msk $0xffff, v60;
	v46 =	vmul.f32 $8.000000000e+00, v49  }
0xfb: {  	v52 =	vmov s28;
	v49 =	vmul.f32 $8.000000000e+00, v51;
	v51 =	vadd.s32 v5, v44;
	v60 =	vld [tilespmem:s25+$0x50];
	[tilespmem:v53+s11+$0x0] =	vst.idx.msk $0xffff, v37  }
0xfc: {  	s28 =	sadd.s32 $0x2, s26;
	v37 =	vmul.f32 $8.000000000e+00, v55;
	v53 =	vadd.s32 v17, v43;
	v46 =	vadd.f32 v46, v35;
	v55 =	vld [tilespmem:s25+$0x90]  }
0xfd: {  	v57 =	vmov s28;
	v49 =	vadd.f32 v49, v35;
	v54 =	vmul.f32 $8.000000000e+00, v54  }
0xfe: {  	v62 =	vadd.s32 v0, v40;
	v56 =	vmul.f32 $8.000000000e+00, v56;
	v37 =	vadd.f32 v37, v35;
	[tilespmem:v47+s11+$0x0] =	vst.idx.msk $0xffff, v46  }
0xff: {  	[tilespmem:v58+s11+$0x0] =	vst.idx.msk $0xffff, v49;
	v46 =	vadd.f32 v54, v35;
	v47 =	vmul.f32 $8.000000000e+00, v59;
	v49 =	vadd.s32 v29, v38;
	v54 =	vld [tilespmem:s25+$0xE0]  }
0x100: {  	v52 =	vshrl.u32 v52, $0x3;
	v58 =	vld [tilespmem:s25+$0xFFFFFF20];
	[tilespmem:v51+s11+$0x0] =	vst.idx.msk $0xffff, v37;
	v51 =	vadd.f32 v56, v35;
	v56 =	vmul.f32 $8.000000000e+00, v60  }
0x101: {  	s28 =	sadd.s32 $0x3, s26;
	v59 =	vadd.s32 v7, v39;
	v63 =	vld [tilespmem:s25+$0xFFFFFF60];
	[tilespmem:v53+s11+$0x0] =	vst.idx.msk $0xffff, v46;
	v46 =	vadd.f32 v47, v35;
	v47 =	vmul.f32 $8.000000000e+00, v55  }
0x102: {  	v48 =	vmov s28;
	s28 =	sadd.s32 $0x4, s26;
	v0 =	vadd.s32 v16, v42;
	v53 =	vld [tilespmem:s25+$0xFFFFFFA0];
	[tilespmem:v61+s11+$0x0] =	vst.idx.msk $0xffff, v51;
	v51 =	vadd.f32 v56, v35  }
0x103: {  	v60 =	vmov s28;
	v56 =	vld [tilespmem:s25+$0xFFFFFFE0];
	[tilespmem:v62+s11+$0x0] =	vst.idx.msk $0xffff, v46;
	v46 =	vadd.f32 v47, v35;
	v47 =	vadd.s32 v4, v45  }
0x104: {  	v37 =	vshll.u32 v50, v1;
	v61 =	vadd.s32 v13, v41;
	v62 =	vld [tilespmem:s25+$0x20];
	[tilespmem:v49+s11+$0x0] =	vst.idx.msk $0xffff, v51;
	v49 =	vmul.f32 $8.000000000e+00, v54  }
0x105: {  	v51 =	vshrl.u32 v57, $0x3;
	v57 =	vadd.s32 v8, v44;
	v54 =	vmul.f32 $8.000000000e+00, v58;
	v58 =	vld [tilespmem:s25+$0x60]  }
0x106: {  	s28 =	sadd.s32 $0x5, s26;
	[tilespmem:v59+s11+$0x0] =	vst.idx.msk $0xffff, v46;
	v46 =	vmul.f32 $8.000000000e+00, v63;
	v59 =	vadd.s32 v12, v43;
	v49 =	vadd.f32 v49, v34  }
0x107: {  	v50 =	vmov s28;
	v63 =	vld [tilespmem:s25+$0xA0];
	v54 =	vadd.f32 v54, v34;
	v53 =	vmul.f32 $8.000000000e+00, v53  }
0x108: {  	v45 =	vadd.s32 v28, v45;
	v46 =	vadd.f32 v46, v34;
	v56 =	vmul.f32 $8.000000000e+00, v56;
	[tilespmem:v47+s11+$0x0] =	vst.idx.msk $0xffff, v49  }
0x109: {  	[tilespmem:v61+s11+$0x0] =	vst.idx.msk $0xffff, v54;
	v47 =	vadd.f32 v53, v34;
	v49 =	vmul.f32 $8.000000000e+00, v62;
	v53 =	vadd.s32 v24, v38;
	v61 =	vld [tilespmem:s25+$0xF0]  }
0x10a: {  	s28 =	sadd.s32 $0x6, s26;
	v44 =	vadd.s32 v10, v44;
	v62 =	vld [tilespmem:s25+$0xFFFFFF30];
	[tilespmem:v57+s11+$0x0] =	vst.idx.msk $0xffff, v46;
	v46 =	vadd.f32 v56, v34;
	v54 =	vmul.f32 $8.000000000e+00, v58  }
0x10b: {  	v55 =	vmov s28;
	v56 =	vadd.s32 v32, v39;
	v57 =	vld [tilespmem:s25+$0xFFFFFF70];
	[tilespmem:v59+s11+$0x0] =	vst.idx.msk $0xffff, v47;
	v58 =	vadd.f32 v49, v34  }
0x10c: {  	v49 =	vshrl.u32 v50, $0x3;
	v59 =	vmul.f32 $8.000000000e+00, v63;
	v50 =	vld [tilespmem:s25+$0xFFFFFFB0];
	[tilespmem:v0+s11+$0x0] =	vst.idx.msk $0xffff, v46;
	v0 =	vadd.f32 v54, v34  }
0x10d: {  	v38 =	vadd.s32 v26, v38;
	v47 =	vshrl.u32 v60, $0x3;
	v54 =	vshll.u32 v52, v1;
	v60 =	vld [tilespmem:s25+$0xFFFFFFF0];
	[tilespmem:v2+s11+$0x0] =	vst.idx.msk $0xffff, v58  }
0x10e: {  	v52 =	vadd.s32 v6, v41;
	v2 =	vadd.f32 v59, v34;
	v58 =	vld [tilespmem:s25+$0x30];
	[tilespmem:v53+s11+$0x0] =	vst.idx.msk $0xffff, v0;
	v0 =	vmul.f32 $8.000000000e+00, v61  }
0x10f: {  	p1 =	slt.u32 s26, $0x78;
	v39 =	vadd.s32 v30, v39;
	v46 =	vshrl.u32 v55, $0x3;
	v61 =	vmul.f32 $8.000000000e+00, v62;
	v62 =	vld [tilespmem:s25+$0x70]  }
.Ltmp2:
0x110: {  	v55 =	vshll.u32 v51, v1;
	[tilespmem:v56+s11+$0x0] =	vst.idx.msk $0xffff, v2;
	v2 =	vmul.f32 $8.000000000e+00, v57;
	v0 =	vadd.f32 v0, v33;
	(pc) =	sbr.rel @p1 .LBB2_3-.Ltmp2, $4  }
0x111: {  	v53 =	vadd.s32 v14, v43;
	v51 =	vadd.f32 v61, v33;
	v50 =	vmul.f32 $8.000000000e+00, v50  }
0x112: {  	v43 =	vadd.s32 v18, v42;
	v2 =	vadd.f32 v2, v33;
	v63 =	vmul.f32 $8.000000000e+00, v60;
	[tilespmem:v45+s11+$0x0] =	vst.idx.msk $0xffff, v0  }
0x113: {  	v48 =	vshrl.u32 v48, $0x3;
	v42 =	vadd.s32 v22, v40;
	[tilespmem:v52+s11+$0x0] =	vst.idx.msk $0xffff, v51;
	v56 =	vadd.f32 v50, v33  }
0x114: {  	s28 =	sadd.s32 $0x7, s26;
	s26 =	sadd.s32 $0x8, s26;
	v41 =	vld [tilespmem:s25+$0xB0];
	v51 =	vmul.f32 $8.000000000e+00, v58;
	[tilespmem:v44+s11+$0x0] =	vst.idx.msk $0xffff, v2;
	v52 =	vadd.f32 v63, v33;
	v40 =	vmul.f32 $8.000000000e+00, v62  }
0x115: {  	v0 =	vmov s28;
	s25 =	sadd.s32 $0x200, s25  }
0x116: {  	v2 =	vld [tilespmem:s25+$0xC0];
	v0 =	vshrl.u32 v0, $0x3  }
0x117: {  	v44 =	vshll.u32 v48, v1;
	v48 =	vbroadcast v37, $0x0;
	v45 =	vld [tilespmem:s25+$0xFFFFFF00];
	v0 =	vshll.u32 v0, v1  }
0x118: {  	v63 =	vshll.u32 v47, v1;
	v58 =	vshll.u32 v49, v1;
	v57 =	vld [tilespmem:s25+$0xFFFFFF40];
	v50 =	vbroadcast v0, $0x0  }
0x119: {  	v49 =	vbroadcast v54, $0x0;
	v47 =	vbroadcast v55, $0x0;
	v54 =	vshll.u32 v46, v1;
	v0 =	vld [tilespmem:s25+$0xFFFFFF80]  }
0x11a: {  	v44 =	vbroadcast v44, $0x0;
	v46 =	vbroadcast v63, $0x0;
	v61 =	vld [tilespmem:s25+$0x0];
	v59 =	vadd.s32 v25, v50  }
0x11b: {  	v63 =	vld [tilespmem:s25+$0x40];
	v60 =	vadd.s32 v3, v48;
	v3 =	vbroadcast v58, $0x0;
	v2 =	vmul.f32 $8.000000000e+00, v2  }
0x11c: {  	v55 =	vld [tilespmem:s25+$0xFFFFFFC0];
	v37 =	vmul.f32 $8.000000000e+00, v45;
	v45 =	vbroadcast v54, $0x0  }
0x11d: {  	v25 =	vld [tilespmem:s25+$0x80];
	v54 =	vmul.f32 $8.000000000e+00, v57;
	v57 =	vadd.s32 v15, v47;
	v2 =	vadd.f32 v2, v36  }
0x11e: {  	v62 =	vadd.s32 v11, v49;
	v58 =	vadd.f32 v37, v36;
	v0 =	vmul.f32 $8.000000000e+00, v0  }
0x11f: {  	v11 =	vmov v15;
	v37 =	vadd.s32 v19, v44;
	[tilespmem:v59+s11+$0x0] =	vst.idx.msk $0xffff, v2  }
0x120: {  	v15 =	vmovc v44;
	v44 =	vmul.f32 $8.000000000e+00, v61;
	v61 =	vmul.f32 $8.000000000e+00, v63;
	[tilespmem:v60+s11+$0x0] =	vst.idx.msk $0xffff, v58;
	v0 =	vadd.f32 v0, v36;
	v60 =	vld [tilespmem:s25+$0xD0]  }
0x121: {  	[tilespmem:v53+s11+$0x0] =	vst.idx.msk $0xffff, v56;
	v2 =	vadd.f32 v54, v36;
	v54 =	vmul.f32 $8.000000000e+00, v55;
	v55 =	vadd.s32 v23, v46  }
0x122: {  	v59 =	vadd.s32 v27, v3;
	[tilespmem:v57+s11+$0x0] =	vst.idx.msk $0xffff, v0;
	v57 =	vadd.f32 v44, v36;
	v44 =	vmul.f32 $8.000000000e+00, v25  }
0x123: {  	[tilespmem:v62+s11+$0x0] =	vst.idx.msk $0xffff, v2;
	v54 =	vadd.f32 v54, v36;
	v62 =	vadd.s32 v31, v45  }
0x124: {  	v63 =	vadd.f32 v61, v36;
	v2 =	vld [tilespmem:s25+$0xFFFFFF10];
	v36 =	vadd.f32 v44, v36;
	v44 =	vadd.s32 v21, v50  }
0x125: {  	v0 =	vld [tilespmem:s25+$0xFFFFFF50];
	[tilespmem:v37+s11+$0x0] =	vst.idx.msk $0xffff, v54;
	v54 =	vmul.f32 $8.000000000e+00, v60  }
0x126: {  	v37 =	vld [tilespmem:s25+$0xFFFFFF90];
	[tilespmem:v55+s11+$0x0] =	vst.idx.msk $0xffff, v57  }
0x127: {  	v58 =	vld [tilespmem:s25+$0xFFFFFFD0];
	[tilespmem:v59+s11+$0x0] =	vst.idx.msk $0xffff, v63;
	v54 =	vadd.f32 v54, v35  }
0x128: {  	v55 =	vadd.s32 v9, v48;
	v59 =	vadd.s32 v5, v49;
	v57 =	vld [tilespmem:s25+$0x10];
	[tilespmem:v62+s11+$0x0] =	vst.idx.msk $0xffff, v36  }
0x129: {  	v5 =	vmov v17;
	v2 =	vmul.f32 $8.000000000e+00, v2;
	v36 =	vadd.s32 v17, v47;
	v17 =	vld [tilespmem:$0x1FEE0];
	[tilespmem:v44+s11+$0x0] =	vst.idx.msk $0xffff, v54  }
0x12a: {  	v0 =	vmul.f32 $8.000000000e+00, v0;
	v25 =	vld [tilespmem:$0x1FF20]  }
0x12b: {  	v60 =	vld [tilespmem:s25+$0x50];
	v2 =	vadd.f32 v2, v35;
	v37 =	vmul.f32 $8.000000000e+00, v37  }
0x12c: {  	v61 =	vld [tilespmem:s25+$0x90];
	v0 =	vadd.f32 v0, v35  }
0x12d: {  	[tilespmem:v55+s11+$0x0] =	vst.idx.msk $0xffff, v2;
	v2 =	vadd.f32 v37, v35  }
0x12e: {  	[tilespmem:v59+s11+$0x0] =	vst.idx.msk $0xffff, v0;
	v53 =	vadd.s32 v17, v15  }
0x12f: {  	v44 =	vmul.f32 $8.000000000e+00, v58;
	[tilespmem:v36+s11+$0x0] =	vst.idx.msk $0xffff, v2;
	v2 =	vld [tilespmem:s25+$0xFFFFFF60];
	v54 =	vadd.s32 v25, v46  }
0x130: {  	v37 =	vmul.f32 $8.000000000e+00, v57;
	v55 =	vadd.s32 v29, v3;
	v60 =	vmul.f32 $8.000000000e+00, v60;
	v0 =	vld [tilespmem:s25+$0xFFFFFF20]  }
0x131: {  	v58 =	vadd.s32 v7, v45;
	v56 =	vld [tilespmem:s25+$0xE0];
	v44 =	vadd.f32 v44, v35;
	v59 =	vmul.f32 $8.000000000e+00, v61  }
0x132: {  	[tilespmem:v43+s11+$0x0] =	vst.idx.msk $0xffff, v52;
	v63 =	vadd.f32 v37, v35;
	v60 =	vadd.f32 v60, v35  }
0x133: {  	v61 =	vadd.f32 v59, v35;
	v35 =	vadd.s32 v8, v49;
	[tilespmem:v53+s11+$0x0] =	vst.idx.msk $0xffff, v44;
	v44 =	vld [tilespmem:s25+$0xFFFFFFA0]  }
0x134: {  	v53 =	vadd.s32 v13, v48;
	v2 =	vmul.f32 $8.000000000e+00, v2;
	v36 =	vld [tilespmem:s25+$0xFFFFFFE0];
	[tilespmem:v54+s11+$0x0] =	vst.idx.msk $0xffff, v63  }
0x135: {  	v51 =	vadd.f32 v51, v33;
	v37 =	vadd.s32 v4, v50;
	[tilespmem:v55+s11+$0x0] =	vst.idx.msk $0xffff, v60;
	v0 =	vmul.f32 $8.000000000e+00, v0;
	v54 =	vld [tilespmem:s25+$0x20]  }
0x136: {  	[tilespmem:v58+s11+$0x0] =	vst.idx.msk $0xffff, v61;
	v60 =	vld [tilespmem:s25+$0x60];
	v2 =	vadd.f32 v2, v34;
	v63 =	vmul.f32 $8.000000000e+00, v56  }
0x137: {  	v43 =	vadd.s32 v12, v47;
	[tilespmem:v42+s11+$0x0] =	vst.idx.msk $0xffff, v51;
	v52 =	vld [tilespmem:s25+$0xA0];
	v0 =	vadd.f32 v0, v34  }
0x138: {  	[tilespmem:v35+s11+$0x0] =	vst.idx.msk $0xffff, v2;
	v55 =	vadd.f32 v63, v34;
	v61 =	vmul.f32 $8.000000000e+00, v44;
	v63 =	vadd.s32 v16, v15  }
0x139: {  	v57 =	vadd.s32 v20, v46;
	[tilespmem:v53+s11+$0x0] =	vst.idx.msk $0xffff, v0;
	v36 =	vmul.f32 $8.000000000e+00, v36  }
0x13a: {  	v51 =	vadd.s32 v24, v3;
	v2 =	vld [tilespmem:s25+$0xFFFFFF30];
	[tilespmem:v37+s11+$0x0] =	vst.idx.msk $0xffff, v55;
	v0 =	vadd.f32 v61, v34;
	v58 =	vmul.f32 $8.000000000e+00, v54  }
0x13b: {  	v60 =	vmul.f32 $8.000000000e+00, v60;
	v53 =	vld [tilespmem:s25+$0xF0];
	v59 =	vadd.f32 v36, v34;
	v54 =	vadd.s32 v32, v45  }
0x13c: {  	v61 =	vmul.f32 $8.000000000e+00, v52;
	[tilespmem:v43+s11+$0x0] =	vst.idx.msk $0xffff, v0;
	v0 =	vld [tilespmem:s25+$0xFFFFFF70];
	v42 =	vadd.f32 v58, v34  }
0x13d: {  	v52 =	vld [tilespmem:s25+$0xFFFFFFB0];
	[tilespmem:v63+s11+$0x0] =	vst.idx.msk $0xffff, v59;
	v63 =	vadd.f32 v60, v34  }
0x13e: {  	v55 =	vmul.f32 $8.000000000e+00, v41;
	v56 =	vld [tilespmem:s25+$0xFFFFFFF0];
	v58 =	vadd.s32 v6, v48;
	[tilespmem:v57+s11+$0x0] =	vst.idx.msk $0xffff, v42;
	v57 =	vadd.f32 v61, v34  }
0x13f: {  	v40 =	vadd.f32 v40, v33;
	v37 =	vadd.s32 v28, v50;
	v2 =	vmul.f32 $8.000000000e+00, v2;
	[tilespmem:v51+s11+$0x0] =	vst.idx.msk $0xffff, v63;
	v59 =	vld [tilespmem:s25+$0x30]  }
0x140: {  	v36 =	vadd.f32 v55, v33;
	v60 =	vmul.f32 $8.000000000e+00, v53;
	v61 =	vadd.s32 v10, v49;
	v63 =	vld [tilespmem:s25+$0x70];
	[tilespmem:v54+s11+$0x0] =	vst.idx.msk $0xffff, v57  }
0x141: {  	[tilespmem:v38+s11+$0x0] =	vst.idx.msk $0xffff, v40;
	v51 =	vadd.s32 v14, v47;
	v2 =	vadd.f32 v2, v33;
	v0 =	vmul.f32 $8.000000000e+00, v0;
	v53 =	vld [tilespmem:s25+$0xB0]  }
0x142: {  	v55 =	vadd.s32 v18, v15;
	[tilespmem:v39+s11+$0x0] =	vst.idx.msk $0xffff, v36;
	v35 =	vadd.f32 v60, v33;
	v54 =	vmul.f32 $8.000000000e+00, v52  }
0x143: {  	v57 =	vadd.s32 v22, v46;
	v0 =	vadd.f32 v0, v33;
	v56 =	vmul.f32 $8.000000000e+00, v56;
	[tilespmem:v58+s11+$0x0] =	vst.idx.msk $0xffff, v2  }
0x144: {  	[tilespmem:v37+s11+$0x0] =	vst.idx.msk $0xffff, v35;
	v2 =	vadd.f32 v54, v33;
	v58 =	vmul.f32 $8.000000000e+00, v59;
	v59 =	vadd.s32 v26, v3  }
0x145: {  	[tilespmem:v61+s11+$0x0] =	vst.idx.msk $0xffff, v0;
	v0 =	vadd.f32 v56, v33;
	v60 =	vmul.f32 $8.000000000e+00, v63;
	v61 =	vadd.s32 v30, v45  }
0x146: {  	[tilespmem:v51+s11+$0x0] =	vst.idx.msk $0xffff, v2;
	v2 =	vadd.f32 v58, v33;
	v63 =	vmul.f32 $8.000000000e+00, v53  }
0x147: {  	s26 =	sshll.u32 s23, $0x14;
	[tilespmem:v55+s11+$0x0] =	vst.idx.msk $0xffff, v0;
	v0 =	vadd.f32 v60, v33  }
0x148: {  	s25 =	sor.u32 s4, s26;
	[tilespmem:v57+s11+$0x0] =	vst.idx.msk $0xffff, v2;
	v2 =	vadd.f32 v63, v33  }
0x149: {  	s25 =	sshrl.u32 s25, $0x3;
	[tilespmem:v59+s11+$0x0] =	vst.idx.msk $0xffff, v0  }
0x14a: {  	s31 =	simm.s32 $0x11600;
	s26 =	sadd.s32 s2, s25;
	[tilespmem:v61+s11+$0x0] =	vst.idx.msk $0xffff, v2  }
0x14b: {  	[hbm4b:s26+s3] =	stream.linear.scatter [tilespmem:s31], [sflag:$0x5], $0x80, $0x38;
	[tilespmem:$0x19E00] =	vst v63  }
0x14c: {  	s0 =	simm.s32 $0x11688;
	s28 =	sadd.s32 $0x10, s26  }
0x14d: {  	[hbm4b:s28+s3] =	stream.linear.scatter [tilespmem:s0], [sflag:$0x5], $0x80, $0x38;
	[tilespmem:$0x19E00] =	vst v63  }
0x14e: {  	s1 =	simm.s32 $0x11710;
	s28 =	sadd.s32 $0x20, s26  }
0x14f: {  	[hbm4b:s28+s3] =	stream.linear.scatter [tilespmem:s1], [sflag:$0x5], $0x80, $0x38;
	[tilespmem:$0x19E00] =	vst v63  }
0x150: {  	s31 =	simm.s32 $0x11798;
	s28 =	sadd.s32 $0x30, s26  }
0x151: {  	[hbm4b:s28+s3] =	stream.linear.scatter [tilespmem:s31], [sflag:$0x5], $0x80, $0x38;
	[tilespmem:$0x19E00] =	vst v63  }
0x152: {  	s0 =	simm.s32 $0x11820;
	s28 =	sadd.s32 $0x40, s26  }
0x153: {  	[hbm4b:s28+s3] =	stream.linear.scatter [tilespmem:s0], [sflag:$0x5], $0x80, $0x38;
	[tilespmem:$0x19E00] =	vst v63  }
0x154: {  	s29 =	simm.s32 $0x119B8;
	s1 =	simm.s32 $0x118A8;
	s28 =	sadd.s32 $0x50, s26  }
0x155: {  	[hbm4b:s28+s3] =	stream.linear.scatter [tilespmem:s1], [sflag:$0x5], $0x80, $0x38;
	[tilespmem:$0x19E00] =	vst v63  }
0x156: {  	s25 =	simm.s32 $0x440;
	s31 =	simm.s32 $0x11930;
	s28 =	sadd.s32 $0x60, s26  }
0x157: {  	v19 =	vmovc v23;
	v23 =	vmovc v27;
	v27 =	vmov v31;
	v62 =	vmov v29;
	v29 =	vmov v7;
	[hbm4b:s28+s3] =	stream.linear.scatter [tilespmem:s31], [sflag:$0x5], $0x80, $0x38;
	[tilespmem:$0x19E00] =	vst v63  }
0x158: {  	v7 =	vmovc v13;
	v18 =	vmovc v17;
	v14 =	vmov v5;
	s30 =	sadd.s32 $0x70, s26;
	v63 =	vmov v4;
	v4 =	vmov v28;
	s26 =	sadd.s32 $0x1000, s26;
	s28 =	simm.s32 $0x2200  }
.LBB2_5:
0x159: {  	[hbm4b:s30+s3] =	stream.linear.scatter [tilespmem:s29], [sflag:$0x5], $0x80, $0x38;
	[tilespmem:$0x19E00] =	vst v63  }
0x15a: {  	s29 =	smov.u32 s25;
	s25 =	smov.u32 s28  }
0x15b: {  	s31 =	sadd.s32 $0x1100, s28;
	s25 =	sshra.s32 s25, $0x2;
	s30 =	sadd.s32 $0x11600, s29  }
0x15c: {  	[hbm4b:s26+s3] =	stream.linear.scatter [tilespmem:s30], [sflag:$0x5], $0x80, $0x38;
	[tilespmem:$0x19E00] =	vst v63  }
0x15d: {  	p1 =	sne.s32 s28, $0x7700;
	s28 =	sadd.s32 $0x11688, s29;
	s30 =	sadd.s32 $0x10, s26  }
0x15e: {  	[hbm4b:s30+s3] =	stream.linear.scatter [tilespmem:s28], [sflag:$0x5], $0x80, $0x38;
	[tilespmem:$0x19E00] =	vst v63  }
0x15f: {  	s28 =	sadd.s32 $0x11710, s29;
	s30 =	sadd.s32 $0x20, s26  }
0x160: {  	[hbm4b:s30+s3] =	stream.linear.scatter [tilespmem:s28], [sflag:$0x5], $0x80, $0x38;
	[tilespmem:$0x19E00] =	vst v63  }
0x161: {  	s28 =	sadd.s32 $0x11798, s29;
	s30 =	sadd.s32 $0x30, s26  }
0x162: {  	[hbm4b:s30+s3] =	stream.linear.scatter [tilespmem:s28], [sflag:$0x5], $0x80, $0x38;
	[tilespmem:$0x19E00] =	vst v63  }
0x163: {  	s28 =	sadd.s32 $0x11820, s29;
	s30 =	sadd.s32 $0x40, s26  }
0x164: {  	[hbm4b:s30+s3] =	stream.linear.scatter [tilespmem:s28], [sflag:$0x5], $0x80, $0x38;
	[tilespmem:$0x19E00] =	vst v63  }
.Ltmp3:
0x165: {  	s28 =	sadd.s32 $0x118A8, s29;
	s30 =	sadd.s32 $0x50, s26;
	(pc) =	sbr.rel @p1 .LBB2_5-.Ltmp3, $4  }
0x166: {  	[hbm4b:s30+s3] =	stream.linear.scatter [tilespmem:s28], [sflag:$0x5], $0x80, $0x38;
	[tilespmem:$0x19E00] =	vst v63  }
0x167: {  	s28 =	sadd.s32 $0x11930, s29;
	s30 =	sadd.s32 $0x60, s26;
	s29 =	sadd.s32 $0x119B8, s29  }
0x168: {  	[hbm4b:s30+s3] =	stream.linear.scatter [tilespmem:s28], [sflag:$0x5], $0x80, $0x38;
	[tilespmem:$0x19E00] =	vst v63  }
0x169: {  	s30 =	sadd.s32 $0x70, s26;
	s26 =	sadd.s32 $0x1000, s26;
	s28 =	smov.u32 s31  }
0x16a: {  	[hbm4b:s30+s3] =	stream.linear.scatter [tilespmem:s29], [sflag:$0x5], $0x80, $0x38;
	[tilespmem:$0x19E00] =	vst v63  }
0x16b: {  	s28 =	sadd.s32 $0x11600, s25  }
0x16c: {  	[hbm4b:s26+s3] =	stream.linear.scatter [tilespmem:s28], [sflag:$0x5], $0x80, $0x38;
	[tilespmem:$0x19E00] =	vst v63  }
0x16d: {  	s29 =	sadd.s32 $0x10, s26;
	s28 =	sadd.s32 $0x11688, s25  }
0x16e: {  	[hbm4b:s29+s3] =	stream.linear.scatter [tilespmem:s28], [sflag:$0x5], $0x80, $0x38;
	[tilespmem:$0x19E00] =	vst v63  }
0x16f: {  	s28 =	sadd.s32 $0x11710, s25;
	s29 =	sadd.s32 $0x20, s26  }
0x170: {  	[hbm4b:s29+s3] =	stream.linear.scatter [tilespmem:s28], [sflag:$0x5], $0x80, $0x38;
	[tilespmem:$0x19E00] =	vst v63  }
0x171: {  	s28 =	sadd.s32 $0x11798, s25;
	s29 =	sadd.s32 $0x30, s26  }
0x172: {  	[hbm4b:s29+s3] =	stream.linear.scatter [tilespmem:s28], [sflag:$0x5], $0x80, $0x38;
	[tilespmem:$0x19E00] =	vst v63  }
0x173: {  	s1 =	sadd.s32 $0x119B8, s25;
	s28 =	sadd.s32 $0x11820, s25;
	s29 =	sadd.s32 $0x40, s26  }
0x174: {  	[hbm4b:s29+s3] =	stream.linear.scatter [tilespmem:s28], [sflag:$0x5], $0x80, $0x38;
	[tilespmem:$0x19E00] =	vst v63  }
0x175: {  	p1 =	seq.s32 s23, $0x31;
	s28 =	sadd.s32 $0x118A8, s25;
	s29 =	sadd.s32 $0x50, s26  }
0x176: {  	[hbm4b:s29+s3] =	stream.linear.scatter [tilespmem:s28], [sflag:$0x5], $0x80, $0x38;
	[tilespmem:$0x19E00] =	vst v63  }
0x177: {  	s28 =	sadd.s32 $0x11930, s25;
	s29 =	sadd.s32 $0x60, s26;
	s25 =	sshll.u32 @!p1 s24, $0x7  }
0x178: {  	[hbm4b:s29+s3] =	stream.linear.scatter [tilespmem:s28], [sflag:$0x5], $0x80, $0x38;
	[tilespmem:$0x19E00] =	vst v63  }
0x179: {  	s31 =	sadd.s32 $0x70, s26;
	s26 =	sadd.s32 @!p1 $0x200, s25  }
0x17a: {  	[hbm4b:s31+s3] =	stream.linear.scatter [tilespmem:s1], [sflag:$0x5], $0x80, $0x38;
	[tilespmem:$0x19E00] =	vst v63  }
0x17b: {  	s26 =	sand.u32 @!p1 $0x3FFFFF80, s26;
	s28 =	simm.s32 @!p1 $0x80;
	s29 =	simm.s32 @!p1 $0x9600  }
0x17c: {  	[tilespmem:s29], [sflag:$0x1] =	stream.indirect.gather @!p1 [hbm4b:s5+s28], $0x40, s26, s28, $0xb8;
	[tilespmem:$0x19E00] =	vst v63  }
0x17d: {  	_ =	swait.ge [sflag:s12], $0x2000  }
0x17e: {  	s29 =	simm.s32 $0x0;
	[sflag:s12] =	ssyncset.done $0x0  }
0x17f: {  	s28 =	simm.s32 @!p0 $0x6;
	v0 =	vmov s29;
	s29 =	simm.s32 $0x2;
	[sflag:s12] =	ssyncadd.s32 $0xFFFFE000  }
0x180: {  	v33 =	vmov s29;
	s29 =	simm.s32 $0x4;
	_ =	swait.ge @!p0 [sflag:s28], $0x2000  }
0x181: {  	v0 =	vshrl.u32 v0, $0x3;
	v37 =	vmov s29;
	s29 =	simm.s32 $0x6;
	[sflag:s28] =	ssyncset.done @!p0 $0x0;
	v31 =	vld [tilespmem:$0x1FFD0]  }
0x182: {  	s26 =	sor.u32 $0x1, s24;
	v0 =	vshll.u32 v0, v1;
	v33 =	vshrl.u32 v33, $0x3;
	v39 =	vmov s29;
	v3 =	vld [tilespmem:$0x1FE10];
	[sflag:s28] =	ssyncadd.s32 @!p0 $0xFFFFE000;
	s28 =	simm.s32 $0x1  }
0x183: {  	s30 =	sshll.u32 s26, $0x6;
	v37 =	vshrl.u32 v37, $0x3;
	s29 =	simm.s32 $0x7;
	v33 =	vshll.u32 v33, v1;
	v9 =	vld [tilespmem:$0x1FE50];
	v2 =	vmov s28;
	s28 =	simm.s32 $0x3  }
0x184: {  	s30 =	sand.u32 $0x3FFFFFC0, s30;
	v43 =	vbroadcast v0, $0x0;
	v41 =	vmov s29;
	v12 =	vld [tilespmem:$0x1FED0];
	v34 =	vmov s28;
	s28 =	simm.s32 $0x5  }
0x185: {  	v42 =	vbroadcast v33, $0x0;
	v41 =	vshrl.u32 v41, $0x3;
	v36 =	vld [tilespmem:s30+$0x6400];
	v38 =	vmov s28;
	s28 =	simm.s32 $0xB700  }
0x186: {  	v39 =	vshrl.u32 v39, $0x3;
	v37 =	vshll.u32 v37, v1;
	v0 =	vshll.u32 v41, v1;
	v46 =	vld [tilespmem:s28+$0xC0]  }
0x187: {  	v61 =	vadd.s32 v11, v42;
	v2 =	vshrl.u32 v2, $0x3;
	v45 =	vbroadcast v0, $0x0;
	v47 =	vld [tilespmem:s28+$0xFFFFFF00]  }
0x188: {  	v40 =	vshrl.u32 v34, $0x3;
	v2 =	vshll.u32 v2, v1;
	v38 =	vshrl.u32 v38, $0x3;
	v48 =	vld [tilespmem:s28+$0xFFFFFF40]  }
0x189: {  	v40 =	vshll.u32 v40, v1;
	v44 =	vbroadcast v2, $0x0;
	v0 =	vld [tilespmem:s28+$0xFFFFFF80];
	v2 =	vshll.u32 v39, v1  }
0x18a: {  	v49 =	vld [tilespmem:s28+$0xFFFFFFC0];
	v39 =	vbroadcast v37, $0x0;
	v37 =	vadd.s32 v31, v45;
	v50 =	vadd.s32 v3, v43  }
0x18b: {  	v51 =	vld [tilespmem:s28+$0x0];
	v38 =	vshll.u32 v38, v1;
	v41 =	vbroadcast v40, $0x0;
	v58 =	vmul.f32 $8.000000000e+00, v46  }
0x18c: {  	v35 =	vld [tilespmem:s30+$0x6410];
	v40 =	vbroadcast v38, $0x0;
	v60 =	vadd.s32 v9, v44;
	v59 =	vmul.f32 $8.000000000e+00, v47  }
0x18d: {  	v52 =	vld [tilespmem:s28+$0x40];
	v38 =	vbroadcast v2, $0x0;
	v2 =	vmul.f32 $8.000000000e+00, v48;
	v54 =	vadd.f32 v58, v36  }
0x18e: {  	v33 =	vld [tilespmem:s30+$0x6430];
	v55 =	vadd.s32 v12, v41;
	v0 =	vmul.f32 $8.000000000e+00, v0;
	v46 =	vadd.f32 v59, v36  }
0x18f: {  	v34 =	vld [tilespmem:s30+$0x6420];
	v56 =	vadd.s32 v19, v39;
	v49 =	vmul.f32 $8.000000000e+00, v49;
	v2 =	vadd.f32 v2, v36;
	[tilespmem:v37+s13+$0x0] =	vst.idx.msk $0xffff, v54  }
0x190: {  	v57 =	vmul.f32 $8.000000000e+00, v51;
	v0 =	vadd.f32 v0, v36;
	[tilespmem:v50+s13+$0x0] =	vst.idx.msk $0xffff, v46  }
0x191: {  	v46 =	vadd.s32 v23, v40;
	[tilespmem:v60+s13+$0x0] =	vst.idx.msk $0xffff, v2;
	v2 =	vadd.f32 v49, v36  }
0x192: {  	v53 =	vld [tilespmem:s28+$0x80];
	v58 =	vmul.f32 $8.000000000e+00, v52;
	[tilespmem:v61+s13+$0x0] =	vst.idx.msk $0xffff, v0;
	v0 =	vadd.f32 v57, v36  }
0x193: {  	v50 =	vld [tilespmem:s28+$0xD0];
	[tilespmem:v55+s13+$0x0] =	vst.idx.msk $0xffff, v2  }
0x194: {  	v51 =	vld [tilespmem:s28+$0xFFFFFF10];
	v2 =	vadd.f32 v58, v36;
	[tilespmem:v56+s13+$0x0] =	vst.idx.msk $0xffff, v0  }
0x195: {  	v32 =	vld [tilespmem:$0x1FFE0]  }
0x196: {  	v5 =	vld [tilespmem:$0x1FE20];
	[tilespmem:v46+s13+$0x0] =	vst.idx.msk $0xffff, v2  }
0x197: {  	v10 =	vld [tilespmem:$0x1FE60]  }
0x198: {  	v49 =	vadd.s32 v27, v38;
	v54 =	vld [tilespmem:s28+$0xFFFFFF50]  }
0x199: {  	s29 =	simm.s32 $0x8;
	v60 =	vmul.f32 $8.000000000e+00, v53;
	v52 =	vld [tilespmem:s28+$0xFFFFFF90]  }
0x19a: {  	v59 =	vmov s29;
	v61 =	vld [tilespmem:s28+$0xFFFFFFD0];
	v37 =	vadd.s32 v32, v45  }
0x19b: {  	v0 =	vadd.f32 v60, v36;
	v57 =	vld [tilespmem:s28+$0x10];
	v2 =	vmul.f32 $8.000000000e+00, v50;
	v56 =	vadd.s32 v5, v43  }
0x19c: {  	v48 =	vshrl.u32 v59, $0x3;
	v60 =	vmul.f32 $8.000000000e+00, v51;
	v58 =	vld [tilespmem:s28+$0x50];
	v51 =	vadd.s32 v10, v44  }
0x19d: {  	[tilespmem:v49+s13+$0x0] =	vst.idx.msk $0xffff, v0;
	v0 =	vmul.f32 $8.000000000e+00, v54;
	v49 =	vadd.s32 v14, v42;
	v2 =	vadd.f32 v2, v35  }
0x19e: {  	v59 =	vadd.s32 v18, v41;
	v52 =	vmul.f32 $8.000000000e+00, v52;
	v50 =	vadd.f32 v60, v35  }
0x19f: {  	v0 =	vadd.f32 v0, v35;
	v53 =	vmul.f32 $8.000000000e+00, v61;
	v60 =	vadd.s32 v25, v39;
	[tilespmem:v37+s13+$0x0] =	vst.idx.msk $0xffff, v2  }
0x1a0: {  	v54 =	vld [tilespmem:s28+$0x90];
	v61 =	vmul.f32 $8.000000000e+00, v57;
	[tilespmem:v56+s13+$0x0] =	vst.idx.msk $0xffff, v50;
	v2 =	vadd.f32 v52, v35;
	v50 =	vadd.s32 v62, v40  }
0x1a1: {  	v26 =	vmov v62;
	v62 =	vmul.f32 $8.000000000e+00, v58;
	[tilespmem:v51+s13+$0x0] =	vst.idx.msk $0xffff, v0;
	v0 =	vadd.f32 v53, v35  }
0x1a2: {  	v52 =	vld [tilespmem:s28+$0xE0];
	[tilespmem:v49+s13+$0x0] =	vst.idx.msk $0xffff, v2;
	v2 =	vadd.f32 v61, v35  }
0x1a3: {  	[tilespmem:v59+s13+$0x0] =	vst.idx.msk $0xffff, v0;
	v0 =	vadd.f32 v62, v35  }
0x1a4: {  	v53 =	vadd.s32 v29, v38;
	[tilespmem:v60+s13+$0x0] =	vst.idx.msk $0xffff, v2  }
0x1a5: {  	v56 =	vld [tilespmem:s28+$0xFFFFFF20];
	v61 =	vmul.f32 $8.000000000e+00, v54;
	[tilespmem:v50+s13+$0x0] =	vst.idx.msk $0xffff, v0  }
0x1a6: {  	v8 =	vmov v11;
	v49 =	vadd.s32 v63, v45;
	v11 =	vld [tilespmem:$0x1FE70]  }
0x1a7: {  	s29 =	simm.s32 $0x9;
	v58 =	vld [tilespmem:s28+$0xFFFFFF60];
	v2 =	vadd.f32 v61, v35;
	v0 =	vmul.f32 $8.000000000e+00, v52  }
0x1a8: {  	v47 =	vmov s29;
	v37 =	vshll.u32 v48, v1;
	v48 =	vld [tilespmem:s28+$0xFFFFFFA0]  }
0x1a9: {  	s29 =	simm.s32 $0xA;
	v60 =	vshrl.u32 v47, $0x3;
	v47 =	vadd.s32 v7, v43;
	v59 =	vld [tilespmem:s28+$0xFFFFFFE0];
	[tilespmem:v53+s13+$0x0] =	vst.idx.msk $0xffff, v2;
	v0 =	vadd.f32 v0, v34  }
0x1aa: {  	v55 =	vmov s29;
	v62 =	vmul.f32 $8.000000000e+00, v56;
	v15 =	vld [tilespmem:$0x1FEB0]  }
0x1ab: {  	v16 =	vmov v19;
	v50 =	vshrl.u32 v55, $0x3;
	v19 =	vld [tilespmem:$0x1FEF0];
	[tilespmem:v49+s13+$0x0] =	vst.idx.msk $0xffff, v0;
	v55 =	vadd.s32 v11, v44  }
0x1ac: {  	v20 =	vmov v23;
	v52 =	vadd.f32 v62, v34;
	v2 =	vmul.f32 $8.000000000e+00, v58;
	v23 =	vld [tilespmem:$0x1FF30]  }
0x1ad: {  	v61 =	vld [tilespmem:s28+$0x20]  }
0x1ae: {  	v0 =	vadd.f32 v2, v34;
	[tilespmem:v47+s13+$0x0] =	vst.idx.msk $0xffff, v52  }
0x1af: {  	v24 =	vmov v27;
	v27 =	vld [tilespmem:$0x1FF70];
	v53 =	vadd.s32 v15, v42  }
0x1b0: {  	v56 =	vld [tilespmem:s28+$0x60];
	v48 =	vmul.f32 $8.000000000e+00, v48;
	v62 =	vadd.s32 v19, v41;
	[tilespmem:v55+s13+$0x0] =	vst.idx.msk $0xffff, v0  }
0x1b1: {  	v2 =	vmul.f32 $8.000000000e+00, v59;
	v59 =	vadd.s32 v23, v39;
	v28 =	vld [tilespmem:$0x1FFB0]  }
0x1b2: {  	s29 =	simm.s32 $0xB;
	v58 =	vld [tilespmem:s28+$0xA0];
	v49 =	vmul.f32 $8.000000000e+00, v61;
	v47 =	vadd.f32 v48, v34  }
0x1b3: {  	v46 =	vmov s29;
	v61 =	vld [tilespmem:s28+$0xF0];
	v2 =	vadd.f32 v2, v34  }
0x1b4: {  	v48 =	vshrl.u32 v46, $0x3;
	v46 =	vadd.f32 v49, v34;
	v52 =	vadd.s32 v27, v40;
	[tilespmem:v53+s13+$0x0] =	vst.idx.msk $0xffff, v47  }
0x1b5: {  	s29 =	simm.s32 $0xC;
	v55 =	vmul.f32 $8.000000000e+00, v56;
	[tilespmem:v62+s13+$0x0] =	vst.idx.msk $0xffff, v2  }
0x1b6: {  	v57 =	vmov s29;
	s29 =	simm.s32 $0xD;
	[tilespmem:v59+s13+$0x0] =	vst.idx.msk $0xffff, v46;
	v56 =	vadd.s32 v28, v38  }
0x1b7: {  	v54 =	vmov s29;
	v58 =	vmul.f32 $8.000000000e+00, v58;
	v55 =	vadd.f32 v55, v34;
	v6 =	vld [tilespmem:$0x1FE40]  }
0x1b8: {  	v49 =	vshrl.u32 v54, $0x3;
	v54 =	vshll.u32 v60, v1;
	v60 =	vmul.f32 $8.000000000e+00, v61;
	v0 =	vld [tilespmem:s28+$0xFFFFFF30]  }
0x1b9: {  	v47 =	vshrl.u32 v57, $0x3;
	v57 =	vadd.f32 v58, v34;
	[tilespmem:v52+s13+$0x0] =	vst.idx.msk $0xffff, v55  }
0x1ba: {  	v13 =	vld [tilespmem:$0x1FE80]  }
0x1bb: {  	v45 =	vadd.s32 v4, v45;
	v17 =	vld [tilespmem:$0x1FEC0];
	[tilespmem:v56+s13+$0x0] =	vst.idx.msk $0xffff, v57  }
0x1bc: {  	v62 =	vadd.f32 v60, v33;
	v60 =	vmov v4;
	v58 =	vadd.s32 v6, v43;
	v4 =	vld [tilespmem:$0x1FF00]  }
0x1bd: {  	v53 =	vld [tilespmem:s28+$0xFFFFFF70];
	v0 =	vmul.f32 $8.000000000e+00, v0;
	_ =	sdelay $0x1  }
0x1be: {  	v0 =	vadd.f32 v0, v33  }
0x1bf: {  	[tilespmem:v45+s13+$0x0] =	vst.idx.msk $0xffff, v62  }
0x1c0: {  	v44 =	vadd.s32 v13, v44;
	v43 =	vadd.s32 v4, v41;
	v4 =	vld [tilespmem:$0x1FF40];
	[tilespmem:v58+s13+$0x0] =	vst.idx.msk $0xffff, v0  }
0x1c1: {  	s29 =	simm.s32 $0xE;
	v61 =	vmul.f32 $8.000000000e+00, v53;
	v0 =	vld [tilespmem:$0x1FF80]  }
0x1c2: {  	v51 =	vmov s29;
	v2 =	vld [tilespmem:s28+$0xFFFFFFB0]  }
0x1c3: {  	v46 =	vshrl.u32 v51, $0x3;
	v51 =	vld [tilespmem:s28+$0xFFFFFFF0];
	v61 =	vadd.f32 v61, v33  }
0x1c4: {  	v52 =	vld [tilespmem:s28+$0x30]  }
0x1c5: {  	v55 =	vshll.u32 v50, v1;
	v50 =	vld [tilespmem:s28+$0x70];
	[tilespmem:v44+s13+$0x0] =	vst.idx.msk $0xffff, v61  }
0x1c6: {  	v53 =	vadd.s32 v17, v42;
	v42 =	vadd.s32 v4, v39;
	v39 =	vadd.s32 v0, v40;
	v0 =	vld [tilespmem:$0x1FFC0]  }
0x1c7: {  	v2 =	vmul.f32 $8.000000000e+00, v2  }
0x1c8: {  	v22 =	vmovc v25;
	v30 =	vmovc v29;
	v21 =	vmov v16;
	v25 =	vmov v20;
	v29 =	vmov v24  }
0x1c9: {  	v24 =	vmovc v63;
	v20 =	vmovc v60;
	v56 =	vadd.f32 v2, v33;
	v16 =	vmov v17;
	v62 =	vmul.f32 $8.000000000e+00, v51  }
0x1ca: {  	v17 =	vmovc v12;
	v12 =	vmovc v13;
	v13 =	vmov v8;
	v8 =	vmov v6;
	v51 =	vmul.f32 $8.000000000e+00, v52  }
0x1cb: {  	s30 =	simm.s32 $0xF;
	s29 =	simm.s32 $0x10;
	v6 =	vmovc v5;
	v5 =	vmovc v3;
	v52 =	vadd.f32 v62, v33;
	v41 =	vld [tilespmem:s28+$0xB0];
	v40 =	vmul.f32 $8.000000000e+00, v50;
	v38 =	vadd.s32 v0, v38  }
.LBB2_7:
0x1cc: {  	_ =	sdelay $0x1  }
0x1cd: {  	v0 =	vmov s30;
	s28 =	sadd.s32 $0x200, s28  }
0x1ce: {  	v48 =	vshll.u32 v48, v1;
	v47 =	vshll.u32 v47, v1;
	v49 =	vshll.u32 v49, v1;
	v50 =	vld [tilespmem:s28+$0xC0]  }
0x1cf: {  	[tilespmem:v53+s13+$0x0] =	vst.idx.msk $0xffff, v56;
	v2 =	vadd.f32 v51, v33;
	v0 =	vshrl.u32 v0, $0x3;
	v58 =	vld [tilespmem:s28+$0xFFFFFF00];
	v44 =	vmul.f32 $8.000000000e+00, v41  }
0x1d0: {  	[tilespmem:v43+s13+$0x0] =	vst.idx.msk $0xffff, v52;
	v40 =	vadd.f32 v40, v33;
	v59 =	vld [tilespmem:s28+$0xFFFFFF40];
	v0 =	vshll.u32 v0, v1  }
0x1d1: {  	v43 =	vbroadcast v55, $0x0;
	[tilespmem:v42+s13+$0x0] =	vst.idx.msk $0xffff, v2;
	v45 =	vbroadcast v0, $0x0;
	v2 =	vadd.f32 v44, v33  }
0x1d2: {  	v46 =	vshll.u32 v46, v1;
	[tilespmem:v39+s13+$0x0] =	vst.idx.msk $0xffff, v40;
	v0 =	vld [tilespmem:s28+$0xFFFFFF80];
	v42 =	vbroadcast v48, $0x0;
	v41 =	vbroadcast v37, $0x0  }
0x1d3: {  	v40 =	vbroadcast v47, $0x0;
	v47 =	vadd.s32 v31, v45;
	v44 =	vbroadcast v54, $0x0;
	[tilespmem:v38+s13+$0x0] =	vst.idx.msk $0xffff, v2;
	v2 =	vld [tilespmem:s28+$0xFFFFFFC0]  }
0x1d4: {  	v39 =	vbroadcast v49, $0x0;
	v52 =	vld [tilespmem:s28+$0x0];
	v48 =	vadd.s32 v5, v41;
	v60 =	vmul.f32 $8.000000000e+00, v50  }
0x1d5: {  	v63 =	vld [tilespmem:s28+$0x40];
	v61 =	vmul.f32 $8.000000000e+00, v58;
	v37 =	vmul.f32 $8.000000000e+00, v59;
	v62 =	vadd.s32 v9, v44  }
0x1d6: {  	v38 =	vbroadcast v46, $0x0;
	v46 =	vadd.s32 v13, v43;
	v49 =	vadd.f32 v60, v36  }
0x1d7: {  	v55 =	vadd.s32 v17, v42;
	v50 =	vadd.f32 v61, v36;
	v0 =	vmul.f32 $8.000000000e+00, v0;
	v54 =	vld [tilespmem:s28+$0x80]  }
0x1d8: {  	v56 =	vadd.s32 v21, v40;
	v37 =	vadd.f32 v37, v36;
	[tilespmem:v47+s13+$0x0] =	vst.idx.msk $0xffff, v49;
	v2 =	vmul.f32 $8.000000000e+00, v2  }
0x1d9: {  	v60 =	vmul.f32 $8.000000000e+00, v52;
	v0 =	vadd.f32 v0, v36;
	[tilespmem:v48+s13+$0x0] =	vst.idx.msk $0xffff, v50;
	v48 =	vadd.s32 v25, v39;
	v49 =	vld [tilespmem:s28+$0xD0]  }
0x1da: {  	v61 =	vmul.f32 $8.000000000e+00, v63;
	v50 =	vld [tilespmem:s28+$0xFFFFFF10];
	[tilespmem:v62+s13+$0x0] =	vst.idx.msk $0xffff, v37;
	v2 =	vadd.f32 v2, v36  }
0x1db: {  	v51 =	vadd.s32 v29, v38;
	[tilespmem:v46+s13+$0x0] =	vst.idx.msk $0xffff, v0;
	v0 =	vadd.f32 v60, v36;
	v63 =	vld [tilespmem:s28+$0xFFFFFF50]  }
0x1dc: {  	v59 =	vmul.f32 $8.000000000e+00, v54;
	v60 =	vld [tilespmem:s28+$0xFFFFFF90];
	[tilespmem:v55+s13+$0x0] =	vst.idx.msk $0xffff, v2;
	v2 =	vadd.f32 v61, v36  }
0x1dd: {  	v62 =	vmov s29;
	v46 =	vadd.s32 v32, v45;
	[tilespmem:v56+s13+$0x0] =	vst.idx.msk $0xffff, v0;
	v61 =	vld [tilespmem:s28+$0xFFFFFFD0]  }
0x1de: {  	v56 =	vadd.s32 v6, v41;
	v0 =	vadd.f32 v59, v36;
	v57 =	vld [tilespmem:s28+$0x10];
	[tilespmem:v48+s13+$0x0] =	vst.idx.msk $0xffff, v2;
	v2 =	vmul.f32 $8.000000000e+00, v49  }
0x1df: {  	v47 =	vshrl.u32 v62, $0x3;
	v62 =	vmul.f32 $8.000000000e+00, v50;
	v50 =	vadd.s32 v10, v44;
	v58 =	vld [tilespmem:s28+$0x50]  }
0x1e0: {  	[tilespmem:v51+s13+$0x0] =	vst.idx.msk $0xffff, v0;
	v51 =	vadd.s32 v14, v43;
	v0 =	vmul.f32 $8.000000000e+00, v63;
	v2 =	vadd.f32 v2, v35  }
0x1e1: {  	v59 =	vadd.s32 v18, v42;
	v53 =	vld [tilespmem:s28+$0x90];
	v49 =	vadd.f32 v62, v35;
	v52 =	vmul.f32 $8.000000000e+00, v60  }
0x1e2: {  	v60 =	vadd.s32 v22, v40;
	v0 =	vadd.f32 v0, v35;
	v37 =	vmul.f32 $8.000000000e+00, v61;
	[tilespmem:v46+s13+$0x0] =	vst.idx.msk $0xffff, v2  }
0x1e3: {  	[tilespmem:v56+s13+$0x0] =	vst.idx.msk $0xffff, v49;
	v49 =	vadd.s32 v26, v39;
	v2 =	vadd.f32 v52, v35;
	v46 =	vmul.f32 $8.000000000e+00, v57;
	v52 =	vld [tilespmem:s28+$0xE0]  }
0x1e4: {  	v56 =	vld [tilespmem:s28+$0xFFFFFF20];
	[tilespmem:v50+s13+$0x0] =	vst.idx.msk $0xffff, v0;
	v0 =	vadd.f32 v37, v35;
	v50 =	vmul.f32 $8.000000000e+00, v58  }
0x1e5: {  	s30 =	sadd.s32 $0x1, s29;
	v57 =	vadd.s32 v30, v38;
	v61 =	vld [tilespmem:s28+$0xFFFFFF60];
	[tilespmem:v51+s13+$0x0] =	vst.idx.msk $0xffff, v2;
	v2 =	vadd.f32 v46, v35  }
0x1e6: {  	v54 =	vmov s30;
	s30 =	sadd.s32 $0x2, s29;
	v63 =	vmul.f32 $8.000000000e+00, v53;
	[tilespmem:v59+s13+$0x0] =	vst.idx.msk $0xffff, v0;
	v0 =	vadd.f32 v50, v35  }
0x1e7: {  	v55 =	vmov s30;
	v37 =	vshll.u32 v47, v1;
	v46 =	vadd.s32 v24, v45;
	v47 =	vld [tilespmem:s28+$0xFFFFFFA0];
	[tilespmem:v60+s13+$0x0] =	vst.idx.msk $0xffff, v2  }
0x1e8: {  	v2 =	vadd.f32 v63, v35;
	v59 =	vadd.s32 v7, v41;
	v53 =	vld [tilespmem:s28+$0xFFFFFFE0];
	[tilespmem:v49+s13+$0x0] =	vst.idx.msk $0xffff, v0;
	v0 =	vmul.f32 $8.000000000e+00, v52  }
0x1e9: {  	v60 =	vld [tilespmem:s28+$0x20];
	v52 =	vshrl.u32 v55, $0x3;
	v49 =	vmul.f32 $8.000000000e+00, v56;
	v55 =	vadd.s32 v11, v44  }
0x1ea: {  	s30 =	sadd.s32 $0x3, s29;
	[tilespmem:v57+s13+$0x0] =	vst.idx.msk $0xffff, v2;
	v2 =	vmul.f32 $8.000000000e+00, v61;
	v56 =	vld [tilespmem:s28+$0x60];
	v0 =	vadd.f32 v0, v34  }
0x1eb: {  	v48 =	vmov s30;
	v57 =	vadd.s32 v15, v43;
	v61 =	vld [tilespmem:s28+$0xA0];
	v49 =	vadd.f32 v49, v34  }
0x1ec: {  	s30 =	sadd.s32 $0x4, s29;
	v62 =	vadd.s32 v19, v42;
	v47 =	vmul.f32 $8.000000000e+00, v47;
	v2 =	vadd.f32 v2, v34;
	[tilespmem:v46+s13+$0x0] =	vst.idx.msk $0xffff, v0  }
0x1ed: {  	v58 =	vmov s30;
	v63 =	vadd.s32 v23, v40;
	v53 =	vmul.f32 $8.000000000e+00, v53;
	[tilespmem:v59+s13+$0x0] =	vst.idx.msk $0xffff, v49  }
0x1ee: {  	v0 =	vadd.f32 v47, v34;
	v46 =	vmul.f32 $8.000000000e+00, v60;
	v59 =	vadd.s32 v27, v39;
	v60 =	vld [tilespmem:s28+$0xF0];
	[tilespmem:v55+s13+$0x0] =	vst.idx.msk $0xffff, v2  }
0x1ef: {  	s30 =	sadd.s32 $0x5, s29;
	v2 =	vadd.f32 v53, v34;
	v53 =	vmul.f32 $8.000000000e+00, v56;
	v56 =	vadd.s32 v28, v38;
	v4 =	vld [tilespmem:s28+$0xFFFFFF70]  }
0x1f0: {  	v51 =	vmov s30;
	v3 =	vld [tilespmem:s28+$0xFFFFFF30];
	[tilespmem:v57+s13+$0x0] =	vst.idx.msk $0xffff, v0;
	v0 =	vadd.f32 v46, v34;
	v57 =	vmul.f32 $8.000000000e+00, v61  }
0x1f1: {  	v49 =	vshrl.u32 v51, $0x3;
	v51 =	vld [tilespmem:s28+$0xFFFFFFB0];
	[tilespmem:v62+s13+$0x0] =	vst.idx.msk $0xffff, v2;
	v2 =	vadd.f32 v53, v34  }
0x1f2: {  	v45 =	vadd.s32 v20, v45;
	s30 =	sadd.s32 $0x6, s29;
	[tilespmem:v63+s13+$0x0] =	vst.idx.msk $0xffff, v0;
	v0 =	vadd.f32 v57, v34;
	v62 =	vld [tilespmem:$0x1FF00]  }
0x1f3: {  	v50 =	vmov s30;
	v44 =	vadd.s32 v12, v44;
	v63 =	vld [tilespmem:$0x1FF40];
	[tilespmem:v59+s13+$0x0] =	vst.idx.msk $0xffff, v2;
	v2 =	vmul.f32 $8.000000000e+00, v60  }
0x1f4: {  	v46 =	vshrl.u32 v50, $0x3;
	v50 =	vld [tilespmem:s28+$0xFFFFFFF0];
	[tilespmem:v56+s13+$0x0] =	vst.idx.msk $0xffff, v0;
	v0 =	vmul.f32 $8.000000000e+00, v4  }
0x1f5: {  	v61 =	vld [tilespmem:s28+$0x30];
	v2 =	vadd.f32 v2, v33  }
0x1f6: {  	v59 =	vld [tilespmem:s28+$0x70];
	v0 =	vadd.f32 v0, v33  }
0x1f7: {  	v54 =	vshrl.u32 v54, $0x3;
	[tilespmem:v45+s13+$0x0] =	vst.idx.msk $0xffff, v2;
	v2 =	vld [tilespmem:$0x1FF80]  }
0x1f8: {  	p2 =	slt.u32 s29, $0x78;
	v54 =	vshll.u32 v54, v1;
	v48 =	vshrl.u32 v48, $0x3;
	v57 =	vadd.s32 v8, v41;
	[tilespmem:v44+s13+$0x0] =	vst.idx.msk $0xffff, v0;
	v0 =	vld [tilespmem:$0x1FFC0]  }
.Ltmp4:
0x1f9: {  	v47 =	vshrl.u32 v58, $0x3;
	v55 =	vshll.u32 v52, v1;
	v3 =	vmul.f32 $8.000000000e+00, v3;
	(pc) =	sbr.rel @p2 .LBB2_7-.Ltmp4, $4  }
0x1fa: {  	v53 =	vadd.s32 v16, v43;
	v4 =	vmul.f32 $8.000000000e+00, v51;
	v50 =	vmul.f32 $8.000000000e+00, v50  }
0x1fb: {  	v3 =	vadd.f32 v3, v33;
	v43 =	vadd.s32 v62, v42;
	v42 =	vadd.s32 v63, v40  }
0x1fc: {  	v56 =	vadd.f32 v4, v33;
	v51 =	vmul.f32 $8.000000000e+00, v61;
	v52 =	vadd.f32 v50, v33  }
0x1fd: {  	s30 =	sadd.s32 $0x7, s29;
	s29 =	sadd.s32 $0x8, s29;
	v41 =	vld [tilespmem:s28+$0xB0];
	[tilespmem:v57+s13+$0x0] =	vst.idx.msk $0xffff, v3;
	v40 =	vmul.f32 $8.000000000e+00, v59;
	v39 =	vadd.s32 v2, v39;
	v38 =	vadd.s32 v0, v38  }
0x1fe: {  	v0 =	vmov s30;
	s28 =	sadd.s32 $0x200, s28  }
0x1ff: {  	v2 =	vld [tilespmem:s28+$0xC0];
	v0 =	vshrl.u32 v0, $0x3  }
0x200: {  	v3 =	vshll.u32 v48, v1;
	v48 =	vbroadcast v37, $0x0;
	v4 =	vld [tilespmem:s28+$0xFFFFFF00];
	v0 =	vshll.u32 v0, v1  }
0x201: {  	v63 =	vshll.u32 v47, v1;
	v45 =	vshll.u32 v49, v1;
	v57 =	vld [tilespmem:s28+$0xFFFFFF40];
	v50 =	vbroadcast v0, $0x0  }
0x202: {  	v49 =	vbroadcast v54, $0x0;
	v47 =	vbroadcast v55, $0x0;
	v54 =	vshll.u32 v46, v1;
	v0 =	vld [tilespmem:s28+$0xFFFFFF80]  }
0x203: {  	v55 =	vld [tilespmem:s28+$0xFFFFFFC0];
	v46 =	vbroadcast v3, $0x0;
	v44 =	vbroadcast v63, $0x0;
	v3 =	vadd.s32 v31, v50  }
0x204: {  	v59 =	vld [tilespmem:s28+$0x0];
	v37 =	vbroadcast v45, $0x0;
	v58 =	vadd.s32 v5, v48;
	v2 =	vmul.f32 $8.000000000e+00, v2  }
0x205: {  	v61 =	vld [tilespmem:s28+$0x40];
	v45 =	vbroadcast v54, $0x0;
	v60 =	vadd.s32 v9, v49;
	v4 =	vmul.f32 $8.000000000e+00, v4  }
0x206: {  	v31 =	vmul.f32 $8.000000000e+00, v57;
	v57 =	vadd.s32 v13, v47;
	v2 =	vadd.f32 v2, v36  }
0x207: {  	v62 =	vld [tilespmem:s28+$0x80];
	v63 =	vadd.s32 v17, v46;
	v4 =	vadd.f32 v4, v36;
	v0 =	vmul.f32 $8.000000000e+00, v0  }
0x208: {  	v54 =	vadd.s32 v21, v44;
	[tilespmem:v3+s13+$0x0] =	vst.idx.msk $0xffff, v2;
	v2 =	vadd.f32 v31, v36;
	v3 =	vmul.f32 $8.000000000e+00, v55  }
0x209: {  	v21 =	vmul.f32 $8.000000000e+00, v59;
	[tilespmem:v58+s13+$0x0] =	vst.idx.msk $0xffff, v4;
	v0 =	vadd.f32 v0, v36;
	v55 =	vadd.s32 v25, v37;
	v58 =	vld [tilespmem:s28+$0xD0]  }
0x20a: {  	v31 =	vmul.f32 $8.000000000e+00, v61;
	[tilespmem:v60+s13+$0x0] =	vst.idx.msk $0xffff, v2;
	v2 =	vld [tilespmem:s28+$0xFFFFFF10];
	v3 =	vadd.f32 v3, v36  }
0x20b: {  	v17 =	vadd.s32 v29, v45;
	v4 =	vadd.f32 v21, v36;
	[tilespmem:v57+s13+$0x0] =	vst.idx.msk $0xffff, v0;
	v0 =	vld [tilespmem:s28+$0xFFFFFF50]  }
0x20c: {  	v21 =	vmul.f32 $8.000000000e+00, v62;
	v59 =	vadd.f32 v31, v36;
	[tilespmem:v63+s13+$0x0] =	vst.idx.msk $0xffff, v3;
	v3 =	vld [tilespmem:s28+$0xFFFFFF90]  }
0x20d: {  	v29 =	vadd.s32 v32, v50;
	[tilespmem:v54+s13+$0x0] =	vst.idx.msk $0xffff, v4;
	v61 =	vld [tilespmem:s28+$0xFFFFFFD0]  }
0x20e: {  	v25 =	vadd.f32 v21, v36;
	v54 =	vadd.s32 v6, v48;
	v57 =	vld [tilespmem:s28+$0x10];
	[tilespmem:v55+s13+$0x0] =	vst.idx.msk $0xffff, v59;
	v31 =	vmul.f32 $8.000000000e+00, v58  }
0x20f: {  	[tilespmem:v53+s13+$0x0] =	vst.idx.msk $0xffff, v56;
	v32 =	vadd.s32 v10, v49;
	v59 =	vld [tilespmem:s28+$0x50];
	v2 =	vmul.f32 $8.000000000e+00, v2  }
0x210: {  	[tilespmem:v17+s13+$0x0] =	vst.idx.msk $0xffff, v25;
	v17 =	vadd.s32 v14, v47;
	v0 =	vmul.f32 $8.000000000e+00, v0;
	v55 =	vadd.f32 v31, v35  }
0x211: {  	[tilespmem:v43+s13+$0x0] =	vst.idx.msk $0xffff, v52;
	v21 =	vadd.s32 v18, v46;
	v60 =	vld [tilespmem:s28+$0x90];
	v2 =	vadd.f32 v2, v35;
	v3 =	vmul.f32 $8.000000000e+00, v3  }
0x212: {  	[tilespmem:v29+s13+$0x0] =	vst.idx.msk $0xffff, v55;
	v0 =	vadd.f32 v0, v35;
	v25 =	vmul.f32 $8.000000000e+00, v61;
	v29 =	vadd.s32 v22, v44  }
0x213: {  	v31 =	vadd.s32 v26, v37;
	[tilespmem:v54+s13+$0x0] =	vst.idx.msk $0xffff, v2;
	v2 =	vadd.f32 v3, v35;
	v3 =	vmul.f32 $8.000000000e+00, v57;
	v61 =	vld [tilespmem:s28+$0xE0]  }
0x214: {  	v62 =	vmul.f32 $8.000000000e+00, v59;
	[tilespmem:v32+s13+$0x0] =	vst.idx.msk $0xffff, v0;
	v0 =	vld [tilespmem:s28+$0xFFFFFF20];
	v36 =	vadd.f32 v25, v35  }
0x215: {  	v63 =	vadd.s32 v30, v45;
	[tilespmem:v17+s13+$0x0] =	vst.idx.msk $0xffff, v2;
	v2 =	vld [tilespmem:s28+$0xFFFFFF60];
	v3 =	vadd.f32 v3, v35  }
0x216: {  	v51 =	vadd.f32 v51, v33;
	v17 =	vmul.f32 $8.000000000e+00, v60;
	[tilespmem:v21+s13+$0x0] =	vst.idx.msk $0xffff, v36;
	v18 =	vld [tilespmem:s28+$0xFFFFFFA0];
	v21 =	vadd.f32 v62, v35  }
0x217: {  	v30 =	vadd.s32 v11, v49;
	v22 =	vadd.s32 v24, v50;
	[tilespmem:v29+s13+$0x0] =	vst.idx.msk $0xffff, v3;
	v3 =	vld [tilespmem:s28+$0xFFFFFFE0]  }
0x218: {  	v25 =	vadd.s32 v7, v48;
	v4 =	vadd.f32 v17, v35;
	[tilespmem:v31+s13+$0x0] =	vst.idx.msk $0xffff, v21;
	v29 =	vmul.f32 $8.000000000e+00, v61  }
0x219: {  	[tilespmem:v42+s13+$0x0] =	vst.idx.msk $0xffff, v51;
	v62 =	vadd.s32 v27, v37;
	v27 =	vadd.f32 v40, v33;
	v0 =	vmul.f32 $8.000000000e+00, v0;
	v31 =	vld [tilespmem:s28+$0x60]  }
0x21a: {  	v57 =	vadd.s32 v15, v47;
	v26 =	vld [tilespmem:s28+$0x20];
	[tilespmem:v63+s13+$0x0] =	vst.idx.msk $0xffff, v4;
	v2 =	vmul.f32 $8.000000000e+00, v2;
	v55 =	vadd.f32 v29, v34  }
0x21b: {  	v59 =	vadd.s32 v19, v46;
	[tilespmem:v39+s13+$0x0] =	vst.idx.msk $0xffff, v27;
	v58 =	vld [tilespmem:s28+$0xA0];
	v0 =	vadd.f32 v0, v34;
	v36 =	vmul.f32 $8.000000000e+00, v18  }
0x21c: {  	[tilespmem:v22+s13+$0x0] =	vst.idx.msk $0xffff, v55;
	v2 =	vadd.f32 v2, v34;
	v3 =	vmul.f32 $8.000000000e+00, v3  }
0x21d: {  	v22 =	vmul.f32 $8.000000000e+00, v41;
	[tilespmem:v25+s13+$0x0] =	vst.idx.msk $0xffff, v0;
	v0 =	vadd.f32 v36, v34;
	v63 =	vld [tilespmem:s28+$0xF0]  }
0x21e: {  	v60 =	vadd.s32 v23, v44;
	[tilespmem:v30+s13+$0x0] =	vst.idx.msk $0xffff, v2;
	v2 =	vld [tilespmem:s28+$0xFFFFFF30];
	v3 =	vadd.f32 v3, v34;
	v17 =	vmul.f32 $8.000000000e+00, v31  }
0x21f: {  	v18 =	vadd.s32 v28, v45;
	v61 =	vmul.f32 $8.000000000e+00, v26;
	v4 =	vadd.f32 v22, v33;
	[tilespmem:v57+s13+$0x0] =	vst.idx.msk $0xffff, v0;
	v0 =	vld [tilespmem:s28+$0xFFFFFF70]  }
0x220: {  	v19 =	vmul.f32 $8.000000000e+00, v58;
	[tilespmem:v59+s13+$0x0] =	vst.idx.msk $0xffff, v3;
	v3 =	vadd.f32 v17, v34  }
0x221: {  	v26 =	vadd.s32 v20, v50;
	v36 =	vadd.f32 v61, v34;
	[tilespmem:v38+s13+$0x0] =	vst.idx.msk $0xffff, v4  }
0x222: {  	v28 =	vadd.s32 v8, v48;
	v21 =	vld [tilespmem:s28+$0xFFFFFFB0];
	v25 =	vadd.f32 v19, v34;
	[tilespmem:v62+s13+$0x0] =	vst.idx.msk $0xffff, v3;
	v3 =	vmul.f32 $8.000000000e+00, v63  }
0x223: {  	v30 =	vadd.s32 v12, v49;
	v23 =	vld [tilespmem:s28+$0xFFFFFFF0];
	[tilespmem:v60+s13+$0x0] =	vst.idx.msk $0xffff, v36;
	v2 =	vmul.f32 $8.000000000e+00, v2  }
0x224: {  	v29 =	vld [tilespmem:s28+$0x30];
	[tilespmem:v18+s13+$0x0] =	vst.idx.msk $0xffff, v25;
	v0 =	vmul.f32 $8.000000000e+00, v0;
	v3 =	vadd.f32 v3, v33  }
0x225: {  	v55 =	vld [tilespmem:$0x1FF00];
	v2 =	vadd.f32 v2, v33  }
0x226: {  	v58 =	vld [tilespmem:$0x1FF40];
	v0 =	vadd.f32 v0, v33;
	[tilespmem:v26+s13+$0x0] =	vst.idx.msk $0xffff, v3  }
0x227: {  	v31 =	vld [tilespmem:s28+$0x70];
	[tilespmem:v28+s13+$0x0] =	vst.idx.msk $0xffff, v2  }
0x228: {  	v60 =	vld [tilespmem:$0x1FF80];
	[tilespmem:v30+s13+$0x0] =	vst.idx.msk $0xffff, v0  }
0x229: {  	v62 =	vld [tilespmem:$0x1FFC0]  }
0x22a: {  	v51 =	vadd.s32 v16, v47;
	v53 =	vld [tilespmem:s28+$0xB0]  }
0x22b: {  	v54 =	vmul.f32 $8.000000000e+00, v21;
	v56 =	vadd.s32 v55, v46  }
0x22c: {  	v57 =	vmul.f32 $8.000000000e+00, v23;
	v59 =	vadd.s32 v58, v44  }
0x22d: {  	v2 =	vadd.f32 v54, v33;
	v3 =	vmul.f32 $8.000000000e+00, v29;
	v4 =	vadd.s32 v60, v37  }
0x22e: {  	v0 =	vadd.f32 v57, v33;
	v61 =	vmul.f32 $8.000000000e+00, v31;
	v63 =	vadd.s32 v62, v45  }
0x22f: {  	[tilespmem:v51+s13+$0x0] =	vst.idx.msk $0xffff, v2;
	v2 =	vadd.f32 v3, v33;
	v3 =	vmul.f32 $8.000000000e+00, v53  }
0x230: {  	s26 =	sshll.u32 s26, $0x12;
	[tilespmem:v56+s13+$0x0] =	vst.idx.msk $0xffff, v0;
	v0 =	vadd.f32 v61, v33  }
0x231: {  	s26 =	sor.u32 s4, s26;
	[tilespmem:v59+s13+$0x0] =	vst.idx.msk $0xffff, v2;
	v2 =	vadd.f32 v3, v33  }
0x232: {  	s26 =	sshrl.u32 s26, $0x3;
	[tilespmem:v4+s13+$0x0] =	vst.idx.msk $0xffff, v0  }
0x233: {  	s1 =	simm.s32 $0x13800;
	s28 =	sadd.s32 s2, s26;
	[tilespmem:v63+s13+$0x0] =	vst.idx.msk $0xffff, v2  }
0x234: {  	[hbm4b:s28+s3] =	stream.linear.scatter [tilespmem:s1], [sflag:$0x6], $0x80, $0x38;
	[tilespmem:$0x19E00] =	vst v63  }
0x235: {  	s0 =	simm.s32 $0x13888;
	s29 =	sadd.s32 $0x10, s28  }
0x236: {  	[hbm4b:s29+s3] =	stream.linear.scatter [tilespmem:s0], [sflag:$0x6], $0x80, $0x38;
	[tilespmem:$0x19E00] =	vst v63  }
0x237: {  	s1 =	simm.s32 $0x13910;
	s29 =	sadd.s32 $0x20, s28  }
0x238: {  	[hbm4b:s29+s3] =	stream.linear.scatter [tilespmem:s1], [sflag:$0x6], $0x80, $0x38;
	[tilespmem:$0x19E00] =	vst v63  }
0x239: {  	s0 =	simm.s32 $0x13998;
	s29 =	sadd.s32 $0x30, s28  }
0x23a: {  	[hbm4b:s29+s3] =	stream.linear.scatter [tilespmem:s0], [sflag:$0x6], $0x80, $0x38;
	[tilespmem:$0x19E00] =	vst v63  }
0x23b: {  	s1 =	simm.s32 $0x13A20;
	s29 =	sadd.s32 $0x40, s28  }
0x23c: {  	[hbm4b:s29+s3] =	stream.linear.scatter [tilespmem:s1], [sflag:$0x6], $0x80, $0x38;
	[tilespmem:$0x19E00] =	vst v63  }
0x23d: {  	s30 =	simm.s32 $0x13BB8;
	s0 =	simm.s32 $0x13AA8;
	s29 =	sadd.s32 $0x50, s28  }
0x23e: {  	[hbm4b:s29+s3] =	stream.linear.scatter [tilespmem:s0], [sflag:$0x6], $0x80, $0x38;
	[tilespmem:$0x19E00] =	vst v63  }
0x23f: {  	s26 =	simm.s32 $0x440;
	s1 =	simm.s32 $0x13B30;
	s29 =	sadd.s32 $0x60, s28  }
0x240: {  	[hbm4b:s29+s3] =	stream.linear.scatter [tilespmem:s1], [sflag:$0x6], $0x80, $0x38;
	[tilespmem:$0x19E00] =	vst v63  }
0x241: {  	v9 =	vmov v24;
	v13 =	vmov v20;
	s31 =	sadd.s32 $0x70, s28;
	s28 =	sadd.s32 $0x1000, s28;
	s29 =	simm.s32 $0x2200  }
.LBB2_9:
0x242: {  	[hbm4b:s31+s3] =	stream.linear.scatter [tilespmem:s30], [sflag:$0x6], $0x80, $0x38;
	[tilespmem:$0x19E00] =	vst v63  }
0x243: {  	s30 =	smov.u32 s26;
	s26 =	smov.u32 s29  }
0x244: {  	s0 =	sadd.s32 $0x1100, s29;
	s26 =	sshra.s32 s26, $0x2;
	s31 =	sadd.s32 $0x13800, s30  }
0x245: {  	[hbm4b:s28+s3] =	stream.linear.scatter [tilespmem:s31], [sflag:$0x6], $0x80, $0x38;
	[tilespmem:$0x19E00] =	vst v63  }
0x246: {  	p2 =	sne.s32 s29, $0x7700;
	s29 =	sadd.s32 $0x13888, s30;
	s31 =	sadd.s32 $0x10, s28  }
0x247: {  	[hbm4b:s31+s3] =	stream.linear.scatter [tilespmem:s29], [sflag:$0x6], $0x80, $0x38;
	[tilespmem:$0x19E00] =	vst v63  }
0x248: {  	s29 =	sadd.s32 $0x13910, s30;
	s31 =	sadd.s32 $0x20, s28  }
0x249: {  	[hbm4b:s31+s3] =	stream.linear.scatter [tilespmem:s29], [sflag:$0x6], $0x80, $0x38;
	[tilespmem:$0x19E00] =	vst v63  }
0x24a: {  	s29 =	sadd.s32 $0x13998, s30;
	s31 =	sadd.s32 $0x30, s28  }
0x24b: {  	[hbm4b:s31+s3] =	stream.linear.scatter [tilespmem:s29], [sflag:$0x6], $0x80, $0x38;
	[tilespmem:$0x19E00] =	vst v63  }
0x24c: {  	s29 =	sadd.s32 $0x13A20, s30;
	s31 =	sadd.s32 $0x40, s28  }
0x24d: {  	[hbm4b:s31+s3] =	stream.linear.scatter [tilespmem:s29], [sflag:$0x6], $0x80, $0x38;
	[tilespmem:$0x19E00] =	vst v63  }
.Ltmp5:
0x24e: {  	s29 =	sadd.s32 $0x13AA8, s30;
	s31 =	sadd.s32 $0x50, s28;
	(pc) =	sbr.rel @p2 .LBB2_9-.Ltmp5, $4  }
0x24f: {  	[hbm4b:s31+s3] =	stream.linear.scatter [tilespmem:s29], [sflag:$0x6], $0x80, $0x38;
	[tilespmem:$0x19E00] =	vst v63  }
0x250: {  	s29 =	sadd.s32 $0x13B30, s30;
	s31 =	sadd.s32 $0x60, s28;
	s30 =	sadd.s32 $0x13BB8, s30  }
0x251: {  	[hbm4b:s31+s3] =	stream.linear.scatter [tilespmem:s29], [sflag:$0x6], $0x80, $0x38;
	[tilespmem:$0x19E00] =	vst v63  }
0x252: {  	s31 =	sadd.s32 $0x70, s28;
	s28 =	sadd.s32 $0x1000, s28;
	s29 =	smov.u32 s0  }
0x253: {  	[hbm4b:s31+s3] =	stream.linear.scatter [tilespmem:s30], [sflag:$0x6], $0x80, $0x38;
	[tilespmem:$0x19E00] =	vst v63  }
0x254: {  	s0 =	sadd.s32 $0x13800, s26  }
0x255: {  	[hbm4b:s28+s3] =	stream.linear.scatter [tilespmem:s0], [sflag:$0x6], $0x80, $0x38;
	[tilespmem:$0x19E00] =	vst v63  }
0x256: {  	s31 =	sadd.s32 $0x13888, s26;
	s29 =	sadd.s32 $0x10, s28  }
0x257: {  	[hbm4b:s29+s3] =	stream.linear.scatter [tilespmem:s31], [sflag:$0x6], $0x80, $0x38;
	[tilespmem:$0x19E00] =	vst v63  }
0x258: {  	s1 =	sadd.s32 $0x13910, s26;
	s29 =	sadd.s32 $0x20, s28  }
0x259: {  	[hbm4b:s29+s3] =	stream.linear.scatter [tilespmem:s1], [sflag:$0x6], $0x80, $0x38;
	[tilespmem:$0x19E00] =	vst v63  }
0x25a: {  	s31 =	sadd.s32 $0x13998, s26;
	s29 =	sadd.s32 $0x30, s28  }
0x25b: {  	[hbm4b:s29+s3] =	stream.linear.scatter [tilespmem:s31], [sflag:$0x6], $0x80, $0x38;
	[tilespmem:$0x19E00] =	vst v63  }
0x25c: {  	s1 =	sadd.s32 $0x13A20, s26;
	s29 =	sadd.s32 $0x40, s28  }
0x25d: {  	[hbm4b:s29+s3] =	stream.linear.scatter [tilespmem:s1], [sflag:$0x6], $0x80, $0x38;
	[tilespmem:$0x19E00] =	vst v63  }
0x25e: {  	s31 =	sadd.s32 $0x13AA8, s26;
	s29 =	sadd.s32 $0x50, s28  }
0x25f: {  	[hbm4b:s29+s3] =	stream.linear.scatter [tilespmem:s31], [sflag:$0x6], $0x80, $0x38;
	[tilespmem:$0x19E00] =	vst v63  }
0x260: {  	s1 =	sadd.s32 $0x13B30, s26;
	s29 =	sadd.s32 $0x60, s28  }
0x261: {  	[hbm4b:s29+s3] =	stream.linear.scatter [tilespmem:s1], [sflag:$0x6], $0x80, $0x38;
	[tilespmem:$0x19E00] =	vst v63  }
0x262: {  	s0 =	sadd.s32 @!p1 $0x280, s25;
	s31 =	sadd.s32 $0x13BB8, s26;
	s1 =	sadd.s32 $0x70, s28  }
0x263: {  	[hbm4b:s1+s3] =	stream.linear.scatter [tilespmem:s31], [sflag:$0x6], $0x80, $0x38;
	[tilespmem:$0x19E00] =	vst v63  }
0x264: {  	s0 =	sand.u32 @!p1 $0x3FFFFF80, s0;
	s26 =	simm.s32 @!p1 $0x80;
	s28 =	simm.s32 @!p1 $0xB600  }
0x265: {  	[tilespmem:s28], [sflag:$0x2] =	stream.indirect.gather @!p1 [hbm4b:s5+s26], $0x40, s0, s26, $0xb8;
	[tilespmem:$0x19E00] =	vst v63  }
0x266: {  	s1 =	simm.s32 $0x3;
	_ =	swait.ge [sflag:s14], $0x2000  }
0x267: {  	v4 =	vmov s1;
	[sflag:s14] =	ssyncset.done $0x0  }
0x268: {  	s0 =	simm.s32 @!p0 $0x7;
	v4 =	vshrl.u32 v4, $0x3;
	[sflag:s14] =	ssyncadd.s32 $0xFFFFE000  }
0x269: {  	v4 =	vshll.u32 v4, v1;
	_ =	swait.ge @!p0 [sflag:s0], $0x2000  }
0x26a: {  	s28 =	simm.s32 $0x0;
	v41 =	vbroadcast v4, $0x0;
	v4 =	vld [tilespmem:$0x1FFD0]  }
0x26b: {  	s26 =	sor.u32 $0x2, s24;
	v0 =	vmov s28;
	s28 =	simm.s32 $0x2;
	v5 =	vld [tilespmem:$0x1FE10]  }
0x26c: {  	s29 =	sshll.u32 s26, $0x6;
	v3 =	vmov s28;
	s28 =	simm.s32 $0x4;
	[sflag:s0] =	ssyncset.done @!p0 $0x0;
	v17 =	vld [tilespmem:$0x1FED0]  }
0x26d: {  	v0 =	vshrl.u32 v0, $0x3;
	s29 =	sand.u32 $0x3FFFFFC0, s29;
	v33 =	vmov s28;
	s28 =	simm.s32 $0x6;
	v21 =	vld [tilespmem:$0x1FF10];
	[sflag:s0] =	ssyncadd.s32 @!p0 $0xFFFFE000  }
0x26e: {  	s31 =	simm.s32 $0x1;
	s1 =	simm.s32 $0x7;
	v0 =	vshll.u32 v0, v1;
	v38 =	vmov s28;
	s28 =	simm.s32 $0xD700;
	v36 =	vld [tilespmem:s29+$0x6400]  }
0x26f: {  	v2 =	vmov s31;
	s31 =	simm.s32 $0x5;
	v39 =	vmov s1;
	v43 =	vbroadcast v0, $0x0;
	v46 =	vld [tilespmem:s28+$0xC0]  }
0x270: {  	v37 =	vmov s31;
	v39 =	vshrl.u32 v39, $0x3;
	v47 =	vld [tilespmem:s28+$0xFFFFFF00]  }
0x271: {  	v2 =	vshrl.u32 v2, $0x3;
	v0 =	vshll.u32 v39, v1;
	v49 =	vadd.s32 v5, v43;
	v5 =	vld [tilespmem:$0x1FE50]  }
0x272: {  	v37 =	vshrl.u32 v37, $0x3;
	v2 =	vshll.u32 v2, v1;
	v45 =	vbroadcast v0, $0x0;
	v48 =	vld [tilespmem:s28+$0xFFFFFF40]  }
0x273: {  	v37 =	vshll.u32 v37, v1;
	v44 =	vbroadcast v2, $0x0;
	v3 =	vshrl.u32 v3, $0x3;
	v35 =	vld [tilespmem:s29+$0x6410]  }
0x274: {  	v33 =	vshrl.u32 v33, $0x3;
	v3 =	vshll.u32 v3, v1;
	v34 =	vld [tilespmem:s29+$0x6420];
	v4 =	vadd.s32 v4, v45  }
0x275: {  	v38 =	vshrl.u32 v38, $0x3;
	v42 =	vbroadcast v3, $0x0;
	v0 =	vld [tilespmem:s28+$0xFFFFFF80];
	v60 =	vmul.f32 $8.000000000e+00, v46  }
0x276: {  	v2 =	vshll.u32 v38, v1;
	v61 =	vmul.f32 $8.000000000e+00, v47;
	v62 =	vadd.s32 v5, v44;
	v5 =	vld [tilespmem:$0x1FE90]  }
0x277: {  	v3 =	vld [tilespmem:s28+$0xFFFFFFC0];
	v38 =	vbroadcast v2, $0x0;
	v2 =	vmul.f32 $8.000000000e+00, v48;
	v52 =	vadd.f32 v60, v36  }
0x278: {  	v40 =	vbroadcast v37, $0x0;
	v33 =	vshll.u32 v33, v1;
	v50 =	vld [tilespmem:s28+$0x0];
	v37 =	vadd.f32 v61, v36  }
0x279: {  	v39 =	vbroadcast v33, $0x0;
	v33 =	vld [tilespmem:s29+$0x6430];
	v2 =	vadd.f32 v2, v36;
	[tilespmem:v4+s15+$0x0] =	vst.idx.msk $0xffff, v52  }
0x27a: {  	v63 =	vld [tilespmem:s28+$0x40];
	[tilespmem:v49+s15+$0x0] =	vst.idx.msk $0xffff, v37  }
0x27b: {  	v25 =	vld [tilespmem:$0x1FF50];
	v57 =	vadd.s32 v5, v42;
	[tilespmem:v62+s15+$0x0] =	vst.idx.msk $0xffff, v2  }
0x27c: {  	v53 =	vadd.s32 v17, v41;
	v0 =	vmul.f32 $8.000000000e+00, v0;
	v29 =	vld [tilespmem:$0x1FF90]  }
0x27d: {  	v51 =	vld [tilespmem:s28+$0x80];
	v54 =	vadd.s32 v21, v39;
	v3 =	vmul.f32 $8.000000000e+00, v3  }
0x27e: {  	v0 =	vadd.f32 v0, v36;
	v4 =	vmul.f32 $8.000000000e+00, v50  }
0x27f: {  	v59 =	vld [tilespmem:s28+$0xD0];
	v2 =	vadd.f32 v3, v36  }
0x280: {  	v60 =	vld [tilespmem:s28+$0xFFFFFF10];
	v58 =	vadd.s32 v25, v40;
	[tilespmem:v57+s15+$0x0] =	vst.idx.msk $0xffff, v0;
	v0 =	vadd.f32 v4, v36  }
0x281: {  	v3 =	vmul.f32 $8.000000000e+00, v63;
	v62 =	vld [tilespmem:s28+$0xFFFFFF50];
	[tilespmem:v53+s15+$0x0] =	vst.idx.msk $0xffff, v2;
	v46 =	vadd.s32 v29, v38  }
0x282: {  	v63 =	vld [tilespmem:s28+$0xFFFFFFD0];
	v4 =	vmul.f32 $8.000000000e+00, v51;
	[tilespmem:v54+s15+$0x0] =	vst.idx.msk $0xffff, v0  }
0x283: {  	v2 =	vadd.f32 v3, v36;
	v5 =	vld [tilespmem:$0x1FFE0]  }
0x284: {  	v0 =	vadd.f32 v4, v36;
	v6 =	vld [tilespmem:$0x1FE20]  }
0x285: {  	v48 =	vld [tilespmem:s28+$0xFFFFFF90];
	[tilespmem:v58+s15+$0x0] =	vst.idx.msk $0xffff, v2  }
0x286: {  	v10 =	vld [tilespmem:$0x1FE60];
	[tilespmem:v46+s15+$0x0] =	vst.idx.msk $0xffff, v0  }
0x287: {  	v14 =	vld [tilespmem:$0x1FEA0]  }
0x288: {  	v18 =	vld [tilespmem:$0x1FEE0];
	v4 =	vadd.s32 v5, v45  }
0x289: {  	s31 =	simm.s32 $0x8;
	v2 =	vmul.f32 $8.000000000e+00, v59;
	v22 =	vld [tilespmem:$0x1FF20];
	v32 =	vadd.s32 v6, v43  }
0x28a: {  	v61 =	vmov s31;
	v60 =	vmul.f32 $8.000000000e+00, v60;
	v55 =	vld [tilespmem:s28+$0x10]  }
0x28b: {  	v47 =	vshrl.u32 v61, $0x3;
	v2 =	vadd.f32 v2, v35;
	v61 =	vadd.s32 v10, v44  }
0x28c: {  	v37 =	vadd.f32 v60, v35;
	v0 =	vmul.f32 $8.000000000e+00, v62;
	v46 =	vadd.s32 v14, v42  }
0x28d: {  	v48 =	vmul.f32 $8.000000000e+00, v48;
	v57 =	vadd.s32 v18, v41;
	[tilespmem:v4+s15+$0x0] =	vst.idx.msk $0xffff, v2  }
0x28e: {  	v51 =	vmul.f32 $8.000000000e+00, v63;
	v56 =	vld [tilespmem:s28+$0x50];
	v0 =	vadd.f32 v0, v35;
	v58 =	vadd.s32 v22, v39;
	[tilespmem:v32+s15+$0x0] =	vst.idx.msk $0xffff, v37  }
0x28f: {  	v2 =	vadd.f32 v48, v35;
	v4 =	vmul.f32 $8.000000000e+00, v55;
	v26 =	vld [tilespmem:$0x1FF60]  }
0x290: {  	v62 =	vld [tilespmem:s28+$0x90];
	[tilespmem:v61+s15+$0x0] =	vst.idx.msk $0xffff, v0;
	v0 =	vadd.f32 v51, v35  }
0x291: {  	v30 =	vld [tilespmem:$0x1FFA0];
	[tilespmem:v46+s15+$0x0] =	vst.idx.msk $0xffff, v2;
	v2 =	vadd.f32 v4, v35  }
0x292: {  	[tilespmem:v57+s15+$0x0] =	vst.idx.msk $0xffff, v0  }
0x293: {  	v54 =	vld [tilespmem:s28+$0xE0];
	[tilespmem:v58+s15+$0x0] =	vst.idx.msk $0xffff, v2  }
0x294: {  	v48 =	vadd.s32 v26, v40;
	v7 =	vld [tilespmem:$0x1FE30]  }
0x295: {  	v60 =	vmul.f32 $8.000000000e+00, v56;
	v63 =	vld [tilespmem:s28+$0xFFFFFF20]  }
0x296: {  	v4 =	vmul.f32 $8.000000000e+00, v62;
	v61 =	vadd.s32 v30, v38  }
0x297: {  	v59 =	vld [tilespmem:s28+$0xFFFFFF60];
	v0 =	vadd.f32 v60, v35  }
0x298: {  	v62 =	vld [tilespmem:s28+$0xFFFFFFA0];
	v2 =	vadd.f32 v4, v35;
	v4 =	vadd.s32 v9, v45  }
0x299: {  	v52 =	vld [tilespmem:s28+$0xFFFFFFE0];
	[tilespmem:v48+s15+$0x0] =	vst.idx.msk $0xffff, v0;
	v0 =	vmul.f32 $8.000000000e+00, v54;
	v57 =	vadd.s32 v7, v43  }
0x29a: {  	v63 =	vmul.f32 $8.000000000e+00, v63;
	v58 =	vld [tilespmem:s28+$0x20]  }
0x29b: {  	v11 =	vld [tilespmem:$0x1FE70];
	[tilespmem:v61+s15+$0x0] =	vst.idx.msk $0xffff, v2;
	v0 =	vadd.f32 v0, v34  }
0x29c: {  	v48 =	vadd.f32 v63, v34;
	v15 =	vld [tilespmem:$0x1FEB0]  }
0x29d: {  	v19 =	vld [tilespmem:$0x1FEF0];
	[tilespmem:v4+s15+$0x0] =	vst.idx.msk $0xffff, v0  }
0x29e: {  	v23 =	vld [tilespmem:$0x1FF30];
	[tilespmem:v57+s15+$0x0] =	vst.idx.msk $0xffff, v48  }
0x29f: {  	v27 =	vld [tilespmem:$0x1FF70]  }
0x2a0: {  	v32 =	vld [tilespmem:s28+$0x60];
	v54 =	vadd.s32 v11, v44  }
0x2a1: {  	v2 =	vmul.f32 $8.000000000e+00, v59;
	v51 =	vadd.s32 v15, v42  }
0x2a2: {  	v37 =	vshll.u32 v47, v1;
	v47 =	vmul.f32 $8.000000000e+00, v62;
	v60 =	vadd.s32 v19, v41  }
0x2a3: {  	v0 =	vadd.f32 v2, v34;
	v2 =	vmul.f32 $8.000000000e+00, v52;
	v4 =	vadd.s32 v23, v39  }
0x2a4: {  	v47 =	vadd.f32 v47, v34;
	v52 =	vmul.f32 $8.000000000e+00, v58;
	v57 =	vadd.s32 v27, v40  }
0x2a5: {  	v59 =	vld [tilespmem:s28+$0xA0];
	v2 =	vadd.f32 v2, v34;
	[tilespmem:v54+s15+$0x0] =	vst.idx.msk $0xffff, v0;
	v54 =	vmul.f32 $8.000000000e+00, v32  }
0x2a6: {  	v52 =	vadd.f32 v52, v34;
	v31 =	vld [tilespmem:$0x1FFB0];
	[tilespmem:v51+s15+$0x0] =	vst.idx.msk $0xffff, v47  }
0x2a7: {  	v58 =	vld [tilespmem:s28+$0xF0];
	[tilespmem:v60+s15+$0x0] =	vst.idx.msk $0xffff, v2;
	v63 =	vadd.f32 v54, v34  }
0x2a8: {  	v0 =	vld [tilespmem:s28+$0xFFFFFF30];
	[tilespmem:v4+s15+$0x0] =	vst.idx.msk $0xffff, v52  }
0x2a9: {  	v8 =	vld [tilespmem:$0x1FE40];
	[tilespmem:v57+s15+$0x0] =	vst.idx.msk $0xffff, v63  }
0x2aa: {  	v12 =	vld [tilespmem:$0x1FE80]  }
0x2ab: {  	s1 =	simm.s32 $0x9;
	v51 =	vld [tilespmem:s28+$0xFFFFFF70]  }
0x2ac: {  	v3 =	vmov s1;
	v61 =	vadd.s32 v31, v38  }
0x2ad: {  	v3 =	vshrl.u32 v3, $0x3;
	v45 =	vadd.s32 v13, v45;
	v62 =	vmul.f32 $8.000000000e+00, v59;
	v2 =	vld [tilespmem:s28+$0xFFFFFFB0]  }
0x2ae: {  	v60 =	vmul.f32 $8.000000000e+00, v58;
	v54 =	vshll.u32 v3, v1;
	v4 =	vld [tilespmem:s28+$0xFFFFFFF0];
	v3 =	vadd.s32 v8, v43  }
0x2af: {  	v32 =	vadd.f32 v62, v34;
	v52 =	vld [tilespmem:s28+$0x30];
	v0 =	vmul.f32 $8.000000000e+00, v0;
	v44 =	vadd.s32 v12, v44  }
0x2b0: {  	v62 =	vadd.f32 v60, v33;
	v51 =	vmul.f32 $8.000000000e+00, v51;
	v57 =	vld [tilespmem:s28+$0x70]  }
0x2b1: {  	v16 =	vld [tilespmem:$0x1FEC0];
	v0 =	vadd.f32 v0, v33;
	[tilespmem:v61+s15+$0x0] =	vst.idx.msk $0xffff, v32  }
0x2b2: {  	s31 =	simm.s32 $0xA;
	v63 =	vadd.f32 v51, v33;
	v20 =	vld [tilespmem:$0x1FF00];
	[tilespmem:v45+s15+$0x0] =	vst.idx.msk $0xffff, v62  }
0x2b3: {  	v53 =	vmov s31;
	s1 =	simm.s32 $0xB;
	s31 =	simm.s32 $0xC;
	v24 =	vld [tilespmem:$0x1FF40];
	[tilespmem:v3+s15+$0x0] =	vst.idx.msk $0xffff, v0  }
0x2b4: {  	v49 =	vmov s1;
	s1 =	simm.s32 $0xD;
	v53 =	vshrl.u32 v53, $0x3;
	v56 =	vmov s31;
	s31 =	simm.s32 $0xE;
	v28 =	vld [tilespmem:$0x1FF80];
	[tilespmem:v44+s15+$0x0] =	vst.idx.msk $0xffff, v63  }
0x2b5: {  	v50 =	vmov s31;
	v55 =	vshll.u32 v53, v1;
	v46 =	vmov s1;
	v32 =	vld [tilespmem:$0x1FFC0]  }
0x2b6: {  	v48 =	vshrl.u32 v49, $0x3;
	v49 =	vshrl.u32 v46, $0x3;
	v2 =	vmul.f32 $8.000000000e+00, v2  }
0x2b7: {  	v46 =	vshrl.u32 v50, $0x3;
	v47 =	vshrl.u32 v56, $0x3;
	v4 =	vmul.f32 $8.000000000e+00, v4  }
0x2b8: {  	v56 =	vadd.f32 v2, v33;
	v51 =	vmul.f32 $8.000000000e+00, v52;
	v53 =	vadd.s32 v16, v42  }
0x2b9: {  	v52 =	vadd.f32 v4, v33;
	v43 =	vadd.s32 v20, v41;
	v42 =	vadd.s32 v24, v39  }
0x2ba: {  	s30 =	simm.s32 $0xF;
	s29 =	simm.s32 $0x10;
	v41 =	vld [tilespmem:s28+$0xB0];
	v39 =	vadd.s32 v28, v40;
	v40 =	vmul.f32 $8.000000000e+00, v57;
	v38 =	vadd.s32 v32, v38  }
.LBB2_11:
0x2bb: {  	v58 =	vld [tilespmem:$0x1FE10]  }
0x2bc: {  	s28 =	sadd.s32 $0x200, s28;
	v61 =	vld [tilespmem:$0x1FE50];
	v2 =	vadd.f32 v51, v33  }
0x2bd: {  	v4 =	vshll.u32 v48, v1;
	[tilespmem:v53+s15+$0x0] =	vst.idx.msk $0xffff, v56;
	v53 =	vld [tilespmem:s28+$0xC0]  }
0x2be: {  	v0 =	vmov s30;
	v40 =	vadd.f32 v40, v33;
	[tilespmem:v42+s15+$0x0] =	vst.idx.msk $0xffff, v2;
	v42 =	vbroadcast v4, $0x0;
	v4 =	vld [tilespmem:$0x1FFD0]  }
0x2bf: {  	v57 =	vshll.u32 v49, v1;
	v0 =	vshrl.u32 v0, $0x3;
	v50 =	vld [tilespmem:s28+$0xFFFFFF00];
	v3 =	vmul.f32 $8.000000000e+00, v41  }
0x2c0: {  	v0 =	vshll.u32 v0, v1;
	[tilespmem:v39+s15+$0x0] =	vst.idx.msk $0xffff, v40;
	v39 =	vbroadcast v57, $0x0;
	v57 =	vld [tilespmem:$0x1FE90]  }
0x2c1: {  	v45 =	vbroadcast v0, $0x0;
	v2 =	vadd.f32 v3, v33;
	v3 =	vld [tilespmem:s28+$0xFFFFFF40]  }
0x2c2: {  	v44 =	vbroadcast v54, $0x0;
	v46 =	vshll.u32 v46, v1;
	[tilespmem:v43+s15+$0x0] =	vst.idx.msk $0xffff, v52;
	v0 =	vld [tilespmem:s28+$0xFFFFFF80];
	v41 =	vbroadcast v37, $0x0  }
0x2c3: {  	v56 =	vshll.u32 v47, v1;
	v43 =	vbroadcast v55, $0x0;
	[tilespmem:v38+s15+$0x0] =	vst.idx.msk $0xffff, v2;
	v2 =	vld [tilespmem:s28+$0xFFFFFFC0];
	v4 =	vadd.s32 v4, v45  }
0x2c4: {  	v40 =	vbroadcast v56, $0x0;
	v49 =	vld [tilespmem:s28+$0x0];
	v37 =	vadd.s32 v58, v41;
	v59 =	vmul.f32 $8.000000000e+00, v53  }
0x2c5: {  	v63 =	vld [tilespmem:s28+$0x40];
	v62 =	vadd.s32 v61, v44;
	v60 =	vmul.f32 $8.000000000e+00, v50;
	v38 =	vbroadcast v46, $0x0  }
0x2c6: {  	v46 =	vadd.s32 v57, v43;
	v47 =	vadd.f32 v59, v36;
	v58 =	vld [tilespmem:s28+$0x80];
	v3 =	vmul.f32 $8.000000000e+00, v3  }
0x2c7: {  	v48 =	vadd.f32 v60, v36;
	v0 =	vmul.f32 $8.000000000e+00, v0;
	v59 =	vadd.s32 v17, v42  }
0x2c8: {  	v60 =	vadd.s32 v21, v40;
	v3 =	vadd.f32 v3, v36;
	v2 =	vmul.f32 $8.000000000e+00, v2;
	[tilespmem:v4+s15+$0x0] =	vst.idx.msk $0xffff, v47  }
0x2c9: {  	v61 =	vadd.s32 v25, v39;
	v0 =	vadd.f32 v0, v36;
	[tilespmem:v37+s15+$0x0] =	vst.idx.msk $0xffff, v48;
	v4 =	vmul.f32 $8.000000000e+00, v49;
	v47 =	vld [tilespmem:s28+$0xD0]  }
0x2ca: {  	v48 =	vld [tilespmem:s28+$0xFFFFFF10];
	v49 =	vadd.s32 v29, v38;
	[tilespmem:v62+s15+$0x0] =	vst.idx.msk $0xffff, v3;
	v2 =	vadd.f32 v2, v36;
	v3 =	vmul.f32 $8.000000000e+00, v63  }
0x2cb: {  	s31 =	sadd.s32 $0x2, s29;
	[tilespmem:v46+s15+$0x0] =	vst.idx.msk $0xffff, v0;
	v0 =	vadd.f32 v4, v36;
	v4 =	vmul.f32 $8.000000000e+00, v58;
	v51 =	vld [tilespmem:s28+$0xFFFFFF50]  }
0x2cc: {  	v53 =	vmov s31;
	v54 =	vadd.s32 v6, v41;
	s31 =	sadd.s32 $0x4, s29;
	v50 =	vld [tilespmem:s28+$0xFFFFFF90];
	[tilespmem:v59+s15+$0x0] =	vst.idx.msk $0xffff, v2;
	v2 =	vadd.f32 v3, v36  }
0x2cd: {  	v56 =	vmov s31;
	[tilespmem:v60+s15+$0x0] =	vst.idx.msk $0xffff, v0;
	v0 =	vadd.f32 v4, v36;
	v4 =	vadd.s32 v5, v45;
	v52 =	vld [tilespmem:s28+$0xFFFFFFD0]  }
0x2ce: {  	v57 =	vadd.s32 v18, v42;
	v62 =	vmov s29;
	v63 =	vld [tilespmem:s28+$0x10];
	[tilespmem:v61+s15+$0x0] =	vst.idx.msk $0xffff, v2;
	v2 =	vmul.f32 $8.000000000e+00, v47  }
0x2cf: {  	v46 =	vshrl.u32 v62, $0x3;
	v60 =	vmul.f32 $8.000000000e+00, v48;
	v61 =	vadd.s32 v10, v44;
	[tilespmem:v49+s15+$0x0] =	vst.idx.msk $0xffff, v0;
	v62 =	vld [tilespmem:s28+$0x50]  }
0x2d0: {  	v49 =	vadd.s32 v14, v43;
	v0 =	vmul.f32 $8.000000000e+00, v51;
	v51 =	vld [tilespmem:s28+$0x90];
	v2 =	vadd.f32 v2, v35  }
0x2d1: {  	s0 =	sadd.s32 $0x1, s29;
	v58 =	vadd.s32 v22, v40;
	v37 =	vadd.f32 v60, v35;
	v50 =	vmul.f32 $8.000000000e+00, v50  }
0x2d2: {  	v3 =	vmov s0;
	v0 =	vadd.f32 v0, v35;
	v52 =	vmul.f32 $8.000000000e+00, v52;
	[tilespmem:v4+s15+$0x0] =	vst.idx.msk $0xffff, v2  }
0x2d3: {  	[tilespmem:v54+s15+$0x0] =	vst.idx.msk $0xffff, v37;
	v2 =	vadd.f32 v50, v35;
	v4 =	vmul.f32 $8.000000000e+00, v63;
	v50 =	vadd.s32 v26, v39;
	v63 =	vld [tilespmem:s28+$0xE0]  }
0x2d4: {  	v60 =	vld [tilespmem:s28+$0xFFFFFF20];
	[tilespmem:v61+s15+$0x0] =	vst.idx.msk $0xffff, v0;
	v0 =	vadd.f32 v52, v35;
	v61 =	vmul.f32 $8.000000000e+00, v62;
	v62 =	vadd.s32 v30, v38  }
0x2d5: {  	s1 =	sadd.s32 $0x3, s29;
	v3 =	vshrl.u32 v3, $0x3;
	[tilespmem:v49+s15+$0x0] =	vst.idx.msk $0xffff, v2;
	v2 =	vadd.f32 v4, v35;
	v59 =	vld [tilespmem:s28+$0xFFFFFF60];
	v4 =	vmul.f32 $8.000000000e+00, v51  }
0x2d6: {  	v47 =	vmov s1;
	s1 =	sadd.s32 $0x5, s29;
	v37 =	vshll.u32 v46, v1;
	v49 =	vld [tilespmem:s28+$0xFFFFFFA0];
	[tilespmem:v57+s15+$0x0] =	vst.idx.msk $0xffff, v0;
	v0 =	vadd.f32 v61, v35  }
0x2d7: {  	v46 =	vmov s1;
	[tilespmem:v58+s15+$0x0] =	vst.idx.msk $0xffff, v2;
	v48 =	vld [tilespmem:s28+$0xFFFFFFE0];
	v2 =	vadd.f32 v4, v35;
	v4 =	vadd.s32 v9, v45  }
0x2d8: {  	v54 =	vadd.s32 v11, v44;
	v57 =	vadd.s32 v7, v41;
	v58 =	vld [tilespmem:s28+$0x20];
	[tilespmem:v50+s15+$0x0] =	vst.idx.msk $0xffff, v0;
	v0 =	vmul.f32 $8.000000000e+00, v63  }
0x2d9: {  	v44 =	vadd.s32 v12, v44;
	v52 =	vadd.s32 v15, v43;
	v63 =	vmul.f32 $8.000000000e+00, v60;
	v55 =	vld [tilespmem:s28+$0x60];
	[tilespmem:v62+s15+$0x0] =	vst.idx.msk $0xffff, v2  }
0x2da: {  	v50 =	vshrl.u32 v53, $0x3;
	v2 =	vmul.f32 $8.000000000e+00, v59;
	v59 =	vld [tilespmem:s28+$0xA0];
	v0 =	vadd.f32 v0, v34  }
0x2db: {  	v60 =	vadd.s32 v19, v42;
	v53 =	vadd.f32 v63, v34;
	v49 =	vmul.f32 $8.000000000e+00, v49  }
0x2dc: {  	v61 =	vadd.s32 v23, v40;
	v2 =	vadd.f32 v2, v34;
	v48 =	vmul.f32 $8.000000000e+00, v48;
	[tilespmem:v4+s15+$0x0] =	vst.idx.msk $0xffff, v0  }
0x2dd: {  	s31 =	sadd.s32 $0x6, s29;
	[tilespmem:v57+s15+$0x0] =	vst.idx.msk $0xffff, v53;
	v0 =	vadd.f32 v49, v34;
	v4 =	vmul.f32 $8.000000000e+00, v58;
	v53 =	vadd.s32 v27, v39;
	v57 =	vld [tilespmem:s28+$0xF0]  }
0x2de: {  	v51 =	vmov s31;
	v58 =	vld [tilespmem:s28+$0xFFFFFF30];
	[tilespmem:v54+s15+$0x0] =	vst.idx.msk $0xffff, v2;
	v2 =	vadd.f32 v48, v34;
	v54 =	vmul.f32 $8.000000000e+00, v55  }
0x2df: {  	v62 =	vadd.s32 v31, v38;
	[tilespmem:v52+s15+$0x0] =	vst.idx.msk $0xffff, v0;
	v0 =	vadd.f32 v4, v34;
	v63 =	vld [tilespmem:s28+$0xFFFFFF70];
	v4 =	vmul.f32 $8.000000000e+00, v59  }
0x2e0: {  	v38 =	vadd.s32 v32, v38;
	v49 =	vshrl.u32 v46, $0x3;
	v52 =	vld [tilespmem:s28+$0xFFFFFFB0];
	[tilespmem:v60+s15+$0x0] =	vst.idx.msk $0xffff, v2;
	v2 =	vadd.f32 v54, v34  }
0x2e1: {  	v46 =	vshrl.u32 v51, $0x3;
	[tilespmem:v61+s15+$0x0] =	vst.idx.msk $0xffff, v0;
	v51 =	vld [tilespmem:s28+$0xFFFFFFF0];
	v0 =	vadd.f32 v4, v34;
	v4 =	vadd.s32 v13, v45  }
0x2e2: {  	v54 =	vshll.u32 v3, v1;
	v3 =	vadd.s32 v8, v41;
	v45 =	vld [tilespmem:s28+$0x30];
	[tilespmem:v53+s15+$0x0] =	vst.idx.msk $0xffff, v2;
	v2 =	vmul.f32 $8.000000000e+00, v57  }
0x2e3: {  	p2 =	slt.u32 s29, $0x78;
	v39 =	vadd.s32 v28, v39;
	v48 =	vshrl.u32 v47, $0x3;
	v60 =	vmul.f32 $8.000000000e+00, v58;
	v61 =	vld [tilespmem:s28+$0x70]  }
.Ltmp6:
0x2e4: {  	v55 =	vshll.u32 v50, v1;
	[tilespmem:v62+s15+$0x0] =	vst.idx.msk $0xffff, v0;
	v0 =	vmul.f32 $8.000000000e+00, v63;
	v2 =	vadd.f32 v2, v33;
	(pc) =	sbr.rel @p2 .LBB2_11-.Ltmp6, $4  }
0x2e5: {  	v53 =	vadd.s32 v16, v43;
	v50 =	vadd.f32 v60, v33;
	v52 =	vmul.f32 $8.000000000e+00, v52  }
0x2e6: {  	v43 =	vadd.s32 v20, v42;
	v0 =	vadd.f32 v0, v33;
	v63 =	vmul.f32 $8.000000000e+00, v51;
	[tilespmem:v4+s15+$0x0] =	vst.idx.msk $0xffff, v2  }
0x2e7: {  	v47 =	vshrl.u32 v56, $0x3;
	v42 =	vadd.s32 v24, v40;
	[tilespmem:v3+s15+$0x0] =	vst.idx.msk $0xffff, v50;
	v56 =	vadd.f32 v52, v33  }
0x2e8: {  	s30 =	sadd.s32 $0x7, s29;
	s29 =	sadd.s32 $0x8, s29;
	v41 =	vld [tilespmem:s28+$0xB0];
	v51 =	vmul.f32 $8.000000000e+00, v45;
	[tilespmem:v44+s15+$0x0] =	vst.idx.msk $0xffff, v0;
	v52 =	vadd.f32 v63, v33;
	v40 =	vmul.f32 $8.000000000e+00, v61  }
0x2e9: {  	v61 =	vld [tilespmem:$0x1FE10]  }
0x2ea: {  	v62 =	vld [tilespmem:$0x1FE50]  }
0x2eb: {  	v0 =	vmov s30;
	v3 =	vshll.u32 v48, v1;
	v45 =	vshll.u32 v49, v1;
	v63 =	vld [tilespmem:$0x1FE90]  }
0x2ec: {  	s28 =	sadd.s32 $0x200, s28;
	v49 =	vbroadcast v54, $0x0;
	v54 =	vshll.u32 v46, v1;
	v46 =	vbroadcast v3, $0x0;
	v3 =	vld [tilespmem:$0x1FFD0]  }
0x2ed: {  	v2 =	vld [tilespmem:s28+$0xC0];
	v0 =	vshrl.u32 v0, $0x3  }
0x2ee: {  	v4 =	vld [tilespmem:s28+$0xFFFFFF00];
	v0 =	vshll.u32 v0, v1  }
0x2ef: {  	v57 =	vld [tilespmem:s28+$0xFFFFFF40];
	v50 =	vbroadcast v0, $0x0  }
0x2f0: {  	v48 =	vbroadcast v37, $0x0;
	v60 =	vshll.u32 v47, v1;
	v0 =	vld [tilespmem:s28+$0xFFFFFF80]  }
0x2f1: {  	v47 =	vbroadcast v55, $0x0;
	v55 =	vld [tilespmem:s28+$0xFFFFFFC0];
	v44 =	vbroadcast v60, $0x0;
	v3 =	vadd.s32 v3, v50  }
0x2f2: {  	v59 =	vld [tilespmem:s28+$0x0];
	v37 =	vbroadcast v45, $0x0;
	v58 =	vadd.s32 v61, v48;
	v2 =	vmul.f32 $8.000000000e+00, v2  }
0x2f3: {  	v45 =	vbroadcast v54, $0x0;
	v60 =	vadd.s32 v62, v49;
	v61 =	vld [tilespmem:s28+$0x40];
	v4 =	vmul.f32 $8.000000000e+00, v4  }
0x2f4: {  	v62 =	vld [tilespmem:s28+$0x80];
	v54 =	vmul.f32 $8.000000000e+00, v57;
	v57 =	vadd.s32 v63, v47;
	v2 =	vadd.f32 v2, v36  }
0x2f5: {  	v63 =	vadd.s32 v17, v46;
	v4 =	vadd.f32 v4, v36;
	v0 =	vmul.f32 $8.000000000e+00, v0  }
0x2f6: {  	[tilespmem:v3+s15+$0x0] =	vst.idx.msk $0xffff, v2;
	v2 =	vadd.f32 v54, v36;
	v3 =	vmul.f32 $8.000000000e+00, v55;
	v54 =	vadd.s32 v21, v44  }
0x2f7: {  	[tilespmem:v58+s15+$0x0] =	vst.idx.msk $0xffff, v4;
	v0 =	vadd.f32 v0, v36;
	v4 =	vmul.f32 $8.000000000e+00, v59;
	v55 =	vadd.s32 v25, v37;
	v58 =	vld [tilespmem:s28+$0xD0]  }
0x2f8: {  	v17 =	vmul.f32 $8.000000000e+00, v61;
	[tilespmem:v60+s15+$0x0] =	vst.idx.msk $0xffff, v2;
	v2 =	vld [tilespmem:s28+$0xFFFFFF10];
	v3 =	vadd.f32 v3, v36;
	v60 =	vadd.s32 v29, v45  }
0x2f9: {  	[tilespmem:v57+s15+$0x0] =	vst.idx.msk $0xffff, v0;
	v4 =	vadd.f32 v4, v36;
	v29 =	vmul.f32 $8.000000000e+00, v62;
	v0 =	vld [tilespmem:s28+$0xFFFFFF50]  }
0x2fa: {  	v59 =	vadd.f32 v17, v36;
	[tilespmem:v63+s15+$0x0] =	vst.idx.msk $0xffff, v3;
	v3 =	vld [tilespmem:s28+$0xFFFFFF90]  }
0x2fb: {  	v63 =	vadd.f32 v29, v36;
	v36 =	vadd.s32 v5, v50;
	v61 =	vld [tilespmem:s28+$0xFFFFFFD0];
	[tilespmem:v54+s15+$0x0] =	vst.idx.msk $0xffff, v4  }
0x2fc: {  	v54 =	vadd.s32 v6, v48;
	[tilespmem:v55+s15+$0x0] =	vst.idx.msk $0xffff, v59;
	v57 =	vld [tilespmem:s28+$0x10];
	v55 =	vmul.f32 $8.000000000e+00, v58  }
0x2fd: {  	v17 =	vadd.s32 v10, v49;
	v59 =	vld [tilespmem:s28+$0x50];
	v2 =	vmul.f32 $8.000000000e+00, v2;
	[tilespmem:v60+s15+$0x0] =	vst.idx.msk $0xffff, v63  }
0x2fe: {  	v29 =	vadd.s32 v14, v47;
	v0 =	vmul.f32 $8.000000000e+00, v0;
	v60 =	vld [tilespmem:s28+$0x90];
	v55 =	vadd.f32 v55, v35  }
0x2ff: {  	[tilespmem:v53+s15+$0x0] =	vst.idx.msk $0xffff, v56;
	v53 =	vadd.s32 v18, v46;
	v2 =	vadd.f32 v2, v35;
	v3 =	vmul.f32 $8.000000000e+00, v3  }
0x300: {  	v62 =	vadd.s32 v22, v44;
	[tilespmem:v36+s15+$0x0] =	vst.idx.msk $0xffff, v55;
	v0 =	vadd.f32 v0, v35;
	v61 =	vmul.f32 $8.000000000e+00, v61  }
0x301: {  	v63 =	vadd.s32 v26, v37;
	[tilespmem:v54+s15+$0x0] =	vst.idx.msk $0xffff, v2;
	v2 =	vadd.f32 v3, v35;
	v3 =	vmul.f32 $8.000000000e+00, v57;
	v10 =	vld [tilespmem:s28+$0xE0]  }
0x302: {  	v14 =	vmul.f32 $8.000000000e+00, v59;
	[tilespmem:v17+s15+$0x0] =	vst.idx.msk $0xffff, v0;
	v0 =	vld [tilespmem:s28+$0xFFFFFF20];
	v36 =	vadd.f32 v61, v35;
	v17 =	vadd.s32 v30, v45  }
0x303: {  	[tilespmem:v29+s15+$0x0] =	vst.idx.msk $0xffff, v2;
	v2 =	vld [tilespmem:s28+$0xFFFFFF60];
	v3 =	vadd.f32 v3, v35;
	v29 =	vmul.f32 $8.000000000e+00, v60  }
0x304: {  	v60 =	vadd.f32 v14, v35;
	[tilespmem:v53+s15+$0x0] =	vst.idx.msk $0xffff, v36;
	v30 =	vld [tilespmem:s28+$0xFFFFFFA0]  }
0x305: {  	v61 =	vadd.s32 v9, v50;
	[tilespmem:v62+s15+$0x0] =	vst.idx.msk $0xffff, v3;
	v3 =	vld [tilespmem:s28+$0xFFFFFFE0];
	v4 =	vadd.f32 v29, v35  }
0x306: {  	[tilespmem:v63+s15+$0x0] =	vst.idx.msk $0xffff, v60;
	v62 =	vadd.s32 v7, v48;
	v63 =	vld [tilespmem:s28+$0x20];
	v10 =	vmul.f32 $8.000000000e+00, v10  }
0x307: {  	v51 =	vadd.f32 v51, v33;
	v11 =	vadd.s32 v11, v49;
	v14 =	vld [tilespmem:s28+$0x60];
	v0 =	vmul.f32 $8.000000000e+00, v0;
	[tilespmem:v17+s15+$0x0] =	vst.idx.msk $0xffff, v4  }
0x308: {  	[tilespmem:v43+s15+$0x0] =	vst.idx.msk $0xffff, v52;
	v15 =	vadd.s32 v15, v47;
	v2 =	vmul.f32 $8.000000000e+00, v2;
	v17 =	vld [tilespmem:s28+$0xA0];
	v55 =	vadd.f32 v10, v34  }
0x309: {  	[tilespmem:v42+s15+$0x0] =	vst.idx.msk $0xffff, v51;
	v29 =	vadd.s32 v19, v46;
	v0 =	vadd.f32 v0, v34;
	v36 =	vmul.f32 $8.000000000e+00, v30  }
0x30a: {  	v30 =	vadd.s32 v23, v44;
	[tilespmem:v61+s15+$0x0] =	vst.idx.msk $0xffff, v55;
	v2 =	vadd.f32 v2, v34;
	v3 =	vmul.f32 $8.000000000e+00, v3  }
0x30b: {  	v58 =	vadd.s32 v27, v37;
	[tilespmem:v62+s15+$0x0] =	vst.idx.msk $0xffff, v0;
	v0 =	vadd.f32 v36, v34;
	v57 =	vmul.f32 $8.000000000e+00, v63;
	v59 =	vld [tilespmem:s28+$0xF0]  }
0x30c: {  	v61 =	vadd.s32 v31, v45;
	v60 =	vmul.f32 $8.000000000e+00, v14;
	[tilespmem:v11+s15+$0x0] =	vst.idx.msk $0xffff, v2;
	v2 =	vld [tilespmem:s28+$0xFFFFFF30];
	v3 =	vadd.f32 v3, v34  }
0x30d: {  	[tilespmem:v15+s15+$0x0] =	vst.idx.msk $0xffff, v0;
	v0 =	vld [tilespmem:s28+$0xFFFFFF70];
	v36 =	vadd.f32 v57, v34;
	v62 =	vmul.f32 $8.000000000e+00, v17  }
0x30e: {  	v10 =	vmul.f32 $8.000000000e+00, v41;
	v63 =	vld [tilespmem:s28+$0xFFFFFFB0];
	[tilespmem:v29+s15+$0x0] =	vst.idx.msk $0xffff, v3;
	v3 =	vadd.f32 v60, v34  }
0x30f: {  	v15 =	vadd.s32 v13, v50;
	v11 =	vld [tilespmem:s28+$0xFFFFFFF0];
	[tilespmem:v30+s15+$0x0] =	vst.idx.msk $0xffff, v36;
	v14 =	vadd.f32 v62, v34  }
0x310: {  	v4 =	vadd.f32 v10, v33;
	v29 =	vadd.s32 v8, v48;
	v30 =	vld [tilespmem:s28+$0x30];
	[tilespmem:v58+s15+$0x0] =	vst.idx.msk $0xffff, v3;
	v3 =	vmul.f32 $8.000000000e+00, v59  }
0x311: {  	v31 =	vadd.s32 v12, v49;
	v17 =	vadd.f32 v40, v33;
	v2 =	vmul.f32 $8.000000000e+00, v2;
	v53 =	vld [tilespmem:s28+$0x70];
	[tilespmem:v61+s15+$0x0] =	vst.idx.msk $0xffff, v14  }
0x312: {  	v55 =	vadd.s32 v16, v47;
	[tilespmem:v38+s15+$0x0] =	vst.idx.msk $0xffff, v4;
	v0 =	vmul.f32 $8.000000000e+00, v0;
	v56 =	vld [tilespmem:s28+$0xB0];
	v3 =	vadd.f32 v3, v33  }
0x313: {  	[tilespmem:v39+s15+$0x0] =	vst.idx.msk $0xffff, v17;
	v58 =	vadd.s32 v20, v46;
	v2 =	vadd.f32 v2, v33;
	v57 =	vmul.f32 $8.000000000e+00, v63  }
0x314: {  	v60 =	vadd.s32 v24, v44;
	v0 =	vadd.f32 v0, v33;
	v59 =	vmul.f32 $8.000000000e+00, v11;
	[tilespmem:v15+s15+$0x0] =	vst.idx.msk $0xffff, v3  }
0x315: {  	v61 =	vadd.s32 v28, v37;
	[tilespmem:v29+s15+$0x0] =	vst.idx.msk $0xffff, v2;
	v2 =	vadd.f32 v57, v33;
	v3 =	vmul.f32 $8.000000000e+00, v30  }
0x316: {  	v63 =	vadd.s32 v32, v45;
	[tilespmem:v31+s15+$0x0] =	vst.idx.msk $0xffff, v0;
	v0 =	vadd.f32 v59, v33;
	v62 =	vmul.f32 $8.000000000e+00, v53  }
0x317: {  	[tilespmem:v55+s15+$0x0] =	vst.idx.msk $0xffff, v2;
	v2 =	vadd.f32 v3, v33;
	v3 =	vmul.f32 $8.000000000e+00, v56  }
0x318: {  	s0 =	sshll.u32 s26, $0x12;
	[tilespmem:v58+s15+$0x0] =	vst.idx.msk $0xffff, v0;
	v0 =	vadd.f32 v62, v33  }
0x319: {  	s0 =	sor.u32 s4, s0;
	[tilespmem:v60+s15+$0x0] =	vst.idx.msk $0xffff, v2;
	v2 =	vadd.f32 v3, v33  }
0x31a: {  	s0 =	sshrl.u32 s0, $0x3;
	[tilespmem:v61+s15+$0x0] =	vst.idx.msk $0xffff, v0  }
0x31b: {  	s1 =	simm.s32 $0x15A00;
	s0 =	sadd.s32 s2, s0;
	[tilespmem:v63+s15+$0x0] =	vst.idx.msk $0xffff, v2  }
0x31c: {  	[hbm4b:s0+s3] =	stream.linear.scatter [tilespmem:s1], [sflag:$0x7], $0x80, $0x38;
	[tilespmem:$0x19E00] =	vst v63  }
0x31d: {  	s28 =	sadd.s32 $0x10, s0;
	s1 =	simm.s32 $0x15A88  }
0x31e: {  	[hbm4b:s28+s3] =	stream.linear.scatter [tilespmem:s1], [sflag:$0x7], $0x80, $0x38;
	[tilespmem:$0x19E00] =	vst v63  }
0x31f: {  	s1 =	simm.s32 $0x15B10;
	s28 =	sadd.s32 $0x20, s0  }
0x320: {  	[hbm4b:s28+s3] =	stream.linear.scatter [tilespmem:s1], [sflag:$0x7], $0x80, $0x38;
	[tilespmem:$0x19E00] =	vst v63  }
0x321: {  	s1 =	simm.s32 $0x15B98;
	s28 =	sadd.s32 $0x30, s0  }
0x322: {  	[hbm4b:s28+s3] =	stream.linear.scatter [tilespmem:s1], [sflag:$0x7], $0x80, $0x38;
	[tilespmem:$0x19E00] =	vst v63  }
0x323: {  	s1 =	simm.s32 $0x15C20;
	s28 =	sadd.s32 $0x40, s0  }
0x324: {  	[hbm4b:s28+s3] =	stream.linear.scatter [tilespmem:s1], [sflag:$0x7], $0x80, $0x38;
	[tilespmem:$0x19E00] =	vst v63  }
0x325: {  	s26 =	simm.s32 $0x440;
	s1 =	simm.s32 $0x15CA8;
	s28 =	sadd.s32 $0x50, s0  }
0x326: {  	[hbm4b:s28+s3] =	stream.linear.scatter [tilespmem:s1], [sflag:$0x7], $0x80, $0x38;
	[tilespmem:$0x19E00] =	vst v63  }
0x327: {  	s29 =	simm.s32 $0x2200;
	s1 =	simm.s32 $0x15D30;
	s28 =	sadd.s32 $0x60, s0  }
0x328: {  	[hbm4b:s28+s3] =	stream.linear.scatter [tilespmem:s1], [sflag:$0x7], $0x80, $0x38;
	[tilespmem:$0x19E00] =	vst v63  }
0x329: {  	s30 =	simm.s32 $0x15DB8;
	s31 =	sadd.s32 $0x70, s0;
	v24 =	vmov v13;
	v20 =	vmov v9;
	s28 =	sadd.s32 $0x1000, s0  }
.LBB2_13:
0x32a: {  	[hbm4b:s31+s3] =	stream.linear.scatter [tilespmem:s30], [sflag:$0x7], $0x80, $0x38;
	[tilespmem:$0x19E00] =	vst v63  }
0x32b: {  	s0 =	smov.u32 s26;
	s26 =	smov.u32 s29  }
0x32c: {  	s1 =	sadd.s32 $0x1100, s29;
	s26 =	sshra.s32 s26, $0x2;
	s30 =	sadd.s32 $0x15A00, s0  }
0x32d: {  	[hbm4b:s28+s3] =	stream.linear.scatter [tilespmem:s30], [sflag:$0x7], $0x80, $0x38;
	[tilespmem:$0x19E00] =	vst v63  }
0x32e: {  	p2 =	sne.s32 s29, $0x7700;
	s29 =	sadd.s32 $0x15A88, s0;
	s30 =	sadd.s32 $0x10, s28  }
0x32f: {  	[hbm4b:s30+s3] =	stream.linear.scatter [tilespmem:s29], [sflag:$0x7], $0x80, $0x38;
	[tilespmem:$0x19E00] =	vst v63  }
0x330: {  	s29 =	sadd.s32 $0x15B10, s0;
	s30 =	sadd.s32 $0x20, s28  }
0x331: {  	[hbm4b:s30+s3] =	stream.linear.scatter [tilespmem:s29], [sflag:$0x7], $0x80, $0x38;
	[tilespmem:$0x19E00] =	vst v63  }
0x332: {  	s29 =	sadd.s32 $0x15B98, s0;
	s30 =	sadd.s32 $0x30, s28  }
0x333: {  	[hbm4b:s30+s3] =	stream.linear.scatter [tilespmem:s29], [sflag:$0x7], $0x80, $0x38;
	[tilespmem:$0x19E00] =	vst v63  }
0x334: {  	s29 =	sadd.s32 $0x15C20, s0;
	s30 =	sadd.s32 $0x40, s28  }
0x335: {  	[hbm4b:s30+s3] =	stream.linear.scatter [tilespmem:s29], [sflag:$0x7], $0x80, $0x38;
	[tilespmem:$0x19E00] =	vst v63  }
.Ltmp7:
0x336: {  	s29 =	sadd.s32 $0x15CA8, s0;
	s30 =	sadd.s32 $0x50, s28;
	(pc) =	sbr.rel @p2 .LBB2_13-.Ltmp7, $4  }
0x337: {  	[hbm4b:s30+s3] =	stream.linear.scatter [tilespmem:s29], [sflag:$0x7], $0x80, $0x38;
	[tilespmem:$0x19E00] =	vst v63  }
0x338: {  	s31 =	sadd.s32 $0x70, s28;
	s29 =	sadd.s32 $0x15D30, s0;
	s30 =	sadd.s32 $0x60, s28  }
0x339: {  	[hbm4b:s30+s3] =	stream.linear.scatter [tilespmem:s29], [sflag:$0x7], $0x80, $0x38;
	[tilespmem:$0x19E00] =	vst v63  }
0x33a: {  	s28 =	sadd.s32 $0x1000, s28;
	s30 =	sadd.s32 $0x15DB8, s0;
	s29 =	smov.u32 s1  }
0x33b: {  	[hbm4b:s31+s3] =	stream.linear.scatter [tilespmem:s30], [sflag:$0x7], $0x80, $0x38;
	[tilespmem:$0x19E00] =	vst v63  }
0x33c: {  	s0 =	sadd.s32 $0x15A00, s26  }
0x33d: {  	[hbm4b:s28+s3] =	stream.linear.scatter [tilespmem:s0], [sflag:$0x7], $0x80, $0x38;
	[tilespmem:$0x19E00] =	vst v63  }
0x33e: {  	s31 =	sadd.s32 $0x15A88, s26;
	s1 =	sadd.s32 $0x10, s28  }
0x33f: {  	[hbm4b:s1+s3] =	stream.linear.scatter [tilespmem:s31], [sflag:$0x7], $0x80, $0x38;
	[tilespmem:$0x19E00] =	vst v63  }
0x340: {  	s30 =	sadd.s32 $0x15B10, s26;
	s31 =	sadd.s32 $0x20, s28  }
0x341: {  	[hbm4b:s31+s3] =	stream.linear.scatter [tilespmem:s30], [sflag:$0x7], $0x80, $0x38;
	[tilespmem:$0x19E00] =	vst v63  }
0x342: {  	s30 =	sadd.s32 $0x15B98, s26;
	s31 =	sadd.s32 $0x30, s28  }
0x343: {  	[hbm4b:s31+s3] =	stream.linear.scatter [tilespmem:s30], [sflag:$0x7], $0x80, $0x38;
	[tilespmem:$0x19E00] =	vst v63  }
0x344: {  	s30 =	sadd.s32 $0x15C20, s26;
	s31 =	sadd.s32 $0x40, s28  }
0x345: {  	[hbm4b:s31+s3] =	stream.linear.scatter [tilespmem:s30], [sflag:$0x7], $0x80, $0x38;
	[tilespmem:$0x19E00] =	vst v63  }
0x346: {  	s30 =	sadd.s32 $0x15CA8, s26;
	s31 =	sadd.s32 $0x50, s28  }
0x347: {  	[hbm4b:s31+s3] =	stream.linear.scatter [tilespmem:s30], [sflag:$0x7], $0x80, $0x38;
	[tilespmem:$0x19E00] =	vst v63  }
0x348: {  	s30 =	sadd.s32 $0x15D30, s26;
	s31 =	sadd.s32 $0x60, s28  }
0x349: {  	[hbm4b:s31+s3] =	stream.linear.scatter [tilespmem:s30], [sflag:$0x7], $0x80, $0x38;
	[tilespmem:$0x19E00] =	vst v63  }
0x34a: {  	s0 =	sadd.s32 @!p1 $0x300, s25;
	s30 =	sadd.s32 $0x15DB8, s26;
	s31 =	sadd.s32 $0x70, s28  }
0x34b: {  	[hbm4b:s31+s3] =	stream.linear.scatter [tilespmem:s30], [sflag:$0x7], $0x80, $0x38;
	[tilespmem:$0x19E00] =	vst v63  }
0x34c: {  	s25 =	simm.s32 @!p1 $0xD600;
	s0 =	sand.u32 @!p1 $0x3FFFFF80, s0;
	s1 =	simm.s32 @!p1 $0x80  }
0x34d: {  	[tilespmem:s25], [sflag:$0x3] =	stream.indirect.gather @!p1 [hbm4b:s5+s1], $0x40, s0, s1, $0xb8;
	[tilespmem:$0x19E00] =	vst v63  }
0x34e: {  	_ =	swait.ge [sflag:s16], $0x2000  }
0x34f: {  	[sflag:s16] =	ssyncset.done $0x0  }
0x350: {  	s0 =	simm.s32 @!p0 $0x8;
	[sflag:s16] =	ssyncadd.s32 $0xFFFFE000  }
0x351: {  	s26 =	simm.s32 $0x0;
	_ =	swait.ge @!p0 [sflag:s0], $0x2000  }
0x352: {  	v0 =	vmov s26;
	v5 =	vld [tilespmem:$0x1FE10]  }
0x353: {  	v0 =	vshrl.u32 v0, $0x3;
	s25 =	sor.u32 $0x3, s24  }
0x354: {  	s30 =	simm.s32 $0x1;
	v0 =	vshll.u32 v0, v1;
	s26 =	sshll.u32 s25, $0x6;
	[sflag:s0] =	ssyncset.done @!p0 $0x0;
	v28 =	vld [tilespmem:$0x1FFD0]  }
0x355: {  	v2 =	vmov s30;
	s30 =	simm.s32 $0x3;
	v43 =	vbroadcast v0, $0x0;
	s28 =	sand.u32 $0x3FFFFFC0, s26;
	v32 =	vld [tilespmem:$0x1FED0];
	[sflag:s0] =	ssyncadd.s32 @!p0 $0xFFFFE000  }
0x356: {  	v4 =	vmov s30;
	s30 =	simm.s32 $0x7;
	s26 =	simm.s32 $0x6;
	v36 =	vld [tilespmem:s28+$0x6400]  }
0x357: {  	s31 =	simm.s32 $0x2;
	v39 =	vmov s30;
	v38 =	vmov s26;
	s26 =	simm.s32 $0xF700;
	v49 =	vadd.s32 v5, v43;
	v5 =	vld [tilespmem:$0x1FE50]  }
0x358: {  	v3 =	vmov s31;
	s31 =	simm.s32 $0x4;
	v2 =	vshrl.u32 v2, $0x3;
	v39 =	vshrl.u32 v39, $0x3;
	v46 =	vld [tilespmem:s26+$0xC0]  }
0x359: {  	v33 =	vmov s31;
	v2 =	vshll.u32 v2, v1;
	v0 =	vshll.u32 v39, v1;
	v47 =	vld [tilespmem:s26+$0xFFFFFF00]  }
0x35a: {  	s1 =	simm.s32 $0x5;
	v4 =	vshrl.u32 v4, $0x3;
	v44 =	vbroadcast v2, $0x0;
	v45 =	vbroadcast v0, $0x0;
	v35 =	vld [tilespmem:s28+$0x6410]  }
0x35b: {  	v3 =	vshrl.u32 v3, $0x3;
	v37 =	vmov s1;
	v4 =	vshll.u32 v4, v1;
	v34 =	vld [tilespmem:s28+$0x6420]  }
0x35c: {  	v41 =	vbroadcast v4, $0x0;
	v4 =	vadd.s32 v28, v45;
	v61 =	vadd.s32 v5, v44;
	v5 =	vld [tilespmem:$0x1FE90]  }
0x35d: {  	v33 =	vshrl.u32 v33, $0x3;
	v3 =	vshll.u32 v3, v1;
	v48 =	vld [tilespmem:s26+$0xFFFFFF40];
	v59 =	vmul.f32 $8.000000000e+00, v46  }
0x35e: {  	v37 =	vshrl.u32 v37, $0x3;
	v33 =	vshll.u32 v33, v1;
	v0 =	vld [tilespmem:s26+$0xFFFFFF80];
	v60 =	vmul.f32 $8.000000000e+00, v47  }
0x35f: {  	v42 =	vbroadcast v3, $0x0;
	v37 =	vshll.u32 v37, v1;
	v3 =	vld [tilespmem:s26+$0xFFFFFFC0];
	v52 =	vadd.f32 v59, v36  }
0x360: {  	v39 =	vbroadcast v33, $0x0;
	v40 =	vbroadcast v37, $0x0;
	v33 =	vld [tilespmem:s28+$0x6430];
	v37 =	vadd.f32 v60, v36  }
0x361: {  	v38 =	vshrl.u32 v38, $0x3;
	v63 =	vadd.s32 v5, v42;
	v5 =	vld [tilespmem:$0x1FF10];
	[tilespmem:v4+s17+$0x0] =	vst.idx.msk $0xffff, v52  }
0x362: {  	v2 =	vshll.u32 v38, v1;
	v50 =	vld [tilespmem:s26+$0x0];
	[tilespmem:v49+s17+$0x0] =	vst.idx.msk $0xffff, v37  }
0x363: {  	v38 =	vbroadcast v2, $0x0;
	v2 =	vmul.f32 $8.000000000e+00, v48;
	v25 =	vld [tilespmem:$0x1FF50]  }
0x364: {  	v62 =	vld [tilespmem:s26+$0x40]  }
0x365: {  	v53 =	vadd.s32 v32, v41;
	v0 =	vmul.f32 $8.000000000e+00, v0;
	v2 =	vadd.f32 v2, v36  }
0x366: {  	v3 =	vmul.f32 $8.000000000e+00, v3;
	v54 =	vadd.s32 v5, v39  }
0x367: {  	v0 =	vadd.f32 v0, v36;
	v4 =	vmul.f32 $8.000000000e+00, v50;
	[tilespmem:v61+s17+$0x0] =	vst.idx.msk $0xffff, v2  }
0x368: {  	v2 =	vadd.f32 v3, v36;
	v16 =	vld [tilespmem:$0x1FF90];
	v57 =	vadd.s32 v25, v40  }
0x369: {  	v51 =	vld [tilespmem:s26+$0x80];
	v3 =	vmul.f32 $8.000000000e+00, v62;
	[tilespmem:v63+s17+$0x0] =	vst.idx.msk $0xffff, v0;
	v0 =	vadd.f32 v4, v36  }
0x36a: {  	[tilespmem:v53+s17+$0x0] =	vst.idx.msk $0xffff, v2  }
0x36b: {  	v2 =	vadd.f32 v3, v36;
	[tilespmem:v54+s17+$0x0] =	vst.idx.msk $0xffff, v0  }
0x36c: {  	v12 =	vld [tilespmem:$0x1FFE0]  }
0x36d: {  	v46 =	vadd.s32 v16, v38;
	v6 =	vld [tilespmem:$0x1FE20];
	[tilespmem:v57+s17+$0x0] =	vst.idx.msk $0xffff, v2  }
0x36e: {  	v4 =	vmul.f32 $8.000000000e+00, v51;
	v8 =	vld [tilespmem:$0x1FE60];
	_ =	sdelay $0x1  }
0x36f: {  	v0 =	vadd.f32 v4, v36  }
0x370: {  	s31 =	simm.s32 $0x8  }
0x371: {  	v60 =	vmov s31;
	[tilespmem:v46+s17+$0x0] =	vst.idx.msk $0xffff, v0  }
0x372: {  	v47 =	vshrl.u32 v60, $0x3;
	v5 =	vmovc v6;
	v62 =	vadd.s32 v6, v43;
	v6 =	vmovc v8;
	v60 =	vadd.s32 v8, v44;
	v8 =	vld [tilespmem:$0x1FEA0];
	_ =	sdelay $0x2  }
0x373: {  	v58 =	vld [tilespmem:s26+$0xD0]  }
0x374: {  	v59 =	vld [tilespmem:s26+$0xFFFFFF10]  }
0x375: {  	v17 =	vmov v8;
	v46 =	vadd.s32 v8, v42;
	v8 =	vld [tilespmem:$0x1FEE0];
	_ =	sdelay $0x2  }
0x376: {  	v4 =	vadd.s32 v12, v45  }
0x377: {  	v61 =	vld [tilespmem:s26+$0xFFFFFF50];
	v2 =	vmul.f32 $8.000000000e+00, v58  }
0x378: {  	v63 =	vmul.f32 $8.000000000e+00, v59;
	v21 =	vmov v8;
	v57 =	vadd.s32 v8, v41;
	v8 =	vld [tilespmem:$0x1FF20]  }
0x379: {  	v2 =	vadd.f32 v2, v35  }
0x37a: {  	v37 =	vadd.f32 v63, v35  }
0x37b: {  	v48 =	vld [tilespmem:s26+$0xFFFFFF90];
	[tilespmem:v4+s17+$0x0] =	vst.idx.msk $0xffff, v2  }
0x37c: {  	v51 =	vld [tilespmem:s26+$0xFFFFFFD0];
	[tilespmem:v62+s17+$0x0] =	vst.idx.msk $0xffff, v37  }
0x37d: {  	v0 =	vmul.f32 $8.000000000e+00, v61;
	v13 =	vmov v8;
	v58 =	vadd.s32 v8, v39;
	v8 =	vld [tilespmem:$0x1FF60]  }
0x37e: {  	v55 =	vld [tilespmem:s26+$0x10]  }
0x37f: {  	v0 =	vadd.f32 v0, v35  }
0x380: {  	v48 =	vmul.f32 $8.000000000e+00, v48;
	v56 =	vld [tilespmem:s26+$0x50]  }
0x381: {  	v61 =	vld [tilespmem:s26+$0x90];
	[tilespmem:v60+s17+$0x0] =	vst.idx.msk $0xffff, v0  }
0x382: {  	v51 =	vmul.f32 $8.000000000e+00, v51;
	v2 =	vadd.f32 v48, v35;
	v7 =	vmovc v8;
	v48 =	vadd.s32 v8, v40;
	v8 =	vld [tilespmem:$0x1FFA0]  }
0x383: {  	v4 =	vmul.f32 $8.000000000e+00, v55  }
0x384: {  	v0 =	vadd.f32 v51, v35  }
0x385: {  	v54 =	vld [tilespmem:s26+$0xE0];
	[tilespmem:v46+s17+$0x0] =	vst.idx.msk $0xffff, v2;
	v2 =	vadd.f32 v4, v35  }
0x386: {  	v63 =	vmul.f32 $8.000000000e+00, v56;
	[tilespmem:v57+s17+$0x0] =	vst.idx.msk $0xffff, v0  }
0x387: {  	v62 =	vld [tilespmem:s26+$0xFFFFFF20];
	v4 =	vmul.f32 $8.000000000e+00, v61;
	[tilespmem:v58+s17+$0x0] =	vst.idx.msk $0xffff, v2;
	v60 =	vadd.s32 v8, v38  }
0x388: {  	v0 =	vadd.f32 v63, v35;
	v29 =	vmov v8;
	v8 =	vld [tilespmem:$0x1FE30]  }
0x389: {  	v59 =	vld [tilespmem:s26+$0xFFFFFF60];
	v2 =	vadd.f32 v4, v35;
	v4 =	vadd.s32 v20, v45  }
0x38a: {  	v61 =	vld [tilespmem:s26+$0xFFFFFFA0];
	[tilespmem:v48+s17+$0x0] =	vst.idx.msk $0xffff, v0;
	v0 =	vmul.f32 $8.000000000e+00, v54  }
0x38b: {  	v52 =	vld [tilespmem:s26+$0xFFFFFFE0]  }
0x38c: {  	v11 =	vld [tilespmem:$0x1FE70];
	v0 =	vadd.f32 v0, v34;
	[tilespmem:v60+s17+$0x0] =	vst.idx.msk $0xffff, v2  }
0x38d: {  	v57 =	vadd.s32 v8, v43;
	v15 =	vld [tilespmem:$0x1FEB0]  }
0x38e: {  	v62 =	vmul.f32 $8.000000000e+00, v62;
	v19 =	vld [tilespmem:$0x1FEF0];
	[tilespmem:v4+s17+$0x0] =	vst.idx.msk $0xffff, v0  }
0x38f: {  	v23 =	vld [tilespmem:$0x1FF30]  }
0x390: {  	v58 =	vld [tilespmem:s26+$0x20];
	v48 =	vadd.f32 v62, v34  }
0x391: {  	v54 =	vadd.s32 v11, v44  }
0x392: {  	v2 =	vmul.f32 $8.000000000e+00, v59;
	[tilespmem:v57+s17+$0x0] =	vst.idx.msk $0xffff, v48;
	v51 =	vadd.s32 v15, v42  }
0x393: {  	v37 =	vshll.u32 v47, v1;
	v47 =	vmul.f32 $8.000000000e+00, v61;
	v60 =	vadd.s32 v19, v41;
	v27 =	vld [tilespmem:$0x1FF70]  }
0x394: {  	v55 =	vld [tilespmem:s26+$0x60];
	v0 =	vadd.f32 v2, v34;
	v2 =	vmul.f32 $8.000000000e+00, v52;
	v4 =	vadd.s32 v23, v39  }
0x395: {  	v47 =	vadd.f32 v47, v34;
	v52 =	vmul.f32 $8.000000000e+00, v58  }
0x396: {  	v59 =	vld [tilespmem:s26+$0xA0];
	v2 =	vadd.f32 v2, v34;
	[tilespmem:v54+s17+$0x0] =	vst.idx.msk $0xffff, v0  }
0x397: {  	v52 =	vadd.f32 v52, v34;
	v31 =	vld [tilespmem:$0x1FFB0];
	[tilespmem:v51+s17+$0x0] =	vst.idx.msk $0xffff, v47  }
0x398: {  	v57 =	vadd.s32 v27, v40;
	[tilespmem:v60+s17+$0x0] =	vst.idx.msk $0xffff, v2  }
0x399: {  	v58 =	vld [tilespmem:s26+$0xF0];
	v54 =	vmul.f32 $8.000000000e+00, v55;
	[tilespmem:v4+s17+$0x0] =	vst.idx.msk $0xffff, v52  }
0x39a: {  	v9 =	vmov v8;
	v8 =	vld [tilespmem:$0x1FE40]  }
0x39b: {  	v0 =	vld [tilespmem:s26+$0xFFFFFF30];
	v60 =	vadd.f32 v54, v34  }
0x39c: {  	s1 =	simm.s32 $0x9;
	v63 =	vmul.f32 $8.000000000e+00, v59  }
0x39d: {  	v3 =	vmov s1;
	v61 =	vadd.s32 v31, v38;
	[tilespmem:v57+s17+$0x0] =	vst.idx.msk $0xffff, v60  }
0x39e: {  	v3 =	vshrl.u32 v3, $0x3;
	v45 =	vadd.s32 v24, v45;
	v62 =	vadd.f32 v63, v34;
	v14 =	vld [tilespmem:$0x1FE80]  }
0x39f: {  	v63 =	vmul.f32 $8.000000000e+00, v58;
	v54 =	vshll.u32 v3, v1;
	v59 =	vld [tilespmem:$0x1FEC0];
	v3 =	vadd.s32 v8, v43  }
0x3a0: {  	s30 =	simm.s32 $0xA;
	v51 =	vld [tilespmem:s26+$0xFFFFFF70];
	v0 =	vmul.f32 $8.000000000e+00, v0  }
0x3a1: {  	v53 =	vmov s30;
	v60 =	vadd.f32 v63, v33  }
0x3a2: {  	v53 =	vshrl.u32 v53, $0x3;
	v0 =	vadd.f32 v0, v33;
	[tilespmem:v61+s17+$0x0] =	vst.idx.msk $0xffff, v62  }
0x3a3: {  	v55 =	vshll.u32 v53, v1;
	v62 =	vld [tilespmem:$0x1FF00];
	[tilespmem:v45+s17+$0x0] =	vst.idx.msk $0xffff, v60  }
0x3a4: {  	v44 =	vadd.s32 v14, v44;
	v53 =	vadd.s32 v59, v42;
	v42 =	vld [tilespmem:$0x1FF40];
	[tilespmem:v3+s17+$0x0] =	vst.idx.msk $0xffff, v0  }
0x3a5: {  	v51 =	vmul.f32 $8.000000000e+00, v51;
	v0 =	vld [tilespmem:$0x1FF80]  }
0x3a6: {  	v2 =	vld [tilespmem:s26+$0xFFFFFFB0]  }
0x3a7: {  	v4 =	vld [tilespmem:s26+$0xFFFFFFF0];
	v63 =	vadd.f32 v51, v33  }
0x3a8: {  	v52 =	vld [tilespmem:s26+$0x30]  }
0x3a9: {  	s31 =	simm.s32 $0xB;
	v57 =	vld [tilespmem:s26+$0x70];
	[tilespmem:v44+s17+$0x0] =	vst.idx.msk $0xffff, v63  }
0x3aa: {  	v49 =	vmov s31;
	s31 =	simm.s32 $0xE;
	s1 =	simm.s32 $0xC;
	s30 =	simm.s32 $0xD;
	v22 =	vmovc v42;
	v42 =	vadd.s32 v42, v39;
	v26 =	vmovc v0;
	v39 =	vadd.s32 v0, v40;
	v0 =	vld [tilespmem:$0x1FFC0]  }
0x3ab: {  	v50 =	vmov s31;
	v56 =	vmov s1;
	v46 =	vmov s30  }
0x3ac: {  	v48 =	vshrl.u32 v49, $0x3;
	v2 =	vmul.f32 $8.000000000e+00, v2;
	v4 =	vmul.f32 $8.000000000e+00, v4  }
0x3ad: {  	v49 =	vshrl.u32 v46, $0x3;
	v46 =	vshrl.u32 v50, $0x3;
	v47 =	vshrl.u32 v56, $0x3  }
0x3ae: {  	v51 =	vmul.f32 $8.000000000e+00, v52;
	v56 =	vadd.f32 v2, v33;
	v52 =	vadd.f32 v4, v33;
	v10 =	vmovc v14;
	v14 =	vmovc v59  }
0x3af: {  	s29 =	simm.s32 $0xF;
	s28 =	simm.s32 $0x10;
	v18 =	vmovc v62;
	v43 =	vadd.s32 v62, v41;
	v41 =	vld [tilespmem:s26+$0xB0];
	v40 =	vmul.f32 $8.000000000e+00, v57;
	v30 =	vmovc v0;
	v38 =	vadd.s32 v0, v38  }
.LBB2_15:
0x3b0: {  	_ = 	snop  }
0x3b1: {  	s26 =	sadd.s32 $0x200, s26;
	v58 =	vld [tilespmem:$0x1FE10]  }
0x3b2: {  	v0 =	vmov s29;
	v50 =	vld [tilespmem:s26+$0xFFFFFF00]  }
0x3b3: {  	v61 =	vld [tilespmem:$0x1FE50];
	v2 =	vadd.f32 v51, v33;
	v0 =	vshrl.u32 v0, $0x3  }
0x3b4: {  	[tilespmem:v53+s17+$0x0] =	vst.idx.msk $0xffff, v56;
	v53 =	vld [tilespmem:s26+$0xC0];
	v40 =	vadd.f32 v40, v33;
	v0 =	vshll.u32 v0, v1;
	v3 =	vmul.f32 $8.000000000e+00, v41  }
0x3b5: {  	v57 =	vshll.u32 v49, v1;
	[tilespmem:v42+s17+$0x0] =	vst.idx.msk $0xffff, v2;
	v45 =	vbroadcast v0, $0x0;
	v0 =	vld [tilespmem:s26+$0xFFFFFF80]  }
0x3b6: {  	[tilespmem:v39+s17+$0x0] =	vst.idx.msk $0xffff, v40;
	v39 =	vbroadcast v57, $0x0;
	v57 =	vld [tilespmem:$0x1FE90];
	v2 =	vadd.f32 v3, v33  }
0x3b7: {  	v4 =	vshll.u32 v48, v1;
	v44 =	vbroadcast v54, $0x0;
	[tilespmem:v43+s17+$0x0] =	vst.idx.msk $0xffff, v52;
	v3 =	vld [tilespmem:s26+$0xFFFFFF40];
	v60 =	vmul.f32 $8.000000000e+00, v50  }
0x3b8: {  	v46 =	vshll.u32 v46, v1;
	v56 =	vshll.u32 v47, v1;
	v41 =	vbroadcast v37, $0x0;
	[tilespmem:v38+s17+$0x0] =	vst.idx.msk $0xffff, v2;
	v2 =	vld [tilespmem:s26+$0xFFFFFFC0]  }
0x3b9: {  	v42 =	vbroadcast v4, $0x0;
	v4 =	vadd.s32 v28, v45;
	v48 =	vadd.f32 v60, v36;
	v60 =	vld [tilespmem:$0x1FF10]  }
0x3ba: {  	v43 =	vbroadcast v55, $0x0;
	v49 =	vld [tilespmem:s26+$0x0];
	v37 =	vadd.s32 v58, v41;
	v59 =	vmul.f32 $8.000000000e+00, v53  }
0x3bb: {  	v40 =	vbroadcast v56, $0x0;
	v63 =	vld [tilespmem:s26+$0x40];
	v62 =	vadd.s32 v61, v44;
	v38 =	vbroadcast v46, $0x0  }
0x3bc: {  	v46 =	vadd.s32 v57, v43;
	v47 =	vadd.f32 v59, v36;
	v58 =	vld [tilespmem:s26+$0x80];
	v3 =	vmul.f32 $8.000000000e+00, v3  }
0x3bd: {  	v0 =	vmul.f32 $8.000000000e+00, v0;
	v59 =	vadd.s32 v32, v42  }
0x3be: {  	[tilespmem:v4+s17+$0x0] =	vst.idx.msk $0xffff, v47;
	v3 =	vadd.f32 v3, v36;
	v2 =	vmul.f32 $8.000000000e+00, v2;
	v54 =	vadd.s32 v60, v40  }
0x3bf: {  	v61 =	vadd.s32 v25, v39;
	v0 =	vadd.f32 v0, v36;
	v4 =	vmul.f32 $8.000000000e+00, v49;
	[tilespmem:v37+s17+$0x0] =	vst.idx.msk $0xffff, v48;
	v47 =	vld [tilespmem:s26+$0xD0]  }
0x3c0: {  	v49 =	vadd.s32 v16, v38;
	v48 =	vld [tilespmem:s26+$0xFFFFFF10];
	[tilespmem:v62+s17+$0x0] =	vst.idx.msk $0xffff, v3;
	v2 =	vadd.f32 v2, v36;
	v3 =	vmul.f32 $8.000000000e+00, v63  }
0x3c1: {  	s1 =	sadd.s32 $0x4, s28;
	[tilespmem:v46+s17+$0x0] =	vst.idx.msk $0xffff, v0;
	v0 =	vadd.f32 v4, v36;
	v4 =	vmul.f32 $8.000000000e+00, v58;
	v51 =	vld [tilespmem:s26+$0xFFFFFF50]  }
0x3c2: {  	s30 =	sadd.s32 $0x2, s28;
	v56 =	vmov s1;
	v57 =	vadd.s32 v21, v42;
	v50 =	vld [tilespmem:s26+$0xFFFFFF90];
	[tilespmem:v59+s17+$0x0] =	vst.idx.msk $0xffff, v2;
	v2 =	vadd.f32 v3, v36  }
0x3c3: {  	v53 =	vmov s30;
	v52 =	vld [tilespmem:s26+$0xFFFFFFD0];
	[tilespmem:v54+s17+$0x0] =	vst.idx.msk $0xffff, v0;
	v0 =	vadd.f32 v4, v36;
	v4 =	vadd.s32 v12, v45  }
0x3c4: {  	v62 =	vmov s28;
	v54 =	vadd.s32 v5, v41;
	v63 =	vld [tilespmem:s26+$0x10];
	[tilespmem:v61+s17+$0x0] =	vst.idx.msk $0xffff, v2;
	v2 =	vmul.f32 $8.000000000e+00, v47  }
0x3c5: {  	v46 =	vshrl.u32 v62, $0x3;
	v60 =	vmul.f32 $8.000000000e+00, v48;
	v61 =	vadd.s32 v6, v44;
	v62 =	vld [tilespmem:s26+$0x50];
	[tilespmem:v49+s17+$0x0] =	vst.idx.msk $0xffff, v0  }
0x3c6: {  	v49 =	vadd.s32 v17, v43;
	v0 =	vmul.f32 $8.000000000e+00, v51;
	v51 =	vld [tilespmem:s26+$0x90];
	v2 =	vadd.f32 v2, v35  }
0x3c7: {  	s0 =	sadd.s32 $0x1, s28;
	v58 =	vadd.s32 v13, v40;
	v37 =	vadd.f32 v60, v35;
	v50 =	vmul.f32 $8.000000000e+00, v50  }
0x3c8: {  	v3 =	vmov s0;
	v0 =	vadd.f32 v0, v35;
	v52 =	vmul.f32 $8.000000000e+00, v52;
	[tilespmem:v4+s17+$0x0] =	vst.idx.msk $0xffff, v2  }
0x3c9: {  	[tilespmem:v54+s17+$0x0] =	vst.idx.msk $0xffff, v37;
	v2 =	vadd.f32 v50, v35;
	v50 =	vadd.s32 v7, v39;
	v4 =	vmul.f32 $8.000000000e+00, v63;
	v63 =	vld [tilespmem:s26+$0xE0]  }
0x3ca: {  	v60 =	vld [tilespmem:s26+$0xFFFFFF20];
	[tilespmem:v61+s17+$0x0] =	vst.idx.msk $0xffff, v0;
	v0 =	vadd.f32 v52, v35;
	v61 =	vmul.f32 $8.000000000e+00, v62;
	v62 =	vadd.s32 v29, v38  }
0x3cb: {  	s31 =	sadd.s32 $0x3, s28;
	v3 =	vshrl.u32 v3, $0x3;
	[tilespmem:v49+s17+$0x0] =	vst.idx.msk $0xffff, v2;
	v59 =	vld [tilespmem:s26+$0xFFFFFF60];
	v2 =	vadd.f32 v4, v35;
	v4 =	vmul.f32 $8.000000000e+00, v51  }
0x3cc: {  	s30 =	sadd.s32 $0x5, s28;
	v47 =	vmov s31;
	v37 =	vshll.u32 v46, v1;
	v49 =	vld [tilespmem:s26+$0xFFFFFFA0];
	[tilespmem:v57+s17+$0x0] =	vst.idx.msk $0xffff, v0;
	v0 =	vadd.f32 v61, v35  }
0x3cd: {  	v46 =	vmov s30;
	v48 =	vld [tilespmem:s26+$0xFFFFFFE0];
	[tilespmem:v58+s17+$0x0] =	vst.idx.msk $0xffff, v2;
	v2 =	vadd.f32 v4, v35;
	v4 =	vadd.s32 v20, v45  }
0x3ce: {  	v54 =	vadd.s32 v11, v44;
	v57 =	vadd.s32 v9, v41;
	v58 =	vld [tilespmem:s26+$0x20];
	[tilespmem:v50+s17+$0x0] =	vst.idx.msk $0xffff, v0;
	v0 =	vmul.f32 $8.000000000e+00, v63  }
0x3cf: {  	v44 =	vadd.s32 v10, v44;
	v52 =	vadd.s32 v15, v43;
	v63 =	vmul.f32 $8.000000000e+00, v60;
	v55 =	vld [tilespmem:s26+$0x60];
	[tilespmem:v62+s17+$0x0] =	vst.idx.msk $0xffff, v2  }
0x3d0: {  	v50 =	vshrl.u32 v53, $0x3;
	v2 =	vmul.f32 $8.000000000e+00, v59;
	v59 =	vld [tilespmem:s26+$0xA0];
	v0 =	vadd.f32 v0, v34  }
0x3d1: {  	v60 =	vadd.s32 v19, v42;
	v53 =	vadd.f32 v63, v34;
	v49 =	vmul.f32 $8.000000000e+00, v49  }
0x3d2: {  	v61 =	vadd.s32 v23, v40;
	v2 =	vadd.f32 v2, v34;
	v48 =	vmul.f32 $8.000000000e+00, v48;
	[tilespmem:v4+s17+$0x0] =	vst.idx.msk $0xffff, v0  }
0x3d3: {  	s31 =	sadd.s32 $0x6, s28;
	[tilespmem:v57+s17+$0x0] =	vst.idx.msk $0xffff, v53;
	v0 =	vadd.f32 v49, v34;
	v53 =	vadd.s32 v27, v39;
	v4 =	vmul.f32 $8.000000000e+00, v58;
	v57 =	vld [tilespmem:s26+$0xF0]  }
0x3d4: {  	v51 =	vmov s31;
	v58 =	vld [tilespmem:s26+$0xFFFFFF30];
	[tilespmem:v54+s17+$0x0] =	vst.idx.msk $0xffff, v2;
	v2 =	vadd.f32 v48, v34;
	v54 =	vmul.f32 $8.000000000e+00, v55  }
0x3d5: {  	v62 =	vadd.s32 v31, v38;
	[tilespmem:v52+s17+$0x0] =	vst.idx.msk $0xffff, v0;
	v63 =	vld [tilespmem:s26+$0xFFFFFF70];
	v0 =	vadd.f32 v4, v34;
	v4 =	vmul.f32 $8.000000000e+00, v59  }
0x3d6: {  	v38 =	vadd.s32 v30, v38;
	v49 =	vshrl.u32 v46, $0x3;
	v52 =	vld [tilespmem:s26+$0xFFFFFFB0];
	[tilespmem:v60+s17+$0x0] =	vst.idx.msk $0xffff, v2;
	v2 =	vadd.f32 v54, v34  }
0x3d7: {  	v46 =	vshrl.u32 v51, $0x3;
	v51 =	vld [tilespmem:s26+$0xFFFFFFF0];
	[tilespmem:v61+s17+$0x0] =	vst.idx.msk $0xffff, v0;
	v0 =	vadd.f32 v4, v34;
	v4 =	vadd.s32 v24, v45  }
0x3d8: {  	v54 =	vshll.u32 v3, v1;
	v3 =	vadd.s32 v8, v41;
	v45 =	vld [tilespmem:s26+$0x30];
	[tilespmem:v53+s17+$0x0] =	vst.idx.msk $0xffff, v2;
	v2 =	vmul.f32 $8.000000000e+00, v57  }
0x3d9: {  	p0 =	slt.u32 s28, $0x78;
	v39 =	vadd.s32 v26, v39;
	v48 =	vshrl.u32 v47, $0x3;
	v60 =	vmul.f32 $8.000000000e+00, v58;
	v61 =	vld [tilespmem:s26+$0x70]  }
.Ltmp8:
0x3da: {  	v55 =	vshll.u32 v50, v1;
	[tilespmem:v62+s17+$0x0] =	vst.idx.msk $0xffff, v0;
	v0 =	vmul.f32 $8.000000000e+00, v63;
	v2 =	vadd.f32 v2, v33;
	(pc) =	sbr.rel @p0 .LBB2_15-.Ltmp8, $4  }
0x3db: {  	v53 =	vadd.s32 v14, v43;
	v50 =	vadd.f32 v60, v33;
	v52 =	vmul.f32 $8.000000000e+00, v52  }
0x3dc: {  	v43 =	vadd.s32 v18, v42;
	v0 =	vadd.f32 v0, v33;
	v63 =	vmul.f32 $8.000000000e+00, v51;
	[tilespmem:v4+s17+$0x0] =	vst.idx.msk $0xffff, v2  }
0x3dd: {  	v47 =	vshrl.u32 v56, $0x3;
	v42 =	vadd.s32 v22, v40;
	[tilespmem:v3+s17+$0x0] =	vst.idx.msk $0xffff, v50;
	v56 =	vadd.f32 v52, v33  }
0x3de: {  	s29 =	sadd.s32 $0x7, s28;
	s28 =	sadd.s32 $0x8, s28;
	v41 =	vld [tilespmem:s26+$0xB0];
	v51 =	vmul.f32 $8.000000000e+00, v45;
	[tilespmem:v44+s17+$0x0] =	vst.idx.msk $0xffff, v0;
	v52 =	vadd.f32 v63, v33;
	v40 =	vmul.f32 $8.000000000e+00, v61  }
0x3df: {  	v0 =	vmov s29  }
0x3e0: {  	v0 =	vshrl.u32 v0, $0x3  }
0x3e1: {  	v0 =	vshll.u32 v0, v1  }
0x3e2: {  	v50 =	vbroadcast v0, $0x0  }
0x3e3: {  	v3 =	vshll.u32 v48, v1;
	v45 =	vshll.u32 v49, v1;
	v49 =	vbroadcast v54, $0x0  }
0x3e4: {  	v54 =	vshll.u32 v46, v1;
	v46 =	vbroadcast v3, $0x0;
	v3 =	vadd.s32 v28, v50;
	v28 =	vld [tilespmem:$0x1FE10];
	_ =	sdelay $0x2  }
0x3e5: {  	s26 =	sadd.s32 $0x200, s26;
	v48 =	vbroadcast v37, $0x0  }
0x3e6: {  	v2 =	vld [tilespmem:s26+$0xC0]  }
0x3e7: {  	v58 =	vadd.s32 v28, v48;
	v28 =	vld [tilespmem:$0x1FE50];
	_ =	sdelay $0x3  }
0x3e8: {  	v57 =	vld [tilespmem:s26+$0xFFFFFF40]  }
0x3e9: {  	v2 =	vmul.f32 $8.000000000e+00, v2;
	v60 =	vadd.s32 v28, v49;
	v28 =	vld [tilespmem:$0x1FE90];
	_ =	sdelay $0x1  }
0x3ea: {  	v4 =	vld [tilespmem:s26+$0xFFFFFF00];
	v2 =	vadd.f32 v2, v36  }
0x3eb: {  	v63 =	vshll.u32 v47, v1;
	v47 =	vbroadcast v55, $0x0;
	v55 =	vld [tilespmem:s26+$0xFFFFFFC0]  }
0x3ec: {  	v37 =	vbroadcast v45, $0x0;
	v0 =	vld [tilespmem:s26+$0xFFFFFF80];
	[tilespmem:v3+s17+$0x0] =	vst.idx.msk $0xffff, v2  }
0x3ed: {  	v45 =	vbroadcast v54, $0x0;
	v54 =	vmul.f32 $8.000000000e+00, v57;
	v57 =	vadd.s32 v28, v47;
	v28 =	vld [tilespmem:$0x1FF10]  }
0x3ee: {  	v59 =	vld [tilespmem:s26+$0x0]  }
0x3ef: {  	v61 =	vld [tilespmem:s26+$0x40];
	v4 =	vmul.f32 $8.000000000e+00, v4  }
0x3f0: {  	v44 =	vbroadcast v63, $0x0;
	v62 =	vld [tilespmem:s26+$0x80]  }
0x3f1: {  	v63 =	vadd.s32 v32, v46;
	v4 =	vadd.f32 v4, v36;
	v0 =	vmul.f32 $8.000000000e+00, v0  }
0x3f2: {  	v2 =	vadd.f32 v54, v36;
	v3 =	vmul.f32 $8.000000000e+00, v55;
	v54 =	vadd.s32 v28, v44  }
0x3f3: {  	v0 =	vadd.f32 v0, v36;
	v55 =	vadd.s32 v25, v37;
	[tilespmem:v58+s17+$0x0] =	vst.idx.msk $0xffff, v4;
	v4 =	vmul.f32 $8.000000000e+00, v59;
	v58 =	vld [tilespmem:s26+$0xD0]  }
0x3f4: {  	v3 =	vadd.f32 v3, v36;
	[tilespmem:v60+s17+$0x0] =	vst.idx.msk $0xffff, v2;
	v59 =	vmul.f32 $8.000000000e+00, v61;
	v60 =	vadd.s32 v16, v45;
	v2 =	vld [tilespmem:s26+$0xFFFFFF10]  }
0x3f5: {  	v32 =	vmul.f32 $8.000000000e+00, v62;
	v4 =	vadd.f32 v4, v36;
	[tilespmem:v57+s17+$0x0] =	vst.idx.msk $0xffff, v0;
	v0 =	vld [tilespmem:s26+$0xFFFFFF50]  }
0x3f6: {  	[tilespmem:v63+s17+$0x0] =	vst.idx.msk $0xffff, v3;
	v59 =	vadd.f32 v59, v36;
	v3 =	vld [tilespmem:s26+$0xFFFFFF90]  }
0x3f7: {  	v61 =	vld [tilespmem:s26+$0xFFFFFFD0];
	[tilespmem:v54+s17+$0x0] =	vst.idx.msk $0xffff, v4;
	v4 =	vadd.f32 v32, v36;
	v36 =	vadd.s32 v12, v50  }
0x3f8: {  	[tilespmem:v55+s17+$0x0] =	vst.idx.msk $0xffff, v59;
	v55 =	vmul.f32 $8.000000000e+00, v58;
	v54 =	vadd.s32 v5, v48;
	v57 =	vld [tilespmem:s26+$0x10]  }
0x3f9: {  	v59 =	vld [tilespmem:s26+$0x50];
	v2 =	vmul.f32 $8.000000000e+00, v2;
	v32 =	vadd.s32 v6, v49;
	[tilespmem:v60+s17+$0x0] =	vst.idx.msk $0xffff, v4  }
0x3fa: {  	v55 =	vadd.f32 v55, v35;
	v0 =	vmul.f32 $8.000000000e+00, v0;
	v4 =	vadd.s32 v17, v47;
	v60 =	vld [tilespmem:s26+$0x90]  }
0x3fb: {  	[tilespmem:v53+s17+$0x0] =	vst.idx.msk $0xffff, v56;
	v53 =	vadd.s32 v21, v46;
	v2 =	vadd.f32 v2, v35;
	v3 =	vmul.f32 $8.000000000e+00, v3  }
0x3fc: {  	v63 =	vadd.s32 v13, v44;
	v62 =	vmul.f32 $8.000000000e+00, v61;
	v0 =	vadd.f32 v0, v35;
	[tilespmem:v36+s17+$0x0] =	vst.idx.msk $0xffff, v55  }
0x3fd: {  	[tilespmem:v54+s17+$0x0] =	vst.idx.msk $0xffff, v2;
	v2 =	vadd.f32 v3, v35;
	v54 =	vadd.s32 v7, v37;
	v3 =	vmul.f32 $8.000000000e+00, v57;
	v56 =	vld [tilespmem:s26+$0xE0]  }
0x3fe: {  	v61 =	vadd.s32 v29, v45;
	[tilespmem:v32+s17+$0x0] =	vst.idx.msk $0xffff, v0;
	v36 =	vadd.f32 v62, v35;
	v32 =	vmul.f32 $8.000000000e+00, v59;
	v0 =	vld [tilespmem:s26+$0xFFFFFF20]  }
0x3ff: {  	[tilespmem:v4+s17+$0x0] =	vst.idx.msk $0xffff, v2;
	v2 =	vld [tilespmem:s26+$0xFFFFFF60];
	v3 =	vadd.f32 v3, v35;
	v4 =	vmul.f32 $8.000000000e+00, v60  }
0x400: {  	[tilespmem:v53+s17+$0x0] =	vst.idx.msk $0xffff, v36;
	v62 =	vadd.f32 v32, v35;
	v36 =	vld [tilespmem:s26+$0xFFFFFFA0]  }
0x401: {  	[tilespmem:v63+s17+$0x0] =	vst.idx.msk $0xffff, v3;
	v3 =	vld [tilespmem:s26+$0xFFFFFFE0];
	v4 =	vadd.f32 v4, v35;
	v63 =	vadd.s32 v20, v50  }
0x402: {  	v53 =	vadd.s32 v9, v48;
	[tilespmem:v54+s17+$0x0] =	vst.idx.msk $0xffff, v62;
	v54 =	vld [tilespmem:s26+$0x20];
	v32 =	vmul.f32 $8.000000000e+00, v56  }
0x403: {  	v51 =	vadd.f32 v51, v33;
	v0 =	vmul.f32 $8.000000000e+00, v0;
	v56 =	vld [tilespmem:s26+$0x60];
	[tilespmem:v61+s17+$0x0] =	vst.idx.msk $0xffff, v4;
	v4 =	vadd.s32 v11, v49  }
0x404: {  	[tilespmem:v43+s17+$0x0] =	vst.idx.msk $0xffff, v52;
	v60 =	vadd.s32 v15, v47;
	v2 =	vmul.f32 $8.000000000e+00, v2;
	v61 =	vld [tilespmem:s26+$0xA0];
	v55 =	vadd.f32 v32, v34  }
0x405: {  	[tilespmem:v42+s17+$0x0] =	vst.idx.msk $0xffff, v51;
	v62 =	vadd.s32 v19, v46;
	v0 =	vadd.f32 v0, v34;
	v36 =	vmul.f32 $8.000000000e+00, v36  }
0x406: {  	v2 =	vadd.f32 v2, v34;
	[tilespmem:v63+s17+$0x0] =	vst.idx.msk $0xffff, v55;
	v3 =	vmul.f32 $8.000000000e+00, v3;
	v63 =	vadd.s32 v23, v44  }
0x407: {  	v51 =	vadd.s32 v27, v37;
	[tilespmem:v53+s17+$0x0] =	vst.idx.msk $0xffff, v0;
	v0 =	vadd.f32 v36, v34;
	v32 =	vmul.f32 $8.000000000e+00, v54;
	v53 =	vld [tilespmem:s26+$0xF0]  }
0x408: {  	v57 =	vadd.s32 v31, v45;
	[tilespmem:v4+s17+$0x0] =	vst.idx.msk $0xffff, v2;
	v2 =	vld [tilespmem:s26+$0xFFFFFF30];
	v3 =	vadd.f32 v3, v34;
	v4 =	vmul.f32 $8.000000000e+00, v56  }
0x409: {  	[tilespmem:v60+s17+$0x0] =	vst.idx.msk $0xffff, v0;
	v0 =	vld [tilespmem:s26+$0xFFFFFF70];
	v36 =	vadd.f32 v32, v34;
	v58 =	vmul.f32 $8.000000000e+00, v61  }
0x40a: {  	v59 =	vld [tilespmem:s26+$0xFFFFFFB0];
	[tilespmem:v62+s17+$0x0] =	vst.idx.msk $0xffff, v3;
	v3 =	vadd.f32 v4, v34  }
0x40b: {  	v35 =	vadd.s32 v24, v50;
	v4 =	vmul.f32 $8.000000000e+00, v41;
	v41 =	vld [tilespmem:s26+$0xFFFFFFF0];
	[tilespmem:v63+s17+$0x0] =	vst.idx.msk $0xffff, v36;
	v60 =	vadd.f32 v58, v34  }
0x40c: {  	v61 =	vadd.f32 v40, v33;
	v62 =	vadd.s32 v8, v48;
	v63 =	vld [tilespmem:s26+$0x30];
	[tilespmem:v51+s17+$0x0] =	vst.idx.msk $0xffff, v3;
	v3 =	vmul.f32 $8.000000000e+00, v53  }
0x40d: {  	v55 =	vadd.s32 v10, v49;
	v4 =	vadd.f32 v4, v33;
	v2 =	vmul.f32 $8.000000000e+00, v2;
	v56 =	vld [tilespmem:s26+$0x70];
	[tilespmem:v57+s17+$0x0] =	vst.idx.msk $0xffff, v60  }
0x40e: {  	[tilespmem:v39+s17+$0x0] =	vst.idx.msk $0xffff, v61;
	v57 =	vadd.s32 v14, v47;
	v0 =	vmul.f32 $8.000000000e+00, v0;
	v58 =	vld [tilespmem:s26+$0xB0];
	v3 =	vadd.f32 v3, v33  }
0x40f: {  	[tilespmem:v38+s17+$0x0] =	vst.idx.msk $0xffff, v4;
	v4 =	vmul.f32 $8.000000000e+00, v59;
	v59 =	vadd.s32 v18, v46;
	v2 =	vadd.f32 v2, v33  }
0x410: {  	v61 =	vadd.s32 v22, v44;
	v0 =	vadd.f32 v0, v33;
	v60 =	vmul.f32 $8.000000000e+00, v41;
	[tilespmem:v35+s17+$0x0] =	vst.idx.msk $0xffff, v3  }
0x411: {  	[tilespmem:v62+s17+$0x0] =	vst.idx.msk $0xffff, v2;
	v2 =	vadd.f32 v4, v33;
	v3 =	vmul.f32 $8.000000000e+00, v63;
	v4 =	vadd.s32 v26, v37  }
0x412: {  	v63 =	vadd.s32 v30, v45;
	[tilespmem:v55+s17+$0x0] =	vst.idx.msk $0xffff, v0;
	v0 =	vadd.f32 v60, v33;
	v62 =	vmul.f32 $8.000000000e+00, v56  }
0x413: {  	[tilespmem:v57+s17+$0x0] =	vst.idx.msk $0xffff, v2;
	v2 =	vadd.f32 v3, v33;
	v3 =	vmul.f32 $8.000000000e+00, v58  }
0x414: {  	s0 =	sshll.u32 s25, $0x12;
	[tilespmem:v59+s17+$0x0] =	vst.idx.msk $0xffff, v0;
	v0 =	vadd.f32 v62, v33  }
0x415: {  	s0 =	sor.u32 s4, s0;
	[tilespmem:v61+s17+$0x0] =	vst.idx.msk $0xffff, v2;
	v2 =	vadd.f32 v3, v33  }
0x416: {  	s0 =	sshrl.u32 s0, $0x3;
	[tilespmem:v4+s17+$0x0] =	vst.idx.msk $0xffff, v0  }
0x417: {  	s1 =	simm.s32 $0x17C00;
	s0 =	sadd.s32 s2, s0;
	[tilespmem:v63+s17+$0x0] =	vst.idx.msk $0xffff, v2  }
0x418: {  	[hbm4b:s0+s3] =	stream.linear.scatter [tilespmem:s1], [sflag:$0x8], $0x80, $0x38;
	[tilespmem:$0x19E00] =	vst v63  }
0x419: {  	s31 =	sadd.s32 $0x10, s0;
	s26 =	simm.s32 $0x17C88  }
0x41a: {  	[hbm4b:s31+s3] =	stream.linear.scatter [tilespmem:s26], [sflag:$0x8], $0x80, $0x38;
	[tilespmem:$0x19E00] =	vst v63  }
0x41b: {  	s26 =	simm.s32 $0x17D10;
	s31 =	sadd.s32 $0x20, s0  }
0x41c: {  	[hbm4b:s31+s3] =	stream.linear.scatter [tilespmem:s26], [sflag:$0x8], $0x80, $0x38;
	[tilespmem:$0x19E00] =	vst v63  }
0x41d: {  	s26 =	simm.s32 $0x17D98;
	s31 =	sadd.s32 $0x30, s0  }
0x41e: {  	[hbm4b:s31+s3] =	stream.linear.scatter [tilespmem:s26], [sflag:$0x8], $0x80, $0x38;
	[tilespmem:$0x19E00] =	vst v63  }
0x41f: {  	s26 =	simm.s32 $0x17E20;
	s31 =	sadd.s32 $0x40, s0  }
0x420: {  	[hbm4b:s31+s3] =	stream.linear.scatter [tilespmem:s26], [sflag:$0x8], $0x80, $0x38;
	[tilespmem:$0x19E00] =	vst v63  }
0x421: {  	s25 =	simm.s32 $0x440;
	s26 =	simm.s32 $0x17EA8;
	s31 =	sadd.s32 $0x50, s0  }
0x422: {  	[hbm4b:s31+s3] =	stream.linear.scatter [tilespmem:s26], [sflag:$0x8], $0x80, $0x38;
	[tilespmem:$0x19E00] =	vst v63  }
0x423: {  	s28 =	simm.s32 $0x2200;
	s26 =	simm.s32 $0x17F30;
	s31 =	sadd.s32 $0x60, s0  }
0x424: {  	[hbm4b:s31+s3] =	stream.linear.scatter [tilespmem:s26], [sflag:$0x8], $0x80, $0x38;
	[tilespmem:$0x19E00] =	vst v63  }
0x425: {  	s29 =	simm.s32 $0x17FB8;
	s30 =	sadd.s32 $0x70, s0;
	v28 =	vmovc v13;
	v4 =	vmovc v20;
	v63 =	vmov v7;
	v2 =	vmov v5;
	v5 =	vmov v6;
	s26 =	sadd.s32 $0x1000, s0  }
.LBB2_17:
0x426: {  	[hbm4b:s30+s3] =	stream.linear.scatter [tilespmem:s29], [sflag:$0x8], $0x80, $0x38;
	[tilespmem:$0x19E00] =	vst v63  }
0x427: {  	s0 =	smov.u32 s25;
	s1 =	smov.u32 s28  }
0x428: {  	s25 =	sshra.s32 s1, $0x2;
	s1 =	sadd.s32 $0x1100, s28;
	s29 =	sadd.s32 $0x17C00, s0  }
0x429: {  	[hbm4b:s26+s3] =	stream.linear.scatter [tilespmem:s29], [sflag:$0x8], $0x80, $0x38;
	[tilespmem:$0x19E00] =	vst v63  }
0x42a: {  	p0 =	sne.s32 s28, $0x7700;
	s28 =	sadd.s32 $0x17C88, s0;
	s29 =	sadd.s32 $0x10, s26  }
0x42b: {  	[hbm4b:s29+s3] =	stream.linear.scatter [tilespmem:s28], [sflag:$0x8], $0x80, $0x38;
	[tilespmem:$0x19E00] =	vst v63  }
0x42c: {  	s28 =	sadd.s32 $0x17D10, s0;
	s29 =	sadd.s32 $0x20, s26  }
0x42d: {  	[hbm4b:s29+s3] =	stream.linear.scatter [tilespmem:s28], [sflag:$0x8], $0x80, $0x38;
	[tilespmem:$0x19E00] =	vst v63  }
0x42e: {  	s28 =	sadd.s32 $0x17D98, s0;
	s29 =	sadd.s32 $0x30, s26  }
0x42f: {  	[hbm4b:s29+s3] =	stream.linear.scatter [tilespmem:s28], [sflag:$0x8], $0x80, $0x38;
	[tilespmem:$0x19E00] =	vst v63  }
0x430: {  	s28 =	sadd.s32 $0x17E20, s0;
	s29 =	sadd.s32 $0x40, s26  }
0x431: {  	[hbm4b:s29+s3] =	stream.linear.scatter [tilespmem:s28], [sflag:$0x8], $0x80, $0x38;
	[tilespmem:$0x19E00] =	vst v63  }
.Ltmp9:
0x432: {  	s28 =	sadd.s32 $0x17EA8, s0;
	s29 =	sadd.s32 $0x50, s26;
	(pc) =	sbr.rel @p0 .LBB2_17-.Ltmp9, $4  }
0x433: {  	[hbm4b:s29+s3] =	stream.linear.scatter [tilespmem:s28], [sflag:$0x8], $0x80, $0x38;
	[tilespmem:$0x19E00] =	vst v63  }
0x434: {  	s30 =	sadd.s32 $0x70, s26;
	s28 =	sadd.s32 $0x17F30, s0;
	s29 =	sadd.s32 $0x60, s26  }
0x435: {  	[hbm4b:s29+s3] =	stream.linear.scatter [tilespmem:s28], [sflag:$0x8], $0x80, $0x38;
	[tilespmem:$0x19E00] =	vst v63  }
0x436: {  	s26 =	sadd.s32 $0x1000, s26;
	s29 =	sadd.s32 $0x17FB8, s0;
	s28 =	smov.u32 s1  }
0x437: {  	[hbm4b:s30+s3] =	stream.linear.scatter [tilespmem:s29], [sflag:$0x8], $0x80, $0x38;
	[tilespmem:$0x19E00] =	vst v63  }
0x438: {  	s0 =	sadd.s32 $0x17C00, s25  }
0x439: {  	[hbm4b:s26+s3] =	stream.linear.scatter [tilespmem:s0], [sflag:$0x8], $0x80, $0x38;
	[tilespmem:$0x19E00] =	vst v63  }
0x43a: {  	s31 =	sadd.s32 $0x17C88, s25;
	s1 =	sadd.s32 $0x10, s26  }
0x43b: {  	[hbm4b:s1+s3] =	stream.linear.scatter [tilespmem:s31], [sflag:$0x8], $0x80, $0x38;
	[tilespmem:$0x19E00] =	vst v63  }
0x43c: {  	s28 =	sadd.s32 $0x17D10, s25;
	s29 =	sadd.s32 $0x20, s26  }
0x43d: {  	[hbm4b:s29+s3] =	stream.linear.scatter [tilespmem:s28], [sflag:$0x8], $0x80, $0x38;
	[tilespmem:$0x19E00] =	vst v63  }
0x43e: {  	s30 =	sadd.s32 $0x17D98, s25;
	s31 =	sadd.s32 $0x30, s26  }
0x43f: {  	[hbm4b:s31+s3] =	stream.linear.scatter [tilespmem:s30], [sflag:$0x8], $0x80, $0x38;
	[tilespmem:$0x19E00] =	vst v63  }
0x440: {  	s28 =	sadd.s32 $0x17E20, s25;
	s29 =	sadd.s32 $0x40, s26  }
0x441: {  	[hbm4b:s29+s3] =	stream.linear.scatter [tilespmem:s28], [sflag:$0x8], $0x80, $0x38;
	[tilespmem:$0x19E00] =	vst v63  }
0x442: {  	s30 =	sadd.s32 $0x17EA8, s25;
	s31 =	sadd.s32 $0x50, s26  }
0x443: {  	[hbm4b:s31+s3] =	stream.linear.scatter [tilespmem:s30], [sflag:$0x8], $0x80, $0x38;
	[tilespmem:$0x19E00] =	vst v63  }
.Ltmp10:
0x444: {  	_ = 	snop;
	(pc) =	sbr.rel @p1 .LBB2_20-.Ltmp10, $4  }
0x445: {  	s28 =	sadd.s32 $0x17F30, s25;
	s29 =	sadd.s32 $0x60, s26  }
0x446: {  	[hbm4b:s29+s3] =	stream.linear.scatter [tilespmem:s28], [sflag:$0x8], $0x80, $0x38;
	[tilespmem:$0x19E00] =	vst v63  }
0x447: {  	s30 =	sadd.s32 $0x17FB8, s25;
	s31 =	sadd.s32 $0x70, s26  }
0x448: {  	[hbm4b:s31+s3] =	stream.linear.scatter [tilespmem:s30], [sflag:$0x8], $0x80, $0x38;
	[tilespmem:$0x19E00] =	vst v63  }
0x449: {  	v3 =	vld [tilespmem:$0x1FE10]  }
0x44a: {  	v6 =	vld [tilespmem:$0x1FE40]  }
0x44b: {  	v11 =	vld [tilespmem:$0x1FE50]  }
0x44c: {  	v8 =	vld [tilespmem:$0x1FE70]  }
0x44d: {  	v15 =	vld [tilespmem:$0x1FE90]  }
0x44e: {  	v12 =	vld [tilespmem:$0x1FEB0]  }
0x44f: {  	v19 =	vld [tilespmem:$0x1FED0]  }
0x450: {  	v16 =	vld [tilespmem:$0x1FEF0]  }
0x451: {  	v23 =	vld [tilespmem:$0x1FF10]  }
0x452: {  	v20 =	vld [tilespmem:$0x1FF30]  }
0x453: {  	v27 =	vld [tilespmem:$0x1FF50]  }
.Ltmp11:
0x454: {  	v24 =	vld [tilespmem:$0x1FF70];
	(pc) =	sbr.rel .LBB2_2-.Ltmp11, $4  }
0x455: {  	s0 =	sshll.u32 s24, $0x7;
	v31 =	vld [tilespmem:$0x1FF90]  }
0x456: {  	v32 =	vld [tilespmem:$0x1FFB0];
	s0 =	sadd.s32 $0x380, s0  }
0x457: {  	s23 =	sadd.s32 $0x1, s23;
	v25 =	vld [tilespmem:$0x1FFD0];
	s0 =	sand.u32 $0x3FFFFF80, s0  }
0x458: {  	v7 =	vld [tilespmem:$0x1FFE0];
	[tilespmem:s9], [sflag:$0x4] =	stream.indirect.gather [hbm4b:s5+s8], $0x40, s0, s8, $0xb8  }
.LBB2_21:
0x459: {  	_ =	sfence.sel $0x180000  }
0x45a: {  	[bflag:$0x0] =	sbarrier.arrive $0xFFFF  }
0x45b: {  	_ =	strace $0x90000047  }
0x45c: {  	s0 =	stileid.u32;
	[bflag:$0x2] =	sbarrier.arrive $0xFFFF  }
0x45d: {  	p0 =	sne.s32 s0, $0x0;
	s0 =	rddreg [dreg:$0x3]  }
0x45e: {  	s0 =	sadd.s32 @!p0 $0x100000, s0  }
0x45f: {  	[sflag:s0] =	ssyncadd.tile.s32 @!p0 $0x1;
	_ =	shalt  }
.Lfunc_end2:
_tile_overlayer_lowered:
.L_overlay_start_2:
0x460: {  	(tag) =	ssettag $0x2  }
0x461: {  	s0 =	rddreg [dreg:$0x0];
	s2 =	stileid.u32  }
0x462: {  	s1 =	rddreg [dreg:$0x1];
	p0 =	sne.s32 s2, $0x0  }
0x463: {  	s3 =	rddreg [dreg:$0x2];
	[bflag:$0x3] =	sbarrier.arrive $0xFFFF;
	s2 =	simm.s32 @!p0 $0x1C09  }
0x464: {  	[timem:s3], [sflag:s2] =	dma.local @!p0 [hbm:s0], s1  }
0x465: {  	s0 =	simm.s32 @!p0 $0x9  }
0x466: {  	_ =	swait.ge @!p0 [sflag:s0], s1  }
0x467: {  	s1 =	ssub.s32 @!p0 $0x0, s1;
	[sflag:s0] =	ssyncset.done @!p0 $0x0  }
0x468: {  	[sflag:s0] =	ssyncadd.s32 @!p0 s1  }
0x469: {  	[bflag:$0x3] =	sbarrier.arrive $0xFFFF  }
0x46a: {  	_ =	shalt  }

</sc_bundles>
